<compile_context>
chip_gen: v7x
topology: tpu7x:2x2x1
jax: 0.10.2.dev20260603
libtpu: 0.0.44.dev20260713+nightly
codegen_flags: <defaults>
</compile_context>

<pallas_src>
import jax
import jax.numpy as jnp
from jax import lax
from jax.experimental import pallas as pl
from jax.experimental.pallas import tpu as pltpu
from jax.experimental.pallas import tpu_sc as plsc

N = 10000
E = 320000
D = 128
H = 4
DH = 32
NLAYER = 4
NC = 2
NS = 16
NW = NC * NS
EW = E // NW
CH = 80
NCH = EW // CH
NP = 10240
RPT = NP // NS
BN = 1000
NB = N // BN

F32 = jnp.float32
I32 = jnp.int32

_SC_PARAMS = dict(
    compiler_params=pltpu.CompilerParams(use_tc_tiling_on_sc=False),
    mesh=plsc.VectorSubcoreMesh(core_axis_name="c", subcore_axis_name="s",
                                num_cores=NC, num_subcores=NS),
)



def _mm0_body(x_ref, w_ref, hs_ref, hn0_ref, hn1_ref):
    acc = jnp.dot(x_ref[...], w_ref[...], preferred_element_type=F32)
    hs_ref[...] = acc[:, :D]
    hn0_ref[...] = acc[:, D:2 * D]
    hn1_ref[...] = acc[:, 2 * D:]


def _combine(hs_ref, a0_ref, a1_ref, dg_ref, b_ref):
    agg0 = a0_ref[0] + a0_ref[1]
    agg1 = a1_ref[0] + a1_ref[1]
    deg0 = jnp.maximum(dg_ref[0, 0, :, 0:1] + dg_ref[0, 1, :, 0:1], 1.0)
    deg1 = jnp.maximum(dg_ref[1, 0, :, 0:1] + dg_ref[1, 1, :, 0:1], 1.0)
    h = 0.5 * (hs_ref[...] + agg0 / deg0 + agg1 / deg1 + b_ref[...])
    return jnp.maximum(h, 0.01 * h)


def _layer_body(hs_ref, a0_ref, a1_ref, dg_ref, b_ref, w_ref,
                hs_o, hn0_o, hn1_o):
    h = _combine(hs_ref, a0_ref, a1_ref, dg_ref, b_ref)
    acc = jnp.dot(h, w_ref[...], preferred_element_type=F32)
    hs_o[...] = acc[:, :D]
    hn0_o[...] = acc[:, D:2 * D]
    hn1_o[...] = acc[:, 2 * D:]


def _gat_head_body(hs_ref, a0_ref, a1_ref, dg_ref, b_ref,
                   w_ref, al0_ref, al1_ref, ar0_ref, ar1_ref, g_ref,
                   f0_o, f1_o, elp0_o, elp1_o, erp0_o, erp1_o,
                   mel0_o, mel1_o, mer0_o, mer1_o):
    h = _combine(hs_ref, a0_ref, a1_ref, dg_ref, b_ref)
    acc = jnp.dot(h, w_ref[...], preferred_element_type=F32)
    f0 = acc[:, :D]
    f1 = acc[:, D:]
    f0_o[...] = f0
    f1_o[...] = f1
    g = g_ref[...]
    elp0 = jnp.dot(f0 * al0_ref[...], g, preferred_element_type=F32)
    elp1 = jnp.dot(f1 * al1_ref[...], g, preferred_element_type=F32)
    erp0 = jnp.dot(f0 * ar0_ref[...], g, preferred_element_type=F32)
    erp1 = jnp.dot(f1 * ar1_ref[...], g, preferred_element_type=F32)
    elp0_o[...] = elp0
    elp1_o[...] = elp1
    erp0_o[...] = erp0
    erp1_o[...] = erp1
    i = pl.program_id(0)

    @pl.when(i == 0)
    def _():
        mel0_o[...] = jnp.full_like(mel0_o, -1e30)
        mel1_o[...] = jnp.full_like(mel1_o, -1e30)
        mer0_o[...] = jnp.full_like(mer0_o, -1e30)
        mer1_o[...] = jnp.full_like(mer1_o, -1e30)

    mel0_o[...] = jnp.maximum(mel0_o[...], jnp.max(elp0))
    mel1_o[...] = jnp.maximum(mel1_o[...], jnp.max(elp1))
    mer0_o[...] = jnp.maximum(mer0_o[...], jnp.max(erp0))
    mer1_o[...] = jnp.maximum(mer1_o[...], jnp.max(erp1))


def _final_body(n0_ref, n1_ref, dn0_ref, dn1_ref, gt_ref, w_ref, b_ref,
                o_ref):
    gt = gt_ref[...]
    den0 = jnp.dot(dn0_ref[0] + dn0_ref[1], gt, preferred_element_type=F32)
    den1 = jnp.dot(dn1_ref[0] + dn1_ref[1], gt, preferred_element_type=F32)
    g0 = (n0_ref[0] + n0_ref[1]) / jnp.maximum(den0, 1e-30)
    g1 = (n1_ref[0] + n1_ref[1]) / jnp.maximum(den1, 1e-30)
    g = 0.5 * (g0 + g1)
    o_ref[...] = jnp.dot(g, w_ref[...], preferred_element_type=F32) + b_ref[...]


def _full_spec(shape):
    return pl.BlockSpec(shape, lambda i: tuple(0 for _ in shape))



def _spmm_body(hn_ref, src_ref, dst_ref, zer_ref, out_ref,
               acc, sidx, dbuf, rows, sem):
    c = lax.axis_index("c")
    s = lax.axis_index("s")
    wid = c * NS + s
    pltpu.sync_copy(zer_ref, acc.at[pl.ds(s * RPT, RPT)])
    base = wid * EW
    pltpu.sync_copy(src_ref.at[pl.ds(base, EW)], sidx)
    plsc.subcore_barrier()

    @pl.loop(0, NCH)
    def _(j):
        off = base + j * CH
        pltpu.sync_copy(dst_ref.at[pl.ds(off, CH)], dbuf)
        pltpu.async_copy(hn_ref.at[sidx.at[pl.ds(j * CH, CH)]], rows, sem).wait()
        pltpu.sync_copy(rows, acc.at[dbuf], add=True)

    plsc.subcore_barrier()
    pltpu.sync_copy(acc.at[pl.ds(s * RPT, RPT)],
                    out_ref.at[c, pl.ds(s * RPT, RPT)])


def _deg_body(dst0_ref, dst1_ref, zer_ref, ones_ref, out_ref,
              acc0, acc1, dbuf, ones_v):
    c = lax.axis_index("c")
    s = lax.axis_index("s")
    wid = c * NS + s
    pltpu.sync_copy(zer_ref, acc0.at[pl.ds(s * RPT, RPT)])
    pltpu.sync_copy(zer_ref, acc1.at[pl.ds(s * RPT, RPT)])
    pltpu.sync_copy(ones_ref, ones_v)
    plsc.subcore_barrier()
    base = wid * EW

    @pl.loop(0, NCH)
    def _(j):
        off = base + j * CH
        pltpu.sync_copy(dst0_ref.at[pl.ds(off, CH)], dbuf)
        pltpu.sync_copy(ones_v, acc0.at[dbuf], add=True)
        pltpu.sync_copy(dst1_ref.at[pl.ds(off, CH)], dbuf)
        pltpu.sync_copy(ones_v, acc1.at[dbuf], add=True)

    plsc.subcore_barrier()
    pltpu.sync_copy(acc0.at[pl.ds(s * RPT, RPT)],
                    out_ref.at[0, c, pl.ds(s * RPT, RPT)])
    pltpu.sync_copy(acc1.at[pl.ds(s * RPT, RPT)],
                    out_ref.at[1, c, pl.ds(s * RPT, RPT)])


def _gat_body(feat_ref, elp_ref, erp_ref, mel_ref, mer_ref, src_ref, dst_ref,
              z128_ref, z16_ref, num_ref, den_ref,
              accn, accd, sbuf, dbuf, fbuf, elb, erb, mv, sem):
    c = lax.axis_index("c")
    s = lax.axis_index("s")
    wid = c * NS + s
    pltpu.sync_copy(z128_ref, accn.at[pl.ds(s * RPT, RPT)])
    pltpu.sync_copy(z16_ref, accd.at[pl.ds(s * RPT, RPT)])
    pltpu.sync_copy(mel_ref, mv)
    pltpu.sync_copy(mer_ref, elb.at[0])
    plsc.subcore_barrier()
    mv[...] = mv[...] + elb[0, :]
    lane = lax.broadcasted_iota(I32, (16,), 0)
    base = wid * EW

    @pl.loop(0, NCH)
    def _(j):
        off = base + j * CH
        pltpu.sync_copy(src_ref.at[pl.ds(off, CH)], sbuf)
        pltpu.sync_copy(dst_ref.at[pl.ds(off, CH)], dbuf)
        pltpu.async_copy(elp_ref.at[sbuf], elb, sem).wait()
        pltpu.async_copy(erp_ref.at[dbuf], erb, sem).wait()
        pltpu.async_copy(feat_ref.at[sbuf], fbuf, sem).wait()
        m = mv[...]

        @pl.loop(0, CH)
        def _(i):
            e = elb[i, :] + erb[i, :]
            e = jnp.maximum(e, 0.2 * e)
            ee = jnp.exp(e - m)
            ee = jnp.where(lane < H, ee, 0.0)
            elb[i, :] = ee
            for hh in range(H):
                eh = ee[hh]
                for q in range(2):
                    col = hh * DH + q * 16
                    fbuf[i, pl.ds(col, 16)] = fbuf[i, pl.ds(col, 16)] * eh

        pltpu.sync_copy(fbuf, accn.at[dbuf], add=True)
        pltpu.sync_copy(elb, accd.at[dbuf], add=True)

    plsc.subcore_barrier()
    pltpu.sync_copy(accn.at[pl.ds(s * RPT, RPT)],
                    num_ref.at[c, pl.ds(s * RPT, RPT)])
    pltpu.sync_copy(accd.at[pl.ds(s * RPT, RPT)],
                    den_ref.at[c, pl.ds(s * RPT, RPT)])



def _make_spmm():
    return pl.kernel(
        _spmm_body,
        out_type=jax.ShapeDtypeStruct((NC, NP, D), F32),
        scratch_types=[
            pltpu.VMEM_SHARED((NP, D), F32),
            pltpu.VMEM((EW,), I32),
            pltpu.VMEM((CH,), I32),
            pltpu.VMEM((CH, D), F32),
            pltpu.SemaphoreType.DMA,
        ],
        **_SC_PARAMS,
    )


def _make_deg():
    return pl.kernel(
        _deg_body,
        out_type=jax.ShapeDtypeStruct((2, NC, NP, 16), F32),
        scratch_types=[
            pltpu.VMEM_SHARED((NP, 16), F32),
            pltpu.VMEM_SHARED((NP, 16), F32),
            pltpu.VMEM((CH,), I32),
            pltpu.VMEM((CH, 16), F32),
        ],
        **_SC_PARAMS,
    )


def _make_gat():
    return pl.kernel(
        _gat_body,
        out_type=[jax.ShapeDtypeStruct((NC, NP, D), F32),
                  jax.ShapeDtypeStruct((NC, NP, 16), F32)],
        scratch_types=[
            pltpu.VMEM_SHARED((NP, D), F32),
            pltpu.VMEM_SHARED((NP, 16), F32),
            pltpu.VMEM((CH,), I32),
            pltpu.VMEM((CH,), I32),
            pltpu.VMEM((CH, D), F32),
            pltpu.VMEM((CH, 16), F32),
            pltpu.VMEM((CH, 16), F32),
            pltpu.VMEM((16,), F32),
            pltpu.SemaphoreType.DMA,
        ],
        **_SC_PARAMS,
    )


def kernel(x, edge_index_r0, edge_index_r1, sage_Wself, sage_Wneigh, sage_b,
           gat_W, gat_attn_l, gat_attn_r, lin_W, lin_b):
    src0, dst0 = edge_index_r0[0], edge_index_r0[1]
    src1, dst1 = edge_index_r1[0], edge_index_r1[1]

    wpack = [jnp.concatenate([sage_Wself[l, 0] + sage_Wself[l, 1],
                              sage_Wneigh[l, 0], sage_Wneigh[l, 1]], axis=1)
             for l in range(NLAYER)]
    bsum = [(sage_b[l, 0] + sage_b[l, 1]).reshape(1, D) for l in range(NLAYER)]
    gwpack = jnp.concatenate([gat_W[0], gat_W[1]], axis=1)
    al0 = gat_attn_l[0].reshape(1, D)
    al1 = gat_attn_l[1].reshape(1, D)
    ar0 = gat_attn_r[0].reshape(1, D)
    ar1 = gat_attn_r[1].reshape(1, D)
    gmat = (jnp.arange(16)[None, :] == (jnp.arange(D)[:, None] // DH)).astype(F32)
    gmat_t = gmat.T
    linb2 = lin_b.reshape(1, D)
    z128 = jnp.zeros((RPT, D), F32)
    z16 = jnp.zeros((RPT, 16), F32)
    ones16 = jnp.ones((CH, 16), F32)

    spmm = _make_spmm()
    gat = _make_gat()

    degp = _make_deg()(dst0, dst1, z16, ones16)

    row_o = pl.BlockSpec((BN, D), lambda i: (i, 0))
    part = pl.BlockSpec((NC, BN, D), lambda i: (0, i, 0))
    part16 = pl.BlockSpec((NC, BN, 16), lambda i: (0, i, 0))
    degspec = pl.BlockSpec((2, NC, BN, 16), lambda i: (0, 0, i, 0))
    w384 = _full_spec((D, 3 * D))
    b1 = _full_spec((1, D))

    hs, hn0, hn1 = pl.pallas_call(
        _mm0_body,
        grid=(NB,),
        in_specs=[row_o, w384],
        out_specs=[row_o, row_o, row_o],
        out_shape=[jax.ShapeDtypeStruct((N, D), F32)] * 3,
    )(x, wpack[0])

    f0 = f1 = elp0 = elp1 = erp0 = erp1 = None
    mel0 = mel1 = mer0 = mer1 = None
    for l in range(NLAYER):
        agg0 = spmm(hn0, src0, dst0, z128)
        agg1 = spmm(hn1, src1, dst1, z128)
        if l < NLAYER - 1:
            hs, hn0, hn1 = pl.pallas_call(
                _layer_body,
                grid=(NB,),
                in_specs=[row_o, part, part, degspec, b1, w384],
                out_specs=[row_o, row_o, row_o],
                out_shape=[jax.ShapeDtypeStruct((N, D), F32)] * 3,
            )(hs, agg0, agg1, degp, bsum[l], wpack[l + 1])
        else:
            m8 = pl.BlockSpec((8, D), lambda i: (0, 0))
            n16 = pl.BlockSpec((BN, 16), lambda i: (i, 0))
            f0, f1, elp0, elp1, erp0, erp1, mel0, mel1, mer0, mer1 = pl.pallas_call(
                _gat_head_body,
                grid=(NB,),
                in_specs=[row_o, part, part, degspec, b1,
                          _full_spec((D, 2 * D)), b1, b1, b1, b1,
                          _full_spec((D, 16))],
                out_specs=[row_o, row_o, n16, n16, n16, n16, m8, m8, m8, m8],
                out_shape=[jax.ShapeDtypeStruct((N, D), F32)] * 2
                + [jax.ShapeDtypeStruct((N, 16), F32)] * 4
                + [jax.ShapeDtypeStruct((8, D), F32)] * 4,
            )(hs, agg0, agg1, degp, bsum[l], gwpack, al0, al1, ar0, ar1, gmat)

    mel0v = mel0[0, :16]
    mel1v = mel1[0, :16]
    mer0v = mer0[0, :16]
    mer1v = mer1[0, :16]

    num0, den0 = gat(f0, elp0, erp0, mel0v, mer0v, src0, dst0, z128, z16)
    num1, den1 = gat(f1, elp1, erp1, mel1v, mer1v, src1, dst1, z128, z16)

    out = pl.pallas_call(
        _final_body,
        grid=(NB,),
        in_specs=[part, part, part16, part16,
                  _full_spec((16, D)), _full_spec((D, D)), b1],
        out_specs=row_o,
        out_shape=jax.ShapeDtypeStruct((N, D), F32),
    )(num0, num1, den0, den1, gmat_t, lin_W, linb2)
    return out

# --- scband reference (transcript-rebuilt; emitter-appended) ---
"""Pipeline reference for scband-rsage-gat-22333829939349 (READ-ONLY COPY).

The authoritative reference and input builder live on the scoring server;
editing this copy changes nothing except your own understanding.
"""

import jax, jax.numpy as jnp
import numpy as np

N = 10000
E = 320000
D = 128
H = 4
DH = 32
L = 4
R = 2

def setup_inputs(seed: int = 0) -> dict:
    key = jax.random.key(seed)
    ks = jax.random.split(key, 16)
    inp = {}
    inp['x'] = jax.random.normal(ks[0], (N, D), dtype=jnp.float32)
    inp['edge_index_r0'] = jax.random.randint(ks[1], (2, E), 0, N, dtype=jnp.int32)
    inp['edge_index_r1'] = jax.random.randint(ks[2], (2, E), 0, N, dtype=jnp.int32)
    # learned params: 4 hetero SAGE layers x 2 relations (all 128->128 since in_feats==hid_feats)
    inp['sage_Wself'] = jax.random.normal(ks[3], (L, R, D, D), dtype=jnp.float32) * 0.05
    inp['sage_Wneigh'] = jax.random.normal(ks[4], (L, R, D, D), dtype=jnp.float32) * 0.05
    inp['sage_b'] = jnp.zeros((L, R, D), dtype=jnp.float32)
    # 1 hetero GAT layer x 2 relations, hid -> (H, DH) with H*DH = hid
    inp['gat_W'] = jax.random.normal(ks[5], (R, D, D), dtype=jnp.float32) * 0.05
    inp['gat_attn_l'] = jax.random.normal(ks[6], (R, H, DH), dtype=jnp.float32) * 0.05
    inp['gat_attn_r'] = jax.random.normal(ks[7], (R, H, DH), dtype=jnp.float32) * 0.05
    inp['lin_W'] = jax.random.normal(ks[8], (D, D), dtype=jnp.float32) * 0.05
    inp['lin_b'] = jnp.zeros((D,), dtype=jnp.float32)
    return inp


def reference(x, edge_index_r0, edge_index_r1, sage_Wself, sage_Wneigh, sage_b,
              gat_W, gat_attn_l, gat_attn_r, lin_W, lin_b):
    edges = [edge_index_r0, edge_index_r1]
    h = x
    # 4 HeteroGraphConv(SAGEConv mean) layers, aggregate='mean' across relations
    for l in range(L):
        outs = []
        for r in range(R):
            src = edges[r][0]
            dst = edges[r][1]
            msg = h[src]
            agg = jax.ops.segment_sum(msg, dst, num_segments=N)
            deg = jax.ops.segment_sum(jnp.ones(msg.shape[0], dtype=h.dtype), dst, num_segments=N)
            mean = agg / jnp.maximum(deg, 1.0)[:, None]
            outs.append(h @ sage_Wself[l, r] + mean @ sage_Wneigh[l, r] + sage_b[l, r])
        h = (outs[0] + outs[1]) / 2.0
        h = jax.nn.leaky_relu(h, 0.01)
        # dropout: identity (eval mode)
    # 1 HeteroGraphConv(GATConv) layer, aggregate='mean'
    gouts = []
    for r in range(R):
        src = edges[r][0]
        dst = edges[r][1]
        feat = (h @ gat_W[r]).reshape(N, H, DH)
        el = jnp.sum(feat * gat_attn_l[r][None, :, :], axis=-1)
        er = jnp.sum(feat * gat_attn_r[r][None, :, :], axis=-1)
        e = jax.nn.leaky_relu(el[src] + er[dst], 0.2)
        emax = jax.ops.segment_max(e, dst, num_segments=N)
        emax = jnp.where(jnp.isfinite(emax), emax, 0.0)
        ee = jnp.exp(e - emax[dst])
        denom = jax.ops.segment_sum(ee, dst, num_segments=N)
        alpha = ee / (denom[dst] + 1e-9)
        gouts.append(jax.ops.segment_sum(feat[src] * alpha[:, :, None], dst, num_segments=N))
    g = (gouts[0] + gouts[1]) / 2.0
    g = g.reshape(N, H * DH)
    return g @ lin_W + lin_b

if __name__ == "__main__":
    import jax
    _d = setup_inputs()
    print(jax.jit(kernel)(*tuple(_d.values())))

</pallas_src>

<mosaic_0001>
#map = affine_map<(d0, d1) -> (0, 0)>
#map1 = affine_map<(d0, d1) -> (0)>
#map2 = affine_map<(d0, d1) -> (0, 0, 0)>
module attributes {stable_mosaic.version = 14 : i64} {
  func.func @_spmm_body(%arg0: i32, %arg1: i32, %arg2: memref<10000x128xf32, #tpu.memory_space<hbm>>, %arg3: memref<320000xi32, #tpu.memory_space<hbm>>, %arg4: memref<320000xi32, #tpu.memory_space<hbm>>, %arg5: memref<640x128xf32, #tpu.memory_space<hbm>>, %arg6: memref<2x10240x128xf32, #tpu.memory_space<hbm>>, %arg7: memref<10240x128xf32, #tpu.memory_space<vmem_shared>>, %arg8: memref<10000xi32, #tpu.memory_space<vmem>>, %arg9: memref<80xi32, #tpu.memory_space<vmem>>, %arg10: memref<80x128xf32, #tpu.memory_space<vmem>>, %arg11: memref<!tpu.dma_semaphore, #tpu.memory_space<semaphore_mem>>) attributes {dimension_semantics = [#tpu.dimension_semantics<core_parallel>, #tpu.dimension_semantics<subcore_parallel>], iteration_bounds = array<i64: 2, 16>, scalar_prefetch = 0 : i64, scratch_operands = 5 : i64, tpu.core_type = #tpu.core_type<sc_vector_subcore>, window_params = [{transform_indices = #map}, {transform_indices = #map1}, {transform_indices = #map1}, {transform_indices = #map}, {transform_indices = #map2}]} {
    %mul3A = arith.constant 16 : i32
    %mul3A_0 = arith.muli %arg0, %mul3A : i32
    %add3A = arith.addi %mul3A_0, %arg1 : i32
    %mul3A_1 = arith.constant 640 : i32
    %mul3A_2 = arith.muli %arg1, %mul3A_1 : i32
    "tpu.region"() ({
      %run_scoped3A = tpu.sem_alloc : memref<!tpu.dma_semaphore, #tpu.memory_space<semaphore_mem>>
      %dma_start3A = arith.constant 0 : i32
      %dma_start3A_14 = tpu.memref_slice %arg7[%mul3A_2, %dma_start3A] : memref<10240x128xf32, #tpu.memory_space<vmem_shared>> -> memref<640x128xf32, #tpu.memory_space<vmem_shared>>
      tpu.enqueue_dma source(%arg5 : memref<640x128xf32, #tpu.memory_space<hbm>>) target(%dma_start3A_14 : memref<640x128xf32, #tpu.memory_space<vmem_shared>>) target_semaphore(%run_scoped3A : memref<!tpu.dma_semaphore, #tpu.memory_space<semaphore_mem>>)
      %dma_wait3A = arith.constant 0 : i32
      %dma_wait3A_15 = tpu.memref_slice %arg7[%mul3A_2, %dma_wait3A] : memref<10240x128xf32, #tpu.memory_space<vmem_shared>> -> memref<640x128xf32, #tpu.memory_space<vmem_shared>>
      tpu.wait_dma2 semaphore(%run_scoped3A : memref<!tpu.dma_semaphore, #tpu.memory_space<semaphore_mem>>) src(%arg5 : memref<640x128xf32, #tpu.memory_space<hbm>>) dst(%dma_wait3A_15 : memref<640x128xf32, #tpu.memory_space<vmem_shared>>)
      tpu.yield
    }) : () -> ()
    %mul3A_3 = arith.constant 10000 : i32
    %mul3A_4 = arith.muli %add3A, %mul3A_3 : i32
    "tpu.region"() ({
      %run_scoped3A = tpu.sem_alloc : memref<!tpu.dma_semaphore, #tpu.memory_space<semaphore_mem>>
      %dma_start3A = tpu.memref_slice %arg3[%mul3A_4] : memref<320000xi32, #tpu.memory_space<hbm>> -> memref<10000xi32, #tpu.memory_space<hbm>>
      %dma_start3A_14 = tpu.memref_slice %arg3[%mul3A_4] : memref<320000xi32, #tpu.memory_space<hbm>> -> memref<10000xi32, #tpu.memory_space<hbm>>
      tpu.enqueue_dma source(%dma_start3A_14 : memref<10000xi32, #tpu.memory_space<hbm>>) target(%arg8 : memref<10000xi32, #tpu.memory_space<vmem>>) target_semaphore(%run_scoped3A : memref<!tpu.dma_semaphore, #tpu.memory_space<semaphore_mem>>)
      %dma_wait3A = tpu.memref_slice %arg3[%mul3A_4] : memref<320000xi32, #tpu.memory_space<hbm>> -> memref<10000xi32, #tpu.memory_space<hbm>>
      %dma_wait3A_15 = tpu.memref_slice %arg3[%mul3A_4] : memref<320000xi32, #tpu.memory_space<hbm>> -> memref<10000xi32, #tpu.memory_space<hbm>>
      tpu.wait_dma2 semaphore(%run_scoped3A : memref<!tpu.dma_semaphore, #tpu.memory_space<semaphore_mem>>) src(%dma_wait3A_15 : memref<10000xi32, #tpu.memory_space<hbm>>) dst(%arg8 : memref<10000xi32, #tpu.memory_space<vmem>>)
      tpu.yield
    }) : () -> ()
    %barrier3A = arith.constant 0 : index
    tpu.barrier barrier_id(%barrier3A)
    %scan3A = arith.constant 0 : i32
    %scan3A_5 = arith.constant 125 : i32
    %scan3A_6 = arith.addi %scan3A, %scan3A_5 : i32
    %scan3A_7 = arith.constant 1 : i32
    scf.for %scan3A_14 = %scan3A to %scan3A_6 step %scan3A_7  : i32 {
      %mul3A_15 = arith.constant 1 : i32
      %mul3A_16 = arith.muli %scan3A_14, %mul3A_15 : i32
      %add3A_17 = arith.constant 0 : i32
      %add3A_18 = arith.addi %add3A_17, %mul3A_16 : i32
      %mul3A_19 = arith.constant 80 : i32
      %mul3A_20 = arith.muli %add3A_18, %mul3A_19 : i32
      %add3A_21 = arith.addi %mul3A_4, %mul3A_20 : i32
      "tpu.region"() ({
        %run_scoped3A = tpu.sem_alloc : memref<!tpu.dma_semaphore, #tpu.memory_space<semaphore_mem>>
        %dma_start3A_30 = tpu.memref_slice %arg4[%add3A_21] : memref<320000xi32, #tpu.memory_space<hbm>> -> memref<80xi32, #tpu.memory_space<hbm>>
        %dma_start3A_31 = tpu.memref_slice %arg4[%add3A_21] : memref<320000xi32, #tpu.memory_space<hbm>> -> memref<80xi32, #tpu.memory_space<hbm>>
        tpu.enqueue_dma source(%dma_start3A_31 : memref<80xi32, #tpu.memory_space<hbm>>) target(%arg9 : memref<80xi32, #tpu.memory_space<vmem>>) target_semaphore(%run_scoped3A : memref<!tpu.dma_semaphore, #tpu.memory_space<semaphore_mem>>)
        %dma_wait3A_32 = tpu.memref_slice %arg4[%add3A_21] : memref<320000xi32, #tpu.memory_space<hbm>> -> memref<80xi32, #tpu.memory_space<hbm>>
        %dma_wait3A_33 = tpu.memref_slice %arg4[%add3A_21] : memref<320000xi32, #tpu.memory_space<hbm>> -> memref<80xi32, #tpu.memory_space<hbm>>
        tpu.wait_dma2 semaphore(%run_scoped3A : memref<!tpu.dma_semaphore, #tpu.memory_space<semaphore_mem>>) src(%dma_wait3A_33 : memref<80xi32, #tpu.memory_space<hbm>>) dst(%arg9 : memref<80xi32, #tpu.memory_space<vmem>>)
        tpu.yield
      }) : () -> ()
      %mul3A_22 = arith.constant 80 : i32
      %mul3A_23 = arith.muli %add3A_18, %mul3A_22 : i32
      %dma_start3A = tpu.memref_slice %arg8[%mul3A_23] : memref<10000xi32, #tpu.memory_space<vmem>> -> memref<80xi32, #tpu.memory_space<vmem>>
      %dma_start3A_24 = arith.constant 0 : i32
      %dma_start3A_25 = arith.constant 0 : i32
      %dma_start3A_26 = tpu.memref_slice %arg2[%dma_start3A_24, %dma_start3A_25] : memref<10000x128xf32, #tpu.memory_space<hbm>> -> memref<10000x128xf32, #tpu.memory_space<hbm>>
      tpu.enqueue_indirect_dma source(%dma_start3A_26 : memref<10000x128xf32, #tpu.memory_space<hbm>>) target(%arg10 : memref<80x128xf32, #tpu.memory_space<vmem>>) offsets(%dma_start3A : memref<80xi32, #tpu.memory_space<vmem>>) semaphore(%arg11 : memref<!tpu.dma_semaphore, #tpu.memory_space<semaphore_mem>>)
      %dma_wait3A = tpu.memref_slice %arg8[%mul3A_23] : memref<10000xi32, #tpu.memory_space<vmem>> -> memref<80xi32, #tpu.memory_space<vmem>>
      %dma_wait3A_27 = arith.constant 0 : i32
      %dma_wait3A_28 = arith.constant 0 : i32
      %dma_wait3A_29 = tpu.memref_slice %arg2[%dma_wait3A_27, %dma_wait3A_28] : memref<10000x128xf32, #tpu.memory_space<hbm>> -> memref<10000x128xf32, #tpu.memory_space<hbm>>
      tpu.wait_indirect_dma semaphore(%arg11 : memref<!tpu.dma_semaphore, #tpu.memory_space<semaphore_mem>>) src(%dma_wait3A_29 : memref<10000x128xf32, #tpu.memory_space<hbm>>) dst(%arg10 : memref<80x128xf32, #tpu.memory_space<vmem>>)
      "tpu.region"() ({
        %run_scoped3A = tpu.sem_alloc : memref<!tpu.dma_semaphore, #tpu.memory_space<semaphore_mem>>
        %dma_start3A_30 = arith.constant 0 : i32
        %dma_start3A_31 = arith.constant 0 : i32
        %dma_start3A_32 = tpu.memref_slice %arg7[%dma_start3A_30, %dma_start3A_31] : memref<10240x128xf32, #tpu.memory_space<vmem_shared>> -> memref<10240x128xf32, #tpu.memory_space<vmem_shared>>
        tpu.enqueue_indirect_dma source(%arg10 : memref<80x128xf32, #tpu.memory_space<vmem>>) target(%dma_start3A_32 : memref<10240x128xf32, #tpu.memory_space<vmem_shared>>) offsets(%arg9 : memref<80xi32, #tpu.memory_space<vmem>>) semaphore(%run_scoped3A : memref<!tpu.dma_semaphore, #tpu.memory_space<semaphore_mem>>) {add = true}
        %dma_wait3A_33 = arith.constant 0 : i32
        %dma_wait3A_34 = arith.constant 0 : i32
        %dma_wait3A_35 = tpu.memref_slice %arg7[%dma_wait3A_33, %dma_wait3A_34] : memref<10240x128xf32, #tpu.memory_space<vmem_shared>> -> memref<10240x128xf32, #tpu.memory_space<vmem_shared>>
        tpu.wait_indirect_dma semaphore(%run_scoped3A : memref<!tpu.dma_semaphore, #tpu.memory_space<semaphore_mem>>) src(%arg10 : memref<80x128xf32, #tpu.memory_space<vmem>>) dst(%dma_wait3A_35 : memref<10240x128xf32, #tpu.memory_space<vmem_shared>>)
        tpu.yield
      }) : () -> ()
    }
    %scan3A_8 = arith.constant 125 : i32
    %barrier3A_9 = arith.constant 0 : index
    tpu.barrier barrier_id(%barrier3A_9)
    %mul3A_10 = arith.constant 640 : i32
    %mul3A_11 = arith.muli %arg1, %mul3A_10 : i32
    %mul3A_12 = arith.constant 640 : i32
    %mul3A_13 = arith.muli %arg1, %mul3A_12 : i32
    "tpu.region"() ({
      %run_scoped3A = tpu.sem_alloc : memref<!tpu.dma_semaphore, #tpu.memory_space<semaphore_mem>>
      %dma_start3A = arith.constant 0 : i32
      %dma_start3A_14 = tpu.memref_slice %arg6[%arg0, %mul3A_13, %dma_start3A] : memref<2x10240x128xf32, #tpu.memory_space<hbm>> -> memref<1x640x128xf32, #tpu.memory_space<hbm>>
      %dma_start3A_15 = tpu.memref_squeeze %dma_start3A_14 : memref<1x640x128xf32, #tpu.memory_space<hbm>> -> memref<640x128xf32, #tpu.memory_space<hbm>>
      %dma_start3A_16 = arith.constant 0 : i32
      %dma_start3A_17 = tpu.memref_slice %arg7[%mul3A_11, %dma_start3A_16] : memref<10240x128xf32, #tpu.memory_space<vmem_shared>> -> memref<640x128xf32, #tpu.memory_space<vmem_shared>>
      tpu.enqueue_dma source(%dma_start3A_17 : memref<640x128xf32, #tpu.memory_space<vmem_shared>>) target(%dma_start3A_15 : memref<640x128xf32, #tpu.memory_space<hbm>>) target_semaphore(%run_scoped3A : memref<!tpu.dma_semaphore, #tpu.memory_space<semaphore_mem>>)
      %dma_wait3A = arith.constant 0 : i32
      %dma_wait3A_18 = tpu.memref_slice %arg6[%arg0, %mul3A_13, %dma_wait3A] : memref<2x10240x128xf32, #tpu.memory_space<hbm>> -> memref<1x640x128xf32, #tpu.memory_space<hbm>>
      %dma_wait3A_19 = tpu.memref_squeeze %dma_wait3A_18 : memref<1x640x128xf32, #tpu.memory_space<hbm>> -> memref<640x128xf32, #tpu.memory_space<hbm>>
      %dma_wait3A_20 = arith.constant 0 : i32
      %dma_wait3A_21 = tpu.memref_slice %arg7[%mul3A_11, %dma_wait3A_20] : memref<10240x128xf32, #tpu.memory_space<vmem_shared>> -> memref<640x128xf32, #tpu.memory_space<vmem_shared>>
      tpu.wait_dma2 semaphore(%run_scoped3A : memref<!tpu.dma_semaphore, #tpu.memory_space<semaphore_mem>>) src(%dma_wait3A_21 : memref<640x128xf32, #tpu.memory_space<vmem_shared>>) dst(%dma_wait3A_19 : memref<640x128xf32, #tpu.memory_space<hbm>>)
      tpu.yield
    }) : () -> ()
    return
  }
}

#map = affine_map<(d0, d1) -> (0)>
#map1 = affine_map<(d0, d1) -> (0, 0)>
#map2 = affine_map<(d0, d1) -> (0, 0, 0, 0)>
module attributes {stable_mosaic.version = 14 : i64} {
  func.func @_deg_body(%arg0: i32, %arg1: i32, %arg2: memref<320000xi32, #tpu.memory_space<hbm>>, %arg3: memref<320000xi32, #tpu.memory_space<hbm>>, %arg4: memref<640x16xf32, #tpu.memory_space<hbm>>, %arg5: memref<80x16xf32, #tpu.memory_space<hbm>>, %arg6: memref<2x2x10240x16xf32, #tpu.memory_space<hbm>>, %arg7: memref<10240x16xf32, #tpu.memory_space<vmem_shared>>, %arg8: memref<10240x16xf32, #tpu.memory_space<vmem_shared>>, %arg9: memref<80xi32, #tpu.memory_space<vmem>>, %arg10: memref<80x16xf32, #tpu.memory_space<vmem>>) attributes {dimension_semantics = [#tpu.dimension_semantics<core_parallel>, #tpu.dimension_semantics<subcore_parallel>], iteration_bounds = array<i64: 2, 16>, scalar_prefetch = 0 : i64, scratch_operands = 4 : i64, tpu.core_type = #tpu.core_type<sc_vector_subcore>, window_params = [{transform_indices = #map}, {transform_indices = #map}, {transform_indices = #map1}, {transform_indices = #map1}, {transform_indices = #map2}]} {
    %mul3A = arith.constant 16 : i32
    %mul3A_0 = arith.muli %arg0, %mul3A : i32
    %add3A = arith.addi %mul3A_0, %arg1 : i32
    %mul3A_1 = arith.constant 640 : i32
    %mul3A_2 = arith.muli %arg1, %mul3A_1 : i32
    "tpu.region"() ({
      %run_scoped3A_21 = tpu.sem_alloc : memref<!tpu.dma_semaphore, #tpu.memory_space<semaphore_mem>>
      %dma_start3A = arith.constant 0 : i32
      %dma_start3A_22 = tpu.memref_slice %arg7[%mul3A_2, %dma_start3A] : memref<10240x16xf32, #tpu.memory_space<vmem_shared>> -> memref<640x16xf32, #tpu.memory_space<vmem_shared>>
      tpu.enqueue_dma source(%arg4 : memref<640x16xf32, #tpu.memory_space<hbm>>) target(%dma_start3A_22 : memref<640x16xf32, #tpu.memory_space<vmem_shared>>) target_semaphore(%run_scoped3A_21 : memref<!tpu.dma_semaphore, #tpu.memory_space<semaphore_mem>>)
      %dma_wait3A = arith.constant 0 : i32
      %dma_wait3A_23 = tpu.memref_slice %arg7[%mul3A_2, %dma_wait3A] : memref<10240x16xf32, #tpu.memory_space<vmem_shared>> -> memref<640x16xf32, #tpu.memory_space<vmem_shared>>
      tpu.wait_dma2 semaphore(%run_scoped3A_21 : memref<!tpu.dma_semaphore, #tpu.memory_space<semaphore_mem>>) src(%arg4 : memref<640x16xf32, #tpu.memory_space<hbm>>) dst(%dma_wait3A_23 : memref<640x16xf32, #tpu.memory_space<vmem_shared>>)
      tpu.yield
    }) : () -> ()
    %mul3A_3 = arith.constant 640 : i32
    %mul3A_4 = arith.muli %arg1, %mul3A_3 : i32
    "tpu.region"() ({
      %run_scoped3A_21 = tpu.sem_alloc : memref<!tpu.dma_semaphore, #tpu.memory_space<semaphore_mem>>
      %dma_start3A = arith.constant 0 : i32
      %dma_start3A_22 = tpu.memref_slice %arg8[%mul3A_4, %dma_start3A] : memref<10240x16xf32, #tpu.memory_space<vmem_shared>> -> memref<640x16xf32, #tpu.memory_space<vmem_shared>>
      tpu.enqueue_dma source(%arg4 : memref<640x16xf32, #tpu.memory_space<hbm>>) target(%dma_start3A_22 : memref<640x16xf32, #tpu.memory_space<vmem_shared>>) target_semaphore(%run_scoped3A_21 : memref<!tpu.dma_semaphore, #tpu.memory_space<semaphore_mem>>)
      %dma_wait3A = arith.constant 0 : i32
      %dma_wait3A_23 = tpu.memref_slice %arg8[%mul3A_4, %dma_wait3A] : memref<10240x16xf32, #tpu.memory_space<vmem_shared>> -> memref<640x16xf32, #tpu.memory_space<vmem_shared>>
      tpu.wait_dma2 semaphore(%run_scoped3A_21 : memref<!tpu.dma_semaphore, #tpu.memory_space<semaphore_mem>>) src(%arg4 : memref<640x16xf32, #tpu.memory_space<hbm>>) dst(%dma_wait3A_23 : memref<640x16xf32, #tpu.memory_space<vmem_shared>>)
      tpu.yield
    }) : () -> ()
    "tpu.region"() ({
      %run_scoped3A_21 = tpu.sem_alloc : memref<!tpu.dma_semaphore, #tpu.memory_space<semaphore_mem>>
      tpu.enqueue_dma source(%arg5 : memref<80x16xf32, #tpu.memory_space<hbm>>) target(%arg10 : memref<80x16xf32, #tpu.memory_space<vmem>>) target_semaphore(%run_scoped3A_21 : memref<!tpu.dma_semaphore, #tpu.memory_space<semaphore_mem>>)
      tpu.wait_dma2 semaphore(%run_scoped3A_21 : memref<!tpu.dma_semaphore, #tpu.memory_space<semaphore_mem>>) src(%arg5 : memref<80x16xf32, #tpu.memory_space<hbm>>) dst(%arg10 : memref<80x16xf32, #tpu.memory_space<vmem>>)
      tpu.yield
    }) : () -> ()
    %barrier3A = arith.constant 0 : index
    tpu.barrier barrier_id(%barrier3A)
    %mul3A_5 = arith.constant 10000 : i32
    %mul3A_6 = arith.muli %add3A, %mul3A_5 : i32
    %scan3A = arith.constant 0 : i32
    %scan3A_7 = arith.constant 125 : i32
    %scan3A_8 = arith.addi %scan3A, %scan3A_7 : i32
    %scan3A_9 = arith.constant 1 : i32
    scf.for %scan3A_21 = %scan3A to %scan3A_8 step %scan3A_9  : i32 {
      %mul3A_22 = arith.constant 1 : i32
      %mul3A_23 = arith.muli %scan3A_21, %mul3A_22 : i32
      %add3A_24 = arith.constant 0 : i32
      %add3A_25 = arith.addi %add3A_24, %mul3A_23 : i32
      %mul3A_26 = arith.constant 80 : i32
      %mul3A_27 = arith.muli %add3A_25, %mul3A_26 : i32
      %add3A_28 = arith.addi %mul3A_6, %mul3A_27 : i32
      "tpu.region"() ({
        %run_scoped3A_29 = tpu.sem_alloc : memref<!tpu.dma_semaphore, #tpu.memory_space<semaphore_mem>>
        %dma_start3A = tpu.memref_slice %arg2[%add3A_28] : memref<320000xi32, #tpu.memory_space<hbm>> -> memref<80xi32, #tpu.memory_space<hbm>>
        %dma_start3A_30 = tpu.memref_slice %arg2[%add3A_28] : memref<320000xi32, #tpu.memory_space<hbm>> -> memref<80xi32, #tpu.memory_space<hbm>>
        tpu.enqueue_dma source(%dma_start3A_30 : memref<80xi32, #tpu.memory_space<hbm>>) target(%arg9 : memref<80xi32, #tpu.memory_space<vmem>>) target_semaphore(%run_scoped3A_29 : memref<!tpu.dma_semaphore, #tpu.memory_space<semaphore_mem>>)
        %dma_wait3A = tpu.memref_slice %arg2[%add3A_28] : memref<320000xi32, #tpu.memory_space<hbm>> -> memref<80xi32, #tpu.memory_space<hbm>>
        %dma_wait3A_31 = tpu.memref_slice %arg2[%add3A_28] : memref<320000xi32, #tpu.memory_space<hbm>> -> memref<80xi32, #tpu.memory_space<hbm>>
        tpu.wait_dma2 semaphore(%run_scoped3A_29 : memref<!tpu.dma_semaphore, #tpu.memory_space<semaphore_mem>>) src(%dma_wait3A_31 : memref<80xi32, #tpu.memory_space<hbm>>) dst(%arg9 : memref<80xi32, #tpu.memory_space<vmem>>)
        tpu.yield
      }) : () -> ()
      "tpu.region"() ({
        %run_scoped3A_29 = tpu.sem_alloc : memref<!tpu.dma_semaphore, #tpu.memory_space<semaphore_mem>>
        %dma_start3A = arith.constant 0 : i32
        %dma_start3A_30 = arith.constant 0 : i32
        %dma_start3A_31 = tpu.memref_slice %arg7[%dma_start3A, %dma_start3A_30] : memref<10240x16xf32, #tpu.memory_space<vmem_shared>> -> memref<10240x16xf32, #tpu.memory_space<vmem_shared>>
        tpu.enqueue_indirect_dma source(%arg10 : memref<80x16xf32, #tpu.memory_space<vmem>>) target(%dma_start3A_31 : memref<10240x16xf32, #tpu.memory_space<vmem_shared>>) offsets(%arg9 : memref<80xi32, #tpu.memory_space<vmem>>) semaphore(%run_scoped3A_29 : memref<!tpu.dma_semaphore, #tpu.memory_space<semaphore_mem>>) {add = true}
        %dma_wait3A = arith.constant 0 : i32
        %dma_wait3A_32 = arith.constant 0 : i32
        %dma_wait3A_33 = tpu.memref_slice %arg7[%dma_wait3A, %dma_wait3A_32] : memref<10240x16xf32, #tpu.memory_space<vmem_shared>> -> memref<10240x16xf32, #tpu.memory_space<vmem_shared>>
        tpu.wait_indirect_dma semaphore(%run_scoped3A_29 : memref<!tpu.dma_semaphore, #tpu.memory_space<semaphore_mem>>) src(%arg10 : memref<80x16xf32, #tpu.memory_space<vmem>>) dst(%dma_wait3A_33 : memref<10240x16xf32, #tpu.memory_space<vmem_shared>>)
        tpu.yield
      }) : () -> ()
      "tpu.region"() ({
        %run_scoped3A_29 = tpu.sem_alloc : memref<!tpu.dma_semaphore, #tpu.memory_space<semaphore_mem>>
        %dma_start3A = tpu.memref_slice %arg3[%add3A_28] : memref<320000xi32, #tpu.memory_space<hbm>> -> memref<80xi32, #tpu.memory_space<hbm>>
        %dma_start3A_30 = tpu.memref_slice %arg3[%add3A_28] : memref<320000xi32, #tpu.memory_space<hbm>> -> memref<80xi32, #tpu.memory_space<hbm>>
        tpu.enqueue_dma source(%dma_start3A_30 : memref<80xi32, #tpu.memory_space<hbm>>) target(%arg9 : memref<80xi32, #tpu.memory_space<vmem>>) target_semaphore(%run_scoped3A_29 : memref<!tpu.dma_semaphore, #tpu.memory_space<semaphore_mem>>)
        %dma_wait3A = tpu.memref_slice %arg3[%add3A_28] : memref<320000xi32, #tpu.memory_space<hbm>> -> memref<80xi32, #tpu.memory_space<hbm>>
        %dma_wait3A_31 = tpu.memref_slice %arg3[%add3A_28] : memref<320000xi32, #tpu.memory_space<hbm>> -> memref<80xi32, #tpu.memory_space<hbm>>
        tpu.wait_dma2 semaphore(%run_scoped3A_29 : memref<!tpu.dma_semaphore, #tpu.memory_space<semaphore_mem>>) src(%dma_wait3A_31 : memref<80xi32, #tpu.memory_space<hbm>>) dst(%arg9 : memref<80xi32, #tpu.memory_space<vmem>>)
        tpu.yield
      }) : () -> ()
      "tpu.region"() ({
        %run_scoped3A_29 = tpu.sem_alloc : memref<!tpu.dma_semaphore, #tpu.memory_space<semaphore_mem>>
        %dma_start3A = arith.constant 0 : i32
        %dma_start3A_30 = arith.constant 0 : i32
        %dma_start3A_31 = tpu.memref_slice %arg8[%dma_start3A, %dma_start3A_30] : memref<10240x16xf32, #tpu.memory_space<vmem_shared>> -> memref<10240x16xf32, #tpu.memory_space<vmem_shared>>
        tpu.enqueue_indirect_dma source(%arg10 : memref<80x16xf32, #tpu.memory_space<vmem>>) target(%dma_start3A_31 : memref<10240x16xf32, #tpu.memory_space<vmem_shared>>) offsets(%arg9 : memref<80xi32, #tpu.memory_space<vmem>>) semaphore(%run_scoped3A_29 : memref<!tpu.dma_semaphore, #tpu.memory_space<semaphore_mem>>) {add = true}
        %dma_wait3A = arith.constant 0 : i32
        %dma_wait3A_32 = arith.constant 0 : i32
        %dma_wait3A_33 = tpu.memref_slice %arg8[%dma_wait3A, %dma_wait3A_32] : memref<10240x16xf32, #tpu.memory_space<vmem_shared>> -> memref<10240x16xf32, #tpu.memory_space<vmem_shared>>
        tpu.wait_indirect_dma semaphore(%run_scoped3A_29 : memref<!tpu.dma_semaphore, #tpu.memory_space<semaphore_mem>>) src(%arg10 : memref<80x16xf32, #tpu.memory_space<vmem>>) dst(%dma_wait3A_33 : memref<10240x16xf32, #tpu.memory_space<vmem_shared>>)
        tpu.yield
      }) : () -> ()
    }
    %scan3A_10 = arith.constant 125 : i32
    %barrier3A_11 = arith.constant 0 : index
    tpu.barrier barrier_id(%barrier3A_11)
    %mul3A_12 = arith.constant 640 : i32
    %mul3A_13 = arith.muli %arg1, %mul3A_12 : i32
    %mul3A_14 = arith.constant 640 : i32
    %mul3A_15 = arith.muli %arg1, %mul3A_14 : i32
    %run_scoped3A = arith.constant 0 : i32
    "tpu.region"() ({
      %run_scoped3A_21 = tpu.sem_alloc : memref<!tpu.dma_semaphore, #tpu.memory_space<semaphore_mem>>
      %dma_start3A = arith.constant 0 : i32
      %dma_start3A_22 = tpu.memref_slice %arg6[%run_scoped3A, %arg0, %mul3A_15, %dma_start3A] : memref<2x2x10240x16xf32, #tpu.memory_space<hbm>> -> memref<1x1x640x16xf32, #tpu.memory_space<hbm>>
      %dma_start3A_23 = tpu.memref_squeeze %dma_start3A_22 : memref<1x1x640x16xf32, #tpu.memory_space<hbm>> -> memref<640x16xf32, #tpu.memory_space<hbm>>
      %dma_start3A_24 = arith.constant 0 : i32
      %dma_start3A_25 = tpu.memref_slice %arg7[%mul3A_13, %dma_start3A_24] : memref<10240x16xf32, #tpu.memory_space<vmem_shared>> -> memref<640x16xf32, #tpu.memory_space<vmem_shared>>
      tpu.enqueue_dma source(%dma_start3A_25 : memref<640x16xf32, #tpu.memory_space<vmem_shared>>) target(%dma_start3A_23 : memref<640x16xf32, #tpu.memory_space<hbm>>) target_semaphore(%run_scoped3A_21 : memref<!tpu.dma_semaphore, #tpu.memory_space<semaphore_mem>>)
      %dma_wait3A = arith.constant 0 : i32
      %dma_wait3A_26 = tpu.memref_slice %arg6[%run_scoped3A, %arg0, %mul3A_15, %dma_wait3A] : memref<2x2x10240x16xf32, #tpu.memory_space<hbm>> -> memref<1x1x640x16xf32, #tpu.memory_space<hbm>>
      %dma_wait3A_27 = tpu.memref_squeeze %dma_wait3A_26 : memref<1x1x640x16xf32, #tpu.memory_space<hbm>> -> memref<640x16xf32, #tpu.memory_space<hbm>>
      %dma_wait3A_28 = arith.constant 0 : i32
      %dma_wait3A_29 = tpu.memref_slice %arg7[%mul3A_13, %dma_wait3A_28] : memref<10240x16xf32, #tpu.memory_space<vmem_shared>> -> memref<640x16xf32, #tpu.memory_space<vmem_shared>>
      tpu.wait_dma2 semaphore(%run_scoped3A_21 : memref<!tpu.dma_semaphore, #tpu.memory_space<semaphore_mem>>) src(%dma_wait3A_29 : memref<640x16xf32, #tpu.memory_space<vmem_shared>>) dst(%dma_wait3A_27 : memref<640x16xf32, #tpu.memory_space<hbm>>)
      tpu.yield
    }) : () -> ()
    %mul3A_16 = arith.constant 640 : i32
    %mul3A_17 = arith.muli %arg1, %mul3A_16 : i32
    %mul3A_18 = arith.constant 640 : i32
    %mul3A_19 = arith.muli %arg1, %mul3A_18 : i32
    %run_scoped3A_20 = arith.constant 1 : i32
    "tpu.region"() ({
      %run_scoped3A_21 = tpu.sem_alloc : memref<!tpu.dma_semaphore, #tpu.memory_space<semaphore_mem>>
      %dma_start3A = arith.constant 0 : i32
      %dma_start3A_22 = tpu.memref_slice %arg6[%run_scoped3A_20, %arg0, %mul3A_19, %dma_start3A] : memref<2x2x10240x16xf32, #tpu.memory_space<hbm>> -> memref<1x1x640x16xf32, #tpu.memory_space<hbm>>
      %dma_start3A_23 = tpu.memref_squeeze %dma_start3A_22 : memref<1x1x640x16xf32, #tpu.memory_space<hbm>> -> memref<640x16xf32, #tpu.memory_space<hbm>>
      %dma_start3A_24 = arith.constant 0 : i32
      %dma_start3A_25 = tpu.memref_slice %arg8[%mul3A_17, %dma_start3A_24] : memref<10240x16xf32, #tpu.memory_space<vmem_shared>> -> memref<640x16xf32, #tpu.memory_space<vmem_shared>>
      tpu.enqueue_dma source(%dma_start3A_25 : memref<640x16xf32, #tpu.memory_space<vmem_shared>>) target(%dma_start3A_23 : memref<640x16xf32, #tpu.memory_space<hbm>>) target_semaphore(%run_scoped3A_21 : memref<!tpu.dma_semaphore, #tpu.memory_space<semaphore_mem>>)
      %dma_wait3A = arith.constant 0 : i32
      %dma_wait3A_26 = tpu.memref_slice %arg6[%run_scoped3A_20, %arg0, %mul3A_19, %dma_wait3A] : memref<2x2x10240x16xf32, #tpu.memory_space<hbm>> -> memref<1x1x640x16xf32, #tpu.memory_space<hbm>>
      %dma_wait3A_27 = tpu.memref_squeeze %dma_wait3A_26 : memref<1x1x640x16xf32, #tpu.memory_space<hbm>> -> memref<640x16xf32, #tpu.memory_space<hbm>>
      %dma_wait3A_28 = arith.constant 0 : i32
      %dma_wait3A_29 = tpu.memref_slice %arg8[%mul3A_17, %dma_wait3A_28] : memref<10240x16xf32, #tpu.memory_space<vmem_shared>> -> memref<640x16xf32, #tpu.memory_space<vmem_shared>>
      tpu.wait_dma2 semaphore(%run_scoped3A_21 : memref<!tpu.dma_semaphore, #tpu.memory_space<semaphore_mem>>) src(%dma_wait3A_29 : memref<640x16xf32, #tpu.memory_space<vmem_shared>>) dst(%dma_wait3A_27 : memref<640x16xf32, #tpu.memory_space<hbm>>)
      tpu.yield
    }) : () -> ()
    return
  }
}

#map = affine_map<(d0, d1) -> (0, 0)>
#map1 = affine_map<(d0, d1) -> (0)>
#map2 = affine_map<(d0, d1) -> (0, 0, 0)>
module attributes {stable_mosaic.version = 14 : i64} {
  func.func @_spmm_body(%arg0: i32, %arg1: i32, %arg2: memref<10000x128xf32, #tpu.memory_space<hbm>>, %arg3: memref<320000xi32, #tpu.memory_space<hbm>>, %arg4: memref<320000xi32, #tpu.memory_space<hbm>>, %arg5: memref<640x128xf32, #tpu.memory_space<hbm>>, %arg6: memref<2x10240x128xf32, #tpu.memory_space<hbm>>, %arg7: memref<10240x128xf32, #tpu.memory_space<vmem_shared>>, %arg8: memref<10000xi32, #tpu.memory_space<vmem>>, %arg9: memref<80xi32, #tpu.memory_space<vmem>>, %arg10: memref<80x128xf32, #tpu.memory_space<vmem>>, %arg11: memref<!tpu.dma_semaphore, #tpu.memory_space<semaphore_mem>>) attributes {dimension_semantics = [#tpu.dimension_semantics<core_parallel>, #tpu.dimension_semantics<subcore_parallel>], iteration_bounds = array<i64: 2, 16>, scalar_prefetch = 0 : i64, scratch_operands = 5 : i64, tpu.core_type = #tpu.core_type<sc_vector_subcore>, window_params = [{transform_indices = #map}, {transform_indices = #map1}, {transform_indices = #map1}, {transform_indices = #map}, {transform_indices = #map2}]} {
    %mul3A = arith.constant 16 : i32
    %mul3A_0 = arith.muli %arg0, %mul3A : i32
    %add3A = arith.addi %mul3A_0, %arg1 : i32
    %mul3A_1 = arith.constant 640 : i32
    %mul3A_2 = arith.muli %arg1, %mul3A_1 : i32
    "tpu.region"() ({
      %run_scoped3A = tpu.sem_alloc : memref<!tpu.dma_semaphore, #tpu.memory_space<semaphore_mem>>
      %dma_start3A = arith.constant 0 : i32
      %dma_start3A_14 = tpu.memref_slice %arg7[%mul3A_2, %dma_start3A] : memref<10240x128xf32, #tpu.memory_space<vmem_shared>> -> memref<640x128xf32, #tpu.memory_space<vmem_shared>>
      tpu.enqueue_dma source(%arg5 : memref<640x128xf32, #tpu.memory_space<hbm>>) target(%dma_start3A_14 : memref<640x128xf32, #tpu.memory_space<vmem_shared>>) target_semaphore(%run_scoped3A : memref<!tpu.dma_semaphore, #tpu.memory_space<semaphore_mem>>)
      %dma_wait3A = arith.constant 0 : i32
      %dma_wait3A_15 = tpu.memref_slice %arg7[%mul3A_2, %dma_wait3A] : memref<10240x128xf32, #tpu.memory_space<vmem_shared>> -> memref<640x128xf32, #tpu.memory_space<vmem_shared>>
      tpu.wait_dma2 semaphore(%run_scoped3A : memref<!tpu.dma_semaphore, #tpu.memory_space<semaphore_mem>>) src(%arg5 : memref<640x128xf32, #tpu.memory_space<hbm>>) dst(%dma_wait3A_15 : memref<640x128xf32, #tpu.memory_space<vmem_shared>>)
      tpu.yield
    }) : () -> ()
    %mul3A_3 = arith.constant 10000 : i32
    %mul3A_4 = arith.muli %add3A, %mul3A_3 : i32
    "tpu.region"() ({
      %run_scoped3A = tpu.sem_alloc : memref<!tpu.dma_semaphore, #tpu.memory_space<semaphore_mem>>
      %dma_start3A = tpu.memref_slice %arg3[%mul3A_4] : memref<320000xi32, #tpu.memory_space<hbm>> -> memref<10000xi32, #tpu.memory_space<hbm>>
      %dma_start3A_14 = tpu.memref_slice %arg3[%mul3A_4] : memref<320000xi32, #tpu.memory_space<hbm>> -> memref<10000xi32, #tpu.memory_space<hbm>>
      tpu.enqueue_dma source(%dma_start3A_14 : memref<10000xi32, #tpu.memory_space<hbm>>) target(%arg8 : memref<10000xi32, #tpu.memory_space<vmem>>) target_semaphore(%run_scoped3A : memref<!tpu.dma_semaphore, #tpu.memory_space<semaphore_mem>>)
      %dma_wait3A = tpu.memref_slice %arg3[%mul3A_4] : memref<320000xi32, #tpu.memory_space<hbm>> -> memref<10000xi32, #tpu.memory_space<hbm>>
      %dma_wait3A_15 = tpu.memref_slice %arg3[%mul3A_4] : memref<320000xi32, #tpu.memory_space<hbm>> -> memref<10000xi32, #tpu.memory_space<hbm>>
      tpu.wait_dma2 semaphore(%run_scoped3A : memref<!tpu.dma_semaphore, #tpu.memory_space<semaphore_mem>>) src(%dma_wait3A_15 : memref<10000xi32, #tpu.memory_space<hbm>>) dst(%arg8 : memref<10000xi32, #tpu.memory_space<vmem>>)
      tpu.yield
    }) : () -> ()
    %barrier3A = arith.constant 0 : index
    tpu.barrier barrier_id(%barrier3A)
    %scan3A = arith.constant 0 : i32
    %scan3A_5 = arith.constant 125 : i32
    %scan3A_6 = arith.addi %scan3A, %scan3A_5 : i32
    %scan3A_7 = arith.constant 1 : i32
    scf.for %scan3A_14 = %scan3A to %scan3A_6 step %scan3A_7  : i32 {
      %mul3A_15 = arith.constant 1 : i32
      %mul3A_16 = arith.muli %scan3A_14, %mul3A_15 : i32
      %add3A_17 = arith.constant 0 : i32
      %add3A_18 = arith.addi %add3A_17, %mul3A_16 : i32
      %mul3A_19 = arith.constant 80 : i32
      %mul3A_20 = arith.muli %add3A_18, %mul3A_19 : i32
      %add3A_21 = arith.addi %mul3A_4, %mul3A_20 : i32
      "tpu.region"() ({
        %run_scoped3A = tpu.sem_alloc : memref<!tpu.dma_semaphore, #tpu.memory_space<semaphore_mem>>
        %dma_start3A_30 = tpu.memref_slice %arg4[%add3A_21] : memref<320000xi32, #tpu.memory_space<hbm>> -> memref<80xi32, #tpu.memory_space<hbm>>
        %dma_start3A_31 = tpu.memref_slice %arg4[%add3A_21] : memref<320000xi32, #tpu.memory_space<hbm>> -> memref<80xi32, #tpu.memory_space<hbm>>
        tpu.enqueue_dma source(%dma_start3A_31 : memref<80xi32, #tpu.memory_space<hbm>>) target(%arg9 : memref<80xi32, #tpu.memory_space<vmem>>) target_semaphore(%run_scoped3A : memref<!tpu.dma_semaphore, #tpu.memory_space<semaphore_mem>>)
        %dma_wait3A_32 = tpu.memref_slice %arg4[%add3A_21] : memref<320000xi32, #tpu.memory_space<hbm>> -> memref<80xi32, #tpu.memory_space<hbm>>
        %dma_wait3A_33 = tpu.memref_slice %arg4[%add3A_21] : memref<320000xi32, #tpu.memory_space<hbm>> -> memref<80xi32, #tpu.memory_space<hbm>>
        tpu.wait_dma2 semaphore(%run_scoped3A : memref<!tpu.dma_semaphore, #tpu.memory_space<semaphore_mem>>) src(%dma_wait3A_33 : memref<80xi32, #tpu.memory_space<hbm>>) dst(%arg9 : memref<80xi32, #tpu.memory_space<vmem>>)
        tpu.yield
      }) : () -> ()
      %mul3A_22 = arith.constant 80 : i32
      %mul3A_23 = arith.muli %add3A_18, %mul3A_22 : i32
      %dma_start3A = tpu.memref_slice %arg8[%mul3A_23] : memref<10000xi32, #tpu.memory_space<vmem>> -> memref<80xi32, #tpu.memory_space<vmem>>
      %dma_start3A_24 = arith.constant 0 : i32
      %dma_start3A_25 = arith.constant 0 : i32
      %dma_start3A_26 = tpu.memref_slice %arg2[%dma_start3A_24, %dma_start3A_25] : memref<10000x128xf32, #tpu.memory_space<hbm>> -> memref<10000x128xf32, #tpu.memory_space<hbm>>
      tpu.enqueue_indirect_dma source(%dma_start3A_26 : memref<10000x128xf32, #tpu.memory_space<hbm>>) target(%arg10 : memref<80x128xf32, #tpu.memory_space<vmem>>) offsets(%dma_start3A : memref<80xi32, #tpu.memory_space<vmem>>) semaphore(%arg11 : memref<!tpu.dma_semaphore, #tpu.memory_space<semaphore_mem>>)
      %dma_wait3A = tpu.memref_slice %arg8[%mul3A_23] : memref<10000xi32, #tpu.memory_space<vmem>> -> memref<80xi32, #tpu.memory_space<vmem>>
      %dma_wait3A_27 = arith.constant 0 : i32
      %dma_wait3A_28 = arith.constant 0 : i32
      %dma_wait3A_29 = tpu.memref_slice %arg2[%dma_wait3A_27, %dma_wait3A_28] : memref<10000x128xf32, #tpu.memory_space<hbm>> -> memref<10000x128xf32, #tpu.memory_space<hbm>>
      tpu.wait_indirect_dma semaphore(%arg11 : memref<!tpu.dma_semaphore, #tpu.memory_space<semaphore_mem>>) src(%dma_wait3A_29 : memref<10000x128xf32, #tpu.memory_space<hbm>>) dst(%arg10 : memref<80x128xf32, #tpu.memory_space<vmem>>)
      "tpu.region"() ({
        %run_scoped3A = tpu.sem_alloc : memref<!tpu.dma_semaphore, #tpu.memory_space<semaphore_mem>>
        %dma_start3A_30 = arith.constant 0 : i32
        %dma_start3A_31 = arith.constant 0 : i32
        %dma_start3A_32 = tpu.memref_slice %arg7[%dma_start3A_30, %dma_start3A_31] : memref<10240x128xf32, #tpu.memory_space<vmem_shared>> -> memref<10240x128xf32, #tpu.memory_space<vmem_shared>>
        tpu.enqueue_indirect_dma source(%arg10 : memref<80x128xf32, #tpu.memory_space<vmem>>) target(%dma_start3A_32 : memref<10240x128xf32, #tpu.memory_space<vmem_shared>>) offsets(%arg9 : memref<80xi32, #tpu.memory_space<vmem>>) semaphore(%run_scoped3A : memref<!tpu.dma_semaphore, #tpu.memory_space<semaphore_mem>>) {add = true}
        %dma_wait3A_33 = arith.constant 0 : i32
        %dma_wait3A_34 = arith.constant 0 : i32
        %dma_wait3A_35 = tpu.memref_slice %arg7[%dma_wait3A_33, %dma_wait3A_34] : memref<10240x128xf32, #tpu.memory_space<vmem_shared>> -> memref<10240x128xf32, #tpu.memory_space<vmem_shared>>
        tpu.wait_indirect_dma semaphore(%run_scoped3A : memref<!tpu.dma_semaphore, #tpu.memory_space<semaphore_mem>>) src(%arg10 : memref<80x128xf32, #tpu.memory_space<vmem>>) dst(%dma_wait3A_35 : memref<10240x128xf32, #tpu.memory_space<vmem_shared>>)
        tpu.yield
      }) : () -> ()
    }
    %scan3A_8 = arith.constant 125 : i32
    %barrier3A_9 = arith.constant 0 : index
    tpu.barrier barrier_id(%barrier3A_9)
    %mul3A_10 = arith.constant 640 : i32
    %mul3A_11 = arith.muli %arg1, %mul3A_10 : i32
    %mul3A_12 = arith.constant 640 : i32
    %mul3A_13 = arith.muli %arg1, %mul3A_12 : i32
    "tpu.region"() ({
      %run_scoped3A = tpu.sem_alloc : memref<!tpu.dma_semaphore, #tpu.memory_space<semaphore_mem>>
      %dma_start3A = arith.constant 0 : i32
      %dma_start3A_14 = tpu.memref_slice %arg6[%arg0, %mul3A_13, %dma_start3A] : memref<2x10240x128xf32, #tpu.memory_space<hbm>> -> memref<1x640x128xf32, #tpu.memory_space<hbm>>
      %dma_start3A_15 = tpu.memref_squeeze %dma_start3A_14 : memref<1x640x128xf32, #tpu.memory_space<hbm>> -> memref<640x128xf32, #tpu.memory_space<hbm>>
      %dma_start3A_16 = arith.constant 0 : i32
      %dma_start3A_17 = tpu.memref_slice %arg7[%mul3A_11, %dma_start3A_16] : memref<10240x128xf32, #tpu.memory_space<vmem_shared>> -> memref<640x128xf32, #tpu.memory_space<vmem_shared>>
      tpu.enqueue_dma source(%dma_start3A_17 : memref<640x128xf32, #tpu.memory_space<vmem_shared>>) target(%dma_start3A_15 : memref<640x128xf32, #tpu.memory_space<hbm>>) target_semaphore(%run_scoped3A : memref<!tpu.dma_semaphore, #tpu.memory_space<semaphore_mem>>)
      %dma_wait3A = arith.constant 0 : i32
      %dma_wait3A_18 = tpu.memref_slice %arg6[%arg0, %mul3A_13, %dma_wait3A] : memref<2x10240x128xf32, #tpu.memory_space<hbm>> -> memref<1x640x128xf32, #tpu.memory_space<hbm>>
      %dma_wait3A_19 = tpu.memref_squeeze %dma_wait3A_18 : memref<1x640x128xf32, #tpu.memory_space<hbm>> -> memref<640x128xf32, #tpu.memory_space<hbm>>
      %dma_wait3A_20 = arith.constant 0 : i32
      %dma_wait3A_21 = tpu.memref_slice %arg7[%mul3A_11, %dma_wait3A_20] : memref<10240x128xf32, #tpu.memory_space<vmem_shared>> -> memref<640x128xf32, #tpu.memory_space<vmem_shared>>
      tpu.wait_dma2 semaphore(%run_scoped3A : memref<!tpu.dma_semaphore, #tpu.memory_space<semaphore_mem>>) src(%dma_wait3A_21 : memref<640x128xf32, #tpu.memory_space<vmem_shared>>) dst(%dma_wait3A_19 : memref<640x128xf32, #tpu.memory_space<hbm>>)
      tpu.yield
    }) : () -> ()
    return
  }
}

#map = affine_map<(d0, d1) -> (0, 0)>
#map1 = affine_map<(d0, d1) -> (0)>
#map2 = affine_map<(d0, d1) -> (0, 0, 0)>
module attributes {stable_mosaic.version = 14 : i64} {
  func.func @_spmm_body(%arg0: i32, %arg1: i32, %arg2: memref<10000x128xf32, #tpu.memory_space<hbm>>, %arg3: memref<320000xi32, #tpu.memory_space<hbm>>, %arg4: memref<320000xi32, #tpu.memory_space<hbm>>, %arg5: memref<640x128xf32, #tpu.memory_space<hbm>>, %arg6: memref<2x10240x128xf32, #tpu.memory_space<hbm>>, %arg7: memref<10240x128xf32, #tpu.memory_space<vmem_shared>>, %arg8: memref<10000xi32, #tpu.memory_space<vmem>>, %arg9: memref<80xi32, #tpu.memory_space<vmem>>, %arg10: memref<80x128xf32, #tpu.memory_space<vmem>>, %arg11: memref<!tpu.dma_semaphore, #tpu.memory_space<semaphore_mem>>) attributes {dimension_semantics = [#tpu.dimension_semantics<core_parallel>, #tpu.dimension_semantics<subcore_parallel>], iteration_bounds = array<i64: 2, 16>, scalar_prefetch = 0 : i64, scratch_operands = 5 : i64, tpu.core_type = #tpu.core_type<sc_vector_subcore>, window_params = [{transform_indices = #map}, {transform_indices = #map1}, {transform_indices = #map1}, {transform_indices = #map}, {transform_indices = #map2}]} {
    %mul3A = arith.constant 16 : i32
    %mul3A_0 = arith.muli %arg0, %mul3A : i32
    %add3A = arith.addi %mul3A_0, %arg1 : i32
    %mul3A_1 = arith.constant 640 : i32
    %mul3A_2 = arith.muli %arg1, %mul3A_1 : i32
    "tpu.region"() ({
      %run_scoped3A = tpu.sem_alloc : memref<!tpu.dma_semaphore, #tpu.memory_space<semaphore_mem>>
      %dma_start3A = arith.constant 0 : i32
      %dma_start3A_14 = tpu.memref_slice %arg7[%mul3A_2, %dma_start3A] : memref<10240x128xf32, #tpu.memory_space<vmem_shared>> -> memref<640x128xf32, #tpu.memory_space<vmem_shared>>
      tpu.enqueue_dma source(%arg5 : memref<640x128xf32, #tpu.memory_space<hbm>>) target(%dma_start3A_14 : memref<640x128xf32, #tpu.memory_space<vmem_shared>>) target_semaphore(%run_scoped3A : memref<!tpu.dma_semaphore, #tpu.memory_space<semaphore_mem>>)
      %dma_wait3A = arith.constant 0 : i32
      %dma_wait3A_15 = tpu.memref_slice %arg7[%mul3A_2, %dma_wait3A] : memref<10240x128xf32, #tpu.memory_space<vmem_shared>> -> memref<640x128xf32, #tpu.memory_space<vmem_shared>>
      tpu.wait_dma2 semaphore(%run_scoped3A : memref<!tpu.dma_semaphore, #tpu.memory_space<semaphore_mem>>) src(%arg5 : memref<640x128xf32, #tpu.memory_space<hbm>>) dst(%dma_wait3A_15 : memref<640x128xf32, #tpu.memory_space<vmem_shared>>)
      tpu.yield
    }) : () -> ()
    %mul3A_3 = arith.constant 10000 : i32
    %mul3A_4 = arith.muli %add3A, %mul3A_3 : i32
    "tpu.region"() ({
      %run_scoped3A = tpu.sem_alloc : memref<!tpu.dma_semaphore, #tpu.memory_space<semaphore_mem>>
      %dma_start3A = tpu.memref_slice %arg3[%mul3A_4] : memref<320000xi32, #tpu.memory_space<hbm>> -> memref<10000xi32, #tpu.memory_space<hbm>>
      %dma_start3A_14 = tpu.memref_slice %arg3[%mul3A_4] : memref<320000xi32, #tpu.memory_space<hbm>> -> memref<10000xi32, #tpu.memory_space<hbm>>
      tpu.enqueue_dma source(%dma_start3A_14 : memref<10000xi32, #tpu.memory_space<hbm>>) target(%arg8 : memref<10000xi32, #tpu.memory_space<vmem>>) target_semaphore(%run_scoped3A : memref<!tpu.dma_semaphore, #tpu.memory_space<semaphore_mem>>)
      %dma_wait3A = tpu.memref_slice %arg3[%mul3A_4] : memref<320000xi32, #tpu.memory_space<hbm>> -> memref<10000xi32, #tpu.memory_space<hbm>>
      %dma_wait3A_15 = tpu.memref_slice %arg3[%mul3A_4] : memref<320000xi32, #tpu.memory_space<hbm>> -> memref<10000xi32, #tpu.memory_space<hbm>>
      tpu.wait_dma2 semaphore(%run_scoped3A : memref<!tpu.dma_semaphore, #tpu.memory_space<semaphore_mem>>) src(%dma_wait3A_15 : memref<10000xi32, #tpu.memory_space<hbm>>) dst(%arg8 : memref<10000xi32, #tpu.memory_space<vmem>>)
      tpu.yield
    }) : () -> ()
    %barrier3A = arith.constant 0 : index
    tpu.barrier barrier_id(%barrier3A)
    %scan3A = arith.constant 0 : i32
    %scan3A_5 = arith.constant 125 : i32
    %scan3A_6 = arith.addi %scan3A, %scan3A_5 : i32
    %scan3A_7 = arith.constant 1 : i32
    scf.for %scan3A_14 = %scan3A to %scan3A_6 step %scan3A_7  : i32 {
      %mul3A_15 = arith.constant 1 : i32
      %mul3A_16 = arith.muli %scan3A_14, %mul3A_15 : i32
      %add3A_17 = arith.constant 0 : i32
      %add3A_18 = arith.addi %add3A_17, %mul3A_16 : i32
      %mul3A_19 = arith.constant 80 : i32
      %mul3A_20 = arith.muli %add3A_18, %mul3A_19 : i32
      %add3A_21 = arith.addi %mul3A_4, %mul3A_20 : i32
      "tpu.region"() ({
        %run_scoped3A = tpu.sem_alloc : memref<!tpu.dma_semaphore, #tpu.memory_space<semaphore_mem>>
        %dma_start3A_30 = tpu.memref_slice %arg4[%add3A_21] : memref<320000xi32, #tpu.memory_space<hbm>> -> memref<80xi32, #tpu.memory_space<hbm>>
        %dma_start3A_31 = tpu.memref_slice %arg4[%add3A_21] : memref<320000xi32, #tpu.memory_space<hbm>> -> memref<80xi32, #tpu.memory_space<hbm>>
        tpu.enqueue_dma source(%dma_start3A_31 : memref<80xi32, #tpu.memory_space<hbm>>) target(%arg9 : memref<80xi32, #tpu.memory_space<vmem>>) target_semaphore(%run_scoped3A : memref<!tpu.dma_semaphore, #tpu.memory_space<semaphore_mem>>)
        %dma_wait3A_32 = tpu.memref_slice %arg4[%add3A_21] : memref<320000xi32, #tpu.memory_space<hbm>> -> memref<80xi32, #tpu.memory_space<hbm>>
        %dma_wait3A_33 = tpu.memref_slice %arg4[%add3A_21] : memref<320000xi32, #tpu.memory_space<hbm>> -> memref<80xi32, #tpu.memory_space<hbm>>
        tpu.wait_dma2 semaphore(%run_scoped3A : memref<!tpu.dma_semaphore, #tpu.memory_space<semaphore_mem>>) src(%dma_wait3A_33 : memref<80xi32, #tpu.memory_space<hbm>>) dst(%arg9 : memref<80xi32, #tpu.memory_space<vmem>>)
        tpu.yield
      }) : () -> ()
      %mul3A_22 = arith.constant 80 : i32
      %mul3A_23 = arith.muli %add3A_18, %mul3A_22 : i32
      %dma_start3A = tpu.memref_slice %arg8[%mul3A_23] : memref<10000xi32, #tpu.memory_space<vmem>> -> memref<80xi32, #tpu.memory_space<vmem>>
      %dma_start3A_24 = arith.constant 0 : i32
      %dma_start3A_25 = arith.constant 0 : i32
      %dma_start3A_26 = tpu.memref_slice %arg2[%dma_start3A_24, %dma_start3A_25] : memref<10000x128xf32, #tpu.memory_space<hbm>> -> memref<10000x128xf32, #tpu.memory_space<hbm>>
      tpu.enqueue_indirect_dma source(%dma_start3A_26 : memref<10000x128xf32, #tpu.memory_space<hbm>>) target(%arg10 : memref<80x128xf32, #tpu.memory_space<vmem>>) offsets(%dma_start3A : memref<80xi32, #tpu.memory_space<vmem>>) semaphore(%arg11 : memref<!tpu.dma_semaphore, #tpu.memory_space<semaphore_mem>>)
      %dma_wait3A = tpu.memref_slice %arg8[%mul3A_23] : memref<10000xi32, #tpu.memory_space<vmem>> -> memref<80xi32, #tpu.memory_space<vmem>>
      %dma_wait3A_27 = arith.constant 0 : i32
      %dma_wait3A_28 = arith.constant 0 : i32
      %dma_wait3A_29 = tpu.memref_slice %arg2[%dma_wait3A_27, %dma_wait3A_28] : memref<10000x128xf32, #tpu.memory_space<hbm>> -> memref<10000x128xf32, #tpu.memory_space<hbm>>
      tpu.wait_indirect_dma semaphore(%arg11 : memref<!tpu.dma_semaphore, #tpu.memory_space<semaphore_mem>>) src(%dma_wait3A_29 : memref<10000x128xf32, #tpu.memory_space<hbm>>) dst(%arg10 : memref<80x128xf32, #tpu.memory_space<vmem>>)
      "tpu.region"() ({
        %run_scoped3A = tpu.sem_alloc : memref<!tpu.dma_semaphore, #tpu.memory_space<semaphore_mem>>
        %dma_start3A_30 = arith.constant 0 : i32
        %dma_start3A_31 = arith.constant 0 : i32
        %dma_start3A_32 = tpu.memref_slice %arg7[%dma_start3A_30, %dma_start3A_31] : memref<10240x128xf32, #tpu.memory_space<vmem_shared>> -> memref<10240x128xf32, #tpu.memory_space<vmem_shared>>
        tpu.enqueue_indirect_dma source(%arg10 : memref<80x128xf32, #tpu.memory_space<vmem>>) target(%dma_start3A_32 : memref<10240x128xf32, #tpu.memory_space<vmem_shared>>) offsets(%arg9 : memref<80xi32, #tpu.memory_space<vmem>>) semaphore(%run_scoped3A : memref<!tpu.dma_semaphore, #tpu.memory_space<semaphore_mem>>) {add = true}
        %dma_wait3A_33 = arith.constant 0 : i32
        %dma_wait3A_34 = arith.constant 0 : i32
        %dma_wait3A_35 = tpu.memref_slice %arg7[%dma_wait3A_33, %dma_wait3A_34] : memref<10240x128xf32, #tpu.memory_space<vmem_shared>> -> memref<10240x128xf32, #tpu.memory_space<vmem_shared>>
        tpu.wait_indirect_dma semaphore(%run_scoped3A : memref<!tpu.dma_semaphore, #tpu.memory_space<semaphore_mem>>) src(%arg10 : memref<80x128xf32, #tpu.memory_space<vmem>>) dst(%dma_wait3A_35 : memref<10240x128xf32, #tpu.memory_space<vmem_shared>>)
        tpu.yield
      }) : () -> ()
    }
    %scan3A_8 = arith.constant 125 : i32
    %barrier3A_9 = arith.constant 0 : index
    tpu.barrier barrier_id(%barrier3A_9)
    %mul3A_10 = arith.constant 640 : i32
    %mul3A_11 = arith.muli %arg1, %mul3A_10 : i32
    %mul3A_12 = arith.constant 640 : i32
    %mul3A_13 = arith.muli %arg1, %mul3A_12 : i32
    "tpu.region"() ({
      %run_scoped3A = tpu.sem_alloc : memref<!tpu.dma_semaphore, #tpu.memory_space<semaphore_mem>>
      %dma_start3A = arith.constant 0 : i32
      %dma_start3A_14 = tpu.memref_slice %arg6[%arg0, %mul3A_13, %dma_start3A] : memref<2x10240x128xf32, #tpu.memory_space<hbm>> -> memref<1x640x128xf32, #tpu.memory_space<hbm>>
      %dma_start3A_15 = tpu.memref_squeeze %dma_start3A_14 : memref<1x640x128xf32, #tpu.memory_space<hbm>> -> memref<640x128xf32, #tpu.memory_space<hbm>>
      %dma_start3A_16 = arith.constant 0 : i32
      %dma_start3A_17 = tpu.memref_slice %arg7[%mul3A_11, %dma_start3A_16] : memref<10240x128xf32, #tpu.memory_space<vmem_shared>> -> memref<640x128xf32, #tpu.memory_space<vmem_shared>>
      tpu.enqueue_dma source(%dma_start3A_17 : memref<640x128xf32, #tpu.memory_space<vmem_shared>>) target(%dma_start3A_15 : memref<640x128xf32, #tpu.memory_space<hbm>>) target_semaphore(%run_scoped3A : memref<!tpu.dma_semaphore, #tpu.memory_space<semaphore_mem>>)
      %dma_wait3A = arith.constant 0 : i32
      %dma_wait3A_18 = tpu.memref_slice %arg6[%arg0, %mul3A_13, %dma_wait3A] : memref<2x10240x128xf32, #tpu.memory_space<hbm>> -> memref<1x640x128xf32, #tpu.memory_space<hbm>>
      %dma_wait3A_19 = tpu.memref_squeeze %dma_wait3A_18 : memref<1x640x128xf32, #tpu.memory_space<hbm>> -> memref<640x128xf32, #tpu.memory_space<hbm>>
      %dma_wait3A_20 = arith.constant 0 : i32
      %dma_wait3A_21 = tpu.memref_slice %arg7[%mul3A_11, %dma_wait3A_20] : memref<10240x128xf32, #tpu.memory_space<vmem_shared>> -> memref<640x128xf32, #tpu.memory_space<vmem_shared>>
      tpu.wait_dma2 semaphore(%run_scoped3A : memref<!tpu.dma_semaphore, #tpu.memory_space<semaphore_mem>>) src(%dma_wait3A_21 : memref<640x128xf32, #tpu.memory_space<vmem_shared>>) dst(%dma_wait3A_19 : memref<640x128xf32, #tpu.memory_space<hbm>>)
      tpu.yield
    }) : () -> ()
    return
  }
}

#map = affine_map<(d0, d1) -> (0, 0)>
#map1 = affine_map<(d0, d1) -> (0)>
#map2 = affine_map<(d0, d1) -> (0, 0, 0)>
module attributes {stable_mosaic.version = 14 : i64} {
  func.func @_spmm_body(%arg0: i32, %arg1: i32, %arg2: memref<10000x128xf32, #tpu.memory_space<hbm>>, %arg3: memref<320000xi32, #tpu.memory_space<hbm>>, %arg4: memref<320000xi32, #tpu.memory_space<hbm>>, %arg5: memref<640x128xf32, #tpu.memory_space<hbm>>, %arg6: memref<2x10240x128xf32, #tpu.memory_space<hbm>>, %arg7: memref<10240x128xf32, #tpu.memory_space<vmem_shared>>, %arg8: memref<10000xi32, #tpu.memory_space<vmem>>, %arg9: memref<80xi32, #tpu.memory_space<vmem>>, %arg10: memref<80x128xf32, #tpu.memory_space<vmem>>, %arg11: memref<!tpu.dma_semaphore, #tpu.memory_space<semaphore_mem>>) attributes {dimension_semantics = [#tpu.dimension_semantics<core_parallel>, #tpu.dimension_semantics<subcore_parallel>], iteration_bounds = array<i64: 2, 16>, scalar_prefetch = 0 : i64, scratch_operands = 5 : i64, tpu.core_type = #tpu.core_type<sc_vector_subcore>, window_params = [{transform_indices = #map}, {transform_indices = #map1}, {transform_indices = #map1}, {transform_indices = #map}, {transform_indices = #map2}]} {
    %mul3A = arith.constant 16 : i32
    %mul3A_0 = arith.muli %arg0, %mul3A : i32
    %add3A = arith.addi %mul3A_0, %arg1 : i32
    %mul3A_1 = arith.constant 640 : i32
    %mul3A_2 = arith.muli %arg1, %mul3A_1 : i32
    "tpu.region"() ({
      %run_scoped3A = tpu.sem_alloc : memref<!tpu.dma_semaphore, #tpu.memory_space<semaphore_mem>>
      %dma_start3A = arith.constant 0 : i32
      %dma_start3A_14 = tpu.memref_slice %arg7[%mul3A_2, %dma_start3A] : memref<10240x128xf32, #tpu.memory_space<vmem_shared>> -> memref<640x128xf32, #tpu.memory_space<vmem_shared>>
      tpu.enqueue_dma source(%arg5 : memref<640x128xf32, #tpu.memory_space<hbm>>) target(%dma_start3A_14 : memref<640x128xf32, #tpu.memory_space<vmem_shared>>) target_semaphore(%run_scoped3A : memref<!tpu.dma_semaphore, #tpu.memory_space<semaphore_mem>>)
      %dma_wait3A = arith.constant 0 : i32
      %dma_wait3A_15 = tpu.memref_slice %arg7[%mul3A_2, %dma_wait3A] : memref<10240x128xf32, #tpu.memory_space<vmem_shared>> -> memref<640x128xf32, #tpu.memory_space<vmem_shared>>
      tpu.wait_dma2 semaphore(%run_scoped3A : memref<!tpu.dma_semaphore, #tpu.memory_space<semaphore_mem>>) src(%arg5 : memref<640x128xf32, #tpu.memory_space<hbm>>) dst(%dma_wait3A_15 : memref<640x128xf32, #tpu.memory_space<vmem_shared>>)
      tpu.yield
    }) : () -> ()
    %mul3A_3 = arith.constant 10000 : i32
    %mul3A_4 = arith.muli %add3A, %mul3A_3 : i32
    "tpu.region"() ({
      %run_scoped3A = tpu.sem_alloc : memref<!tpu.dma_semaphore, #tpu.memory_space<semaphore_mem>>
      %dma_start3A = tpu.memref_slice %arg3[%mul3A_4] : memref<320000xi32, #tpu.memory_space<hbm>> -> memref<10000xi32, #tpu.memory_space<hbm>>
      %dma_start3A_14 = tpu.memref_slice %arg3[%mul3A_4] : memref<320000xi32, #tpu.memory_space<hbm>> -> memref<10000xi32, #tpu.memory_space<hbm>>
      tpu.enqueue_dma source(%dma_start3A_14 : memref<10000xi32, #tpu.memory_space<hbm>>) target(%arg8 : memref<10000xi32, #tpu.memory_space<vmem>>) target_semaphore(%run_scoped3A : memref<!tpu.dma_semaphore, #tpu.memory_space<semaphore_mem>>)
      %dma_wait3A = tpu.memref_slice %arg3[%mul3A_4] : memref<320000xi32, #tpu.memory_space<hbm>> -> memref<10000xi32, #tpu.memory_space<hbm>>
      %dma_wait3A_15 = tpu.memref_slice %arg3[%mul3A_4] : memref<320000xi32, #tpu.memory_space<hbm>> -> memref<10000xi32, #tpu.memory_space<hbm>>
      tpu.wait_dma2 semaphore(%run_scoped3A : memref<!tpu.dma_semaphore, #tpu.memory_space<semaphore_mem>>) src(%dma_wait3A_15 : memref<10000xi32, #tpu.memory_space<hbm>>) dst(%arg8 : memref<10000xi32, #tpu.memory_space<vmem>>)
      tpu.yield
    }) : () -> ()
    %barrier3A = arith.constant 0 : index
    tpu.barrier barrier_id(%barrier3A)
    %scan3A = arith.constant 0 : i32
    %scan3A_5 = arith.constant 125 : i32
    %scan3A_6 = arith.addi %scan3A, %scan3A_5 : i32
    %scan3A_7 = arith.constant 1 : i32
    scf.for %scan3A_14 = %scan3A to %scan3A_6 step %scan3A_7  : i32 {
      %mul3A_15 = arith.constant 1 : i32
      %mul3A_16 = arith.muli %scan3A_14, %mul3A_15 : i32
      %add3A_17 = arith.constant 0 : i32
      %add3A_18 = arith.addi %add3A_17, %mul3A_16 : i32
      %mul3A_19 = arith.constant 80 : i32
      %mul3A_20 = arith.muli %add3A_18, %mul3A_19 : i32
      %add3A_21 = arith.addi %mul3A_4, %mul3A_20 : i32
      "tpu.region"() ({
        %run_scoped3A = tpu.sem_alloc : memref<!tpu.dma_semaphore, #tpu.memory_space<semaphore_mem>>
        %dma_start3A_30 = tpu.memref_slice %arg4[%add3A_21] : memref<320000xi32, #tpu.memory_space<hbm>> -> memref<80xi32, #tpu.memory_space<hbm>>
        %dma_start3A_31 = tpu.memref_slice %arg4[%add3A_21] : memref<320000xi32, #tpu.memory_space<hbm>> -> memref<80xi32, #tpu.memory_space<hbm>>
        tpu.enqueue_dma source(%dma_start3A_31 : memref<80xi32, #tpu.memory_space<hbm>>) target(%arg9 : memref<80xi32, #tpu.memory_space<vmem>>) target_semaphore(%run_scoped3A : memref<!tpu.dma_semaphore, #tpu.memory_space<semaphore_mem>>)
        %dma_wait3A_32 = tpu.memref_slice %arg4[%add3A_21] : memref<320000xi32, #tpu.memory_space<hbm>> -> memref<80xi32, #tpu.memory_space<hbm>>
        %dma_wait3A_33 = tpu.memref_slice %arg4[%add3A_21] : memref<320000xi32, #tpu.memory_space<hbm>> -> memref<80xi32, #tpu.memory_space<hbm>>
        tpu.wait_dma2 semaphore(%run_scoped3A : memref<!tpu.dma_semaphore, #tpu.memory_space<semaphore_mem>>) src(%dma_wait3A_33 : memref<80xi32, #tpu.memory_space<hbm>>) dst(%arg9 : memref<80xi32, #tpu.memory_space<vmem>>)
        tpu.yield
      }) : () -> ()
      %mul3A_22 = arith.constant 80 : i32
      %mul3A_23 = arith.muli %add3A_18, %mul3A_22 : i32
      %dma_start3A = tpu.memref_slice %arg8[%mul3A_23] : memref<10000xi32, #tpu.memory_space<vmem>> -> memref<80xi32, #tpu.memory_space<vmem>>
      %dma_start3A_24 = arith.constant 0 : i32
      %dma_start3A_25 = arith.constant 0 : i32
      %dma_start3A_26 = tpu.memref_slice %arg2[%dma_start3A_24, %dma_start3A_25] : memref<10000x128xf32, #tpu.memory_space<hbm>> -> memref<10000x128xf32, #tpu.memory_space<hbm>>
      tpu.enqueue_indirect_dma source(%dma_start3A_26 : memref<10000x128xf32, #tpu.memory_space<hbm>>) target(%arg10 : memref<80x128xf32, #tpu.memory_space<vmem>>) offsets(%dma_start3A : memref<80xi32, #tpu.memory_space<vmem>>) semaphore(%arg11 : memref<!tpu.dma_semaphore, #tpu.memory_space<semaphore_mem>>)
      %dma_wait3A = tpu.memref_slice %arg8[%mul3A_23] : memref<10000xi32, #tpu.memory_space<vmem>> -> memref<80xi32, #tpu.memory_space<vmem>>
      %dma_wait3A_27 = arith.constant 0 : i32
      %dma_wait3A_28 = arith.constant 0 : i32
      %dma_wait3A_29 = tpu.memref_slice %arg2[%dma_wait3A_27, %dma_wait3A_28] : memref<10000x128xf32, #tpu.memory_space<hbm>> -> memref<10000x128xf32, #tpu.memory_space<hbm>>
      tpu.wait_indirect_dma semaphore(%arg11 : memref<!tpu.dma_semaphore, #tpu.memory_space<semaphore_mem>>) src(%dma_wait3A_29 : memref<10000x128xf32, #tpu.memory_space<hbm>>) dst(%arg10 : memref<80x128xf32, #tpu.memory_space<vmem>>)
      "tpu.region"() ({
        %run_scoped3A = tpu.sem_alloc : memref<!tpu.dma_semaphore, #tpu.memory_space<semaphore_mem>>
        %dma_start3A_30 = arith.constant 0 : i32
        %dma_start3A_31 = arith.constant 0 : i32
        %dma_start3A_32 = tpu.memref_slice %arg7[%dma_start3A_30, %dma_start3A_31] : memref<10240x128xf32, #tpu.memory_space<vmem_shared>> -> memref<10240x128xf32, #tpu.memory_space<vmem_shared>>
        tpu.enqueue_indirect_dma source(%arg10 : memref<80x128xf32, #tpu.memory_space<vmem>>) target(%dma_start3A_32 : memref<10240x128xf32, #tpu.memory_space<vmem_shared>>) offsets(%arg9 : memref<80xi32, #tpu.memory_space<vmem>>) semaphore(%run_scoped3A : memref<!tpu.dma_semaphore, #tpu.memory_space<semaphore_mem>>) {add = true}
        %dma_wait3A_33 = arith.constant 0 : i32
        %dma_wait3A_34 = arith.constant 0 : i32
        %dma_wait3A_35 = tpu.memref_slice %arg7[%dma_wait3A_33, %dma_wait3A_34] : memref<10240x128xf32, #tpu.memory_space<vmem_shared>> -> memref<10240x128xf32, #tpu.memory_space<vmem_shared>>
        tpu.wait_indirect_dma semaphore(%run_scoped3A : memref<!tpu.dma_semaphore, #tpu.memory_space<semaphore_mem>>) src(%arg10 : memref<80x128xf32, #tpu.memory_space<vmem>>) dst(%dma_wait3A_35 : memref<10240x128xf32, #tpu.memory_space<vmem_shared>>)
        tpu.yield
      }) : () -> ()
    }
    %scan3A_8 = arith.constant 125 : i32
    %barrier3A_9 = arith.constant 0 : index
    tpu.barrier barrier_id(%barrier3A_9)
    %mul3A_10 = arith.constant 640 : i32
    %mul3A_11 = arith.muli %arg1, %mul3A_10 : i32
    %mul3A_12 = arith.constant 640 : i32
    %mul3A_13 = arith.muli %arg1, %mul3A_12 : i32
    "tpu.region"() ({
      %run_scoped3A = tpu.sem_alloc : memref<!tpu.dma_semaphore, #tpu.memory_space<semaphore_mem>>
      %dma_start3A = arith.constant 0 : i32
      %dma_start3A_14 = tpu.memref_slice %arg6[%arg0, %mul3A_13, %dma_start3A] : memref<2x10240x128xf32, #tpu.memory_space<hbm>> -> memref<1x640x128xf32, #tpu.memory_space<hbm>>
      %dma_start3A_15 = tpu.memref_squeeze %dma_start3A_14 : memref<1x640x128xf32, #tpu.memory_space<hbm>> -> memref<640x128xf32, #tpu.memory_space<hbm>>
      %dma_start3A_16 = arith.constant 0 : i32
      %dma_start3A_17 = tpu.memref_slice %arg7[%mul3A_11, %dma_start3A_16] : memref<10240x128xf32, #tpu.memory_space<vmem_shared>> -> memref<640x128xf32, #tpu.memory_space<vmem_shared>>
      tpu.enqueue_dma source(%dma_start3A_17 : memref<640x128xf32, #tpu.memory_space<vmem_shared>>) target(%dma_start3A_15 : memref<640x128xf32, #tpu.memory_space<hbm>>) target_semaphore(%run_scoped3A : memref<!tpu.dma_semaphore, #tpu.memory_space<semaphore_mem>>)
      %dma_wait3A = arith.constant 0 : i32
      %dma_wait3A_18 = tpu.memref_slice %arg6[%arg0, %mul3A_13, %dma_wait3A] : memref<2x10240x128xf32, #tpu.memory_space<hbm>> -> memref<1x640x128xf32, #tpu.memory_space<hbm>>
      %dma_wait3A_19 = tpu.memref_squeeze %dma_wait3A_18 : memref<1x640x128xf32, #tpu.memory_space<hbm>> -> memref<640x128xf32, #tpu.memory_space<hbm>>
      %dma_wait3A_20 = arith.constant 0 : i32
      %dma_wait3A_21 = tpu.memref_slice %arg7[%mul3A_11, %dma_wait3A_20] : memref<10240x128xf32, #tpu.memory_space<vmem_shared>> -> memref<640x128xf32, #tpu.memory_space<vmem_shared>>
      tpu.wait_dma2 semaphore(%run_scoped3A : memref<!tpu.dma_semaphore, #tpu.memory_space<semaphore_mem>>) src(%dma_wait3A_21 : memref<640x128xf32, #tpu.memory_space<vmem_shared>>) dst(%dma_wait3A_19 : memref<640x128xf32, #tpu.memory_space<hbm>>)
      tpu.yield
    }) : () -> ()
    return
  }
}

#map = affine_map<(d0, d1) -> (0, 0)>
#map1 = affine_map<(d0, d1) -> (0)>
#map2 = affine_map<(d0, d1) -> (0, 0, 0)>
module attributes {stable_mosaic.version = 14 : i64} {
  func.func @_spmm_body(%arg0: i32, %arg1: i32, %arg2: memref<10000x128xf32, #tpu.memory_space<hbm>>, %arg3: memref<320000xi32, #tpu.memory_space<hbm>>, %arg4: memref<320000xi32, #tpu.memory_space<hbm>>, %arg5: memref<640x128xf32, #tpu.memory_space<hbm>>, %arg6: memref<2x10240x128xf32, #tpu.memory_space<hbm>>, %arg7: memref<10240x128xf32, #tpu.memory_space<vmem_shared>>, %arg8: memref<10000xi32, #tpu.memory_space<vmem>>, %arg9: memref<80xi32, #tpu.memory_space<vmem>>, %arg10: memref<80x128xf32, #tpu.memory_space<vmem>>, %arg11: memref<!tpu.dma_semaphore, #tpu.memory_space<semaphore_mem>>) attributes {dimension_semantics = [#tpu.dimension_semantics<core_parallel>, #tpu.dimension_semantics<subcore_parallel>], iteration_bounds = array<i64: 2, 16>, scalar_prefetch = 0 : i64, scratch_operands = 5 : i64, tpu.core_type = #tpu.core_type<sc_vector_subcore>, window_params = [{transform_indices = #map}, {transform_indices = #map1}, {transform_indices = #map1}, {transform_indices = #map}, {transform_indices = #map2}]} {
    %mul3A = arith.constant 16 : i32
    %mul3A_0 = arith.muli %arg0, %mul3A : i32
    %add3A = arith.addi %mul3A_0, %arg1 : i32
    %mul3A_1 = arith.constant 640 : i32
    %mul3A_2 = arith.muli %arg1, %mul3A_1 : i32
    "tpu.region"() ({
      %run_scoped3A = tpu.sem_alloc : memref<!tpu.dma_semaphore, #tpu.memory_space<semaphore_mem>>
      %dma_start3A = arith.constant 0 : i32
      %dma_start3A_14 = tpu.memref_slice %arg7[%mul3A_2, %dma_start3A] : memref<10240x128xf32, #tpu.memory_space<vmem_shared>> -> memref<640x128xf32, #tpu.memory_space<vmem_shared>>
      tpu.enqueue_dma source(%arg5 : memref<640x128xf32, #tpu.memory_space<hbm>>) target(%dma_start3A_14 : memref<640x128xf32, #tpu.memory_space<vmem_shared>>) target_semaphore(%run_scoped3A : memref<!tpu.dma_semaphore, #tpu.memory_space<semaphore_mem>>)
      %dma_wait3A = arith.constant 0 : i32
      %dma_wait3A_15 = tpu.memref_slice %arg7[%mul3A_2, %dma_wait3A] : memref<10240x128xf32, #tpu.memory_space<vmem_shared>> -> memref<640x128xf32, #tpu.memory_space<vmem_shared>>
      tpu.wait_dma2 semaphore(%run_scoped3A : memref<!tpu.dma_semaphore, #tpu.memory_space<semaphore_mem>>) src(%arg5 : memref<640x128xf32, #tpu.memory_space<hbm>>) dst(%dma_wait3A_15 : memref<640x128xf32, #tpu.memory_space<vmem_shared>>)
      tpu.yield
    }) : () -> ()
    %mul3A_3 = arith.constant 10000 : i32
    %mul3A_4 = arith.muli %add3A, %mul3A_3 : i32
    "tpu.region"() ({
      %run_scoped3A = tpu.sem_alloc : memref<!tpu.dma_semaphore, #tpu.memory_space<semaphore_mem>>
      %dma_start3A = tpu.memref_slice %arg3[%mul3A_4] : memref<320000xi32, #tpu.memory_space<hbm>> -> memref<10000xi32, #tpu.memory_space<hbm>>
      %dma_start3A_14 = tpu.memref_slice %arg3[%mul3A_4] : memref<320000xi32, #tpu.memory_space<hbm>> -> memref<10000xi32, #tpu.memory_space<hbm>>
      tpu.enqueue_dma source(%dma_start3A_14 : memref<10000xi32, #tpu.memory_space<hbm>>) target(%arg8 : memref<10000xi32, #tpu.memory_space<vmem>>) target_semaphore(%run_scoped3A : memref<!tpu.dma_semaphore, #tpu.memory_space<semaphore_mem>>)
      %dma_wait3A = tpu.memref_slice %arg3[%mul3A_4] : memref<320000xi32, #tpu.memory_space<hbm>> -> memref<10000xi32, #tpu.memory_space<hbm>>
      %dma_wait3A_15 = tpu.memref_slice %arg3[%mul3A_4] : memref<320000xi32, #tpu.memory_space<hbm>> -> memref<10000xi32, #tpu.memory_space<hbm>>
      tpu.wait_dma2 semaphore(%run_scoped3A : memref<!tpu.dma_semaphore, #tpu.memory_space<semaphore_mem>>) src(%dma_wait3A_15 : memref<10000xi32, #tpu.memory_space<hbm>>) dst(%arg8 : memref<10000xi32, #tpu.memory_space<vmem>>)
      tpu.yield
    }) : () -> ()
    %barrier3A = arith.constant 0 : index
    tpu.barrier barrier_id(%barrier3A)
    %scan3A = arith.constant 0 : i32
    %scan3A_5 = arith.constant 125 : i32
    %scan3A_6 = arith.addi %scan3A, %scan3A_5 : i32
    %scan3A_7 = arith.constant 1 : i32
    scf.for %scan3A_14 = %scan3A to %scan3A_6 step %scan3A_7  : i32 {
      %mul3A_15 = arith.constant 1 : i32
      %mul3A_16 = arith.muli %scan3A_14, %mul3A_15 : i32
      %add3A_17 = arith.constant 0 : i32
      %add3A_18 = arith.addi %add3A_17, %mul3A_16 : i32
      %mul3A_19 = arith.constant 80 : i32
      %mul3A_20 = arith.muli %add3A_18, %mul3A_19 : i32
      %add3A_21 = arith.addi %mul3A_4, %mul3A_20 : i32
      "tpu.region"() ({
        %run_scoped3A = tpu.sem_alloc : memref<!tpu.dma_semaphore, #tpu.memory_space<semaphore_mem>>
        %dma_start3A_30 = tpu.memref_slice %arg4[%add3A_21] : memref<320000xi32, #tpu.memory_space<hbm>> -> memref<80xi32, #tpu.memory_space<hbm>>
        %dma_start3A_31 = tpu.memref_slice %arg4[%add3A_21] : memref<320000xi32, #tpu.memory_space<hbm>> -> memref<80xi32, #tpu.memory_space<hbm>>
        tpu.enqueue_dma source(%dma_start3A_31 : memref<80xi32, #tpu.memory_space<hbm>>) target(%arg9 : memref<80xi32, #tpu.memory_space<vmem>>) target_semaphore(%run_scoped3A : memref<!tpu.dma_semaphore, #tpu.memory_space<semaphore_mem>>)
        %dma_wait3A_32 = tpu.memref_slice %arg4[%add3A_21] : memref<320000xi32, #tpu.memory_space<hbm>> -> memref<80xi32, #tpu.memory_space<hbm>>
        %dma_wait3A_33 = tpu.memref_slice %arg4[%add3A_21] : memref<320000xi32, #tpu.memory_space<hbm>> -> memref<80xi32, #tpu.memory_space<hbm>>
        tpu.wait_dma2 semaphore(%run_scoped3A : memref<!tpu.dma_semaphore, #tpu.memory_space<semaphore_mem>>) src(%dma_wait3A_33 : memref<80xi32, #tpu.memory_space<hbm>>) dst(%arg9 : memref<80xi32, #tpu.memory_space<vmem>>)
        tpu.yield
      }) : () -> ()
      %mul3A_22 = arith.constant 80 : i32
      %mul3A_23 = arith.muli %add3A_18, %mul3A_22 : i32
      %dma_start3A = tpu.memref_slice %arg8[%mul3A_23] : memref<10000xi32, #tpu.memory_space<vmem>> -> memref<80xi32, #tpu.memory_space<vmem>>
      %dma_start3A_24 = arith.constant 0 : i32
      %dma_start3A_25 = arith.constant 0 : i32
      %dma_start3A_26 = tpu.memref_slice %arg2[%dma_start3A_24, %dma_start3A_25] : memref<10000x128xf32, #tpu.memory_space<hbm>> -> memref<10000x128xf32, #tpu.memory_space<hbm>>
      tpu.enqueue_indirect_dma source(%dma_start3A_26 : memref<10000x128xf32, #tpu.memory_space<hbm>>) target(%arg10 : memref<80x128xf32, #tpu.memory_space<vmem>>) offsets(%dma_start3A : memref<80xi32, #tpu.memory_space<vmem>>) semaphore(%arg11 : memref<!tpu.dma_semaphore, #tpu.memory_space<semaphore_mem>>)
      %dma_wait3A = tpu.memref_slice %arg8[%mul3A_23] : memref<10000xi32, #tpu.memory_space<vmem>> -> memref<80xi32, #tpu.memory_space<vmem>>
      %dma_wait3A_27 = arith.constant 0 : i32
      %dma_wait3A_28 = arith.constant 0 : i32
      %dma_wait3A_29 = tpu.memref_slice %arg2[%dma_wait3A_27, %dma_wait3A_28] : memref<10000x128xf32, #tpu.memory_space<hbm>> -> memref<10000x128xf32, #tpu.memory_space<hbm>>
      tpu.wait_indirect_dma semaphore(%arg11 : memref<!tpu.dma_semaphore, #tpu.memory_space<semaphore_mem>>) src(%dma_wait3A_29 : memref<10000x128xf32, #tpu.memory_space<hbm>>) dst(%arg10 : memref<80x128xf32, #tpu.memory_space<vmem>>)
      "tpu.region"() ({
        %run_scoped3A = tpu.sem_alloc : memref<!tpu.dma_semaphore, #tpu.memory_space<semaphore_mem>>
        %dma_start3A_30 = arith.constant 0 : i32
        %dma_start3A_31 = arith.constant 0 : i32
        %dma_start3A_32 = tpu.memref_slice %arg7[%dma_start3A_30, %dma_start3A_31] : memref<10240x128xf32, #tpu.memory_space<vmem_shared>> -> memref<10240x128xf32, #tpu.memory_space<vmem_shared>>
        tpu.enqueue_indirect_dma source(%arg10 : memref<80x128xf32, #tpu.memory_space<vmem>>) target(%dma_start3A_32 : memref<10240x128xf32, #tpu.memory_space<vmem_shared>>) offsets(%arg9 : memref<80xi32, #tpu.memory_space<vmem>>) semaphore(%run_scoped3A : memref<!tpu.dma_semaphore, #tpu.memory_space<semaphore_mem>>) {add = true}
        %dma_wait3A_33 = arith.constant 0 : i32
        %dma_wait3A_34 = arith.constant 0 : i32
        %dma_wait3A_35 = tpu.memref_slice %arg7[%dma_wait3A_33, %dma_wait3A_34] : memref<10240x128xf32, #tpu.memory_space<vmem_shared>> -> memref<10240x128xf32, #tpu.memory_space<vmem_shared>>
        tpu.wait_indirect_dma semaphore(%run_scoped3A : memref<!tpu.dma_semaphore, #tpu.memory_space<semaphore_mem>>) src(%arg10 : memref<80x128xf32, #tpu.memory_space<vmem>>) dst(%dma_wait3A_35 : memref<10240x128xf32, #tpu.memory_space<vmem_shared>>)
        tpu.yield
      }) : () -> ()
    }
    %scan3A_8 = arith.constant 125 : i32
    %barrier3A_9 = arith.constant 0 : index
    tpu.barrier barrier_id(%barrier3A_9)
    %mul3A_10 = arith.constant 640 : i32
    %mul3A_11 = arith.muli %arg1, %mul3A_10 : i32
    %mul3A_12 = arith.constant 640 : i32
    %mul3A_13 = arith.muli %arg1, %mul3A_12 : i32
    "tpu.region"() ({
      %run_scoped3A = tpu.sem_alloc : memref<!tpu.dma_semaphore, #tpu.memory_space<semaphore_mem>>
      %dma_start3A = arith.constant 0 : i32
      %dma_start3A_14 = tpu.memref_slice %arg6[%arg0, %mul3A_13, %dma_start3A] : memref<2x10240x128xf32, #tpu.memory_space<hbm>> -> memref<1x640x128xf32, #tpu.memory_space<hbm>>
      %dma_start3A_15 = tpu.memref_squeeze %dma_start3A_14 : memref<1x640x128xf32, #tpu.memory_space<hbm>> -> memref<640x128xf32, #tpu.memory_space<hbm>>
      %dma_start3A_16 = arith.constant 0 : i32
      %dma_start3A_17 = tpu.memref_slice %arg7[%mul3A_11, %dma_start3A_16] : memref<10240x128xf32, #tpu.memory_space<vmem_shared>> -> memref<640x128xf32, #tpu.memory_space<vmem_shared>>
      tpu.enqueue_dma source(%dma_start3A_17 : memref<640x128xf32, #tpu.memory_space<vmem_shared>>) target(%dma_start3A_15 : memref<640x128xf32, #tpu.memory_space<hbm>>) target_semaphore(%run_scoped3A : memref<!tpu.dma_semaphore, #tpu.memory_space<semaphore_mem>>)
      %dma_wait3A = arith.constant 0 : i32
      %dma_wait3A_18 = tpu.memref_slice %arg6[%arg0, %mul3A_13, %dma_wait3A] : memref<2x10240x128xf32, #tpu.memory_space<hbm>> -> memref<1x640x128xf32, #tpu.memory_space<hbm>>
      %dma_wait3A_19 = tpu.memref_squeeze %dma_wait3A_18 : memref<1x640x128xf32, #tpu.memory_space<hbm>> -> memref<640x128xf32, #tpu.memory_space<hbm>>
      %dma_wait3A_20 = arith.constant 0 : i32
      %dma_wait3A_21 = tpu.memref_slice %arg7[%mul3A_11, %dma_wait3A_20] : memref<10240x128xf32, #tpu.memory_space<vmem_shared>> -> memref<640x128xf32, #tpu.memory_space<vmem_shared>>
      tpu.wait_dma2 semaphore(%run_scoped3A : memref<!tpu.dma_semaphore, #tpu.memory_space<semaphore_mem>>) src(%dma_wait3A_21 : memref<640x128xf32, #tpu.memory_space<vmem_shared>>) dst(%dma_wait3A_19 : memref<640x128xf32, #tpu.memory_space<hbm>>)
      tpu.yield
    }) : () -> ()
    return
  }
}

#map = affine_map<(d0, d1) -> (0, 0)>
#map1 = affine_map<(d0, d1) -> (0)>
#map2 = affine_map<(d0, d1) -> (0, 0, 0)>
module attributes {stable_mosaic.version = 14 : i64} {
  func.func @_spmm_body(%arg0: i32, %arg1: i32, %arg2: memref<10000x128xf32, #tpu.memory_space<hbm>>, %arg3: memref<320000xi32, #tpu.memory_space<hbm>>, %arg4: memref<320000xi32, #tpu.memory_space<hbm>>, %arg5: memref<640x128xf32, #tpu.memory_space<hbm>>, %arg6: memref<2x10240x128xf32, #tpu.memory_space<hbm>>, %arg7: memref<10240x128xf32, #tpu.memory_space<vmem_shared>>, %arg8: memref<10000xi32, #tpu.memory_space<vmem>>, %arg9: memref<80xi32, #tpu.memory_space<vmem>>, %arg10: memref<80x128xf32, #tpu.memory_space<vmem>>, %arg11: memref<!tpu.dma_semaphore, #tpu.memory_space<semaphore_mem>>) attributes {dimension_semantics = [#tpu.dimension_semantics<core_parallel>, #tpu.dimension_semantics<subcore_parallel>], iteration_bounds = array<i64: 2, 16>, scalar_prefetch = 0 : i64, scratch_operands = 5 : i64, tpu.core_type = #tpu.core_type<sc_vector_subcore>, window_params = [{transform_indices = #map}, {transform_indices = #map1}, {transform_indices = #map1}, {transform_indices = #map}, {transform_indices = #map2}]} {
    %mul3A = arith.constant 16 : i32
    %mul3A_0 = arith.muli %arg0, %mul3A : i32
    %add3A = arith.addi %mul3A_0, %arg1 : i32
    %mul3A_1 = arith.constant 640 : i32
    %mul3A_2 = arith.muli %arg1, %mul3A_1 : i32
    "tpu.region"() ({
      %run_scoped3A = tpu.sem_alloc : memref<!tpu.dma_semaphore, #tpu.memory_space<semaphore_mem>>
      %dma_start3A = arith.constant 0 : i32
      %dma_start3A_14 = tpu.memref_slice %arg7[%mul3A_2, %dma_start3A] : memref<10240x128xf32, #tpu.memory_space<vmem_shared>> -> memref<640x128xf32, #tpu.memory_space<vmem_shared>>
      tpu.enqueue_dma source(%arg5 : memref<640x128xf32, #tpu.memory_space<hbm>>) target(%dma_start3A_14 : memref<640x128xf32, #tpu.memory_space<vmem_shared>>) target_semaphore(%run_scoped3A : memref<!tpu.dma_semaphore, #tpu.memory_space<semaphore_mem>>)
      %dma_wait3A = arith.constant 0 : i32
      %dma_wait3A_15 = tpu.memref_slice %arg7[%mul3A_2, %dma_wait3A] : memref<10240x128xf32, #tpu.memory_space<vmem_shared>> -> memref<640x128xf32, #tpu.memory_space<vmem_shared>>
      tpu.wait_dma2 semaphore(%run_scoped3A : memref<!tpu.dma_semaphore, #tpu.memory_space<semaphore_mem>>) src(%arg5 : memref<640x128xf32, #tpu.memory_space<hbm>>) dst(%dma_wait3A_15 : memref<640x128xf32, #tpu.memory_space<vmem_shared>>)
      tpu.yield
    }) : () -> ()
    %mul3A_3 = arith.constant 10000 : i32
    %mul3A_4 = arith.muli %add3A, %mul3A_3 : i32
    "tpu.region"() ({
      %run_scoped3A = tpu.sem_alloc : memref<!tpu.dma_semaphore, #tpu.memory_space<semaphore_mem>>
      %dma_start3A = tpu.memref_slice %arg3[%mul3A_4] : memref<320000xi32, #tpu.memory_space<hbm>> -> memref<10000xi32, #tpu.memory_space<hbm>>
      %dma_start3A_14 = tpu.memref_slice %arg3[%mul3A_4] : memref<320000xi32, #tpu.memory_space<hbm>> -> memref<10000xi32, #tpu.memory_space<hbm>>
      tpu.enqueue_dma source(%dma_start3A_14 : memref<10000xi32, #tpu.memory_space<hbm>>) target(%arg8 : memref<10000xi32, #tpu.memory_space<vmem>>) target_semaphore(%run_scoped3A : memref<!tpu.dma_semaphore, #tpu.memory_space<semaphore_mem>>)
      %dma_wait3A = tpu.memref_slice %arg3[%mul3A_4] : memref<320000xi32, #tpu.memory_space<hbm>> -> memref<10000xi32, #tpu.memory_space<hbm>>
      %dma_wait3A_15 = tpu.memref_slice %arg3[%mul3A_4] : memref<320000xi32, #tpu.memory_space<hbm>> -> memref<10000xi32, #tpu.memory_space<hbm>>
      tpu.wait_dma2 semaphore(%run_scoped3A : memref<!tpu.dma_semaphore, #tpu.memory_space<semaphore_mem>>) src(%dma_wait3A_15 : memref<10000xi32, #tpu.memory_space<hbm>>) dst(%arg8 : memref<10000xi32, #tpu.memory_space<vmem>>)
      tpu.yield
    }) : () -> ()
    %barrier3A = arith.constant 0 : index
    tpu.barrier barrier_id(%barrier3A)
    %scan3A = arith.constant 0 : i32
    %scan3A_5 = arith.constant 125 : i32
    %scan3A_6 = arith.addi %scan3A, %scan3A_5 : i32
    %scan3A_7 = arith.constant 1 : i32
    scf.for %scan3A_14 = %scan3A to %scan3A_6 step %scan3A_7  : i32 {
      %mul3A_15 = arith.constant 1 : i32
      %mul3A_16 = arith.muli %scan3A_14, %mul3A_15 : i32
      %add3A_17 = arith.constant 0 : i32
      %add3A_18 = arith.addi %add3A_17, %mul3A_16 : i32
      %mul3A_19 = arith.constant 80 : i32
      %mul3A_20 = arith.muli %add3A_18, %mul3A_19 : i32
      %add3A_21 = arith.addi %mul3A_4, %mul3A_20 : i32
      "tpu.region"() ({
        %run_scoped3A = tpu.sem_alloc : memref<!tpu.dma_semaphore, #tpu.memory_space<semaphore_mem>>
        %dma_start3A_30 = tpu.memref_slice %arg4[%add3A_21] : memref<320000xi32, #tpu.memory_space<hbm>> -> memref<80xi32, #tpu.memory_space<hbm>>
        %dma_start3A_31 = tpu.memref_slice %arg4[%add3A_21] : memref<320000xi32, #tpu.memory_space<hbm>> -> memref<80xi32, #tpu.memory_space<hbm>>
        tpu.enqueue_dma source(%dma_start3A_31 : memref<80xi32, #tpu.memory_space<hbm>>) target(%arg9 : memref<80xi32, #tpu.memory_space<vmem>>) target_semaphore(%run_scoped3A : memref<!tpu.dma_semaphore, #tpu.memory_space<semaphore_mem>>)
        %dma_wait3A_32 = tpu.memref_slice %arg4[%add3A_21] : memref<320000xi32, #tpu.memory_space<hbm>> -> memref<80xi32, #tpu.memory_space<hbm>>
        %dma_wait3A_33 = tpu.memref_slice %arg4[%add3A_21] : memref<320000xi32, #tpu.memory_space<hbm>> -> memref<80xi32, #tpu.memory_space<hbm>>
        tpu.wait_dma2 semaphore(%run_scoped3A : memref<!tpu.dma_semaphore, #tpu.memory_space<semaphore_mem>>) src(%dma_wait3A_33 : memref<80xi32, #tpu.memory_space<hbm>>) dst(%arg9 : memref<80xi32, #tpu.memory_space<vmem>>)
        tpu.yield
      }) : () -> ()
      %mul3A_22 = arith.constant 80 : i32
      %mul3A_23 = arith.muli %add3A_18, %mul3A_22 : i32
      %dma_start3A = tpu.memref_slice %arg8[%mul3A_23] : memref<10000xi32, #tpu.memory_space<vmem>> -> memref<80xi32, #tpu.memory_space<vmem>>
      %dma_start3A_24 = arith.constant 0 : i32
      %dma_start3A_25 = arith.constant 0 : i32
      %dma_start3A_26 = tpu.memref_slice %arg2[%dma_start3A_24, %dma_start3A_25] : memref<10000x128xf32, #tpu.memory_space<hbm>> -> memref<10000x128xf32, #tpu.memory_space<hbm>>
      tpu.enqueue_indirect_dma source(%dma_start3A_26 : memref<10000x128xf32, #tpu.memory_space<hbm>>) target(%arg10 : memref<80x128xf32, #tpu.memory_space<vmem>>) offsets(%dma_start3A : memref<80xi32, #tpu.memory_space<vmem>>) semaphore(%arg11 : memref<!tpu.dma_semaphore, #tpu.memory_space<semaphore_mem>>)
      %dma_wait3A = tpu.memref_slice %arg8[%mul3A_23] : memref<10000xi32, #tpu.memory_space<vmem>> -> memref<80xi32, #tpu.memory_space<vmem>>
      %dma_wait3A_27 = arith.constant 0 : i32
      %dma_wait3A_28 = arith.constant 0 : i32
      %dma_wait3A_29 = tpu.memref_slice %arg2[%dma_wait3A_27, %dma_wait3A_28] : memref<10000x128xf32, #tpu.memory_space<hbm>> -> memref<10000x128xf32, #tpu.memory_space<hbm>>
      tpu.wait_indirect_dma semaphore(%arg11 : memref<!tpu.dma_semaphore, #tpu.memory_space<semaphore_mem>>) src(%dma_wait3A_29 : memref<10000x128xf32, #tpu.memory_space<hbm>>) dst(%arg10 : memref<80x128xf32, #tpu.memory_space<vmem>>)
      "tpu.region"() ({
        %run_scoped3A = tpu.sem_alloc : memref<!tpu.dma_semaphore, #tpu.memory_space<semaphore_mem>>
        %dma_start3A_30 = arith.constant 0 : i32
        %dma_start3A_31 = arith.constant 0 : i32
        %dma_start3A_32 = tpu.memref_slice %arg7[%dma_start3A_30, %dma_start3A_31] : memref<10240x128xf32, #tpu.memory_space<vmem_shared>> -> memref<10240x128xf32, #tpu.memory_space<vmem_shared>>
        tpu.enqueue_indirect_dma source(%arg10 : memref<80x128xf32, #tpu.memory_space<vmem>>) target(%dma_start3A_32 : memref<10240x128xf32, #tpu.memory_space<vmem_shared>>) offsets(%arg9 : memref<80xi32, #tpu.memory_space<vmem>>) semaphore(%run_scoped3A : memref<!tpu.dma_semaphore, #tpu.memory_space<semaphore_mem>>) {add = true}
        %dma_wait3A_33 = arith.constant 0 : i32
        %dma_wait3A_34 = arith.constant 0 : i32
        %dma_wait3A_35 = tpu.memref_slice %arg7[%dma_wait3A_33, %dma_wait3A_34] : memref<10240x128xf32, #tpu.memory_space<vmem_shared>> -> memref<10240x128xf32, #tpu.memory_space<vmem_shared>>
        tpu.wait_indirect_dma semaphore(%run_scoped3A : memref<!tpu.dma_semaphore, #tpu.memory_space<semaphore_mem>>) src(%arg10 : memref<80x128xf32, #tpu.memory_space<vmem>>) dst(%dma_wait3A_35 : memref<10240x128xf32, #tpu.memory_space<vmem_shared>>)
        tpu.yield
      }) : () -> ()
    }
    %scan3A_8 = arith.constant 125 : i32
    %barrier3A_9 = arith.constant 0 : index
    tpu.barrier barrier_id(%barrier3A_9)
    %mul3A_10 = arith.constant 640 : i32
    %mul3A_11 = arith.muli %arg1, %mul3A_10 : i32
    %mul3A_12 = arith.constant 640 : i32
    %mul3A_13 = arith.muli %arg1, %mul3A_12 : i32
    "tpu.region"() ({
      %run_scoped3A = tpu.sem_alloc : memref<!tpu.dma_semaphore, #tpu.memory_space<semaphore_mem>>
      %dma_start3A = arith.constant 0 : i32
      %dma_start3A_14 = tpu.memref_slice %arg6[%arg0, %mul3A_13, %dma_start3A] : memref<2x10240x128xf32, #tpu.memory_space<hbm>> -> memref<1x640x128xf32, #tpu.memory_space<hbm>>
      %dma_start3A_15 = tpu.memref_squeeze %dma_start3A_14 : memref<1x640x128xf32, #tpu.memory_space<hbm>> -> memref<640x128xf32, #tpu.memory_space<hbm>>
      %dma_start3A_16 = arith.constant 0 : i32
      %dma_start3A_17 = tpu.memref_slice %arg7[%mul3A_11, %dma_start3A_16] : memref<10240x128xf32, #tpu.memory_space<vmem_shared>> -> memref<640x128xf32, #tpu.memory_space<vmem_shared>>
      tpu.enqueue_dma source(%dma_start3A_17 : memref<640x128xf32, #tpu.memory_space<vmem_shared>>) target(%dma_start3A_15 : memref<640x128xf32, #tpu.memory_space<hbm>>) target_semaphore(%run_scoped3A : memref<!tpu.dma_semaphore, #tpu.memory_space<semaphore_mem>>)
      %dma_wait3A = arith.constant 0 : i32
      %dma_wait3A_18 = tpu.memref_slice %arg6[%arg0, %mul3A_13, %dma_wait3A] : memref<2x10240x128xf32, #tpu.memory_space<hbm>> -> memref<1x640x128xf32, #tpu.memory_space<hbm>>
      %dma_wait3A_19 = tpu.memref_squeeze %dma_wait3A_18 : memref<1x640x128xf32, #tpu.memory_space<hbm>> -> memref<640x128xf32, #tpu.memory_space<hbm>>
      %dma_wait3A_20 = arith.constant 0 : i32
      %dma_wait3A_21 = tpu.memref_slice %arg7[%mul3A_11, %dma_wait3A_20] : memref<10240x128xf32, #tpu.memory_space<vmem_shared>> -> memref<640x128xf32, #tpu.memory_space<vmem_shared>>
      tpu.wait_dma2 semaphore(%run_scoped3A : memref<!tpu.dma_semaphore, #tpu.memory_space<semaphore_mem>>) src(%dma_wait3A_21 : memref<640x128xf32, #tpu.memory_space<vmem_shared>>) dst(%dma_wait3A_19 : memref<640x128xf32, #tpu.memory_space<hbm>>)
      tpu.yield
    }) : () -> ()
    return
  }
}

#map = affine_map<(d0, d1) -> (0, 0)>
#map1 = affine_map<(d0, d1) -> (0)>
#map2 = affine_map<(d0, d1) -> (0, 0, 0)>
module attributes {stable_mosaic.version = 14 : i64} {
  func.func @_spmm_body(%arg0: i32, %arg1: i32, %arg2: memref<10000x128xf32, #tpu.memory_space<hbm>>, %arg3: memref<320000xi32, #tpu.memory_space<hbm>>, %arg4: memref<320000xi32, #tpu.memory_space<hbm>>, %arg5: memref<640x128xf32, #tpu.memory_space<hbm>>, %arg6: memref<2x10240x128xf32, #tpu.memory_space<hbm>>, %arg7: memref<10240x128xf32, #tpu.memory_space<vmem_shared>>, %arg8: memref<10000xi32, #tpu.memory_space<vmem>>, %arg9: memref<80xi32, #tpu.memory_space<vmem>>, %arg10: memref<80x128xf32, #tpu.memory_space<vmem>>, %arg11: memref<!tpu.dma_semaphore, #tpu.memory_space<semaphore_mem>>) attributes {dimension_semantics = [#tpu.dimension_semantics<core_parallel>, #tpu.dimension_semantics<subcore_parallel>], iteration_bounds = array<i64: 2, 16>, scalar_prefetch = 0 : i64, scratch_operands = 5 : i64, tpu.core_type = #tpu.core_type<sc_vector_subcore>, window_params = [{transform_indices = #map}, {transform_indices = #map1}, {transform_indices = #map1}, {transform_indices = #map}, {transform_indices = #map2}]} {
    %mul3A = arith.constant 16 : i32
    %mul3A_0 = arith.muli %arg0, %mul3A : i32
    %add3A = arith.addi %mul3A_0, %arg1 : i32
    %mul3A_1 = arith.constant 640 : i32
    %mul3A_2 = arith.muli %arg1, %mul3A_1 : i32
    "tpu.region"() ({
      %run_scoped3A = tpu.sem_alloc : memref<!tpu.dma_semaphore, #tpu.memory_space<semaphore_mem>>
      %dma_start3A = arith.constant 0 : i32
      %dma_start3A_14 = tpu.memref_slice %arg7[%mul3A_2, %dma_start3A] : memref<10240x128xf32, #tpu.memory_space<vmem_shared>> -> memref<640x128xf32, #tpu.memory_space<vmem_shared>>
      tpu.enqueue_dma source(%arg5 : memref<640x128xf32, #tpu.memory_space<hbm>>) target(%dma_start3A_14 : memref<640x128xf32, #tpu.memory_space<vmem_shared>>) target_semaphore(%run_scoped3A : memref<!tpu.dma_semaphore, #tpu.memory_space<semaphore_mem>>)
      %dma_wait3A = arith.constant 0 : i32
      %dma_wait3A_15 = tpu.memref_slice %arg7[%mul3A_2, %dma_wait3A] : memref<10240x128xf32, #tpu.memory_space<vmem_shared>> -> memref<640x128xf32, #tpu.memory_space<vmem_shared>>
      tpu.wait_dma2 semaphore(%run_scoped3A : memref<!tpu.dma_semaphore, #tpu.memory_space<semaphore_mem>>) src(%arg5 : memref<640x128xf32, #tpu.memory_space<hbm>>) dst(%dma_wait3A_15 : memref<640x128xf32, #tpu.memory_space<vmem_shared>>)
      tpu.yield
    }) : () -> ()
    %mul3A_3 = arith.constant 10000 : i32
    %mul3A_4 = arith.muli %add3A, %mul3A_3 : i32
    "tpu.region"() ({
      %run_scoped3A = tpu.sem_alloc : memref<!tpu.dma_semaphore, #tpu.memory_space<semaphore_mem>>
      %dma_start3A = tpu.memref_slice %arg3[%mul3A_4] : memref<320000xi32, #tpu.memory_space<hbm>> -> memref<10000xi32, #tpu.memory_space<hbm>>
      %dma_start3A_14 = tpu.memref_slice %arg3[%mul3A_4] : memref<320000xi32, #tpu.memory_space<hbm>> -> memref<10000xi32, #tpu.memory_space<hbm>>
      tpu.enqueue_dma source(%dma_start3A_14 : memref<10000xi32, #tpu.memory_space<hbm>>) target(%arg8 : memref<10000xi32, #tpu.memory_space<vmem>>) target_semaphore(%run_scoped3A : memref<!tpu.dma_semaphore, #tpu.memory_space<semaphore_mem>>)
      %dma_wait3A = tpu.memref_slice %arg3[%mul3A_4] : memref<320000xi32, #tpu.memory_space<hbm>> -> memref<10000xi32, #tpu.memory_space<hbm>>
      %dma_wait3A_15 = tpu.memref_slice %arg3[%mul3A_4] : memref<320000xi32, #tpu.memory_space<hbm>> -> memref<10000xi32, #tpu.memory_space<hbm>>
      tpu.wait_dma2 semaphore(%run_scoped3A : memref<!tpu.dma_semaphore, #tpu.memory_space<semaphore_mem>>) src(%dma_wait3A_15 : memref<10000xi32, #tpu.memory_space<hbm>>) dst(%arg8 : memref<10000xi32, #tpu.memory_space<vmem>>)
      tpu.yield
    }) : () -> ()
    %barrier3A = arith.constant 0 : index
    tpu.barrier barrier_id(%barrier3A)
    %scan3A = arith.constant 0 : i32
    %scan3A_5 = arith.constant 125 : i32
    %scan3A_6 = arith.addi %scan3A, %scan3A_5 : i32
    %scan3A_7 = arith.constant 1 : i32
    scf.for %scan3A_14 = %scan3A to %scan3A_6 step %scan3A_7  : i32 {
      %mul3A_15 = arith.constant 1 : i32
      %mul3A_16 = arith.muli %scan3A_14, %mul3A_15 : i32
      %add3A_17 = arith.constant 0 : i32
      %add3A_18 = arith.addi %add3A_17, %mul3A_16 : i32
      %mul3A_19 = arith.constant 80 : i32
      %mul3A_20 = arith.muli %add3A_18, %mul3A_19 : i32
      %add3A_21 = arith.addi %mul3A_4, %mul3A_20 : i32
      "tpu.region"() ({
        %run_scoped3A = tpu.sem_alloc : memref<!tpu.dma_semaphore, #tpu.memory_space<semaphore_mem>>
        %dma_start3A_30 = tpu.memref_slice %arg4[%add3A_21] : memref<320000xi32, #tpu.memory_space<hbm>> -> memref<80xi32, #tpu.memory_space<hbm>>
        %dma_start3A_31 = tpu.memref_slice %arg4[%add3A_21] : memref<320000xi32, #tpu.memory_space<hbm>> -> memref<80xi32, #tpu.memory_space<hbm>>
        tpu.enqueue_dma source(%dma_start3A_31 : memref<80xi32, #tpu.memory_space<hbm>>) target(%arg9 : memref<80xi32, #tpu.memory_space<vmem>>) target_semaphore(%run_scoped3A : memref<!tpu.dma_semaphore, #tpu.memory_space<semaphore_mem>>)
        %dma_wait3A_32 = tpu.memref_slice %arg4[%add3A_21] : memref<320000xi32, #tpu.memory_space<hbm>> -> memref<80xi32, #tpu.memory_space<hbm>>
        %dma_wait3A_33 = tpu.memref_slice %arg4[%add3A_21] : memref<320000xi32, #tpu.memory_space<hbm>> -> memref<80xi32, #tpu.memory_space<hbm>>
        tpu.wait_dma2 semaphore(%run_scoped3A : memref<!tpu.dma_semaphore, #tpu.memory_space<semaphore_mem>>) src(%dma_wait3A_33 : memref<80xi32, #tpu.memory_space<hbm>>) dst(%arg9 : memref<80xi32, #tpu.memory_space<vmem>>)
        tpu.yield
      }) : () -> ()
      %mul3A_22 = arith.constant 80 : i32
      %mul3A_23 = arith.muli %add3A_18, %mul3A_22 : i32
      %dma_start3A = tpu.memref_slice %arg8[%mul3A_23] : memref<10000xi32, #tpu.memory_space<vmem>> -> memref<80xi32, #tpu.memory_space<vmem>>
      %dma_start3A_24 = arith.constant 0 : i32
      %dma_start3A_25 = arith.constant 0 : i32
      %dma_start3A_26 = tpu.memref_slice %arg2[%dma_start3A_24, %dma_start3A_25] : memref<10000x128xf32, #tpu.memory_space<hbm>> -> memref<10000x128xf32, #tpu.memory_space<hbm>>
      tpu.enqueue_indirect_dma source(%dma_start3A_26 : memref<10000x128xf32, #tpu.memory_space<hbm>>) target(%arg10 : memref<80x128xf32, #tpu.memory_space<vmem>>) offsets(%dma_start3A : memref<80xi32, #tpu.memory_space<vmem>>) semaphore(%arg11 : memref<!tpu.dma_semaphore, #tpu.memory_space<semaphore_mem>>)
      %dma_wait3A = tpu.memref_slice %arg8[%mul3A_23] : memref<10000xi32, #tpu.memory_space<vmem>> -> memref<80xi32, #tpu.memory_space<vmem>>
      %dma_wait3A_27 = arith.constant 0 : i32
      %dma_wait3A_28 = arith.constant 0 : i32
      %dma_wait3A_29 = tpu.memref_slice %arg2[%dma_wait3A_27, %dma_wait3A_28] : memref<10000x128xf32, #tpu.memory_space<hbm>> -> memref<10000x128xf32, #tpu.memory_space<hbm>>
      tpu.wait_indirect_dma semaphore(%arg11 : memref<!tpu.dma_semaphore, #tpu.memory_space<semaphore_mem>>) src(%dma_wait3A_29 : memref<10000x128xf32, #tpu.memory_space<hbm>>) dst(%arg10 : memref<80x128xf32, #tpu.memory_space<vmem>>)
      "tpu.region"() ({
        %run_scoped3A = tpu.sem_alloc : memref<!tpu.dma_semaphore, #tpu.memory_space<semaphore_mem>>
        %dma_start3A_30 = arith.constant 0 : i32
        %dma_start3A_31 = arith.constant 0 : i32
        %dma_start3A_32 = tpu.memref_slice %arg7[%dma_start3A_30, %dma_start3A_31] : memref<10240x128xf32, #tpu.memory_space<vmem_shared>> -> memref<10240x128xf32, #tpu.memory_space<vmem_shared>>
        tpu.enqueue_indirect_dma source(%arg10 : memref<80x128xf32, #tpu.memory_space<vmem>>) target(%dma_start3A_32 : memref<10240x128xf32, #tpu.memory_space<vmem_shared>>) offsets(%arg9 : memref<80xi32, #tpu.memory_space<vmem>>) semaphore(%run_scoped3A : memref<!tpu.dma_semaphore, #tpu.memory_space<semaphore_mem>>) {add = true}
        %dma_wait3A_33 = arith.constant 0 : i32
        %dma_wait3A_34 = arith.constant 0 : i32
        %dma_wait3A_35 = tpu.memref_slice %arg7[%dma_wait3A_33, %dma_wait3A_34] : memref<10240x128xf32, #tpu.memory_space<vmem_shared>> -> memref<10240x128xf32, #tpu.memory_space<vmem_shared>>
        tpu.wait_indirect_dma semaphore(%run_scoped3A : memref<!tpu.dma_semaphore, #tpu.memory_space<semaphore_mem>>) src(%arg10 : memref<80x128xf32, #tpu.memory_space<vmem>>) dst(%dma_wait3A_35 : memref<10240x128xf32, #tpu.memory_space<vmem_shared>>)
        tpu.yield
      }) : () -> ()
    }
    %scan3A_8 = arith.constant 125 : i32
    %barrier3A_9 = arith.constant 0 : index
    tpu.barrier barrier_id(%barrier3A_9)
    %mul3A_10 = arith.constant 640 : i32
    %mul3A_11 = arith.muli %arg1, %mul3A_10 : i32
    %mul3A_12 = arith.constant 640 : i32
    %mul3A_13 = arith.muli %arg1, %mul3A_12 : i32
    "tpu.region"() ({
      %run_scoped3A = tpu.sem_alloc : memref<!tpu.dma_semaphore, #tpu.memory_space<semaphore_mem>>
      %dma_start3A = arith.constant 0 : i32
      %dma_start3A_14 = tpu.memref_slice %arg6[%arg0, %mul3A_13, %dma_start3A] : memref<2x10240x128xf32, #tpu.memory_space<hbm>> -> memref<1x640x128xf32, #tpu.memory_space<hbm>>
      %dma_start3A_15 = tpu.memref_squeeze %dma_start3A_14 : memref<1x640x128xf32, #tpu.memory_space<hbm>> -> memref<640x128xf32, #tpu.memory_space<hbm>>
      %dma_start3A_16 = arith.constant 0 : i32
      %dma_start3A_17 = tpu.memref_slice %arg7[%mul3A_11, %dma_start3A_16] : memref<10240x128xf32, #tpu.memory_space<vmem_shared>> -> memref<640x128xf32, #tpu.memory_space<vmem_shared>>
      tpu.enqueue_dma source(%dma_start3A_17 : memref<640x128xf32, #tpu.memory_space<vmem_shared>>) target(%dma_start3A_15 : memref<640x128xf32, #tpu.memory_space<hbm>>) target_semaphore(%run_scoped3A : memref<!tpu.dma_semaphore, #tpu.memory_space<semaphore_mem>>)
      %dma_wait3A = arith.constant 0 : i32
      %dma_wait3A_18 = tpu.memref_slice %arg6[%arg0, %mul3A_13, %dma_wait3A] : memref<2x10240x128xf32, #tpu.memory_space<hbm>> -> memref<1x640x128xf32, #tpu.memory_space<hbm>>
      %dma_wait3A_19 = tpu.memref_squeeze %dma_wait3A_18 : memref<1x640x128xf32, #tpu.memory_space<hbm>> -> memref<640x128xf32, #tpu.memory_space<hbm>>
      %dma_wait3A_20 = arith.constant 0 : i32
      %dma_wait3A_21 = tpu.memref_slice %arg7[%mul3A_11, %dma_wait3A_20] : memref<10240x128xf32, #tpu.memory_space<vmem_shared>> -> memref<640x128xf32, #tpu.memory_space<vmem_shared>>
      tpu.wait_dma2 semaphore(%run_scoped3A : memref<!tpu.dma_semaphore, #tpu.memory_space<semaphore_mem>>) src(%dma_wait3A_21 : memref<640x128xf32, #tpu.memory_space<vmem_shared>>) dst(%dma_wait3A_19 : memref<640x128xf32, #tpu.memory_space<hbm>>)
      tpu.yield
    }) : () -> ()
    return
  }
}

#map = affine_map<(d0, d1) -> (0, 0)>
#map1 = affine_map<(d0, d1) -> (0)>
#map2 = affine_map<(d0, d1) -> (0, 0, 0)>
module attributes {stable_mosaic.version = 14 : i64} {
  func.func @_spmm_body(%arg0: i32, %arg1: i32, %arg2: memref<10000x128xf32, #tpu.memory_space<hbm>>, %arg3: memref<320000xi32, #tpu.memory_space<hbm>>, %arg4: memref<320000xi32, #tpu.memory_space<hbm>>, %arg5: memref<640x128xf32, #tpu.memory_space<hbm>>, %arg6: memref<2x10240x128xf32, #tpu.memory_space<hbm>>, %arg7: memref<10240x128xf32, #tpu.memory_space<vmem_shared>>, %arg8: memref<10000xi32, #tpu.memory_space<vmem>>, %arg9: memref<80xi32, #tpu.memory_space<vmem>>, %arg10: memref<80x128xf32, #tpu.memory_space<vmem>>, %arg11: memref<!tpu.dma_semaphore, #tpu.memory_space<semaphore_mem>>) attributes {dimension_semantics = [#tpu.dimension_semantics<core_parallel>, #tpu.dimension_semantics<subcore_parallel>], iteration_bounds = array<i64: 2, 16>, scalar_prefetch = 0 : i64, scratch_operands = 5 : i64, tpu.core_type = #tpu.core_type<sc_vector_subcore>, window_params = [{transform_indices = #map}, {transform_indices = #map1}, {transform_indices = #map1}, {transform_indices = #map}, {transform_indices = #map2}]} {
    %mul3A = arith.constant 16 : i32
    %mul3A_0 = arith.muli %arg0, %mul3A : i32
    %add3A = arith.addi %mul3A_0, %arg1 : i32
    %mul3A_1 = arith.constant 640 : i32
    %mul3A_2 = arith.muli %arg1, %mul3A_1 : i32
    "tpu.region"() ({
      %run_scoped3A = tpu.sem_alloc : memref<!tpu.dma_semaphore, #tpu.memory_space<semaphore_mem>>
      %dma_start3A = arith.constant 0 : i32
      %dma_start3A_14 = tpu.memref_slice %arg7[%mul3A_2, %dma_start3A] : memref<10240x128xf32, #tpu.memory_space<vmem_shared>> -> memref<640x128xf32, #tpu.memory_space<vmem_shared>>
      tpu.enqueue_dma source(%arg5 : memref<640x128xf32, #tpu.memory_space<hbm>>) target(%dma_start3A_14 : memref<640x128xf32, #tpu.memory_space<vmem_shared>>) target_semaphore(%run_scoped3A : memref<!tpu.dma_semaphore, #tpu.memory_space<semaphore_mem>>)
      %dma_wait3A = arith.constant 0 : i32
      %dma_wait3A_15 = tpu.memref_slice %arg7[%mul3A_2, %dma_wait3A] : memref<10240x128xf32, #tpu.memory_space<vmem_shared>> -> memref<640x128xf32, #tpu.memory_space<vmem_shared>>
      tpu.wait_dma2 semaphore(%run_scoped3A : memref<!tpu.dma_semaphore, #tpu.memory_space<semaphore_mem>>) src(%arg5 : memref<640x128xf32, #tpu.memory_space<hbm>>) dst(%dma_wait3A_15 : memref<640x128xf32, #tpu.memory_space<vmem_shared>>)
      tpu.yield
    }) : () -> ()
    %mul3A_3 = arith.constant 10000 : i32
    %mul3A_4 = arith.muli %add3A, %mul3A_3 : i32
    "tpu.region"() ({
      %run_scoped3A = tpu.sem_alloc : memref<!tpu.dma_semaphore, #tpu.memory_space<semaphore_mem>>
      %dma_start3A = tpu.memref_slice %arg3[%mul3A_4] : memref<320000xi32, #tpu.memory_space<hbm>> -> memref<10000xi32, #tpu.memory_space<hbm>>
      %dma_start3A_14 = tpu.memref_slice %arg3[%mul3A_4] : memref<320000xi32, #tpu.memory_space<hbm>> -> memref<10000xi32, #tpu.memory_space<hbm>>
      tpu.enqueue_dma source(%dma_start3A_14 : memref<10000xi32, #tpu.memory_space<hbm>>) target(%arg8 : memref<10000xi32, #tpu.memory_space<vmem>>) target_semaphore(%run_scoped3A : memref<!tpu.dma_semaphore, #tpu.memory_space<semaphore_mem>>)
      %dma_wait3A = tpu.memref_slice %arg3[%mul3A_4] : memref<320000xi32, #tpu.memory_space<hbm>> -> memref<10000xi32, #tpu.memory_space<hbm>>
      %dma_wait3A_15 = tpu.memref_slice %arg3[%mul3A_4] : memref<320000xi32, #tpu.memory_space<hbm>> -> memref<10000xi32, #tpu.memory_space<hbm>>
      tpu.wait_dma2 semaphore(%run_scoped3A : memref<!tpu.dma_semaphore, #tpu.memory_space<semaphore_mem>>) src(%dma_wait3A_15 : memref<10000xi32, #tpu.memory_space<hbm>>) dst(%arg8 : memref<10000xi32, #tpu.memory_space<vmem>>)
      tpu.yield
    }) : () -> ()
    %barrier3A = arith.constant 0 : index
    tpu.barrier barrier_id(%barrier3A)
    %scan3A = arith.constant 0 : i32
    %scan3A_5 = arith.constant 125 : i32
    %scan3A_6 = arith.addi %scan3A, %scan3A_5 : i32
    %scan3A_7 = arith.constant 1 : i32
    scf.for %scan3A_14 = %scan3A to %scan3A_6 step %scan3A_7  : i32 {
      %mul3A_15 = arith.constant 1 : i32
      %mul3A_16 = arith.muli %scan3A_14, %mul3A_15 : i32
      %add3A_17 = arith.constant 0 : i32
      %add3A_18 = arith.addi %add3A_17, %mul3A_16 : i32
      %mul3A_19 = arith.constant 80 : i32
      %mul3A_20 = arith.muli %add3A_18, %mul3A_19 : i32
      %add3A_21 = arith.addi %mul3A_4, %mul3A_20 : i32
      "tpu.region"() ({
        %run_scoped3A = tpu.sem_alloc : memref<!tpu.dma_semaphore, #tpu.memory_space<semaphore_mem>>
        %dma_start3A_30 = tpu.memref_slice %arg4[%add3A_21] : memref<320000xi32, #tpu.memory_space<hbm>> -> memref<80xi32, #tpu.memory_space<hbm>>
        %dma_start3A_31 = tpu.memref_slice %arg4[%add3A_21] : memref<320000xi32, #tpu.memory_space<hbm>> -> memref<80xi32, #tpu.memory_space<hbm>>
        tpu.enqueue_dma source(%dma_start3A_31 : memref<80xi32, #tpu.memory_space<hbm>>) target(%arg9 : memref<80xi32, #tpu.memory_space<vmem>>) target_semaphore(%run_scoped3A : memref<!tpu.dma_semaphore, #tpu.memory_space<semaphore_mem>>)
        %dma_wait3A_32 = tpu.memref_slice %arg4[%add3A_21] : memref<320000xi32, #tpu.memory_space<hbm>> -> memref<80xi32, #tpu.memory_space<hbm>>
        %dma_wait3A_33 = tpu.memref_slice %arg4[%add3A_21] : memref<320000xi32, #tpu.memory_space<hbm>> -> memref<80xi32, #tpu.memory_space<hbm>>
        tpu.wait_dma2 semaphore(%run_scoped3A : memref<!tpu.dma_semaphore, #tpu.memory_space<semaphore_mem>>) src(%dma_wait3A_33 : memref<80xi32, #tpu.memory_space<hbm>>) dst(%arg9 : memref<80xi32, #tpu.memory_space<vmem>>)
        tpu.yield
      }) : () -> ()
      %mul3A_22 = arith.constant 80 : i32
      %mul3A_23 = arith.muli %add3A_18, %mul3A_22 : i32
      %dma_start3A = tpu.memref_slice %arg8[%mul3A_23] : memref<10000xi32, #tpu.memory_space<vmem>> -> memref<80xi32, #tpu.memory_space<vmem>>
      %dma_start3A_24 = arith.constant 0 : i32
      %dma_start3A_25 = arith.constant 0 : i32
      %dma_start3A_26 = tpu.memref_slice %arg2[%dma_start3A_24, %dma_start3A_25] : memref<10000x128xf32, #tpu.memory_space<hbm>> -> memref<10000x128xf32, #tpu.memory_space<hbm>>
      tpu.enqueue_indirect_dma source(%dma_start3A_26 : memref<10000x128xf32, #tpu.memory_space<hbm>>) target(%arg10 : memref<80x128xf32, #tpu.memory_space<vmem>>) offsets(%dma_start3A : memref<80xi32, #tpu.memory_space<vmem>>) semaphore(%arg11 : memref<!tpu.dma_semaphore, #tpu.memory_space<semaphore_mem>>)
      %dma_wait3A = tpu.memref_slice %arg8[%mul3A_23] : memref<10000xi32, #tpu.memory_space<vmem>> -> memref<80xi32, #tpu.memory_space<vmem>>
      %dma_wait3A_27 = arith.constant 0 : i32
      %dma_wait3A_28 = arith.constant 0 : i32
      %dma_wait3A_29 = tpu.memref_slice %arg2[%dma_wait3A_27, %dma_wait3A_28] : memref<10000x128xf32, #tpu.memory_space<hbm>> -> memref<10000x128xf32, #tpu.memory_space<hbm>>
      tpu.wait_indirect_dma semaphore(%arg11 : memref<!tpu.dma_semaphore, #tpu.memory_space<semaphore_mem>>) src(%dma_wait3A_29 : memref<10000x128xf32, #tpu.memory_space<hbm>>) dst(%arg10 : memref<80x128xf32, #tpu.memory_space<vmem>>)
      "tpu.region"() ({
        %run_scoped3A = tpu.sem_alloc : memref<!tpu.dma_semaphore, #tpu.memory_space<semaphore_mem>>
        %dma_start3A_30 = arith.constant 0 : i32
        %dma_start3A_31 = arith.constant 0 : i32
        %dma_start3A_32 = tpu.memref_slice %arg7[%dma_start3A_30, %dma_start3A_31] : memref<10240x128xf32, #tpu.memory_space<vmem_shared>> -> memref<10240x128xf32, #tpu.memory_space<vmem_shared>>
        tpu.enqueue_indirect_dma source(%arg10 : memref<80x128xf32, #tpu.memory_space<vmem>>) target(%dma_start3A_32 : memref<10240x128xf32, #tpu.memory_space<vmem_shared>>) offsets(%arg9 : memref<80xi32, #tpu.memory_space<vmem>>) semaphore(%run_scoped3A : memref<!tpu.dma_semaphore, #tpu.memory_space<semaphore_mem>>) {add = true}
        %dma_wait3A_33 = arith.constant 0 : i32
        %dma_wait3A_34 = arith.constant 0 : i32
        %dma_wait3A_35 = tpu.memref_slice %arg7[%dma_wait3A_33, %dma_wait3A_34] : memref<10240x128xf32, #tpu.memory_space<vmem_shared>> -> memref<10240x128xf32, #tpu.memory_space<vmem_shared>>
        tpu.wait_indirect_dma semaphore(%run_scoped3A : memref<!tpu.dma_semaphore, #tpu.memory_space<semaphore_mem>>) src(%arg10 : memref<80x128xf32, #tpu.memory_space<vmem>>) dst(%dma_wait3A_35 : memref<10240x128xf32, #tpu.memory_space<vmem_shared>>)
        tpu.yield
      }) : () -> ()
    }
    %scan3A_8 = arith.constant 125 : i32
    %barrier3A_9 = arith.constant 0 : index
    tpu.barrier barrier_id(%barrier3A_9)
    %mul3A_10 = arith.constant 640 : i32
    %mul3A_11 = arith.muli %arg1, %mul3A_10 : i32
    %mul3A_12 = arith.constant 640 : i32
    %mul3A_13 = arith.muli %arg1, %mul3A_12 : i32
    "tpu.region"() ({
      %run_scoped3A = tpu.sem_alloc : memref<!tpu.dma_semaphore, #tpu.memory_space<semaphore_mem>>
      %dma_start3A = arith.constant 0 : i32
      %dma_start3A_14 = tpu.memref_slice %arg6[%arg0, %mul3A_13, %dma_start3A] : memref<2x10240x128xf32, #tpu.memory_space<hbm>> -> memref<1x640x128xf32, #tpu.memory_space<hbm>>
      %dma_start3A_15 = tpu.memref_squeeze %dma_start3A_14 : memref<1x640x128xf32, #tpu.memory_space<hbm>> -> memref<640x128xf32, #tpu.memory_space<hbm>>
      %dma_start3A_16 = arith.constant 0 : i32
      %dma_start3A_17 = tpu.memref_slice %arg7[%mul3A_11, %dma_start3A_16] : memref<10240x128xf32, #tpu.memory_space<vmem_shared>> -> memref<640x128xf32, #tpu.memory_space<vmem_shared>>
      tpu.enqueue_dma source(%dma_start3A_17 : memref<640x128xf32, #tpu.memory_space<vmem_shared>>) target(%dma_start3A_15 : memref<640x128xf32, #tpu.memory_space<hbm>>) target_semaphore(%run_scoped3A : memref<!tpu.dma_semaphore, #tpu.memory_space<semaphore_mem>>)
      %dma_wait3A = arith.constant 0 : i32
      %dma_wait3A_18 = tpu.memref_slice %arg6[%arg0, %mul3A_13, %dma_wait3A] : memref<2x10240x128xf32, #tpu.memory_space<hbm>> -> memref<1x640x128xf32, #tpu.memory_space<hbm>>
      %dma_wait3A_19 = tpu.memref_squeeze %dma_wait3A_18 : memref<1x640x128xf32, #tpu.memory_space<hbm>> -> memref<640x128xf32, #tpu.memory_space<hbm>>
      %dma_wait3A_20 = arith.constant 0 : i32
      %dma_wait3A_21 = tpu.memref_slice %arg7[%mul3A_11, %dma_wait3A_20] : memref<10240x128xf32, #tpu.memory_space<vmem_shared>> -> memref<640x128xf32, #tpu.memory_space<vmem_shared>>
      tpu.wait_dma2 semaphore(%run_scoped3A : memref<!tpu.dma_semaphore, #tpu.memory_space<semaphore_mem>>) src(%dma_wait3A_21 : memref<640x128xf32, #tpu.memory_space<vmem_shared>>) dst(%dma_wait3A_19 : memref<640x128xf32, #tpu.memory_space<hbm>>)
      tpu.yield
    }) : () -> ()
    return
  }
}

#map = affine_map<(d0, d1) -> (0, 0)>
#map1 = affine_map<(d0, d1) -> (0)>
#map2 = affine_map<(d0, d1) -> (0, 0, 0)>
module attributes {stable_mosaic.version = 14 : i64} {
  func.func @_gat_body(%arg0: i32, %arg1: i32, %arg2: memref<10000x128xf32, #tpu.memory_space<hbm>>, %arg3: memref<10000x16xf32, #tpu.memory_space<hbm>>, %arg4: memref<10000x16xf32, #tpu.memory_space<hbm>>, %arg5: memref<16xf32, #tpu.memory_space<hbm>>, %arg6: memref<16xf32, #tpu.memory_space<hbm>>, %arg7: memref<320000xi32, #tpu.memory_space<hbm>>, %arg8: memref<320000xi32, #tpu.memory_space<hbm>>, %arg9: memref<640x128xf32, #tpu.memory_space<hbm>>, %arg10: memref<640x16xf32, #tpu.memory_space<hbm>>, %arg11: memref<2x10240x128xf32, #tpu.memory_space<hbm>>, %arg12: memref<2x10240x16xf32, #tpu.memory_space<hbm>>, %arg13: memref<10240x128xf32, #tpu.memory_space<vmem_shared>>, %arg14: memref<10240x16xf32, #tpu.memory_space<vmem_shared>>, %arg15: memref<80xi32, #tpu.memory_space<vmem>>, %arg16: memref<80xi32, #tpu.memory_space<vmem>>, %arg17: memref<80x128xf32, #tpu.memory_space<vmem>>, %arg18: memref<80x16xf32, #tpu.memory_space<vmem>>, %arg19: memref<80x16xf32, #tpu.memory_space<vmem>>, %arg20: memref<16xf32, #tpu.memory_space<vmem>>, %arg21: memref<!tpu.dma_semaphore, #tpu.memory_space<semaphore_mem>>) attributes {dimension_semantics = [#tpu.dimension_semantics<core_parallel>, #tpu.dimension_semantics<subcore_parallel>], iteration_bounds = array<i64: 2, 16>, scalar_prefetch = 0 : i64, scratch_operands = 9 : i64, tpu.core_type = #tpu.core_type<sc_vector_subcore>, window_params = [{transform_indices = #map}, {transform_indices = #map}, {transform_indices = #map}, {transform_indices = #map1}, {transform_indices = #map1}, {transform_indices = #map1}, {transform_indices = #map1}, {transform_indices = #map}, {transform_indices = #map}, {transform_indices = #map2}, {transform_indices = #map2}]} {
    %mul3A = arith.constant 16 : i32
    %mul3A_0 = arith.muli %arg0, %mul3A : i32
    %add3A = arith.addi %mul3A_0, %arg1 : i32
    %mul3A_1 = arith.constant 640 : i32
    %mul3A_2 = arith.muli %arg1, %mul3A_1 : i32
    "tpu.region"() ({
      %run_scoped3A_31 = tpu.sem_alloc : memref<!tpu.dma_semaphore, #tpu.memory_space<semaphore_mem>>
      %dma_start3A = arith.constant 0 : i32
      %dma_start3A_32 = tpu.memref_slice %arg13[%mul3A_2, %dma_start3A] : memref<10240x128xf32, #tpu.memory_space<vmem_shared>> -> memref<640x128xf32, #tpu.memory_space<vmem_shared>>
      tpu.enqueue_dma source(%arg9 : memref<640x128xf32, #tpu.memory_space<hbm>>) target(%dma_start3A_32 : memref<640x128xf32, #tpu.memory_space<vmem_shared>>) target_semaphore(%run_scoped3A_31 : memref<!tpu.dma_semaphore, #tpu.memory_space<semaphore_mem>>)
      %dma_wait3A = arith.constant 0 : i32
      %dma_wait3A_33 = tpu.memref_slice %arg13[%mul3A_2, %dma_wait3A] : memref<10240x128xf32, #tpu.memory_space<vmem_shared>> -> memref<640x128xf32, #tpu.memory_space<vmem_shared>>
      tpu.wait_dma2 semaphore(%run_scoped3A_31 : memref<!tpu.dma_semaphore, #tpu.memory_space<semaphore_mem>>) src(%arg9 : memref<640x128xf32, #tpu.memory_space<hbm>>) dst(%dma_wait3A_33 : memref<640x128xf32, #tpu.memory_space<vmem_shared>>)
      tpu.yield
    }) : () -> ()
    %mul3A_3 = arith.constant 640 : i32
    %mul3A_4 = arith.muli %arg1, %mul3A_3 : i32
    "tpu.region"() ({
      %run_scoped3A_31 = tpu.sem_alloc : memref<!tpu.dma_semaphore, #tpu.memory_space<semaphore_mem>>
      %dma_start3A = arith.constant 0 : i32
      %dma_start3A_32 = tpu.memref_slice %arg14[%mul3A_4, %dma_start3A] : memref<10240x16xf32, #tpu.memory_space<vmem_shared>> -> memref<640x16xf32, #tpu.memory_space<vmem_shared>>
      tpu.enqueue_dma source(%arg10 : memref<640x16xf32, #tpu.memory_space<hbm>>) target(%dma_start3A_32 : memref<640x16xf32, #tpu.memory_space<vmem_shared>>) target_semaphore(%run_scoped3A_31 : memref<!tpu.dma_semaphore, #tpu.memory_space<semaphore_mem>>)
      %dma_wait3A = arith.constant 0 : i32
      %dma_wait3A_33 = tpu.memref_slice %arg14[%mul3A_4, %dma_wait3A] : memref<10240x16xf32, #tpu.memory_space<vmem_shared>> -> memref<640x16xf32, #tpu.memory_space<vmem_shared>>
      tpu.wait_dma2 semaphore(%run_scoped3A_31 : memref<!tpu.dma_semaphore, #tpu.memory_space<semaphore_mem>>) src(%arg10 : memref<640x16xf32, #tpu.memory_space<hbm>>) dst(%dma_wait3A_33 : memref<640x16xf32, #tpu.memory_space<vmem_shared>>)
      tpu.yield
    }) : () -> ()
    "tpu.region"() ({
      %run_scoped3A_31 = tpu.sem_alloc : memref<!tpu.dma_semaphore, #tpu.memory_space<semaphore_mem>>
      tpu.enqueue_dma source(%arg5 : memref<16xf32, #tpu.memory_space<hbm>>) target(%arg20 : memref<16xf32, #tpu.memory_space<vmem>>) target_semaphore(%run_scoped3A_31 : memref<!tpu.dma_semaphore, #tpu.memory_space<semaphore_mem>>)
      tpu.wait_dma2 semaphore(%run_scoped3A_31 : memref<!tpu.dma_semaphore, #tpu.memory_space<semaphore_mem>>) src(%arg5 : memref<16xf32, #tpu.memory_space<hbm>>) dst(%arg20 : memref<16xf32, #tpu.memory_space<vmem>>)
      tpu.yield
    }) : () -> ()
    %run_scoped3A = arith.constant 0 : i32
    "tpu.region"() ({
      %run_scoped3A_31 = tpu.sem_alloc : memref<!tpu.dma_semaphore, #tpu.memory_space<semaphore_mem>>
      %dma_start3A = arith.constant 0 : i32
      %dma_start3A_32 = tpu.memref_slice %arg18[%run_scoped3A, %dma_start3A] : memref<80x16xf32, #tpu.memory_space<vmem>> -> memref<1x16xf32, #tpu.memory_space<vmem>>
      %dma_start3A_33 = tpu.memref_squeeze %dma_start3A_32 : memref<1x16xf32, #tpu.memory_space<vmem>> -> memref<16xf32, #tpu.memory_space<vmem>>
      %dma_start3A_34 = arith.constant 0 : i32
      %dma_start3A_35 = tpu.memref_slice %arg18[%run_scoped3A, %dma_start3A_34] : memref<80x16xf32, #tpu.memory_space<vmem>> -> memref<1x16xf32, #tpu.memory_space<vmem>>
      %dma_start3A_36 = tpu.memref_squeeze %dma_start3A_35 : memref<1x16xf32, #tpu.memory_space<vmem>> -> memref<16xf32, #tpu.memory_space<vmem>>
      tpu.enqueue_dma source(%arg6 : memref<16xf32, #tpu.memory_space<hbm>>) target(%dma_start3A_36 : memref<16xf32, #tpu.memory_space<vmem>>) target_semaphore(%run_scoped3A_31 : memref<!tpu.dma_semaphore, #tpu.memory_space<semaphore_mem>>)
      %dma_wait3A = arith.constant 0 : i32
      %dma_wait3A_37 = tpu.memref_slice %arg18[%run_scoped3A, %dma_wait3A] : memref<80x16xf32, #tpu.memory_space<vmem>> -> memref<1x16xf32, #tpu.memory_space<vmem>>
      %dma_wait3A_38 = tpu.memref_squeeze %dma_wait3A_37 : memref<1x16xf32, #tpu.memory_space<vmem>> -> memref<16xf32, #tpu.memory_space<vmem>>
      %dma_wait3A_39 = arith.constant 0 : i32
      %dma_wait3A_40 = tpu.memref_slice %arg18[%run_scoped3A, %dma_wait3A_39] : memref<80x16xf32, #tpu.memory_space<vmem>> -> memref<1x16xf32, #tpu.memory_space<vmem>>
      %dma_wait3A_41 = tpu.memref_squeeze %dma_wait3A_40 : memref<1x16xf32, #tpu.memory_space<vmem>> -> memref<16xf32, #tpu.memory_space<vmem>>
      tpu.wait_dma2 semaphore(%run_scoped3A_31 : memref<!tpu.dma_semaphore, #tpu.memory_space<semaphore_mem>>) src(%arg6 : memref<16xf32, #tpu.memory_space<hbm>>) dst(%dma_wait3A_41 : memref<16xf32, #tpu.memory_space<vmem>>)
      tpu.yield
    }) : () -> ()
    %barrier3A = arith.constant 0 : index
    tpu.barrier barrier_id(%barrier3A)
    %get3A = arith.constant 0 : index
    %get3A_5 = tpu.vector_load %arg20[%get3A] {strides = array<i32>} : memref<16xf32, #tpu.memory_space<vmem>>, vector<16xf32>,
    %get3A_6 = vector.shape_cast %get3A_5 : vector<16xf32> to vector<16xf32>
    %get3A_7 = arith.constant 0 : i32
    %get3A_8 = arith.index_cast %get3A_7 : i32 to index
    %get3A_9 = arith.constant 0 : index
    %get3A_10 = tpu.vector_load %arg18[%get3A_8, %get3A_9] {strides = array<i32>} : memref<80x16xf32, #tpu.memory_space<vmem>>, vector<1x16xf32>,
    %get3A_11 = vector.shape_cast %get3A_10 : vector<1x16xf32> to vector<16xf32>
    %add3A_12 = arith.addf %get3A_6, %get3A_11 : vector<16xf32>
    %swap3A = arith.constant 0 : index
    %swap3A_13 = tpu.vector_load %arg20[%swap3A] {strides = array<i32>} : memref<16xf32, #tpu.memory_space<vmem>>, vector<16xf32>,
    %swap3A_14 = vector.shape_cast %swap3A_13 : vector<16xf32> to vector<16xf32>
    %swap3A_15 = vector.shape_cast %add3A_12 : vector<16xf32> to vector<16xf32>
    tpu.vector_store %arg20[%swap3A], %swap3A_15 {strides = array<i32>} : memref<16xf32, #tpu.memory_space<vmem>>, vector<16xf32>,
    %iota3A = tpu.iota {dimensions = array<i32: 0>} : vector<16xi32>
    %mul3A_16 = arith.constant 10000 : i32
    %mul3A_17 = arith.muli %add3A, %mul3A_16 : i32
    %scan3A = arith.constant 0 : i32
    %scan3A_18 = arith.constant 125 : i32
    %scan3A_19 = arith.addi %scan3A, %scan3A_18 : i32
    %scan3A_20 = arith.constant 1 : i32
    scf.for %scan3A_31 = %scan3A to %scan3A_19 step %scan3A_20  : i32 {
      %mul3A_32 = arith.constant 1 : i32
      %mul3A_33 = arith.muli %scan3A_31, %mul3A_32 : i32
      %add3A_34 = arith.constant 0 : i32
      %add3A_35 = arith.addi %add3A_34, %mul3A_33 : i32
      %mul3A_36 = arith.constant 80 : i32
      %mul3A_37 = arith.muli %add3A_35, %mul3A_36 : i32
      %add3A_38 = arith.addi %mul3A_17, %mul3A_37 : i32
      "tpu.region"() ({
        %run_scoped3A_63 = tpu.sem_alloc : memref<!tpu.dma_semaphore, #tpu.memory_space<semaphore_mem>>
        %dma_start3A_64 = tpu.memref_slice %arg7[%add3A_38] : memref<320000xi32, #tpu.memory_space<hbm>> -> memref<80xi32, #tpu.memory_space<hbm>>
        %dma_start3A_65 = tpu.memref_slice %arg7[%add3A_38] : memref<320000xi32, #tpu.memory_space<hbm>> -> memref<80xi32, #tpu.memory_space<hbm>>
        tpu.enqueue_dma source(%dma_start3A_65 : memref<80xi32, #tpu.memory_space<hbm>>) target(%arg15 : memref<80xi32, #tpu.memory_space<vmem>>) target_semaphore(%run_scoped3A_63 : memref<!tpu.dma_semaphore, #tpu.memory_space<semaphore_mem>>)
        %dma_wait3A_66 = tpu.memref_slice %arg7[%add3A_38] : memref<320000xi32, #tpu.memory_space<hbm>> -> memref<80xi32, #tpu.memory_space<hbm>>
        %dma_wait3A_67 = tpu.memref_slice %arg7[%add3A_38] : memref<320000xi32, #tpu.memory_space<hbm>> -> memref<80xi32, #tpu.memory_space<hbm>>
        tpu.wait_dma2 semaphore(%run_scoped3A_63 : memref<!tpu.dma_semaphore, #tpu.memory_space<semaphore_mem>>) src(%dma_wait3A_67 : memref<80xi32, #tpu.memory_space<hbm>>) dst(%arg15 : memref<80xi32, #tpu.memory_space<vmem>>)
        tpu.yield
      }) : () -> ()
      "tpu.region"() ({
        %run_scoped3A_63 = tpu.sem_alloc : memref<!tpu.dma_semaphore, #tpu.memory_space<semaphore_mem>>
        %dma_start3A_64 = tpu.memref_slice %arg8[%add3A_38] : memref<320000xi32, #tpu.memory_space<hbm>> -> memref<80xi32, #tpu.memory_space<hbm>>
        %dma_start3A_65 = tpu.memref_slice %arg8[%add3A_38] : memref<320000xi32, #tpu.memory_space<hbm>> -> memref<80xi32, #tpu.memory_space<hbm>>
        tpu.enqueue_dma source(%dma_start3A_65 : memref<80xi32, #tpu.memory_space<hbm>>) target(%arg16 : memref<80xi32, #tpu.memory_space<vmem>>) target_semaphore(%run_scoped3A_63 : memref<!tpu.dma_semaphore, #tpu.memory_space<semaphore_mem>>)
        %dma_wait3A_66 = tpu.memref_slice %arg8[%add3A_38] : memref<320000xi32, #tpu.memory_space<hbm>> -> memref<80xi32, #tpu.memory_space<hbm>>
        %dma_wait3A_67 = tpu.memref_slice %arg8[%add3A_38] : memref<320000xi32, #tpu.memory_space<hbm>> -> memref<80xi32, #tpu.memory_space<hbm>>
        tpu.wait_dma2 semaphore(%run_scoped3A_63 : memref<!tpu.dma_semaphore, #tpu.memory_space<semaphore_mem>>) src(%dma_wait3A_67 : memref<80xi32, #tpu.memory_space<hbm>>) dst(%arg16 : memref<80xi32, #tpu.memory_space<vmem>>)
        tpu.yield
      }) : () -> ()
      %dma_start3A = arith.constant 0 : i32
      %dma_start3A_39 = arith.constant 0 : i32
      %dma_start3A_40 = tpu.memref_slice %arg3[%dma_start3A, %dma_start3A_39] : memref<10000x16xf32, #tpu.memory_space<hbm>> -> memref<10000x16xf32, #tpu.memory_space<hbm>>
      tpu.enqueue_indirect_dma source(%dma_start3A_40 : memref<10000x16xf32, #tpu.memory_space<hbm>>) target(%arg18 : memref<80x16xf32, #tpu.memory_space<vmem>>) offsets(%arg15 : memref<80xi32, #tpu.memory_space<vmem>>) semaphore(%arg21 : memref<!tpu.dma_semaphore, #tpu.memory_space<semaphore_mem>>)
      %dma_wait3A = arith.constant 0 : i32
      %dma_wait3A_41 = arith.constant 0 : i32
      %dma_wait3A_42 = tpu.memref_slice %arg3[%dma_wait3A, %dma_wait3A_41] : memref<10000x16xf32, #tpu.memory_space<hbm>> -> memref<10000x16xf32, #tpu.memory_space<hbm>>
      tpu.wait_indirect_dma semaphore(%arg21 : memref<!tpu.dma_semaphore, #tpu.memory_space<semaphore_mem>>) src(%dma_wait3A_42 : memref<10000x16xf32, #tpu.memory_space<hbm>>) dst(%arg18 : memref<80x16xf32, #tpu.memory_space<vmem>>)
      %dma_start3A_43 = arith.constant 0 : i32
      %dma_start3A_44 = arith.constant 0 : i32
      %dma_start3A_45 = tpu.memref_slice %arg4[%dma_start3A_43, %dma_start3A_44] : memref<10000x16xf32, #tpu.memory_space<hbm>> -> memref<10000x16xf32, #tpu.memory_space<hbm>>
      tpu.enqueue_indirect_dma source(%dma_start3A_45 : memref<10000x16xf32, #tpu.memory_space<hbm>>) target(%arg19 : memref<80x16xf32, #tpu.memory_space<vmem>>) offsets(%arg16 : memref<80xi32, #tpu.memory_space<vmem>>) semaphore(%arg21 : memref<!tpu.dma_semaphore, #tpu.memory_space<semaphore_mem>>)
      %dma_wait3A_46 = arith.constant 0 : i32
      %dma_wait3A_47 = arith.constant 0 : i32
      %dma_wait3A_48 = tpu.memref_slice %arg4[%dma_wait3A_46, %dma_wait3A_47] : memref<10000x16xf32, #tpu.memory_space<hbm>> -> memref<10000x16xf32, #tpu.memory_space<hbm>>
      tpu.wait_indirect_dma semaphore(%arg21 : memref<!tpu.dma_semaphore, #tpu.memory_space<semaphore_mem>>) src(%dma_wait3A_48 : memref<10000x16xf32, #tpu.memory_space<hbm>>) dst(%arg19 : memref<80x16xf32, #tpu.memory_space<vmem>>)
      %dma_start3A_49 = arith.constant 0 : i32
      %dma_start3A_50 = arith.constant 0 : i32
      %dma_start3A_51 = tpu.memref_slice %arg2[%dma_start3A_49, %dma_start3A_50] : memref<10000x128xf32, #tpu.memory_space<hbm>> -> memref<10000x128xf32, #tpu.memory_space<hbm>>
      tpu.enqueue_indirect_dma source(%dma_start3A_51 : memref<10000x128xf32, #tpu.memory_space<hbm>>) target(%arg17 : memref<80x128xf32, #tpu.memory_space<vmem>>) offsets(%arg15 : memref<80xi32, #tpu.memory_space<vmem>>) semaphore(%arg21 : memref<!tpu.dma_semaphore, #tpu.memory_space<semaphore_mem>>)
      %dma_wait3A_52 = arith.constant 0 : i32
      %dma_wait3A_53 = arith.constant 0 : i32
      %dma_wait3A_54 = tpu.memref_slice %arg2[%dma_wait3A_52, %dma_wait3A_53] : memref<10000x128xf32, #tpu.memory_space<hbm>> -> memref<10000x128xf32, #tpu.memory_space<hbm>>
      tpu.wait_indirect_dma semaphore(%arg21 : memref<!tpu.dma_semaphore, #tpu.memory_space<semaphore_mem>>) src(%dma_wait3A_54 : memref<10000x128xf32, #tpu.memory_space<hbm>>) dst(%arg17 : memref<80x128xf32, #tpu.memory_space<vmem>>)
      %get3A_55 = arith.constant 0 : index
      %get3A_56 = tpu.vector_load %arg20[%get3A_55] {strides = array<i32>} : memref<16xf32, #tpu.memory_space<vmem>>, vector<16xf32>,
      %get3A_57 = vector.shape_cast %get3A_56 : vector<16xf32> to vector<16xf32>
      %scan3A_58 = arith.constant 0 : i32
      %scan3A_59 = arith.constant 80 : i32
      %scan3A_60 = arith.addi %scan3A_58, %scan3A_59 : i32
      %scan3A_61 = arith.constant 1 : i32
      scf.for %scan3A_63 = %scan3A_58 to %scan3A_60 step %scan3A_61  : i32 {
        %mul3A_64 = arith.constant 1 : i32
        %mul3A_65 = arith.muli %scan3A_63, %mul3A_64 : i32
        %add3A_66 = arith.constant 0 : i32
        %add3A_67 = arith.addi %add3A_66, %mul3A_65 : i32
        %get3A_68 = arith.index_cast %add3A_67 : i32 to index
        %get3A_69 = arith.constant 0 : index
        %get3A_70 = tpu.vector_load %arg18[%get3A_68, %get3A_69] {strides = array<i32>} : memref<80x16xf32, #tpu.memory_space<vmem>>, vector<1x16xf32>,
        %get3A_71 = vector.shape_cast %get3A_70 : vector<1x16xf32> to vector<16xf32>
        %get3A_72 = arith.index_cast %add3A_67 : i32 to index
        %get3A_73 = arith.constant 0 : index
        %get3A_74 = tpu.vector_load %arg19[%get3A_72, %get3A_73] {strides = array<i32>} : memref<80x16xf32, #tpu.memory_space<vmem>>, vector<1x16xf32>,
        %get3A_75 = vector.shape_cast %get3A_74 : vector<1x16xf32> to vector<16xf32>
        %add3A_76 = arith.addf %get3A_71, %get3A_75 : vector<16xf32>
        %mul3A_77 = arith.constant 2.000000e-01 : f32
        %mul3A_78 = vector.broadcast %mul3A_77 : f32 to vector<16xf32>
        %mul3A_79 = arith.mulf %mul3A_78, %add3A_76 : vector<16xf32>
        %max3A = arith.maximumf %add3A_76, %mul3A_79 : vector<16xf32>
        %sub3A = arith.subf %max3A, %get3A_57 : vector<16xf32>
        %exp3A = math.exp %sub3A : vector<16xf32>
        %lt3A = arith.constant 4 : i32
        %lt3A_80 = vector.broadcast %lt3A : i32 to vector<16xi32>
        %lt3A_81 = arith.cmpi slt, %iota3A, %lt3A_80 : vector<16xi32>
        %jit3A = arith.constant 0.000000e+00 : f32
        %broadcast_in_dim3A = vector.broadcast %jit3A : f32 to vector<16xf32>
        %select_n3A = arith.select %lt3A_81, %exp3A, %broadcast_in_dim3A : vector<16xi1>, vector<16xf32>
        %swap3A_82 = arith.index_cast %add3A_67 : i32 to index
        %swap3A_83 = arith.constant 0 : index
        %swap3A_84 = tpu.vector_load %arg18[%swap3A_82, %swap3A_83] {strides = array<i32>} : memref<80x16xf32, #tpu.memory_space<vmem>>, vector<1x16xf32>,
        %swap3A_85 = vector.shape_cast %swap3A_84 : vector<1x16xf32> to vector<16xf32>
        %swap3A_86 = vector.shape_cast %select_n3A : vector<16xf32> to vector<1x16xf32>
        tpu.vector_store %arg18[%swap3A_82, %swap3A_83], %swap3A_86 {strides = array<i32>} : memref<80x16xf32, #tpu.memory_space<vmem>>, vector<1x16xf32>,
        %slice3A = vector.extract_strided_slice %select_n3A {offsets = [0], sizes = [1], strides = [1]} : vector<16xf32> to vector<1xf32>
        %squeeze3A = vector.extract %slice3A[0] : f32 from vector<1xf32>
        %get3A_87 = arith.index_cast %add3A_67 : i32 to index
        %get3A_88 = arith.constant 0 : index
        %get3A_89 = tpu.vector_load %arg17[%get3A_87, %get3A_88] {strides = array<i32>} : memref<80x128xf32, #tpu.memory_space<vmem>>, vector<1x16xf32>,
        %get3A_90 = vector.shape_cast %get3A_89 : vector<1x16xf32> to vector<16xf32>
        %mul3A_91 = vector.broadcast %squeeze3A : f32 to vector<16xf32>
        %mul3A_92 = arith.mulf %get3A_90, %mul3A_91 : vector<16xf32>
        %swap3A_93 = arith.index_cast %add3A_67 : i32 to index
        %swap3A_94 = arith.constant 0 : index
        %swap3A_95 = tpu.vector_load %arg17[%swap3A_93, %swap3A_94] {strides = array<i32>} : memref<80x128xf32, #tpu.memory_space<vmem>>, vector<1x16xf32>,
        %swap3A_96 = vector.shape_cast %swap3A_95 : vector<1x16xf32> to vector<16xf32>
        %swap3A_97 = vector.shape_cast %mul3A_92 : vector<16xf32> to vector<1x16xf32>
        tpu.vector_store %arg17[%swap3A_93, %swap3A_94], %swap3A_97 {strides = array<i32>} : memref<80x128xf32, #tpu.memory_space<vmem>>, vector<1x16xf32>,
        %get3A_98 = arith.index_cast %add3A_67 : i32 to index
        %get3A_99 = arith.constant 16 : index
        %get3A_100 = tpu.vector_load %arg17[%get3A_98, %get3A_99] {strides = array<i32>} : memref<80x128xf32, #tpu.memory_space<vmem>>, vector<1x16xf32>,
        %get3A_101 = vector.shape_cast %get3A_100 : vector<1x16xf32> to vector<16xf32>
        %mul3A_102 = vector.broadcast %squeeze3A : f32 to vector<16xf32>
        %mul3A_103 = arith.mulf %get3A_101, %mul3A_102 : vector<16xf32>
        %swap3A_104 = arith.index_cast %add3A_67 : i32 to index
        %swap3A_105 = arith.constant 16 : index
        %swap3A_106 = tpu.vector_load %arg17[%swap3A_104, %swap3A_105] {strides = array<i32>} : memref<80x128xf32, #tpu.memory_space<vmem>>, vector<1x16xf32>,
        %swap3A_107 = vector.shape_cast %swap3A_106 : vector<1x16xf32> to vector<16xf32>
        %swap3A_108 = vector.shape_cast %mul3A_103 : vector<16xf32> to vector<1x16xf32>
        tpu.vector_store %arg17[%swap3A_104, %swap3A_105], %swap3A_108 {strides = array<i32>} : memref<80x128xf32, #tpu.memory_space<vmem>>, vector<1x16xf32>,
        %slice3A_109 = vector.extract_strided_slice %select_n3A {offsets = [1], sizes = [1], strides = [1]} : vector<16xf32> to vector<1xf32>
        %squeeze3A_110 = vector.extract %slice3A_109[0] : f32 from vector<1xf32>
        %get3A_111 = arith.index_cast %add3A_67 : i32 to index
        %get3A_112 = arith.constant 32 : index
        %get3A_113 = tpu.vector_load %arg17[%get3A_111, %get3A_112] {strides = array<i32>} : memref<80x128xf32, #tpu.memory_space<vmem>>, vector<1x16xf32>,
        %get3A_114 = vector.shape_cast %get3A_113 : vector<1x16xf32> to vector<16xf32>
        %mul3A_115 = vector.broadcast %squeeze3A_110 : f32 to vector<16xf32>
        %mul3A_116 = arith.mulf %get3A_114, %mul3A_115 : vector<16xf32>
        %swap3A_117 = arith.index_cast %add3A_67 : i32 to index
        %swap3A_118 = arith.constant 32 : index
        %swap3A_119 = tpu.vector_load %arg17[%swap3A_117, %swap3A_118] {strides = array<i32>} : memref<80x128xf32, #tpu.memory_space<vmem>>, vector<1x16xf32>,
        %swap3A_120 = vector.shape_cast %swap3A_119 : vector<1x16xf32> to vector<16xf32>
        %swap3A_121 = vector.shape_cast %mul3A_116 : vector<16xf32> to vector<1x16xf32>
        tpu.vector_store %arg17[%swap3A_117, %swap3A_118], %swap3A_121 {strides = array<i32>} : memref<80x128xf32, #tpu.memory_space<vmem>>, vector<1x16xf32>,
        %get3A_122 = arith.index_cast %add3A_67 : i32 to index
        %get3A_123 = arith.constant 48 : index
        %get3A_124 = tpu.vector_load %arg17[%get3A_122, %get3A_123] {strides = array<i32>} : memref<80x128xf32, #tpu.memory_space<vmem>>, vector<1x16xf32>,
        %get3A_125 = vector.shape_cast %get3A_124 : vector<1x16xf32> to vector<16xf32>
        %mul3A_126 = vector.broadcast %squeeze3A_110 : f32 to vector<16xf32>
        %mul3A_127 = arith.mulf %get3A_125, %mul3A_126 : vector<16xf32>
        %swap3A_128 = arith.index_cast %add3A_67 : i32 to index
        %swap3A_129 = arith.constant 48 : index
        %swap3A_130 = tpu.vector_load %arg17[%swap3A_128, %swap3A_129] {strides = array<i32>} : memref<80x128xf32, #tpu.memory_space<vmem>>, vector<1x16xf32>,
        %swap3A_131 = vector.shape_cast %swap3A_130 : vector<1x16xf32> to vector<16xf32>
        %swap3A_132 = vector.shape_cast %mul3A_127 : vector<16xf32> to vector<1x16xf32>
        tpu.vector_store %arg17[%swap3A_128, %swap3A_129], %swap3A_132 {strides = array<i32>} : memref<80x128xf32, #tpu.memory_space<vmem>>, vector<1x16xf32>,
        %slice3A_133 = vector.extract_strided_slice %select_n3A {offsets = [2], sizes = [1], strides = [1]} : vector<16xf32> to vector<1xf32>
        %squeeze3A_134 = vector.extract %slice3A_133[0] : f32 from vector<1xf32>
        %get3A_135 = arith.index_cast %add3A_67 : i32 to index
        %get3A_136 = arith.constant 64 : index
        %get3A_137 = tpu.vector_load %arg17[%get3A_135, %get3A_136] {strides = array<i32>} : memref<80x128xf32, #tpu.memory_space<vmem>>, vector<1x16xf32>,
        %get3A_138 = vector.shape_cast %get3A_137 : vector<1x16xf32> to vector<16xf32>
        %mul3A_139 = vector.broadcast %squeeze3A_134 : f32 to vector<16xf32>
        %mul3A_140 = arith.mulf %get3A_138, %mul3A_139 : vector<16xf32>
        %swap3A_141 = arith.index_cast %add3A_67 : i32 to index
        %swap3A_142 = arith.constant 64 : index
        %swap3A_143 = tpu.vector_load %arg17[%swap3A_141, %swap3A_142] {strides = array<i32>} : memref<80x128xf32, #tpu.memory_space<vmem>>, vector<1x16xf32>,
        %swap3A_144 = vector.shape_cast %swap3A_143 : vector<1x16xf32> to vector<16xf32>
        %swap3A_145 = vector.shape_cast %mul3A_140 : vector<16xf32> to vector<1x16xf32>
        tpu.vector_store %arg17[%swap3A_141, %swap3A_142], %swap3A_145 {strides = array<i32>} : memref<80x128xf32, #tpu.memory_space<vmem>>, vector<1x16xf32>,
        %get3A_146 = arith.index_cast %add3A_67 : i32 to index
        %get3A_147 = arith.constant 80 : index
        %get3A_148 = tpu.vector_load %arg17[%get3A_146, %get3A_147] {strides = array<i32>} : memref<80x128xf32, #tpu.memory_space<vmem>>, vector<1x16xf32>,
        %get3A_149 = vector.shape_cast %get3A_148 : vector<1x16xf32> to vector<16xf32>
        %mul3A_150 = vector.broadcast %squeeze3A_134 : f32 to vector<16xf32>
        %mul3A_151 = arith.mulf %get3A_149, %mul3A_150 : vector<16xf32>
        %swap3A_152 = arith.index_cast %add3A_67 : i32 to index
        %swap3A_153 = arith.constant 80 : index
        %swap3A_154 = tpu.vector_load %arg17[%swap3A_152, %swap3A_153] {strides = array<i32>} : memref<80x128xf32, #tpu.memory_space<vmem>>, vector<1x16xf32>,
        %swap3A_155 = vector.shape_cast %swap3A_154 : vector<1x16xf32> to vector<16xf32>
        %swap3A_156 = vector.shape_cast %mul3A_151 : vector<16xf32> to vector<1x16xf32>
        tpu.vector_store %arg17[%swap3A_152, %swap3A_153], %swap3A_156 {strides = array<i32>} : memref<80x128xf32, #tpu.memory_space<vmem>>, vector<1x16xf32>,
        %slice3A_157 = vector.extract_strided_slice %select_n3A {offsets = [3], sizes = [1], strides = [1]} : vector<16xf32> to vector<1xf32>
        %squeeze3A_158 = vector.extract %slice3A_157[0] : f32 from vector<1xf32>
        %get3A_159 = arith.index_cast %add3A_67 : i32 to index
        %get3A_160 = arith.constant 96 : index
        %get3A_161 = tpu.vector_load %arg17[%get3A_159, %get3A_160] {strides = array<i32>} : memref<80x128xf32, #tpu.memory_space<vmem>>, vector<1x16xf32>,
        %get3A_162 = vector.shape_cast %get3A_161 : vector<1x16xf32> to vector<16xf32>
        %mul3A_163 = vector.broadcast %squeeze3A_158 : f32 to vector<16xf32>
        %mul3A_164 = arith.mulf %get3A_162, %mul3A_163 : vector<16xf32>
        %swap3A_165 = arith.index_cast %add3A_67 : i32 to index
        %swap3A_166 = arith.constant 96 : index
        %swap3A_167 = tpu.vector_load %arg17[%swap3A_165, %swap3A_166] {strides = array<i32>} : memref<80x128xf32, #tpu.memory_space<vmem>>, vector<1x16xf32>,
        %swap3A_168 = vector.shape_cast %swap3A_167 : vector<1x16xf32> to vector<16xf32>
        %swap3A_169 = vector.shape_cast %mul3A_164 : vector<16xf32> to vector<1x16xf32>
        tpu.vector_store %arg17[%swap3A_165, %swap3A_166], %swap3A_169 {strides = array<i32>} : memref<80x128xf32, #tpu.memory_space<vmem>>, vector<1x16xf32>,
        %get3A_170 = arith.index_cast %add3A_67 : i32 to index
        %get3A_171 = arith.constant 112 : index
        %get3A_172 = tpu.vector_load %arg17[%get3A_170, %get3A_171] {strides = array<i32>} : memref<80x128xf32, #tpu.memory_space<vmem>>, vector<1x16xf32>,
        %get3A_173 = vector.shape_cast %get3A_172 : vector<1x16xf32> to vector<16xf32>
        %mul3A_174 = vector.broadcast %squeeze3A_158 : f32 to vector<16xf32>
        %mul3A_175 = arith.mulf %get3A_173, %mul3A_174 : vector<16xf32>
        %swap3A_176 = arith.index_cast %add3A_67 : i32 to index
        %swap3A_177 = arith.constant 112 : index
        %swap3A_178 = tpu.vector_load %arg17[%swap3A_176, %swap3A_177] {strides = array<i32>} : memref<80x128xf32, #tpu.memory_space<vmem>>, vector<1x16xf32>,
        %swap3A_179 = vector.shape_cast %swap3A_178 : vector<1x16xf32> to vector<16xf32>
        %swap3A_180 = vector.shape_cast %mul3A_175 : vector<16xf32> to vector<1x16xf32>
        tpu.vector_store %arg17[%swap3A_176, %swap3A_177], %swap3A_180 {strides = array<i32>} : memref<80x128xf32, #tpu.memory_space<vmem>>, vector<1x16xf32>,
      }
      %scan3A_62 = arith.constant 80 : i32
      "tpu.region"() ({
        %run_scoped3A_63 = tpu.sem_alloc : memref<!tpu.dma_semaphore, #tpu.memory_space<semaphore_mem>>
        %dma_start3A_64 = arith.constant 0 : i32
        %dma_start3A_65 = arith.constant 0 : i32
        %dma_start3A_66 = tpu.memref_slice %arg13[%dma_start3A_64, %dma_start3A_65] : memref<10240x128xf32, #tpu.memory_space<vmem_shared>> -> memref<10240x128xf32, #tpu.memory_space<vmem_shared>>
        tpu.enqueue_indirect_dma source(%arg17 : memref<80x128xf32, #tpu.memory_space<vmem>>) target(%dma_start3A_66 : memref<10240x128xf32, #tpu.memory_space<vmem_shared>>) offsets(%arg16 : memref<80xi32, #tpu.memory_space<vmem>>) semaphore(%run_scoped3A_63 : memref<!tpu.dma_semaphore, #tpu.memory_space<semaphore_mem>>) {add = true}
        %dma_wait3A_67 = arith.constant 0 : i32
        %dma_wait3A_68 = arith.constant 0 : i32
        %dma_wait3A_69 = tpu.memref_slice %arg13[%dma_wait3A_67, %dma_wait3A_68] : memref<10240x128xf32, #tpu.memory_space<vmem_shared>> -> memref<10240x128xf32, #tpu.memory_space<vmem_shared>>
        tpu.wait_indirect_dma semaphore(%run_scoped3A_63 : memref<!tpu.dma_semaphore, #tpu.memory_space<semaphore_mem>>) src(%arg17 : memref<80x128xf32, #tpu.memory_space<vmem>>) dst(%dma_wait3A_69 : memref<10240x128xf32, #tpu.memory_space<vmem_shared>>)
        tpu.yield
      }) : () -> ()
      "tpu.region"() ({
        %run_scoped3A_63 = tpu.sem_alloc : memref<!tpu.dma_semaphore, #tpu.memory_space<semaphore_mem>>
        %dma_start3A_64 = arith.constant 0 : i32
        %dma_start3A_65 = arith.constant 0 : i32
        %dma_start3A_66 = tpu.memref_slice %arg14[%dma_start3A_64, %dma_start3A_65] : memref<10240x16xf32, #tpu.memory_space<vmem_shared>> -> memref<10240x16xf32, #tpu.memory_space<vmem_shared>>
        tpu.enqueue_indirect_dma source(%arg18 : memref<80x16xf32, #tpu.memory_space<vmem>>) target(%dma_start3A_66 : memref<10240x16xf32, #tpu.memory_space<vmem_shared>>) offsets(%arg16 : memref<80xi32, #tpu.memory_space<vmem>>) semaphore(%run_scoped3A_63 : memref<!tpu.dma_semaphore, #tpu.memory_space<semaphore_mem>>) {add = true}
        %dma_wait3A_67 = arith.constant 0 : i32
        %dma_wait3A_68 = arith.constant 0 : i32
        %dma_wait3A_69 = tpu.memref_slice %arg14[%dma_wait3A_67, %dma_wait3A_68] : memref<10240x16xf32, #tpu.memory_space<vmem_shared>> -> memref<10240x16xf32, #tpu.memory_space<vmem_shared>>
        tpu.wait_indirect_dma semaphore(%run_scoped3A_63 : memref<!tpu.dma_semaphore, #tpu.memory_space<semaphore_mem>>) src(%arg18 : memref<80x16xf32, #tpu.memory_space<vmem>>) dst(%dma_wait3A_69 : memref<10240x16xf32, #tpu.memory_space<vmem_shared>>)
        tpu.yield
      }) : () -> ()
    }
    %scan3A_21 = arith.constant 125 : i32
    %barrier3A_22 = arith.constant 0 : index
    tpu.barrier barrier_id(%barrier3A_22)
    %mul3A_23 = arith.constant 640 : i32
    %mul3A_24 = arith.muli %arg1, %mul3A_23 : i32
    %mul3A_25 = arith.constant 640 : i32
    %mul3A_26 = arith.muli %arg1, %mul3A_25 : i32
    "tpu.region"() ({
      %run_scoped3A_31 = tpu.sem_alloc : memref<!tpu.dma_semaphore, #tpu.memory_space<semaphore_mem>>
      %dma_start3A = arith.constant 0 : i32
      %dma_start3A_32 = tpu.memref_slice %arg11[%arg0, %mul3A_26, %dma_start3A] : memref<2x10240x128xf32, #tpu.memory_space<hbm>> -> memref<1x640x128xf32, #tpu.memory_space<hbm>>
      %dma_start3A_33 = tpu.memref_squeeze %dma_start3A_32 : memref<1x640x128xf32, #tpu.memory_space<hbm>> -> memref<640x128xf32, #tpu.memory_space<hbm>>
      %dma_start3A_34 = arith.constant 0 : i32
      %dma_start3A_35 = tpu.memref_slice %arg13[%mul3A_24, %dma_start3A_34] : memref<10240x128xf32, #tpu.memory_space<vmem_shared>> -> memref<640x128xf32, #tpu.memory_space<vmem_shared>>
      tpu.enqueue_dma source(%dma_start3A_35 : memref<640x128xf32, #tpu.memory_space<vmem_shared>>) target(%dma_start3A_33 : memref<640x128xf32, #tpu.memory_space<hbm>>) target_semaphore(%run_scoped3A_31 : memref<!tpu.dma_semaphore, #tpu.memory_space<semaphore_mem>>)
      %dma_wait3A = arith.constant 0 : i32
      %dma_wait3A_36 = tpu.memref_slice %arg11[%arg0, %mul3A_26, %dma_wait3A] : memref<2x10240x128xf32, #tpu.memory_space<hbm>> -> memref<1x640x128xf32, #tpu.memory_space<hbm>>
      %dma_wait3A_37 = tpu.memref_squeeze %dma_wait3A_36 : memref<1x640x128xf32, #tpu.memory_space<hbm>> -> memref<640x128xf32, #tpu.memory_space<hbm>>
      %dma_wait3A_38 = arith.constant 0 : i32
      %dma_wait3A_39 = tpu.memref_slice %arg13[%mul3A_24, %dma_wait3A_38] : memref<10240x128xf32, #tpu.memory_space<vmem_shared>> -> memref<640x128xf32, #tpu.memory_space<vmem_shared>>
      tpu.wait_dma2 semaphore(%run_scoped3A_31 : memref<!tpu.dma_semaphore, #tpu.memory_space<semaphore_mem>>) src(%dma_wait3A_39 : memref<640x128xf32, #tpu.memory_space<vmem_shared>>) dst(%dma_wait3A_37 : memref<640x128xf32, #tpu.memory_space<hbm>>)
      tpu.yield
    }) : () -> ()
    %mul3A_27 = arith.constant 640 : i32
    %mul3A_28 = arith.muli %arg1, %mul3A_27 : i32
    %mul3A_29 = arith.constant 640 : i32
    %mul3A_30 = arith.muli %arg1, %mul3A_29 : i32
    "tpu.region"() ({
      %run_scoped3A_31 = tpu.sem_alloc : memref<!tpu.dma_semaphore, #tpu.memory_space<semaphore_mem>>
      %dma_start3A = arith.constant 0 : i32
      %dma_start3A_32 = tpu.memref_slice %arg12[%arg0, %mul3A_30, %dma_start3A] : memref<2x10240x16xf32, #tpu.memory_space<hbm>> -> memref<1x640x16xf32, #tpu.memory_space<hbm>>
      %dma_start3A_33 = tpu.memref_squeeze %dma_start3A_32 : memref<1x640x16xf32, #tpu.memory_space<hbm>> -> memref<640x16xf32, #tpu.memory_space<hbm>>
      %dma_start3A_34 = arith.constant 0 : i32
      %dma_start3A_35 = tpu.memref_slice %arg14[%mul3A_28, %dma_start3A_34] : memref<10240x16xf32, #tpu.memory_space<vmem_shared>> -> memref<640x16xf32, #tpu.memory_space<vmem_shared>>
      tpu.enqueue_dma source(%dma_start3A_35 : memref<640x16xf32, #tpu.memory_space<vmem_shared>>) target(%dma_start3A_33 : memref<640x16xf32, #tpu.memory_space<hbm>>) target_semaphore(%run_scoped3A_31 : memref<!tpu.dma_semaphore, #tpu.memory_space<semaphore_mem>>)
      %dma_wait3A = arith.constant 0 : i32
      %dma_wait3A_36 = tpu.memref_slice %arg12[%arg0, %mul3A_30, %dma_wait3A] : memref<2x10240x16xf32, #tpu.memory_space<hbm>> -> memref<1x640x16xf32, #tpu.memory_space<hbm>>
      %dma_wait3A_37 = tpu.memref_squeeze %dma_wait3A_36 : memref<1x640x16xf32, #tpu.memory_space<hbm>> -> memref<640x16xf32, #tpu.memory_space<hbm>>
      %dma_wait3A_38 = arith.constant 0 : i32
      %dma_wait3A_39 = tpu.memref_slice %arg14[%mul3A_28, %dma_wait3A_38] : memref<10240x16xf32, #tpu.memory_space<vmem_shared>> -> memref<640x16xf32, #tpu.memory_space<vmem_shared>>
      tpu.wait_dma2 semaphore(%run_scoped3A_31 : memref<!tpu.dma_semaphore, #tpu.memory_space<semaphore_mem>>) src(%dma_wait3A_39 : memref<640x16xf32, #tpu.memory_space<vmem_shared>>) dst(%dma_wait3A_37 : memref<640x16xf32, #tpu.memory_space<hbm>>)
      tpu.yield
    }) : () -> ()
    return
  }
}

#map = affine_map<(d0, d1) -> (0, 0)>
#map1 = affine_map<(d0, d1) -> (0)>
#map2 = affine_map<(d0, d1) -> (0, 0, 0)>
module attributes {stable_mosaic.version = 14 : i64} {
  func.func @_gat_body(%arg0: i32, %arg1: i32, %arg2: memref<10000x128xf32, #tpu.memory_space<hbm>>, %arg3: memref<10000x16xf32, #tpu.memory_space<hbm>>, %arg4: memref<10000x16xf32, #tpu.memory_space<hbm>>, %arg5: memref<16xf32, #tpu.memory_space<hbm>>, %arg6: memref<16xf32, #tpu.memory_space<hbm>>, %arg7: memref<320000xi32, #tpu.memory_space<hbm>>, %arg8: memref<320000xi32, #tpu.memory_space<hbm>>, %arg9: memref<640x128xf32, #tpu.memory_space<hbm>>, %arg10: memref<640x16xf32, #tpu.memory_space<hbm>>, %arg11: memref<2x10240x128xf32, #tpu.memory_space<hbm>>, %arg12: memref<2x10240x16xf32, #tpu.memory_space<hbm>>, %arg13: memref<10240x128xf32, #tpu.memory_space<vmem_shared>>, %arg14: memref<10240x16xf32, #tpu.memory_space<vmem_shared>>, %arg15: memref<80xi32, #tpu.memory_space<vmem>>, %arg16: memref<80xi32, #tpu.memory_space<vmem>>, %arg17: memref<80x128xf32, #tpu.memory_space<vmem>>, %arg18: memref<80x16xf32, #tpu.memory_space<vmem>>, %arg19: memref<80x16xf32, #tpu.memory_space<vmem>>, %arg20: memref<16xf32, #tpu.memory_space<vmem>>, %arg21: memref<!tpu.dma_semaphore, #tpu.memory_space<semaphore_mem>>) attributes {dimension_semantics = [#tpu.dimension_semantics<core_parallel>, #tpu.dimension_semantics<subcore_parallel>], iteration_bounds = array<i64: 2, 16>, scalar_prefetch = 0 : i64, scratch_operands = 9 : i64, tpu.core_type = #tpu.core_type<sc_vector_subcore>, window_params = [{transform_indices = #map}, {transform_indices = #map}, {transform_indices = #map}, {transform_indices = #map1}, {transform_indices = #map1}, {transform_indices = #map1}, {transform_indices = #map1}, {transform_indices = #map}, {transform_indices = #map}, {transform_indices = #map2}, {transform_indices = #map2}]} {
    %mul3A = arith.constant 16 : i32
    %mul3A_0 = arith.muli %arg0, %mul3A : i32
    %add3A = arith.addi %mul3A_0, %arg1 : i32
    %mul3A_1 = arith.constant 640 : i32
    %mul3A_2 = arith.muli %arg1, %mul3A_1 : i32
    "tpu.region"() ({
      %run_scoped3A_31 = tpu.sem_alloc : memref<!tpu.dma_semaphore, #tpu.memory_space<semaphore_mem>>
      %dma_start3A = arith.constant 0 : i32
      %dma_start3A_32 = tpu.memref_slice %arg13[%mul3A_2, %dma_start3A] : memref<10240x128xf32, #tpu.memory_space<vmem_shared>> -> memref<640x128xf32, #tpu.memory_space<vmem_shared>>
      tpu.enqueue_dma source(%arg9 : memref<640x128xf32, #tpu.memory_space<hbm>>) target(%dma_start3A_32 : memref<640x128xf32, #tpu.memory_space<vmem_shared>>) target_semaphore(%run_scoped3A_31 : memref<!tpu.dma_semaphore, #tpu.memory_space<semaphore_mem>>)
      %dma_wait3A = arith.constant 0 : i32
      %dma_wait3A_33 = tpu.memref_slice %arg13[%mul3A_2, %dma_wait3A] : memref<10240x128xf32, #tpu.memory_space<vmem_shared>> -> memref<640x128xf32, #tpu.memory_space<vmem_shared>>
      tpu.wait_dma2 semaphore(%run_scoped3A_31 : memref<!tpu.dma_semaphore, #tpu.memory_space<semaphore_mem>>) src(%arg9 : memref<640x128xf32, #tpu.memory_space<hbm>>) dst(%dma_wait3A_33 : memref<640x128xf32, #tpu.memory_space<vmem_shared>>)
      tpu.yield
    }) : () -> ()
    %mul3A_3 = arith.constant 640 : i32
    %mul3A_4 = arith.muli %arg1, %mul3A_3 : i32
    "tpu.region"() ({
      %run_scoped3A_31 = tpu.sem_alloc : memref<!tpu.dma_semaphore, #tpu.memory_space<semaphore_mem>>
      %dma_start3A = arith.constant 0 : i32
      %dma_start3A_32 = tpu.memref_slice %arg14[%mul3A_4, %dma_start3A] : memref<10240x16xf32, #tpu.memory_space<vmem_shared>> -> memref<640x16xf32, #tpu.memory_space<vmem_shared>>
      tpu.enqueue_dma source(%arg10 : memref<640x16xf32, #tpu.memory_space<hbm>>) target(%dma_start3A_32 : memref<640x16xf32, #tpu.memory_space<vmem_shared>>) target_semaphore(%run_scoped3A_31 : memref<!tpu.dma_semaphore, #tpu.memory_space<semaphore_mem>>)
      %dma_wait3A = arith.constant 0 : i32
      %dma_wait3A_33 = tpu.memref_slice %arg14[%mul3A_4, %dma_wait3A] : memref<10240x16xf32, #tpu.memory_space<vmem_shared>> -> memref<640x16xf32, #tpu.memory_space<vmem_shared>>
      tpu.wait_dma2 semaphore(%run_scoped3A_31 : memref<!tpu.dma_semaphore, #tpu.memory_space<semaphore_mem>>) src(%arg10 : memref<640x16xf32, #tpu.memory_space<hbm>>) dst(%dma_wait3A_33 : memref<640x16xf32, #tpu.memory_space<vmem_shared>>)
      tpu.yield
    }) : () -> ()
    "tpu.region"() ({
      %run_scoped3A_31 = tpu.sem_alloc : memref<!tpu.dma_semaphore, #tpu.memory_space<semaphore_mem>>
      tpu.enqueue_dma source(%arg5 : memref<16xf32, #tpu.memory_space<hbm>>) target(%arg20 : memref<16xf32, #tpu.memory_space<vmem>>) target_semaphore(%run_scoped3A_31 : memref<!tpu.dma_semaphore, #tpu.memory_space<semaphore_mem>>)
      tpu.wait_dma2 semaphore(%run_scoped3A_31 : memref<!tpu.dma_semaphore, #tpu.memory_space<semaphore_mem>>) src(%arg5 : memref<16xf32, #tpu.memory_space<hbm>>) dst(%arg20 : memref<16xf32, #tpu.memory_space<vmem>>)
      tpu.yield
    }) : () -> ()
    %run_scoped3A = arith.constant 0 : i32
    "tpu.region"() ({
      %run_scoped3A_31 = tpu.sem_alloc : memref<!tpu.dma_semaphore, #tpu.memory_space<semaphore_mem>>
      %dma_start3A = arith.constant 0 : i32
      %dma_start3A_32 = tpu.memref_slice %arg18[%run_scoped3A, %dma_start3A] : memref<80x16xf32, #tpu.memory_space<vmem>> -> memref<1x16xf32, #tpu.memory_space<vmem>>
      %dma_start3A_33 = tpu.memref_squeeze %dma_start3A_32 : memref<1x16xf32, #tpu.memory_space<vmem>> -> memref<16xf32, #tpu.memory_space<vmem>>
      %dma_start3A_34 = arith.constant 0 : i32
      %dma_start3A_35 = tpu.memref_slice %arg18[%run_scoped3A, %dma_start3A_34] : memref<80x16xf32, #tpu.memory_space<vmem>> -> memref<1x16xf32, #tpu.memory_space<vmem>>
      %dma_start3A_36 = tpu.memref_squeeze %dma_start3A_35 : memref<1x16xf32, #tpu.memory_space<vmem>> -> memref<16xf32, #tpu.memory_space<vmem>>
      tpu.enqueue_dma source(%arg6 : memref<16xf32, #tpu.memory_space<hbm>>) target(%dma_start3A_36 : memref<16xf32, #tpu.memory_space<vmem>>) target_semaphore(%run_scoped3A_31 : memref<!tpu.dma_semaphore, #tpu.memory_space<semaphore_mem>>)
      %dma_wait3A = arith.constant 0 : i32
      %dma_wait3A_37 = tpu.memref_slice %arg18[%run_scoped3A, %dma_wait3A] : memref<80x16xf32, #tpu.memory_space<vmem>> -> memref<1x16xf32, #tpu.memory_space<vmem>>
      %dma_wait3A_38 = tpu.memref_squeeze %dma_wait3A_37 : memref<1x16xf32, #tpu.memory_space<vmem>> -> memref<16xf32, #tpu.memory_space<vmem>>
      %dma_wait3A_39 = arith.constant 0 : i32
      %dma_wait3A_40 = tpu.memref_slice %arg18[%run_scoped3A, %dma_wait3A_39] : memref<80x16xf32, #tpu.memory_space<vmem>> -> memref<1x16xf32, #tpu.memory_space<vmem>>
      %dma_wait3A_41 = tpu.memref_squeeze %dma_wait3A_40 : memref<1x16xf32, #tpu.memory_space<vmem>> -> memref<16xf32, #tpu.memory_space<vmem>>
      tpu.wait_dma2 semaphore(%run_scoped3A_31 : memref<!tpu.dma_semaphore, #tpu.memory_space<semaphore_mem>>) src(%arg6 : memref<16xf32, #tpu.memory_space<hbm>>) dst(%dma_wait3A_41 : memref<16xf32, #tpu.memory_space<vmem>>)
      tpu.yield
    }) : () -> ()
    %barrier3A = arith.constant 0 : index
    tpu.barrier barrier_id(%barrier3A)
    %get3A = arith.constant 0 : index
    %get3A_5 = tpu.vector_load %arg20[%get3A] {strides = array<i32>} : memref<16xf32, #tpu.memory_space<vmem>>, vector<16xf32>,
    %get3A_6 = vector.shape_cast %get3A_5 : vector<16xf32> to vector<16xf32>
    %get3A_7 = arith.constant 0 : i32
    %get3A_8 = arith.index_cast %get3A_7 : i32 to index
    %get3A_9 = arith.constant 0 : index
    %get3A_10 = tpu.vector_load %arg18[%get3A_8, %get3A_9] {strides = array<i32>} : memref<80x16xf32, #tpu.memory_space<vmem>>, vector<1x16xf32>,
    %get3A_11 = vector.shape_cast %get3A_10 : vector<1x16xf32> to vector<16xf32>
    %add3A_12 = arith.addf %get3A_6, %get3A_11 : vector<16xf32>
    %swap3A = arith.constant 0 : index
    %swap3A_13 = tpu.vector_load %arg20[%swap3A] {strides = array<i32>} : memref<16xf32, #tpu.memory_space<vmem>>, vector<16xf32>,
    %swap3A_14 = vector.shape_cast %swap3A_13 : vector<16xf32> to vector<16xf32>
    %swap3A_15 = vector.shape_cast %add3A_12 : vector<16xf32> to vector<16xf32>
    tpu.vector_store %arg20[%swap3A], %swap3A_15 {strides = array<i32>} : memref<16xf32, #tpu.memory_space<vmem>>, vector<16xf32>,
    %iota3A = tpu.iota {dimensions = array<i32: 0>} : vector<16xi32>
    %mul3A_16 = arith.constant 10000 : i32
    %mul3A_17 = arith.muli %add3A, %mul3A_16 : i32
    %scan3A = arith.constant 0 : i32
    %scan3A_18 = arith.constant 125 : i32
    %scan3A_19 = arith.addi %scan3A, %scan3A_18 : i32
    %scan3A_20 = arith.constant 1 : i32
    scf.for %scan3A_31 = %scan3A to %scan3A_19 step %scan3A_20  : i32 {
      %mul3A_32 = arith.constant 1 : i32
      %mul3A_33 = arith.muli %scan3A_31, %mul3A_32 : i32
      %add3A_34 = arith.constant 0 : i32
      %add3A_35 = arith.addi %add3A_34, %mul3A_33 : i32
      %mul3A_36 = arith.constant 80 : i32
      %mul3A_37 = arith.muli %add3A_35, %mul3A_36 : i32
      %add3A_38 = arith.addi %mul3A_17, %mul3A_37 : i32
      "tpu.region"() ({
        %run_scoped3A_63 = tpu.sem_alloc : memref<!tpu.dma_semaphore, #tpu.memory_space<semaphore_mem>>
        %dma_start3A_64 = tpu.memref_slice %arg7[%add3A_38] : memref<320000xi32, #tpu.memory_space<hbm>> -> memref<80xi32, #tpu.memory_space<hbm>>
        %dma_start3A_65 = tpu.memref_slice %arg7[%add3A_38] : memref<320000xi32, #tpu.memory_space<hbm>> -> memref<80xi32, #tpu.memory_space<hbm>>
        tpu.enqueue_dma source(%dma_start3A_65 : memref<80xi32, #tpu.memory_space<hbm>>) target(%arg15 : memref<80xi32, #tpu.memory_space<vmem>>) target_semaphore(%run_scoped3A_63 : memref<!tpu.dma_semaphore, #tpu.memory_space<semaphore_mem>>)
        %dma_wait3A_66 = tpu.memref_slice %arg7[%add3A_38] : memref<320000xi32, #tpu.memory_space<hbm>> -> memref<80xi32, #tpu.memory_space<hbm>>
        %dma_wait3A_67 = tpu.memref_slice %arg7[%add3A_38] : memref<320000xi32, #tpu.memory_space<hbm>> -> memref<80xi32, #tpu.memory_space<hbm>>
        tpu.wait_dma2 semaphore(%run_scoped3A_63 : memref<!tpu.dma_semaphore, #tpu.memory_space<semaphore_mem>>) src(%dma_wait3A_67 : memref<80xi32, #tpu.memory_space<hbm>>) dst(%arg15 : memref<80xi32, #tpu.memory_space<vmem>>)
        tpu.yield
      }) : () -> ()
      "tpu.region"() ({
        %run_scoped3A_63 = tpu.sem_alloc : memref<!tpu.dma_semaphore, #tpu.memory_space<semaphore_mem>>
        %dma_start3A_64 = tpu.memref_slice %arg8[%add3A_38] : memref<320000xi32, #tpu.memory_space<hbm>> -> memref<80xi32, #tpu.memory_space<hbm>>
        %dma_start3A_65 = tpu.memref_slice %arg8[%add3A_38] : memref<320000xi32, #tpu.memory_space<hbm>> -> memref<80xi32, #tpu.memory_space<hbm>>
        tpu.enqueue_dma source(%dma_start3A_65 : memref<80xi32, #tpu.memory_space<hbm>>) target(%arg16 : memref<80xi32, #tpu.memory_space<vmem>>) target_semaphore(%run_scoped3A_63 : memref<!tpu.dma_semaphore, #tpu.memory_space<semaphore_mem>>)
        %dma_wait3A_66 = tpu.memref_slice %arg8[%add3A_38] : memref<320000xi32, #tpu.memory_space<hbm>> -> memref<80xi32, #tpu.memory_space<hbm>>
        %dma_wait3A_67 = tpu.memref_slice %arg8[%add3A_38] : memref<320000xi32, #tpu.memory_space<hbm>> -> memref<80xi32, #tpu.memory_space<hbm>>
        tpu.wait_dma2 semaphore(%run_scoped3A_63 : memref<!tpu.dma_semaphore, #tpu.memory_space<semaphore_mem>>) src(%dma_wait3A_67 : memref<80xi32, #tpu.memory_space<hbm>>) dst(%arg16 : memref<80xi32, #tpu.memory_space<vmem>>)
        tpu.yield
      }) : () -> ()
      %dma_start3A = arith.constant 0 : i32
      %dma_start3A_39 = arith.constant 0 : i32
      %dma_start3A_40 = tpu.memref_slice %arg3[%dma_start3A, %dma_start3A_39] : memref<10000x16xf32, #tpu.memory_space<hbm>> -> memref<10000x16xf32, #tpu.memory_space<hbm>>
      tpu.enqueue_indirect_dma source(%dma_start3A_40 : memref<10000x16xf32, #tpu.memory_space<hbm>>) target(%arg18 : memref<80x16xf32, #tpu.memory_space<vmem>>) offsets(%arg15 : memref<80xi32, #tpu.memory_space<vmem>>) semaphore(%arg21 : memref<!tpu.dma_semaphore, #tpu.memory_space<semaphore_mem>>)
      %dma_wait3A = arith.constant 0 : i32
      %dma_wait3A_41 = arith.constant 0 : i32
      %dma_wait3A_42 = tpu.memref_slice %arg3[%dma_wait3A, %dma_wait3A_41] : memref<10000x16xf32, #tpu.memory_space<hbm>> -> memref<10000x16xf32, #tpu.memory_space<hbm>>
      tpu.wait_indirect_dma semaphore(%arg21 : memref<!tpu.dma_semaphore, #tpu.memory_space<semaphore_mem>>) src(%dma_wait3A_42 : memref<10000x16xf32, #tpu.memory_space<hbm>>) dst(%arg18 : memref<80x16xf32, #tpu.memory_space<vmem>>)
      %dma_start3A_43 = arith.constant 0 : i32
      %dma_start3A_44 = arith.constant 0 : i32
      %dma_start3A_45 = tpu.memref_slice %arg4[%dma_start3A_43, %dma_start3A_44] : memref<10000x16xf32, #tpu.memory_space<hbm>> -> memref<10000x16xf32, #tpu.memory_space<hbm>>
      tpu.enqueue_indirect_dma source(%dma_start3A_45 : memref<10000x16xf32, #tpu.memory_space<hbm>>) target(%arg19 : memref<80x16xf32, #tpu.memory_space<vmem>>) offsets(%arg16 : memref<80xi32, #tpu.memory_space<vmem>>) semaphore(%arg21 : memref<!tpu.dma_semaphore, #tpu.memory_space<semaphore_mem>>)
      %dma_wait3A_46 = arith.constant 0 : i32
      %dma_wait3A_47 = arith.constant 0 : i32
      %dma_wait3A_48 = tpu.memref_slice %arg4[%dma_wait3A_46, %dma_wait3A_47] : memref<10000x16xf32, #tpu.memory_space<hbm>> -> memref<10000x16xf32, #tpu.memory_space<hbm>>
      tpu.wait_indirect_dma semaphore(%arg21 : memref<!tpu.dma_semaphore, #tpu.memory_space<semaphore_mem>>) src(%dma_wait3A_48 : memref<10000x16xf32, #tpu.memory_space<hbm>>) dst(%arg19 : memref<80x16xf32, #tpu.memory_space<vmem>>)
      %dma_start3A_49 = arith.constant 0 : i32
      %dma_start3A_50 = arith.constant 0 : i32
      %dma_start3A_51 = tpu.memref_slice %arg2[%dma_start3A_49, %dma_start3A_50] : memref<10000x128xf32, #tpu.memory_space<hbm>> -> memref<10000x128xf32, #tpu.memory_space<hbm>>
      tpu.enqueue_indirect_dma source(%dma_start3A_51 : memref<10000x128xf32, #tpu.memory_space<hbm>>) target(%arg17 : memref<80x128xf32, #tpu.memory_space<vmem>>) offsets(%arg15 : memref<80xi32, #tpu.memory_space<vmem>>) semaphore(%arg21 : memref<!tpu.dma_semaphore, #tpu.memory_space<semaphore_mem>>)
      %dma_wait3A_52 = arith.constant 0 : i32
      %dma_wait3A_53 = arith.constant 0 : i32
      %dma_wait3A_54 = tpu.memref_slice %arg2[%dma_wait3A_52, %dma_wait3A_53] : memref<10000x128xf32, #tpu.memory_space<hbm>> -> memref<10000x128xf32, #tpu.memory_space<hbm>>
      tpu.wait_indirect_dma semaphore(%arg21 : memref<!tpu.dma_semaphore, #tpu.memory_space<semaphore_mem>>) src(%dma_wait3A_54 : memref<10000x128xf32, #tpu.memory_space<hbm>>) dst(%arg17 : memref<80x128xf32, #tpu.memory_space<vmem>>)
      %get3A_55 = arith.constant 0 : index
      %get3A_56 = tpu.vector_load %arg20[%get3A_55] {strides = array<i32>} : memref<16xf32, #tpu.memory_space<vmem>>, vector<16xf32>,
      %get3A_57 = vector.shape_cast %get3A_56 : vector<16xf32> to vector<16xf32>
      %scan3A_58 = arith.constant 0 : i32
      %scan3A_59 = arith.constant 80 : i32
      %scan3A_60 = arith.addi %scan3A_58, %scan3A_59 : i32
      %scan3A_61 = arith.constant 1 : i32
      scf.for %scan3A_63 = %scan3A_58 to %scan3A_60 step %scan3A_61  : i32 {
        %mul3A_64 = arith.constant 1 : i32
        %mul3A_65 = arith.muli %scan3A_63, %mul3A_64 : i32
        %add3A_66 = arith.constant 0 : i32
        %add3A_67 = arith.addi %add3A_66, %mul3A_65 : i32
        %get3A_68 = arith.index_cast %add3A_67 : i32 to index
        %get3A_69 = arith.constant 0 : index
        %get3A_70 = tpu.vector_load %arg18[%get3A_68, %get3A_69] {strides = array<i32>} : memref<80x16xf32, #tpu.memory_space<vmem>>, vector<1x16xf32>,
        %get3A_71 = vector.shape_cast %get3A_70 : vector<1x16xf32> to vector<16xf32>
        %get3A_72 = arith.index_cast %add3A_67 : i32 to index
        %get3A_73 = arith.constant 0 : index
        %get3A_74 = tpu.vector_load %arg19[%get3A_72, %get3A_73] {strides = array<i32>} : memref<80x16xf32, #tpu.memory_space<vmem>>, vector<1x16xf32>,
        %get3A_75 = vector.shape_cast %get3A_74 : vector<1x16xf32> to vector<16xf32>
        %add3A_76 = arith.addf %get3A_71, %get3A_75 : vector<16xf32>
        %mul3A_77 = arith.constant 2.000000e-01 : f32
        %mul3A_78 = vector.broadcast %mul3A_77 : f32 to vector<16xf32>
        %mul3A_79 = arith.mulf %mul3A_78, %add3A_76 : vector<16xf32>
        %max3A = arith.maximumf %add3A_76, %mul3A_79 : vector<16xf32>
        %sub3A = arith.subf %max3A, %get3A_57 : vector<16xf32>
        %exp3A = math.exp %sub3A : vector<16xf32>
        %lt3A = arith.constant 4 : i32
        %lt3A_80 = vector.broadcast %lt3A : i32 to vector<16xi32>
        %lt3A_81 = arith.cmpi slt, %iota3A, %lt3A_80 : vector<16xi32>
        %jit3A = arith.constant 0.000000e+00 : f32
        %broadcast_in_dim3A = vector.broadcast %jit3A : f32 to vector<16xf32>
        %select_n3A = arith.select %lt3A_81, %exp3A, %broadcast_in_dim3A : vector<16xi1>, vector<16xf32>
        %swap3A_82 = arith.index_cast %add3A_67 : i32 to index
        %swap3A_83 = arith.constant 0 : index
        %swap3A_84 = tpu.vector_load %arg18[%swap3A_82, %swap3A_83] {strides = array<i32>} : memref<80x16xf32, #tpu.memory_space<vmem>>, vector<1x16xf32>,
        %swap3A_85 = vector.shape_cast %swap3A_84 : vector<1x16xf32> to vector<16xf32>
        %swap3A_86 = vector.shape_cast %select_n3A : vector<16xf32> to vector<1x16xf32>
        tpu.vector_store %arg18[%swap3A_82, %swap3A_83], %swap3A_86 {strides = array<i32>} : memref<80x16xf32, #tpu.memory_space<vmem>>, vector<1x16xf32>,
        %slice3A = vector.extract_strided_slice %select_n3A {offsets = [0], sizes = [1], strides = [1]} : vector<16xf32> to vector<1xf32>
        %squeeze3A = vector.extract %slice3A[0] : f32 from vector<1xf32>
        %get3A_87 = arith.index_cast %add3A_67 : i32 to index
        %get3A_88 = arith.constant 0 : index
        %get3A_89 = tpu.vector_load %arg17[%get3A_87, %get3A_88] {strides = array<i32>} : memref<80x128xf32, #tpu.memory_space<vmem>>, vector<1x16xf32>,
        %get3A_90 = vector.shape_cast %get3A_89 : vector<1x16xf32> to vector<16xf32>
        %mul3A_91 = vector.broadcast %squeeze3A : f32 to vector<16xf32>
        %mul3A_92 = arith.mulf %get3A_90, %mul3A_91 : vector<16xf32>
        %swap3A_93 = arith.index_cast %add3A_67 : i32 to index
        %swap3A_94 = arith.constant 0 : index
        %swap3A_95 = tpu.vector_load %arg17[%swap3A_93, %swap3A_94] {strides = array<i32>} : memref<80x128xf32, #tpu.memory_space<vmem>>, vector<1x16xf32>,
        %swap3A_96 = vector.shape_cast %swap3A_95 : vector<1x16xf32> to vector<16xf32>
        %swap3A_97 = vector.shape_cast %mul3A_92 : vector<16xf32> to vector<1x16xf32>
        tpu.vector_store %arg17[%swap3A_93, %swap3A_94], %swap3A_97 {strides = array<i32>} : memref<80x128xf32, #tpu.memory_space<vmem>>, vector<1x16xf32>,
        %get3A_98 = arith.index_cast %add3A_67 : i32 to index
        %get3A_99 = arith.constant 16 : index
        %get3A_100 = tpu.vector_load %arg17[%get3A_98, %get3A_99] {strides = array<i32>} : memref<80x128xf32, #tpu.memory_space<vmem>>, vector<1x16xf32>,
        %get3A_101 = vector.shape_cast %get3A_100 : vector<1x16xf32> to vector<16xf32>
        %mul3A_102 = vector.broadcast %squeeze3A : f32 to vector<16xf32>
        %mul3A_103 = arith.mulf %get3A_101, %mul3A_102 : vector<16xf32>
        %swap3A_104 = arith.index_cast %add3A_67 : i32 to index
        %swap3A_105 = arith.constant 16 : index
        %swap3A_106 = tpu.vector_load %arg17[%swap3A_104, %swap3A_105] {strides = array<i32>} : memref<80x128xf32, #tpu.memory_space<vmem>>, vector<1x16xf32>,
        %swap3A_107 = vector.shape_cast %swap3A_106 : vector<1x16xf32> to vector<16xf32>
        %swap3A_108 = vector.shape_cast %mul3A_103 : vector<16xf32> to vector<1x16xf32>
        tpu.vector_store %arg17[%swap3A_104, %swap3A_105], %swap3A_108 {strides = array<i32>} : memref<80x128xf32, #tpu.memory_space<vmem>>, vector<1x16xf32>,
        %slice3A_109 = vector.extract_strided_slice %select_n3A {offsets = [1], sizes = [1], strides = [1]} : vector<16xf32> to vector<1xf32>
        %squeeze3A_110 = vector.extract %slice3A_109[0] : f32 from vector<1xf32>
        %get3A_111 = arith.index_cast %add3A_67 : i32 to index
        %get3A_112 = arith.constant 32 : index
        %get3A_113 = tpu.vector_load %arg17[%get3A_111, %get3A_112] {strides = array<i32>} : memref<80x128xf32, #tpu.memory_space<vmem>>, vector<1x16xf32>,
        %get3A_114 = vector.shape_cast %get3A_113 : vector<1x16xf32> to vector<16xf32>
        %mul3A_115 = vector.broadcast %squeeze3A_110 : f32 to vector<16xf32>
        %mul3A_116 = arith.mulf %get3A_114, %mul3A_115 : vector<16xf32>
        %swap3A_117 = arith.index_cast %add3A_67 : i32 to index
        %swap3A_118 = arith.constant 32 : index
        %swap3A_119 = tpu.vector_load %arg17[%swap3A_117, %swap3A_118] {strides = array<i32>} : memref<80x128xf32, #tpu.memory_space<vmem>>, vector<1x16xf32>,
        %swap3A_120 = vector.shape_cast %swap3A_119 : vector<1x16xf32> to vector<16xf32>
        %swap3A_121 = vector.shape_cast %mul3A_116 : vector<16xf32> to vector<1x16xf32>
        tpu.vector_store %arg17[%swap3A_117, %swap3A_118], %swap3A_121 {strides = array<i32>} : memref<80x128xf32, #tpu.memory_space<vmem>>, vector<1x16xf32>,
        %get3A_122 = arith.index_cast %add3A_67 : i32 to index
        %get3A_123 = arith.constant 48 : index
        %get3A_124 = tpu.vector_load %arg17[%get3A_122, %get3A_123] {strides = array<i32>} : memref<80x128xf32, #tpu.memory_space<vmem>>, vector<1x16xf32>,
        %get3A_125 = vector.shape_cast %get3A_124 : vector<1x16xf32> to vector<16xf32>
        %mul3A_126 = vector.broadcast %squeeze3A_110 : f32 to vector<16xf32>
        %mul3A_127 = arith.mulf %get3A_125, %mul3A_126 : vector<16xf32>
        %swap3A_128 = arith.index_cast %add3A_67 : i32 to index
        %swap3A_129 = arith.constant 48 : index
        %swap3A_130 = tpu.vector_load %arg17[%swap3A_128, %swap3A_129] {strides = array<i32>} : memref<80x128xf32, #tpu.memory_space<vmem>>, vector<1x16xf32>,
        %swap3A_131 = vector.shape_cast %swap3A_130 : vector<1x16xf32> to vector<16xf32>
        %swap3A_132 = vector.shape_cast %mul3A_127 : vector<16xf32> to vector<1x16xf32>
        tpu.vector_store %arg17[%swap3A_128, %swap3A_129], %swap3A_132 {strides = array<i32>} : memref<80x128xf32, #tpu.memory_space<vmem>>, vector<1x16xf32>,
        %slice3A_133 = vector.extract_strided_slice %select_n3A {offsets = [2], sizes = [1], strides = [1]} : vector<16xf32> to vector<1xf32>
        %squeeze3A_134 = vector.extract %slice3A_133[0] : f32 from vector<1xf32>
        %get3A_135 = arith.index_cast %add3A_67 : i32 to index
        %get3A_136 = arith.constant 64 : index
        %get3A_137 = tpu.vector_load %arg17[%get3A_135, %get3A_136] {strides = array<i32>} : memref<80x128xf32, #tpu.memory_space<vmem>>, vector<1x16xf32>,
        %get3A_138 = vector.shape_cast %get3A_137 : vector<1x16xf32> to vector<16xf32>
        %mul3A_139 = vector.broadcast %squeeze3A_134 : f32 to vector<16xf32>
        %mul3A_140 = arith.mulf %get3A_138, %mul3A_139 : vector<16xf32>
        %swap3A_141 = arith.index_cast %add3A_67 : i32 to index
        %swap3A_142 = arith.constant 64 : index
        %swap3A_143 = tpu.vector_load %arg17[%swap3A_141, %swap3A_142] {strides = array<i32>} : memref<80x128xf32, #tpu.memory_space<vmem>>, vector<1x16xf32>,
        %swap3A_144 = vector.shape_cast %swap3A_143 : vector<1x16xf32> to vector<16xf32>
        %swap3A_145 = vector.shape_cast %mul3A_140 : vector<16xf32> to vector<1x16xf32>
        tpu.vector_store %arg17[%swap3A_141, %swap3A_142], %swap3A_145 {strides = array<i32>} : memref<80x128xf32, #tpu.memory_space<vmem>>, vector<1x16xf32>,
        %get3A_146 = arith.index_cast %add3A_67 : i32 to index
        %get3A_147 = arith.constant 80 : index
        %get3A_148 = tpu.vector_load %arg17[%get3A_146, %get3A_147] {strides = array<i32>} : memref<80x128xf32, #tpu.memory_space<vmem>>, vector<1x16xf32>,
        %get3A_149 = vector.shape_cast %get3A_148 : vector<1x16xf32> to vector<16xf32>
        %mul3A_150 = vector.broadcast %squeeze3A_134 : f32 to vector<16xf32>
        %mul3A_151 = arith.mulf %get3A_149, %mul3A_150 : vector<16xf32>
        %swap3A_152 = arith.index_cast %add3A_67 : i32 to index
        %swap3A_153 = arith.constant 80 : index
        %swap3A_154 = tpu.vector_load %arg17[%swap3A_152, %swap3A_153] {strides = array<i32>} : memref<80x128xf32, #tpu.memory_space<vmem>>, vector<1x16xf32>,
        %swap3A_155 = vector.shape_cast %swap3A_154 : vector<1x16xf32> to vector<16xf32>
        %swap3A_156 = vector.shape_cast %mul3A_151 : vector<16xf32> to vector<1x16xf32>
        tpu.vector_store %arg17[%swap3A_152, %swap3A_153], %swap3A_156 {strides = array<i32>} : memref<80x128xf32, #tpu.memory_space<vmem>>, vector<1x16xf32>,
        %slice3A_157 = vector.extract_strided_slice %select_n3A {offsets = [3], sizes = [1], strides = [1]} : vector<16xf32> to vector<1xf32>
        %squeeze3A_158 = vector.extract %slice3A_157[0] : f32 from vector<1xf32>
        %get3A_159 = arith.index_cast %add3A_67 : i32 to index
        %get3A_160 = arith.constant 96 : index
        %get3A_161 = tpu.vector_load %arg17[%get3A_159, %get3A_160] {strides = array<i32>} : memref<80x128xf32, #tpu.memory_space<vmem>>, vector<1x16xf32>,
        %get3A_162 = vector.shape_cast %get3A_161 : vector<1x16xf32> to vector<16xf32>
        %mul3A_163 = vector.broadcast %squeeze3A_158 : f32 to vector<16xf32>
        %mul3A_164 = arith.mulf %get3A_162, %mul3A_163 : vector<16xf32>
        %swap3A_165 = arith.index_cast %add3A_67 : i32 to index
        %swap3A_166 = arith.constant 96 : index
        %swap3A_167 = tpu.vector_load %arg17[%swap3A_165, %swap3A_166] {strides = array<i32>} : memref<80x128xf32, #tpu.memory_space<vmem>>, vector<1x16xf32>,
        %swap3A_168 = vector.shape_cast %swap3A_167 : vector<1x16xf32> to vector<16xf32>
        %swap3A_169 = vector.shape_cast %mul3A_164 : vector<16xf32> to vector<1x16xf32>
        tpu.vector_store %arg17[%swap3A_165, %swap3A_166], %swap3A_169 {strides = array<i32>} : memref<80x128xf32, #tpu.memory_space<vmem>>, vector<1x16xf32>,
        %get3A_170 = arith.index_cast %add3A_67 : i32 to index
        %get3A_171 = arith.constant 112 : index
        %get3A_172 = tpu.vector_load %arg17[%get3A_170, %get3A_171] {strides = array<i32>} : memref<80x128xf32, #tpu.memory_space<vmem>>, vector<1x16xf32>,
        %get3A_173 = vector.shape_cast %get3A_172 : vector<1x16xf32> to vector<16xf32>
        %mul3A_174 = vector.broadcast %squeeze3A_158 : f32 to vector<16xf32>
        %mul3A_175 = arith.mulf %get3A_173, %mul3A_174 : vector<16xf32>
        %swap3A_176 = arith.index_cast %add3A_67 : i32 to index
        %swap3A_177 = arith.constant 112 : index
        %swap3A_178 = tpu.vector_load %arg17[%swap3A_176, %swap3A_177] {strides = array<i32>} : memref<80x128xf32, #tpu.memory_space<vmem>>, vector<1x16xf32>,
        %swap3A_179 = vector.shape_cast %swap3A_178 : vector<1x16xf32> to vector<16xf32>
        %swap3A_180 = vector.shape_cast %mul3A_175 : vector<16xf32> to vector<1x16xf32>
        tpu.vector_store %arg17[%swap3A_176, %swap3A_177], %swap3A_180 {strides = array<i32>} : memref<80x128xf32, #tpu.memory_space<vmem>>, vector<1x16xf32>,
      }
      %scan3A_62 = arith.constant 80 : i32
      "tpu.region"() ({
        %run_scoped3A_63 = tpu.sem_alloc : memref<!tpu.dma_semaphore, #tpu.memory_space<semaphore_mem>>
        %dma_start3A_64 = arith.constant 0 : i32
        %dma_start3A_65 = arith.constant 0 : i32
        %dma_start3A_66 = tpu.memref_slice %arg13[%dma_start3A_64, %dma_start3A_65] : memref<10240x128xf32, #tpu.memory_space<vmem_shared>> -> memref<10240x128xf32, #tpu.memory_space<vmem_shared>>
        tpu.enqueue_indirect_dma source(%arg17 : memref<80x128xf32, #tpu.memory_space<vmem>>) target(%dma_start3A_66 : memref<10240x128xf32, #tpu.memory_space<vmem_shared>>) offsets(%arg16 : memref<80xi32, #tpu.memory_space<vmem>>) semaphore(%run_scoped3A_63 : memref<!tpu.dma_semaphore, #tpu.memory_space<semaphore_mem>>) {add = true}
        %dma_wait3A_67 = arith.constant 0 : i32
        %dma_wait3A_68 = arith.constant 0 : i32
        %dma_wait3A_69 = tpu.memref_slice %arg13[%dma_wait3A_67, %dma_wait3A_68] : memref<10240x128xf32, #tpu.memory_space<vmem_shared>> -> memref<10240x128xf32, #tpu.memory_space<vmem_shared>>
        tpu.wait_indirect_dma semaphore(%run_scoped3A_63 : memref<!tpu.dma_semaphore, #tpu.memory_space<semaphore_mem>>) src(%arg17 : memref<80x128xf32, #tpu.memory_space<vmem>>) dst(%dma_wait3A_69 : memref<10240x128xf32, #tpu.memory_space<vmem_shared>>)
        tpu.yield
      }) : () -> ()
      "tpu.region"() ({
        %run_scoped3A_63 = tpu.sem_alloc : memref<!tpu.dma_semaphore, #tpu.memory_space<semaphore_mem>>
        %dma_start3A_64 = arith.constant 0 : i32
        %dma_start3A_65 = arith.constant 0 : i32
        %dma_start3A_66 = tpu.memref_slice %arg14[%dma_start3A_64, %dma_start3A_65] : memref<10240x16xf32, #tpu.memory_space<vmem_shared>> -> memref<10240x16xf32, #tpu.memory_space<vmem_shared>>
        tpu.enqueue_indirect_dma source(%arg18 : memref<80x16xf32, #tpu.memory_space<vmem>>) target(%dma_start3A_66 : memref<10240x16xf32, #tpu.memory_space<vmem_shared>>) offsets(%arg16 : memref<80xi32, #tpu.memory_space<vmem>>) semaphore(%run_scoped3A_63 : memref<!tpu.dma_semaphore, #tpu.memory_space<semaphore_mem>>) {add = true}
        %dma_wait3A_67 = arith.constant 0 : i32
        %dma_wait3A_68 = arith.constant 0 : i32
        %dma_wait3A_69 = tpu.memref_slice %arg14[%dma_wait3A_67, %dma_wait3A_68] : memref<10240x16xf32, #tpu.memory_space<vmem_shared>> -> memref<10240x16xf32, #tpu.memory_space<vmem_shared>>
        tpu.wait_indirect_dma semaphore(%run_scoped3A_63 : memref<!tpu.dma_semaphore, #tpu.memory_space<semaphore_mem>>) src(%arg18 : memref<80x16xf32, #tpu.memory_space<vmem>>) dst(%dma_wait3A_69 : memref<10240x16xf32, #tpu.memory_space<vmem_shared>>)
        tpu.yield
      }) : () -> ()
    }
    %scan3A_21 = arith.constant 125 : i32
    %barrier3A_22 = arith.constant 0 : index
    tpu.barrier barrier_id(%barrier3A_22)
    %mul3A_23 = arith.constant 640 : i32
    %mul3A_24 = arith.muli %arg1, %mul3A_23 : i32
    %mul3A_25 = arith.constant 640 : i32
    %mul3A_26 = arith.muli %arg1, %mul3A_25 : i32
    "tpu.region"() ({
      %run_scoped3A_31 = tpu.sem_alloc : memref<!tpu.dma_semaphore, #tpu.memory_space<semaphore_mem>>
      %dma_start3A = arith.constant 0 : i32
      %dma_start3A_32 = tpu.memref_slice %arg11[%arg0, %mul3A_26, %dma_start3A] : memref<2x10240x128xf32, #tpu.memory_space<hbm>> -> memref<1x640x128xf32, #tpu.memory_space<hbm>>
      %dma_start3A_33 = tpu.memref_squeeze %dma_start3A_32 : memref<1x640x128xf32, #tpu.memory_space<hbm>> -> memref<640x128xf32, #tpu.memory_space<hbm>>
      %dma_start3A_34 = arith.constant 0 : i32
      %dma_start3A_35 = tpu.memref_slice %arg13[%mul3A_24, %dma_start3A_34] : memref<10240x128xf32, #tpu.memory_space<vmem_shared>> -> memref<640x128xf32, #tpu.memory_space<vmem_shared>>
      tpu.enqueue_dma source(%dma_start3A_35 : memref<640x128xf32, #tpu.memory_space<vmem_shared>>) target(%dma_start3A_33 : memref<640x128xf32, #tpu.memory_space<hbm>>) target_semaphore(%run_scoped3A_31 : memref<!tpu.dma_semaphore, #tpu.memory_space<semaphore_mem>>)
      %dma_wait3A = arith.constant 0 : i32
      %dma_wait3A_36 = tpu.memref_slice %arg11[%arg0, %mul3A_26, %dma_wait3A] : memref<2x10240x128xf32, #tpu.memory_space<hbm>> -> memref<1x640x128xf32, #tpu.memory_space<hbm>>
      %dma_wait3A_37 = tpu.memref_squeeze %dma_wait3A_36 : memref<1x640x128xf32, #tpu.memory_space<hbm>> -> memref<640x128xf32, #tpu.memory_space<hbm>>
      %dma_wait3A_38 = arith.constant 0 : i32
      %dma_wait3A_39 = tpu.memref_slice %arg13[%mul3A_24, %dma_wait3A_38] : memref<10240x128xf32, #tpu.memory_space<vmem_shared>> -> memref<640x128xf32, #tpu.memory_space<vmem_shared>>
      tpu.wait_dma2 semaphore(%run_scoped3A_31 : memref<!tpu.dma_semaphore, #tpu.memory_space<semaphore_mem>>) src(%dma_wait3A_39 : memref<640x128xf32, #tpu.memory_space<vmem_shared>>) dst(%dma_wait3A_37 : memref<640x128xf32, #tpu.memory_space<hbm>>)
      tpu.yield
    }) : () -> ()
    %mul3A_27 = arith.constant 640 : i32
    %mul3A_28 = arith.muli %arg1, %mul3A_27 : i32
    %mul3A_29 = arith.constant 640 : i32
    %mul3A_30 = arith.muli %arg1, %mul3A_29 : i32
    "tpu.region"() ({
      %run_scoped3A_31 = tpu.sem_alloc : memref<!tpu.dma_semaphore, #tpu.memory_space<semaphore_mem>>
      %dma_start3A = arith.constant 0 : i32
      %dma_start3A_32 = tpu.memref_slice %arg12[%arg0, %mul3A_30, %dma_start3A] : memref<2x10240x16xf32, #tpu.memory_space<hbm>> -> memref<1x640x16xf32, #tpu.memory_space<hbm>>
      %dma_start3A_33 = tpu.memref_squeeze %dma_start3A_32 : memref<1x640x16xf32, #tpu.memory_space<hbm>> -> memref<640x16xf32, #tpu.memory_space<hbm>>
      %dma_start3A_34 = arith.constant 0 : i32
      %dma_start3A_35 = tpu.memref_slice %arg14[%mul3A_28, %dma_start3A_34] : memref<10240x16xf32, #tpu.memory_space<vmem_shared>> -> memref<640x16xf32, #tpu.memory_space<vmem_shared>>
      tpu.enqueue_dma source(%dma_start3A_35 : memref<640x16xf32, #tpu.memory_space<vmem_shared>>) target(%dma_start3A_33 : memref<640x16xf32, #tpu.memory_space<hbm>>) target_semaphore(%run_scoped3A_31 : memref<!tpu.dma_semaphore, #tpu.memory_space<semaphore_mem>>)
      %dma_wait3A = arith.constant 0 : i32
      %dma_wait3A_36 = tpu.memref_slice %arg12[%arg0, %mul3A_30, %dma_wait3A] : memref<2x10240x16xf32, #tpu.memory_space<hbm>> -> memref<1x640x16xf32, #tpu.memory_space<hbm>>
      %dma_wait3A_37 = tpu.memref_squeeze %dma_wait3A_36 : memref<1x640x16xf32, #tpu.memory_space<hbm>> -> memref<640x16xf32, #tpu.memory_space<hbm>>
      %dma_wait3A_38 = arith.constant 0 : i32
      %dma_wait3A_39 = tpu.memref_slice %arg14[%mul3A_28, %dma_wait3A_38] : memref<10240x16xf32, #tpu.memory_space<vmem_shared>> -> memref<640x16xf32, #tpu.memory_space<vmem_shared>>
      tpu.wait_dma2 semaphore(%run_scoped3A_31 : memref<!tpu.dma_semaphore, #tpu.memory_space<semaphore_mem>>) src(%dma_wait3A_39 : memref<640x16xf32, #tpu.memory_space<vmem_shared>>) dst(%dma_wait3A_37 : memref<640x16xf32, #tpu.memory_space<hbm>>)
      tpu.yield
    }) : () -> ()
    return
  }
}

module attributes {stable_mosaic.version = 14 : i64} {
  func.func @_mm0_body(%arg0: i32, %arg1: memref<1000x128xf32, #tpu.memory_space<vmem>>, %arg2: memref<128x384xf32, #tpu.memory_space<vmem>>, %arg3: memref<1000x128xf32, #tpu.memory_space<vmem>>, %arg4: memref<1000x128xf32, #tpu.memory_space<vmem>>, %arg5: memref<1000x128xf32, #tpu.memory_space<vmem>>) attributes {dimension_semantics = [#tpu.dimension_semantics<arbitrary>], iteration_bounds = array<i64: 10>, scalar_prefetch = 0 : i64, scratch_operands = 0 : i64, tpu.core_type = #tpu.core_type<tc>, window_params = [{transform_indices = @transform_0, window_bounds = array<i64: 1000, 128>}, {pipeline_mode = #tpu.pipeline_mode<synchronous>, transform_indices = @transform_1, window_bounds = array<i64: 128, 384>}, {transform_indices = @transform_2, window_bounds = array<i64: 1000, 128>}, {transform_indices = @transform_3, window_bounds = array<i64: 1000, 128>}, {transform_indices = @transform_4, window_bounds = array<i64: 1000, 128>}]} {
    %get3A = arith.constant 0 : index
    %get3A_0 = arith.constant 0 : index
    %get3A_1 = vector.load %arg1[%get3A, %get3A_0] : memref<1000x128xf32, #tpu.memory_space<vmem>>, vector<1000x128xf32>
    %get3A_2 = arith.constant 0 : index
    %get3A_3 = arith.constant 0 : index
    %get3A_4 = vector.load %arg2[%get3A_2, %get3A_3] : memref<128x384xf32, #tpu.memory_space<vmem>>, vector<128x384xf32>
    %dot_general3A = arith.constant dense<0.000000e+00> : vector<1000x384xf32>
    %dot_general3A_5 = tpu.matmul %get3A_1, %get3A_4, %dot_general3A {dimension_numbers = #tpu.dot_dimension_numbers<[1], [0], [0], [1], [0, 0, 1, 1], [], []>, transpose_lhs_hint = false} : vector<1000x128xf32>, vector<128x384xf32>, vector<1000x384xf32> -> vector<1000x384xf32>
    %slice3A = vector.extract_strided_slice %dot_general3A_5 {offsets = [0, 0], sizes = [1000, 128], strides = [1, 1]} : vector<1000x384xf32> to vector<1000x128xf32>
    %swap3A = arith.constant 0 : index
    %swap3A_6 = arith.constant 0 : index
    %swap3A_7 = vector.load %arg3[%swap3A, %swap3A_6] : memref<1000x128xf32, #tpu.memory_space<vmem>>, vector<1000x128xf32>
    tpu.vector_store %arg3[%swap3A, %swap3A_6], %slice3A {strides = array<i32>} : memref<1000x128xf32, #tpu.memory_space<vmem>>, vector<1000x128xf32>,
    %slice3A_8 = vector.extract_strided_slice %dot_general3A_5 {offsets = [0, 128], sizes = [1000, 128], strides = [1, 1]} : vector<1000x384xf32> to vector<1000x128xf32>
    %swap3A_9 = arith.constant 0 : index
    %swap3A_10 = arith.constant 0 : index
    %swap3A_11 = vector.load %arg4[%swap3A_9, %swap3A_10] : memref<1000x128xf32, #tpu.memory_space<vmem>>, vector<1000x128xf32>
    tpu.vector_store %arg4[%swap3A_9, %swap3A_10], %slice3A_8 {strides = array<i32>} : memref<1000x128xf32, #tpu.memory_space<vmem>>, vector<1000x128xf32>,
    %slice3A_12 = vector.extract_strided_slice %dot_general3A_5 {offsets = [0, 256], sizes = [1000, 128], strides = [1, 1]} : vector<1000x384xf32> to vector<1000x128xf32>
    %swap3A_13 = arith.constant 0 : index
    %swap3A_14 = arith.constant 0 : index
    %swap3A_15 = vector.load %arg5[%swap3A_13, %swap3A_14] : memref<1000x128xf32, #tpu.memory_space<vmem>>, vector<1000x128xf32>
    tpu.vector_store %arg5[%swap3A_13, %swap3A_14], %slice3A_12 {strides = array<i32>} : memref<1000x128xf32, #tpu.memory_space<vmem>>, vector<1000x128xf32>,
    return
  }
  func.func @transform_0(%arg0: i32) -> (i32, i32) {
    %c0_i32 = arith.constant 0 : i32
    %c0_i32_0 = arith.constant 0 : i32
    return %arg0, %c0_i32 : i32, i32
  }
  func.func @transform_1(%arg0: i32) -> (i32, i32) {
    %c0_i32 = arith.constant 0 : i32
    %c0_i32_0 = arith.constant 0 : i32
    %c0_i32_1 = arith.constant 0 : i32
    return %c0_i32, %c0_i32_0 : i32, i32
  }
  func.func @transform_2(%arg0: i32) -> (i32, i32) {
    %c0_i32 = arith.constant 0 : i32
    %c0_i32_0 = arith.constant 0 : i32
    return %arg0, %c0_i32 : i32, i32
  }
  func.func @transform_3(%arg0: i32) -> (i32, i32) {
    %c0_i32 = arith.constant 0 : i32
    %c0_i32_0 = arith.constant 0 : i32
    return %arg0, %c0_i32 : i32, i32
  }
  func.func @transform_4(%arg0: i32) -> (i32, i32) {
    %c0_i32 = arith.constant 0 : i32
    %c0_i32_0 = arith.constant 0 : i32
    return %arg0, %c0_i32 : i32, i32
  }
}

module attributes {stable_mosaic.version = 14 : i64} {
  func.func @_layer_body(%arg0: i32, %arg1: memref<1000x128xf32, #tpu.memory_space<vmem>>, %arg2: memref<2x1000x128xf32, #tpu.memory_space<vmem>>, %arg3: memref<2x1000x128xf32, #tpu.memory_space<vmem>>, %arg4: memref<2x2x1000x16xf32, #tpu.memory_space<vmem>>, %arg5: memref<1x128xf32, #tpu.memory_space<vmem>>, %arg6: memref<128x384xf32, #tpu.memory_space<vmem>>, %arg7: memref<1000x128xf32, #tpu.memory_space<vmem>>, %arg8: memref<1000x128xf32, #tpu.memory_space<vmem>>, %arg9: memref<1000x128xf32, #tpu.memory_space<vmem>>) attributes {dimension_semantics = [#tpu.dimension_semantics<arbitrary>], iteration_bounds = array<i64: 10>, scalar_prefetch = 0 : i64, scratch_operands = 0 : i64, tpu.core_type = #tpu.core_type<tc>, window_params = [{transform_indices = @transform_0, window_bounds = array<i64: 1000, 128>}, {transform_indices = @transform_1, window_bounds = array<i64: 2, 1000, 128>}, {transform_indices = @transform_2, window_bounds = array<i64: 2, 1000, 128>}, {transform_indices = @transform_3, window_bounds = array<i64: 2, 2, 1000, 16>}, {pipeline_mode = #tpu.pipeline_mode<synchronous>, transform_indices = @transform_4, window_bounds = array<i64: 1, 128>}, {pipeline_mode = #tpu.pipeline_mode<synchronous>, transform_indices = @transform_5, window_bounds = array<i64: 128, 384>}, {transform_indices = @transform_6, window_bounds = array<i64: 1000, 128>}, {transform_indices = @transform_7, window_bounds = array<i64: 1000, 128>}, {transform_indices = @transform_8, window_bounds = array<i64: 1000, 128>}]} {
    %get3A = arith.constant 0 : index
    %get3A_0 = arith.constant 0 : index
    %get3A_1 = arith.constant 0 : index
    %get3A_2 = vector.load %arg2[%get3A, %get3A_0, %get3A_1] : memref<2x1000x128xf32, #tpu.memory_space<vmem>>, vector<1x1000x128xf32>
    %get3A_3 = vector.shape_cast %get3A_2 : vector<1x1000x128xf32> to vector<1000x128xf32>
    %get3A_4 = arith.constant 1 : index
    %get3A_5 = arith.constant 0 : index
    %get3A_6 = arith.constant 0 : index
    %get3A_7 = vector.load %arg2[%get3A_4, %get3A_5, %get3A_6] : memref<2x1000x128xf32, #tpu.memory_space<vmem>>, vector<1x1000x128xf32>
    %get3A_8 = vector.shape_cast %get3A_7 : vector<1x1000x128xf32> to vector<1000x128xf32>
    %add3A = arith.addf %get3A_3, %get3A_8 : vector<1000x128xf32>
    %get3A_9 = arith.constant 0 : index
    %get3A_10 = arith.constant 0 : index
    %get3A_11 = arith.constant 0 : index
    %get3A_12 = vector.load %arg3[%get3A_9, %get3A_10, %get3A_11] : memref<2x1000x128xf32, #tpu.memory_space<vmem>>, vector<1x1000x128xf32>
    %get3A_13 = vector.shape_cast %get3A_12 : vector<1x1000x128xf32> to vector<1000x128xf32>
    %get3A_14 = arith.constant 1 : index
    %get3A_15 = arith.constant 0 : index
    %get3A_16 = arith.constant 0 : index
    %get3A_17 = vector.load %arg3[%get3A_14, %get3A_15, %get3A_16] : memref<2x1000x128xf32, #tpu.memory_space<vmem>>, vector<1x1000x128xf32>
    %get3A_18 = vector.shape_cast %get3A_17 : vector<1x1000x128xf32> to vector<1000x128xf32>
    %add3A_19 = arith.addf %get3A_13, %get3A_18 : vector<1000x128xf32>
    %get3A_20 = arith.constant 0 : index
    %get3A_21 = arith.constant 0 : index
    %get3A_22 = arith.constant 0 : index
    %get3A_23 = arith.constant 0 : index
    %get3A_24 = vector.load %arg4[%get3A_20, %get3A_21, %get3A_22, %get3A_23] : memref<2x2x1000x16xf32, #tpu.memory_space<vmem>>, vector<1x1x1000x1xf32>
    %get3A_25 = vector.shape_cast %get3A_24 : vector<1x1x1000x1xf32> to vector<1000x1xf32>
    %get3A_26 = arith.constant 0 : index
    %get3A_27 = arith.constant 1 : index
    %get3A_28 = arith.constant 0 : index
    %get3A_29 = arith.constant 0 : index
    %get3A_30 = vector.load %arg4[%get3A_26, %get3A_27, %get3A_28, %get3A_29] : memref<2x2x1000x16xf32, #tpu.memory_space<vmem>>, vector<1x1x1000x1xf32>
    %get3A_31 = vector.shape_cast %get3A_30 : vector<1x1x1000x1xf32> to vector<1000x1xf32>
    %add3A_32 = arith.addf %get3A_25, %get3A_31 : vector<1000x1xf32>
    %max3A = arith.constant 1.000000e+00 : f32
    %max3A_33 = vector.broadcast %max3A : f32 to vector<1000x1xf32>
    %max3A_34 = arith.maximumf %add3A_32, %max3A_33 : vector<1000x1xf32>
    %get3A_35 = arith.constant 1 : index
    %get3A_36 = arith.constant 0 : index
    %get3A_37 = arith.constant 0 : index
    %get3A_38 = arith.constant 0 : index
    %get3A_39 = vector.load %arg4[%get3A_35, %get3A_36, %get3A_37, %get3A_38] : memref<2x2x1000x16xf32, #tpu.memory_space<vmem>>, vector<1x1x1000x1xf32>
    %get3A_40 = vector.shape_cast %get3A_39 : vector<1x1x1000x1xf32> to vector<1000x1xf32>
    %get3A_41 = arith.constant 1 : index
    %get3A_42 = arith.constant 1 : index
    %get3A_43 = arith.constant 0 : index
    %get3A_44 = arith.constant 0 : index
    %get3A_45 = vector.load %arg4[%get3A_41, %get3A_42, %get3A_43, %get3A_44] : memref<2x2x1000x16xf32, #tpu.memory_space<vmem>>, vector<1x1x1000x1xf32>
    %get3A_46 = vector.shape_cast %get3A_45 : vector<1x1x1000x1xf32> to vector<1000x1xf32>
    %add3A_47 = arith.addf %get3A_40, %get3A_46 : vector<1000x1xf32>
    %max3A_48 = arith.constant 1.000000e+00 : f32
    %max3A_49 = vector.broadcast %max3A_48 : f32 to vector<1000x1xf32>
    %max3A_50 = arith.maximumf %add3A_47, %max3A_49 : vector<1000x1xf32>
    %get3A_51 = arith.constant 0 : index
    %get3A_52 = arith.constant 0 : index
    %get3A_53 = vector.load %arg1[%get3A_51, %get3A_52] : memref<1000x128xf32, #tpu.memory_space<vmem>>, vector<1000x128xf32>
    %div3A = vector.broadcast %max3A_34 : vector<1000x1xf32> to vector<1000x128xf32>
    %div3A_54 = arith.divf %add3A, %div3A : vector<1000x128xf32>
    %add3A_55 = arith.addf %get3A_53, %div3A_54 : vector<1000x128xf32>
    %div3A_56 = vector.broadcast %max3A_50 : vector<1000x1xf32> to vector<1000x128xf32>
    %div3A_57 = arith.divf %add3A_19, %div3A_56 : vector<1000x128xf32>
    %add3A_58 = arith.addf %add3A_55, %div3A_57 : vector<1000x128xf32>
    %get3A_59 = arith.constant 0 : index
    %get3A_60 = arith.constant 0 : index
    %get3A_61 = vector.load %arg5[%get3A_59, %get3A_60] : memref<1x128xf32, #tpu.memory_space<vmem>>, vector<1x128xf32>
    %add3A_62 = vector.broadcast %get3A_61 : vector<1x128xf32> to vector<1000x128xf32>
    %add3A_63 = arith.addf %add3A_58, %add3A_62 : vector<1000x128xf32>
    %mul3A = arith.constant 5.000000e-01 : f32
    %mul3A_64 = vector.broadcast %mul3A : f32 to vector<1000x128xf32>
    %mul3A_65 = arith.mulf %mul3A_64, %add3A_63 : vector<1000x128xf32>
    %mul3A_66 = arith.constant 0.00999999977 : f32
    %mul3A_67 = vector.broadcast %mul3A_66 : f32 to vector<1000x128xf32>
    %mul3A_68 = arith.mulf %mul3A_67, %mul3A_65 : vector<1000x128xf32>
    %max3A_69 = arith.maximumf %mul3A_65, %mul3A_68 : vector<1000x128xf32>
    %get3A_70 = arith.constant 0 : index
    %get3A_71 = arith.constant 0 : index
    %get3A_72 = vector.load %arg6[%get3A_70, %get3A_71] : memref<128x384xf32, #tpu.memory_space<vmem>>, vector<128x384xf32>
    %dot_general3A = arith.constant dense<0.000000e+00> : vector<1000x384xf32>
    %dot_general3A_73 = tpu.matmul %max3A_69, %get3A_72, %dot_general3A {dimension_numbers = #tpu.dot_dimension_numbers<[1], [0], [0], [1], [0, 0, 1, 1], [], []>, transpose_lhs_hint = false} : vector<1000x128xf32>, vector<128x384xf32>, vector<1000x384xf32> -> vector<1000x384xf32>
    %slice3A = vector.extract_strided_slice %dot_general3A_73 {offsets = [0, 0], sizes = [1000, 128], strides = [1, 1]} : vector<1000x384xf32> to vector<1000x128xf32>
    %swap3A = arith.constant 0 : index
    %swap3A_74 = arith.constant 0 : index
    %swap3A_75 = vector.load %arg7[%swap3A, %swap3A_74] : memref<1000x128xf32, #tpu.memory_space<vmem>>, vector<1000x128xf32>
    tpu.vector_store %arg7[%swap3A, %swap3A_74], %slice3A {strides = array<i32>} : memref<1000x128xf32, #tpu.memory_space<vmem>>, vector<1000x128xf32>,
    %slice3A_76 = vector.extract_strided_slice %dot_general3A_73 {offsets = [0, 128], sizes = [1000, 128], strides = [1, 1]} : vector<1000x384xf32> to vector<1000x128xf32>
    %swap3A_77 = arith.constant 0 : index
    %swap3A_78 = arith.constant 0 : index
    %swap3A_79 = vector.load %arg8[%swap3A_77, %swap3A_78] : memref<1000x128xf32, #tpu.memory_space<vmem>>, vector<1000x128xf32>
    tpu.vector_store %arg8[%swap3A_77, %swap3A_78], %slice3A_76 {strides = array<i32>} : memref<1000x128xf32, #tpu.memory_space<vmem>>, vector<1000x128xf32>,
    %slice3A_80 = vector.extract_strided_slice %dot_general3A_73 {offsets = [0, 256], sizes = [1000, 128], strides = [1, 1]} : vector<1000x384xf32> to vector<1000x128xf32>
    %swap3A_81 = arith.constant 0 : index
    %swap3A_82 = arith.constant 0 : index
    %swap3A_83 = vector.load %arg9[%swap3A_81, %swap3A_82] : memref<1000x128xf32, #tpu.memory_space<vmem>>, vector<1000x128xf32>
    tpu.vector_store %arg9[%swap3A_81, %swap3A_82], %slice3A_80 {strides = array<i32>} : memref<1000x128xf32, #tpu.memory_space<vmem>>, vector<1000x128xf32>,
    return
  }
  func.func @transform_0(%arg0: i32) -> (i32, i32) {
    %c0_i32 = arith.constant 0 : i32
    %c0_i32_0 = arith.constant 0 : i32
    return %arg0, %c0_i32 : i32, i32
  }
  func.func @transform_1(%arg0: i32) -> (i32, i32, i32) {
    %c0_i32 = arith.constant 0 : i32
    %c0_i32_0 = arith.constant 0 : i32
    %c0_i32_1 = arith.constant 0 : i32
    return %c0_i32, %arg0, %c0_i32_0 : i32, i32, i32
  }
  func.func @transform_2(%arg0: i32) -> (i32, i32, i32) {
    %c0_i32 = arith.constant 0 : i32
    %c0_i32_0 = arith.constant 0 : i32
    %c0_i32_1 = arith.constant 0 : i32
    return %c0_i32, %arg0, %c0_i32_0 : i32, i32, i32
  }
  func.func @transform_3(%arg0: i32) -> (i32, i32, i32, i32) {
    %c0_i32 = arith.constant 0 : i32
    %c0_i32_0 = arith.constant 0 : i32
    %c0_i32_1 = arith.constant 0 : i32
    %c0_i32_2 = arith.constant 0 : i32
    return %c0_i32, %c0_i32_0, %arg0, %c0_i32_1 : i32, i32, i32, i32
  }
  func.func @transform_4(%arg0: i32) -> (i32, i32) {
    %c0_i32 = arith.constant 0 : i32
    %c0_i32_0 = arith.constant 0 : i32
    %c0_i32_1 = arith.constant 0 : i32
    return %c0_i32, %c0_i32_0 : i32, i32
  }
  func.func @transform_5(%arg0: i32) -> (i32, i32) {
    %c0_i32 = arith.constant 0 : i32
    %c0_i32_0 = arith.constant 0 : i32
    %c0_i32_1 = arith.constant 0 : i32
    return %c0_i32, %c0_i32_0 : i32, i32
  }
  func.func @transform_6(%arg0: i32) -> (i32, i32) {
    %c0_i32 = arith.constant 0 : i32
    %c0_i32_0 = arith.constant 0 : i32
    return %arg0, %c0_i32 : i32, i32
  }
  func.func @transform_7(%arg0: i32) -> (i32, i32) {
    %c0_i32 = arith.constant 0 : i32
    %c0_i32_0 = arith.constant 0 : i32
    return %arg0, %c0_i32 : i32, i32
  }
  func.func @transform_8(%arg0: i32) -> (i32, i32) {
    %c0_i32 = arith.constant 0 : i32
    %c0_i32_0 = arith.constant 0 : i32
    return %arg0, %c0_i32 : i32, i32
  }
}

module attributes {stable_mosaic.version = 14 : i64} {
  func.func @_gat_head_body(%arg0: i32, %arg1: memref<1000x128xf32, #tpu.memory_space<vmem>>, %arg2: memref<2x1000x128xf32, #tpu.memory_space<vmem>>, %arg3: memref<2x1000x128xf32, #tpu.memory_space<vmem>>, %arg4: memref<2x2x1000x16xf32, #tpu.memory_space<vmem>>, %arg5: memref<1x128xf32, #tpu.memory_space<vmem>>, %arg6: memref<128x256xf32, #tpu.memory_space<vmem>>, %arg7: memref<1x128xf32, #tpu.memory_space<vmem>>, %arg8: memref<1x128xf32, #tpu.memory_space<vmem>>, %arg9: memref<1x128xf32, #tpu.memory_space<vmem>>, %arg10: memref<1x128xf32, #tpu.memory_space<vmem>>, %arg11: memref<128x16xf32, #tpu.memory_space<vmem>>, %arg12: memref<1000x128xf32, #tpu.memory_space<vmem>>, %arg13: memref<1000x128xf32, #tpu.memory_space<vmem>>, %arg14: memref<1000x16xf32, #tpu.memory_space<vmem>>, %arg15: memref<1000x16xf32, #tpu.memory_space<vmem>>, %arg16: memref<1000x16xf32, #tpu.memory_space<vmem>>, %arg17: memref<1000x16xf32, #tpu.memory_space<vmem>>, %arg18: memref<8x128xf32, #tpu.memory_space<vmem>>, %arg19: memref<8x128xf32, #tpu.memory_space<vmem>>, %arg20: memref<8x128xf32, #tpu.memory_space<vmem>>, %arg21: memref<8x128xf32, #tpu.memory_space<vmem>>) attributes {dimension_semantics = [#tpu.dimension_semantics<arbitrary>], iteration_bounds = array<i64: 10>, scalar_prefetch = 0 : i64, scratch_operands = 0 : i64, tpu.core_type = #tpu.core_type<tc>, window_params = [{transform_indices = @transform_0, window_bounds = array<i64: 1000, 128>}, {transform_indices = @transform_1, window_bounds = array<i64: 2, 1000, 128>}, {transform_indices = @transform_2, window_bounds = array<i64: 2, 1000, 128>}, {transform_indices = @transform_3, window_bounds = array<i64: 2, 2, 1000, 16>}, {pipeline_mode = #tpu.pipeline_mode<synchronous>, transform_indices = @transform_4, window_bounds = array<i64: 1, 128>}, {pipeline_mode = #tpu.pipeline_mode<synchronous>, transform_indices = @transform_5, window_bounds = array<i64: 128, 256>}, {pipeline_mode = #tpu.pipeline_mode<synchronous>, transform_indices = @transform_6, window_bounds = array<i64: 1, 128>}, {pipeline_mode = #tpu.pipeline_mode<synchronous>, transform_indices = @transform_7, window_bounds = array<i64: 1, 128>}, {pipeline_mode = #tpu.pipeline_mode<synchronous>, transform_indices = @transform_8, window_bounds = array<i64: 1, 128>}, {pipeline_mode = #tpu.pipeline_mode<synchronous>, transform_indices = @transform_9, window_bounds = array<i64: 1, 128>}, {pipeline_mode = #tpu.pipeline_mode<synchronous>, transform_indices = @transform_10, window_bounds = array<i64: 128, 16>}, {transform_indices = @transform_11, window_bounds = array<i64: 1000, 128>}, {transform_indices = @transform_12, window_bounds = array<i64: 1000, 128>}, {transform_indices = @transform_13, window_bounds = array<i64: 1000, 16>}, {transform_indices = @transform_14, window_bounds = array<i64: 1000, 16>}, {transform_indices = @transform_15, window_bounds = array<i64: 1000, 16>}, {transform_indices = @transform_16, window_bounds = array<i64: 1000, 16>}, {pipeline_mode = #tpu.pipeline_mode<synchronous>, transform_indices = @transform_17, window_bounds = array<i64: 8, 128>}, {pipeline_mode = #tpu.pipeline_mode<synchronous>, transform_indices = @transform_18, window_bounds = array<i64: 8, 128>}, {pipeline_mode = #tpu.pipeline_mode<synchronous>, transform_indices = @transform_19, window_bounds = array<i64: 8, 128>}, {pipeline_mode = #tpu.pipeline_mode<synchronous>, transform_indices = @transform_20, window_bounds = array<i64: 8, 128>}]} {
    %get3A = arith.constant 0 : index
    %get3A_0 = arith.constant 0 : index
    %get3A_1 = arith.constant 0 : index
    %get3A_2 = vector.load %arg2[%get3A, %get3A_0, %get3A_1] : memref<2x1000x128xf32, #tpu.memory_space<vmem>>, vector<1x1000x128xf32>
    %get3A_3 = vector.shape_cast %get3A_2 : vector<1x1000x128xf32> to vector<1000x128xf32>
    %get3A_4 = arith.constant 1 : index
    %get3A_5 = arith.constant 0 : index
    %get3A_6 = arith.constant 0 : index
    %get3A_7 = vector.load %arg2[%get3A_4, %get3A_5, %get3A_6] : memref<2x1000x128xf32, #tpu.memory_space<vmem>>, vector<1x1000x128xf32>
    %get3A_8 = vector.shape_cast %get3A_7 : vector<1x1000x128xf32> to vector<1000x128xf32>
    %add3A = arith.addf %get3A_3, %get3A_8 : vector<1000x128xf32>
    %get3A_9 = arith.constant 0 : index
    %get3A_10 = arith.constant 0 : index
    %get3A_11 = arith.constant 0 : index
    %get3A_12 = vector.load %arg3[%get3A_9, %get3A_10, %get3A_11] : memref<2x1000x128xf32, #tpu.memory_space<vmem>>, vector<1x1000x128xf32>
    %get3A_13 = vector.shape_cast %get3A_12 : vector<1x1000x128xf32> to vector<1000x128xf32>
    %get3A_14 = arith.constant 1 : index
    %get3A_15 = arith.constant 0 : index
    %get3A_16 = arith.constant 0 : index
    %get3A_17 = vector.load %arg3[%get3A_14, %get3A_15, %get3A_16] : memref<2x1000x128xf32, #tpu.memory_space<vmem>>, vector<1x1000x128xf32>
    %get3A_18 = vector.shape_cast %get3A_17 : vector<1x1000x128xf32> to vector<1000x128xf32>
    %add3A_19 = arith.addf %get3A_13, %get3A_18 : vector<1000x128xf32>
    %get3A_20 = arith.constant 0 : index
    %get3A_21 = arith.constant 0 : index
    %get3A_22 = arith.constant 0 : index
    %get3A_23 = arith.constant 0 : index
    %get3A_24 = vector.load %arg4[%get3A_20, %get3A_21, %get3A_22, %get3A_23] : memref<2x2x1000x16xf32, #tpu.memory_space<vmem>>, vector<1x1x1000x1xf32>
    %get3A_25 = vector.shape_cast %get3A_24 : vector<1x1x1000x1xf32> to vector<1000x1xf32>
    %get3A_26 = arith.constant 0 : index
    %get3A_27 = arith.constant 1 : index
    %get3A_28 = arith.constant 0 : index
    %get3A_29 = arith.constant 0 : index
    %get3A_30 = vector.load %arg4[%get3A_26, %get3A_27, %get3A_28, %get3A_29] : memref<2x2x1000x16xf32, #tpu.memory_space<vmem>>, vector<1x1x1000x1xf32>
    %get3A_31 = vector.shape_cast %get3A_30 : vector<1x1x1000x1xf32> to vector<1000x1xf32>
    %add3A_32 = arith.addf %get3A_25, %get3A_31 : vector<1000x1xf32>
    %max3A = arith.constant 1.000000e+00 : f32
    %max3A_33 = vector.broadcast %max3A : f32 to vector<1000x1xf32>
    %max3A_34 = arith.maximumf %add3A_32, %max3A_33 : vector<1000x1xf32>
    %get3A_35 = arith.constant 1 : index
    %get3A_36 = arith.constant 0 : index
    %get3A_37 = arith.constant 0 : index
    %get3A_38 = arith.constant 0 : index
    %get3A_39 = vector.load %arg4[%get3A_35, %get3A_36, %get3A_37, %get3A_38] : memref<2x2x1000x16xf32, #tpu.memory_space<vmem>>, vector<1x1x1000x1xf32>
    %get3A_40 = vector.shape_cast %get3A_39 : vector<1x1x1000x1xf32> to vector<1000x1xf32>
    %get3A_41 = arith.constant 1 : index
    %get3A_42 = arith.constant 1 : index
    %get3A_43 = arith.constant 0 : index
    %get3A_44 = arith.constant 0 : index
    %get3A_45 = vector.load %arg4[%get3A_41, %get3A_42, %get3A_43, %get3A_44] : memref<2x2x1000x16xf32, #tpu.memory_space<vmem>>, vector<1x1x1000x1xf32>
    %get3A_46 = vector.shape_cast %get3A_45 : vector<1x1x1000x1xf32> to vector<1000x1xf32>
    %add3A_47 = arith.addf %get3A_40, %get3A_46 : vector<1000x1xf32>
    %max3A_48 = arith.constant 1.000000e+00 : f32
    %max3A_49 = vector.broadcast %max3A_48 : f32 to vector<1000x1xf32>
    %max3A_50 = arith.maximumf %add3A_47, %max3A_49 : vector<1000x1xf32>
    %get3A_51 = arith.constant 0 : index
    %get3A_52 = arith.constant 0 : index
    %get3A_53 = vector.load %arg1[%get3A_51, %get3A_52] : memref<1000x128xf32, #tpu.memory_space<vmem>>, vector<1000x128xf32>
    %div3A = vector.broadcast %max3A_34 : vector<1000x1xf32> to vector<1000x128xf32>
    %div3A_54 = arith.divf %add3A, %div3A : vector<1000x128xf32>
    %add3A_55 = arith.addf %get3A_53, %div3A_54 : vector<1000x128xf32>
    %div3A_56 = vector.broadcast %max3A_50 : vector<1000x1xf32> to vector<1000x128xf32>
    %div3A_57 = arith.divf %add3A_19, %div3A_56 : vector<1000x128xf32>
    %add3A_58 = arith.addf %add3A_55, %div3A_57 : vector<1000x128xf32>
    %get3A_59 = arith.constant 0 : index
    %get3A_60 = arith.constant 0 : index
    %get3A_61 = vector.load %arg5[%get3A_59, %get3A_60] : memref<1x128xf32, #tpu.memory_space<vmem>>, vector<1x128xf32>
    %add3A_62 = vector.broadcast %get3A_61 : vector<1x128xf32> to vector<1000x128xf32>
    %add3A_63 = arith.addf %add3A_58, %add3A_62 : vector<1000x128xf32>
    %mul3A = arith.constant 5.000000e-01 : f32
    %mul3A_64 = vector.broadcast %mul3A : f32 to vector<1000x128xf32>
    %mul3A_65 = arith.mulf %mul3A_64, %add3A_63 : vector<1000x128xf32>
    %mul3A_66 = arith.constant 0.00999999977 : f32
    %mul3A_67 = vector.broadcast %mul3A_66 : f32 to vector<1000x128xf32>
    %mul3A_68 = arith.mulf %mul3A_67, %mul3A_65 : vector<1000x128xf32>
    %max3A_69 = arith.maximumf %mul3A_65, %mul3A_68 : vector<1000x128xf32>
    %get3A_70 = arith.constant 0 : index
    %get3A_71 = arith.constant 0 : index
    %get3A_72 = vector.load %arg6[%get3A_70, %get3A_71] : memref<128x256xf32, #tpu.memory_space<vmem>>, vector<128x256xf32>
    %dot_general3A = arith.constant dense<0.000000e+00> : vector<1000x256xf32>
    %dot_general3A_73 = tpu.matmul %max3A_69, %get3A_72, %dot_general3A {dimension_numbers = #tpu.dot_dimension_numbers<[1], [0], [0], [1], [0, 0, 1, 1], [], []>, transpose_lhs_hint = false} : vector<1000x128xf32>, vector<128x256xf32>, vector<1000x256xf32> -> vector<1000x256xf32>
    %slice3A = vector.extract_strided_slice %dot_general3A_73 {offsets = [0, 0], sizes = [1000, 128], strides = [1, 1]} : vector<1000x256xf32> to vector<1000x128xf32>
    %slice3A_74 = vector.extract_strided_slice %dot_general3A_73 {offsets = [0, 128], sizes = [1000, 128], strides = [1, 1]} : vector<1000x256xf32> to vector<1000x128xf32>
    %swap3A = arith.constant 0 : index
    %swap3A_75 = arith.constant 0 : index
    %swap3A_76 = vector.load %arg12[%swap3A, %swap3A_75] : memref<1000x128xf32, #tpu.memory_space<vmem>>, vector<1000x128xf32>
    tpu.vector_store %arg12[%swap3A, %swap3A_75], %slice3A {strides = array<i32>} : memref<1000x128xf32, #tpu.memory_space<vmem>>, vector<1000x128xf32>,
    %swap3A_77 = arith.constant 0 : index
    %swap3A_78 = arith.constant 0 : index
    %swap3A_79 = vector.load %arg13[%swap3A_77, %swap3A_78] : memref<1000x128xf32, #tpu.memory_space<vmem>>, vector<1000x128xf32>
    tpu.vector_store %arg13[%swap3A_77, %swap3A_78], %slice3A_74 {strides = array<i32>} : memref<1000x128xf32, #tpu.memory_space<vmem>>, vector<1000x128xf32>,
    %get3A_80 = arith.constant 0 : index
    %get3A_81 = arith.constant 0 : index
    %get3A_82 = vector.load %arg11[%get3A_80, %get3A_81] : memref<128x16xf32, #tpu.memory_space<vmem>>, vector<128x16xf32>
    %get3A_83 = arith.constant 0 : index
    %get3A_84 = arith.constant 0 : index
    %get3A_85 = vector.load %arg7[%get3A_83, %get3A_84] : memref<1x128xf32, #tpu.memory_space<vmem>>, vector<1x128xf32>
    %mul3A_86 = vector.broadcast %get3A_85 : vector<1x128xf32> to vector<1000x128xf32>
    %mul3A_87 = arith.mulf %slice3A, %mul3A_86 : vector<1000x128xf32>
    %dot_general3A_88 = arith.constant dense<0.000000e+00> : vector<1000x16xf32>
    %dot_general3A_89 = tpu.matmul %mul3A_87, %get3A_82, %dot_general3A_88 {dimension_numbers = #tpu.dot_dimension_numbers<[1], [0], [0], [1], [0, 0, 1, 1], [], []>, transpose_lhs_hint = false} : vector<1000x128xf32>, vector<128x16xf32>, vector<1000x16xf32> -> vector<1000x16xf32>
    %get3A_90 = arith.constant 0 : index
    %get3A_91 = arith.constant 0 : index
    %get3A_92 = vector.load %arg8[%get3A_90, %get3A_91] : memref<1x128xf32, #tpu.memory_space<vmem>>, vector<1x128xf32>
    %mul3A_93 = vector.broadcast %get3A_92 : vector<1x128xf32> to vector<1000x128xf32>
    %mul3A_94 = arith.mulf %slice3A_74, %mul3A_93 : vector<1000x128xf32>
    %dot_general3A_95 = arith.constant dense<0.000000e+00> : vector<1000x16xf32>
    %dot_general3A_96 = tpu.matmul %mul3A_94, %get3A_82, %dot_general3A_95 {dimension_numbers = #tpu.dot_dimension_numbers<[1], [0], [0], [1], [0, 0, 1, 1], [], []>, transpose_lhs_hint = false} : vector<1000x128xf32>, vector<128x16xf32>, vector<1000x16xf32> -> vector<1000x16xf32>
    %get3A_97 = arith.constant 0 : index
    %get3A_98 = arith.constant 0 : index
    %get3A_99 = vector.load %arg9[%get3A_97, %get3A_98] : memref<1x128xf32, #tpu.memory_space<vmem>>, vector<1x128xf32>
    %mul3A_100 = vector.broadcast %get3A_99 : vector<1x128xf32> to vector<1000x128xf32>
    %mul3A_101 = arith.mulf %slice3A, %mul3A_100 : vector<1000x128xf32>
    %dot_general3A_102 = arith.constant dense<0.000000e+00> : vector<1000x16xf32>
    %dot_general3A_103 = tpu.matmul %mul3A_101, %get3A_82, %dot_general3A_102 {dimension_numbers = #tpu.dot_dimension_numbers<[1], [0], [0], [1], [0, 0, 1, 1], [], []>, transpose_lhs_hint = false} : vector<1000x128xf32>, vector<128x16xf32>, vector<1000x16xf32> -> vector<1000x16xf32>
    %get3A_104 = arith.constant 0 : index
    %get3A_105 = arith.constant 0 : index
    %get3A_106 = vector.load %arg10[%get3A_104, %get3A_105] : memref<1x128xf32, #tpu.memory_space<vmem>>, vector<1x128xf32>
    %mul3A_107 = vector.broadcast %get3A_106 : vector<1x128xf32> to vector<1000x128xf32>
    %mul3A_108 = arith.mulf %slice3A_74, %mul3A_107 : vector<1000x128xf32>
    %dot_general3A_109 = arith.constant dense<0.000000e+00> : vector<1000x16xf32>
    %dot_general3A_110 = tpu.matmul %mul3A_108, %get3A_82, %dot_general3A_109 {dimension_numbers = #tpu.dot_dimension_numbers<[1], [0], [0], [1], [0, 0, 1, 1], [], []>, transpose_lhs_hint = false} : vector<1000x128xf32>, vector<128x16xf32>, vector<1000x16xf32> -> vector<1000x16xf32>
    %swap3A_111 = arith.constant 0 : index
    %swap3A_112 = arith.constant 0 : index
    %swap3A_113 = vector.load %arg14[%swap3A_111, %swap3A_112] : memref<1000x16xf32, #tpu.memory_space<vmem>>, vector<1000x16xf32>
    tpu.vector_store %arg14[%swap3A_111, %swap3A_112], %dot_general3A_89 {strides = array<i32>} : memref<1000x16xf32, #tpu.memory_space<vmem>>, vector<1000x16xf32>,
    %swap3A_114 = arith.constant 0 : index
    %swap3A_115 = arith.constant 0 : index
    %swap3A_116 = vector.load %arg15[%swap3A_114, %swap3A_115] : memref<1000x16xf32, #tpu.memory_space<vmem>>, vector<1000x16xf32>
    tpu.vector_store %arg15[%swap3A_114, %swap3A_115], %dot_general3A_96 {strides = array<i32>} : memref<1000x16xf32, #tpu.memory_space<vmem>>, vector<1000x16xf32>,
    %swap3A_117 = arith.constant 0 : index
    %swap3A_118 = arith.constant 0 : index
    %swap3A_119 = vector.load %arg16[%swap3A_117, %swap3A_118] : memref<1000x16xf32, #tpu.memory_space<vmem>>, vector<1000x16xf32>
    tpu.vector_store %arg16[%swap3A_117, %swap3A_118], %dot_general3A_103 {strides = array<i32>} : memref<1000x16xf32, #tpu.memory_space<vmem>>, vector<1000x16xf32>,
    %swap3A_120 = arith.constant 0 : index
    %swap3A_121 = arith.constant 0 : index
    %swap3A_122 = vector.load %arg17[%swap3A_120, %swap3A_121] : memref<1000x16xf32, #tpu.memory_space<vmem>>, vector<1000x16xf32>
    tpu.vector_store %arg17[%swap3A_120, %swap3A_121], %dot_general3A_110 {strides = array<i32>} : memref<1000x16xf32, #tpu.memory_space<vmem>>, vector<1000x16xf32>,
    %eq3A = arith.constant 0 : i32
    %eq3A_123 = arith.cmpi eq, %arg0, %eq3A : i32
    %convert_element_type3A = arith.extui %eq3A_123 : i1 to i32
    %cond3A = arith.constant 0 : i32
    %cond3A_124 = arith.cmpi ne, %convert_element_type3A, %cond3A : i32
    scf.if %cond3A_124 {
      %broadcast_in_dim3A = arith.constant -1.000000e+30 : f32
      %broadcast_in_dim3A_176 = vector.broadcast %broadcast_in_dim3A : f32 to vector<8x128xf32>
      %swap3A_177 = arith.constant 0 : index
      %swap3A_178 = arith.constant 0 : index
      %swap3A_179 = vector.load %arg18[%swap3A_177, %swap3A_178] : memref<8x128xf32, #tpu.memory_space<vmem>>, vector<8x128xf32>
      tpu.vector_store %arg18[%swap3A_177, %swap3A_178], %broadcast_in_dim3A_176 {strides = array<i32>} : memref<8x128xf32, #tpu.memory_space<vmem>>, vector<8x128xf32>,
      %broadcast_in_dim3A_180 = arith.constant -1.000000e+30 : f32
      %broadcast_in_dim3A_181 = vector.broadcast %broadcast_in_dim3A_180 : f32 to vector<8x128xf32>
      %swap3A_182 = arith.constant 0 : index
      %swap3A_183 = arith.constant 0 : index
      %swap3A_184 = vector.load %arg19[%swap3A_182, %swap3A_183] : memref<8x128xf32, #tpu.memory_space<vmem>>, vector<8x128xf32>
      tpu.vector_store %arg19[%swap3A_182, %swap3A_183], %broadcast_in_dim3A_181 {strides = array<i32>} : memref<8x128xf32, #tpu.memory_space<vmem>>, vector<8x128xf32>,
      %broadcast_in_dim3A_185 = arith.constant -1.000000e+30 : f32
      %broadcast_in_dim3A_186 = vector.broadcast %broadcast_in_dim3A_185 : f32 to vector<8x128xf32>
      %swap3A_187 = arith.constant 0 : index
      %swap3A_188 = arith.constant 0 : index
      %swap3A_189 = vector.load %arg20[%swap3A_187, %swap3A_188] : memref<8x128xf32, #tpu.memory_space<vmem>>, vector<8x128xf32>
      tpu.vector_store %arg20[%swap3A_187, %swap3A_188], %broadcast_in_dim3A_186 {strides = array<i32>} : memref<8x128xf32, #tpu.memory_space<vmem>>, vector<8x128xf32>,
      %broadcast_in_dim3A_190 = arith.constant -1.000000e+30 : f32
      %broadcast_in_dim3A_191 = vector.broadcast %broadcast_in_dim3A_190 : f32 to vector<8x128xf32>
      %swap3A_192 = arith.constant 0 : index
      %swap3A_193 = arith.constant 0 : index
      %swap3A_194 = vector.load %arg21[%swap3A_192, %swap3A_193] : memref<8x128xf32, #tpu.memory_space<vmem>>, vector<8x128xf32>
      tpu.vector_store %arg21[%swap3A_192, %swap3A_193], %broadcast_in_dim3A_191 {strides = array<i32>} : memref<8x128xf32, #tpu.memory_space<vmem>>, vector<8x128xf32>,
    } else {
    }
    %get3A_125 = arith.constant 0 : index
    %get3A_126 = arith.constant 0 : index
    %get3A_127 = vector.load %arg18[%get3A_125, %get3A_126] : memref<8x128xf32, #tpu.memory_space<vmem>>, vector<8x128xf32>
    %reduce_max3A = vector.shape_cast %dot_general3A_89 : vector<1000x16xf32> to vector<1x1000x16xf32>
    %reduce_max3A_128 = arith.constant dense<0xFF800000> : vector<1xf32>
    %reduce_max3A_129 = vector.multi_reduction <maximumf>, %reduce_max3A, %reduce_max3A_128 [1, 2] : vector<1x1000x16xf32> to vector<1xf32>
    %reduce_max3A_130 = vector.shape_cast %reduce_max3A_129 : vector<1xf32> to vector<1x1x1xf32>
    %reduce_max3A_131 = vector.extract %reduce_max3A_130[0, 0, 0] : f32 from vector<1x1x1xf32>
    %max3A_132 = vector.broadcast %reduce_max3A_131 : f32 to vector<8x128xf32>
    %max3A_133 = arith.maximumf %get3A_127, %max3A_132 : vector<8x128xf32>
    %swap3A_134 = arith.constant 0 : index
    %swap3A_135 = arith.constant 0 : index
    %swap3A_136 = vector.load %arg18[%swap3A_134, %swap3A_135] : memref<8x128xf32, #tpu.memory_space<vmem>>, vector<8x128xf32>
    tpu.vector_store %arg18[%swap3A_134, %swap3A_135], %max3A_133 {strides = array<i32>} : memref<8x128xf32, #tpu.memory_space<vmem>>, vector<8x128xf32>,
    %get3A_137 = arith.constant 0 : index
    %get3A_138 = arith.constant 0 : index
    %get3A_139 = vector.load %arg19[%get3A_137, %get3A_138] : memref<8x128xf32, #tpu.memory_space<vmem>>, vector<8x128xf32>
    %reduce_max3A_140 = vector.shape_cast %dot_general3A_96 : vector<1000x16xf32> to vector<1x1000x16xf32>
    %reduce_max3A_141 = arith.constant dense<0xFF800000> : vector<1xf32>
    %reduce_max3A_142 = vector.multi_reduction <maximumf>, %reduce_max3A_140, %reduce_max3A_141 [1, 2] : vector<1x1000x16xf32> to vector<1xf32>
    %reduce_max3A_143 = vector.shape_cast %reduce_max3A_142 : vector<1xf32> to vector<1x1x1xf32>
    %reduce_max3A_144 = vector.extract %reduce_max3A_143[0, 0, 0] : f32 from vector<1x1x1xf32>
    %max3A_145 = vector.broadcast %reduce_max3A_144 : f32 to vector<8x128xf32>
    %max3A_146 = arith.maximumf %get3A_139, %max3A_145 : vector<8x128xf32>
    %swap3A_147 = arith.constant 0 : index
    %swap3A_148 = arith.constant 0 : index
    %swap3A_149 = vector.load %arg19[%swap3A_147, %swap3A_148] : memref<8x128xf32, #tpu.memory_space<vmem>>, vector<8x128xf32>
    tpu.vector_store %arg19[%swap3A_147, %swap3A_148], %max3A_146 {strides = array<i32>} : memref<8x128xf32, #tpu.memory_space<vmem>>, vector<8x128xf32>,
    %get3A_150 = arith.constant 0 : index
    %get3A_151 = arith.constant 0 : index
    %get3A_152 = vector.load %arg20[%get3A_150, %get3A_151] : memref<8x128xf32, #tpu.memory_space<vmem>>, vector<8x128xf32>
    %reduce_max3A_153 = vector.shape_cast %dot_general3A_103 : vector<1000x16xf32> to vector<1x1000x16xf32>
    %reduce_max3A_154 = arith.constant dense<0xFF800000> : vector<1xf32>
    %reduce_max3A_155 = vector.multi_reduction <maximumf>, %reduce_max3A_153, %reduce_max3A_154 [1, 2] : vector<1x1000x16xf32> to vector<1xf32>
    %reduce_max3A_156 = vector.shape_cast %reduce_max3A_155 : vector<1xf32> to vector<1x1x1xf32>
    %reduce_max3A_157 = vector.extract %reduce_max3A_156[0, 0, 0] : f32 from vector<1x1x1xf32>
    %max3A_158 = vector.broadcast %reduce_max3A_157 : f32 to vector<8x128xf32>
    %max3A_159 = arith.maximumf %get3A_152, %max3A_158 : vector<8x128xf32>
    %swap3A_160 = arith.constant 0 : index
    %swap3A_161 = arith.constant 0 : index
    %swap3A_162 = vector.load %arg20[%swap3A_160, %swap3A_161] : memref<8x128xf32, #tpu.memory_space<vmem>>, vector<8x128xf32>
    tpu.vector_store %arg20[%swap3A_160, %swap3A_161], %max3A_159 {strides = array<i32>} : memref<8x128xf32, #tpu.memory_space<vmem>>, vector<8x128xf32>,
    %get3A_163 = arith.constant 0 : index
    %get3A_164 = arith.constant 0 : index
    %get3A_165 = vector.load %arg21[%get3A_163, %get3A_164] : memref<8x128xf32, #tpu.memory_space<vmem>>, vector<8x128xf32>
    %reduce_max3A_166 = vector.shape_cast %dot_general3A_110 : vector<1000x16xf32> to vector<1x1000x16xf32>
    %reduce_max3A_167 = arith.constant dense<0xFF800000> : vector<1xf32>
    %reduce_max3A_168 = vector.multi_reduction <maximumf>, %reduce_max3A_166, %reduce_max3A_167 [1, 2] : vector<1x1000x16xf32> to vector<1xf32>
    %reduce_max3A_169 = vector.shape_cast %reduce_max3A_168 : vector<1xf32> to vector<1x1x1xf32>
    %reduce_max3A_170 = vector.extract %reduce_max3A_169[0, 0, 0] : f32 from vector<1x1x1xf32>
    %max3A_171 = vector.broadcast %reduce_max3A_170 : f32 to vector<8x128xf32>
    %max3A_172 = arith.maximumf %get3A_165, %max3A_171 : vector<8x128xf32>
    %swap3A_173 = arith.constant 0 : index
    %swap3A_174 = arith.constant 0 : index
    %swap3A_175 = vector.load %arg21[%swap3A_173, %swap3A_174] : memref<8x128xf32, #tpu.memory_space<vmem>>, vector<8x128xf32>
    tpu.vector_store %arg21[%swap3A_173, %swap3A_174], %max3A_172 {strides = array<i32>} : memref<8x128xf32, #tpu.memory_space<vmem>>, vector<8x128xf32>,
    return
  }
  func.func @transform_0(%arg0: i32) -> (i32, i32) {
    %c0_i32 = arith.constant 0 : i32
    %c0_i32_0 = arith.constant 0 : i32
    return %arg0, %c0_i32 : i32, i32
  }
  func.func @transform_1(%arg0: i32) -> (i32, i32, i32) {
    %c0_i32 = arith.constant 0 : i32
    %c0_i32_0 = arith.constant 0 : i32
    %c0_i32_1 = arith.constant 0 : i32
    return %c0_i32, %arg0, %c0_i32_0 : i32, i32, i32
  }
  func.func @transform_2(%arg0: i32) -> (i32, i32, i32) {
    %c0_i32 = arith.constant 0 : i32
    %c0_i32_0 = arith.constant 0 : i32
    %c0_i32_1 = arith.constant 0 : i32
    return %c0_i32, %arg0, %c0_i32_0 : i32, i32, i32
  }
  func.func @transform_3(%arg0: i32) -> (i32, i32, i32, i32) {
    %c0_i32 = arith.constant 0 : i32
    %c0_i32_0 = arith.constant 0 : i32
    %c0_i32_1 = arith.constant 0 : i32
    %c0_i32_2 = arith.constant 0 : i32
    return %c0_i32, %c0_i32_0, %arg0, %c0_i32_1 : i32, i32, i32, i32
  }
  func.func @transform_4(%arg0: i32) -> (i32, i32) {
    %c0_i32 = arith.constant 0 : i32
    %c0_i32_0 = arith.constant 0 : i32
    %c0_i32_1 = arith.constant 0 : i32
    return %c0_i32, %c0_i32_0 : i32, i32
  }
  func.func @transform_5(%arg0: i32) -> (i32, i32) {
    %c0_i32 = arith.constant 0 : i32
    %c0_i32_0 = arith.constant 0 : i32
    %c0_i32_1 = arith.constant 0 : i32
    return %c0_i32, %c0_i32_0 : i32, i32
  }
  func.func @transform_6(%arg0: i32) -> (i32, i32) {
    %c0_i32 = arith.constant 0 : i32
    %c0_i32_0 = arith.constant 0 : i32
    %c0_i32_1 = arith.constant 0 : i32
    return %c0_i32, %c0_i32_0 : i32, i32
  }
  func.func @transform_7(%arg0: i32) -> (i32, i32) {
    %c0_i32 = arith.constant 0 : i32
    %c0_i32_0 = arith.constant 0 : i32
    %c0_i32_1 = arith.constant 0 : i32
    return %c0_i32, %c0_i32_0 : i32, i32
  }
  func.func @transform_8(%arg0: i32) -> (i32, i32) {
    %c0_i32 = arith.constant 0 : i32
    %c0_i32_0 = arith.constant 0 : i32
    %c0_i32_1 = arith.constant 0 : i32
    return %c0_i32, %c0_i32_0 : i32, i32
  }
  func.func @transform_9(%arg0: i32) -> (i32, i32) {
    %c0_i32 = arith.constant 0 : i32
    %c0_i32_0 = arith.constant 0 : i32
    %c0_i32_1 = arith.constant 0 : i32
    return %c0_i32, %c0_i32_0 : i32, i32
  }
  func.func @transform_10(%arg0: i32) -> (i32, i32) {
    %c0_i32 = arith.constant 0 : i32
    %c0_i32_0 = arith.constant 0 : i32
    %c0_i32_1 = arith.constant 0 : i32
    return %c0_i32, %c0_i32_0 : i32, i32
  }
  func.func @transform_11(%arg0: i32) -> (i32, i32) {
    %c0_i32 = arith.constant 0 : i32
    %c0_i32_0 = arith.constant 0 : i32
    return %arg0, %c0_i32 : i32, i32
  }
  func.func @transform_12(%arg0: i32) -> (i32, i32) {
    %c0_i32 = arith.constant 0 : i32
    %c0_i32_0 = arith.constant 0 : i32
    return %arg0, %c0_i32 : i32, i32
  }
  func.func @transform_13(%arg0: i32) -> (i32, i32) {
    %c0_i32 = arith.constant 0 : i32
    %c0_i32_0 = arith.constant 0 : i32
    return %arg0, %c0_i32 : i32, i32
  }
  func.func @transform_14(%arg0: i32) -> (i32, i32) {
    %c0_i32 = arith.constant 0 : i32
    %c0_i32_0 = arith.constant 0 : i32
    return %arg0, %c0_i32 : i32, i32
  }
  func.func @transform_15(%arg0: i32) -> (i32, i32) {
    %c0_i32 = arith.constant 0 : i32
    %c0_i32_0 = arith.constant 0 : i32
    return %arg0, %c0_i32 : i32, i32
  }
  func.func @transform_16(%arg0: i32) -> (i32, i32) {
    %c0_i32 = arith.constant 0 : i32
    %c0_i32_0 = arith.constant 0 : i32
    return %arg0, %c0_i32 : i32, i32
  }
  func.func @transform_17(%arg0: i32) -> (i32, i32) {
    %c0_i32 = arith.constant 0 : i32
    %c0_i32_0 = arith.constant 0 : i32
    %c0_i32_1 = arith.constant 0 : i32
    return %c0_i32, %c0_i32_0 : i32, i32
  }
  func.func @transform_18(%arg0: i32) -> (i32, i32) {
    %c0_i32 = arith.constant 0 : i32
    %c0_i32_0 = arith.constant 0 : i32
    %c0_i32_1 = arith.constant 0 : i32
    return %c0_i32, %c0_i32_0 : i32, i32
  }
  func.func @transform_19(%arg0: i32) -> (i32, i32) {
    %c0_i32 = arith.constant 0 : i32
    %c0_i32_0 = arith.constant 0 : i32
    %c0_i32_1 = arith.constant 0 : i32
    return %c0_i32, %c0_i32_0 : i32, i32
  }
  func.func @transform_20(%arg0: i32) -> (i32, i32) {
    %c0_i32 = arith.constant 0 : i32
    %c0_i32_0 = arith.constant 0 : i32
    %c0_i32_1 = arith.constant 0 : i32
    return %c0_i32, %c0_i32_0 : i32, i32
  }
}

module attributes {stable_mosaic.version = 14 : i64} {
  func.func @_final_body(%arg0: i32, %arg1: memref<2x1000x128xf32, #tpu.memory_space<vmem>>, %arg2: memref<2x1000x128xf32, #tpu.memory_space<vmem>>, %arg3: memref<2x1000x16xf32, #tpu.memory_space<vmem>>, %arg4: memref<2x1000x16xf32, #tpu.memory_space<vmem>>, %arg5: memref<16x128xf32, #tpu.memory_space<vmem>>, %arg6: memref<128x128xf32, #tpu.memory_space<vmem>>, %arg7: memref<1x128xf32, #tpu.memory_space<vmem>>, %arg8: memref<1000x128xf32, #tpu.memory_space<vmem>>) attributes {dimension_semantics = [#tpu.dimension_semantics<arbitrary>], iteration_bounds = array<i64: 10>, scalar_prefetch = 0 : i64, scratch_operands = 0 : i64, tpu.core_type = #tpu.core_type<tc>, window_params = [{transform_indices = @transform_0, window_bounds = array<i64: 2, 1000, 128>}, {transform_indices = @transform_1, window_bounds = array<i64: 2, 1000, 128>}, {transform_indices = @transform_2, window_bounds = array<i64: 2, 1000, 16>}, {transform_indices = @transform_3, window_bounds = array<i64: 2, 1000, 16>}, {pipeline_mode = #tpu.pipeline_mode<synchronous>, transform_indices = @transform_4, window_bounds = array<i64: 16, 128>}, {pipeline_mode = #tpu.pipeline_mode<synchronous>, transform_indices = @transform_5, window_bounds = array<i64: 128, 128>}, {pipeline_mode = #tpu.pipeline_mode<synchronous>, transform_indices = @transform_6, window_bounds = array<i64: 1, 128>}, {transform_indices = @transform_7, window_bounds = array<i64: 1000, 128>}]} {
    %get3A = arith.constant 0 : index
    %get3A_0 = arith.constant 0 : index
    %get3A_1 = vector.load %arg5[%get3A, %get3A_0] : memref<16x128xf32, #tpu.memory_space<vmem>>, vector<16x128xf32>
    %get3A_2 = arith.constant 0 : index
    %get3A_3 = arith.constant 0 : index
    %get3A_4 = arith.constant 0 : index
    %get3A_5 = vector.load %arg3[%get3A_2, %get3A_3, %get3A_4] : memref<2x1000x16xf32, #tpu.memory_space<vmem>>, vector<1x1000x16xf32>
    %get3A_6 = vector.shape_cast %get3A_5 : vector<1x1000x16xf32> to vector<1000x16xf32>
    %get3A_7 = arith.constant 1 : index
    %get3A_8 = arith.constant 0 : index
    %get3A_9 = arith.constant 0 : index
    %get3A_10 = vector.load %arg3[%get3A_7, %get3A_8, %get3A_9] : memref<2x1000x16xf32, #tpu.memory_space<vmem>>, vector<1x1000x16xf32>
    %get3A_11 = vector.shape_cast %get3A_10 : vector<1x1000x16xf32> to vector<1000x16xf32>
    %add3A = arith.addf %get3A_6, %get3A_11 : vector<1000x16xf32>
    %dot_general3A = arith.constant dense<0.000000e+00> : vector<1000x128xf32>
    %dot_general3A_12 = tpu.matmul %add3A, %get3A_1, %dot_general3A {dimension_numbers = #tpu.dot_dimension_numbers<[1], [0], [0], [1], [0, 0, 1, 1], [], []>, transpose_lhs_hint = false} : vector<1000x16xf32>, vector<16x128xf32>, vector<1000x128xf32> -> vector<1000x128xf32>
    %get3A_13 = arith.constant 0 : index
    %get3A_14 = arith.constant 0 : index
    %get3A_15 = arith.constant 0 : index
    %get3A_16 = vector.load %arg4[%get3A_13, %get3A_14, %get3A_15] : memref<2x1000x16xf32, #tpu.memory_space<vmem>>, vector<1x1000x16xf32>
    %get3A_17 = vector.shape_cast %get3A_16 : vector<1x1000x16xf32> to vector<1000x16xf32>
    %get3A_18 = arith.constant 1 : index
    %get3A_19 = arith.constant 0 : index
    %get3A_20 = arith.constant 0 : index
    %get3A_21 = vector.load %arg4[%get3A_18, %get3A_19, %get3A_20] : memref<2x1000x16xf32, #tpu.memory_space<vmem>>, vector<1x1000x16xf32>
    %get3A_22 = vector.shape_cast %get3A_21 : vector<1x1000x16xf32> to vector<1000x16xf32>
    %add3A_23 = arith.addf %get3A_17, %get3A_22 : vector<1000x16xf32>
    %dot_general3A_24 = arith.constant dense<0.000000e+00> : vector<1000x128xf32>
    %dot_general3A_25 = tpu.matmul %add3A_23, %get3A_1, %dot_general3A_24 {dimension_numbers = #tpu.dot_dimension_numbers<[1], [0], [0], [1], [0, 0, 1, 1], [], []>, transpose_lhs_hint = false} : vector<1000x16xf32>, vector<16x128xf32>, vector<1000x128xf32> -> vector<1000x128xf32>
    %get3A_26 = arith.constant 0 : index
    %get3A_27 = arith.constant 0 : index
    %get3A_28 = arith.constant 0 : index
    %get3A_29 = vector.load %arg1[%get3A_26, %get3A_27, %get3A_28] : memref<2x1000x128xf32, #tpu.memory_space<vmem>>, vector<1x1000x128xf32>
    %get3A_30 = vector.shape_cast %get3A_29 : vector<1x1000x128xf32> to vector<1000x128xf32>
    %get3A_31 = arith.constant 1 : index
    %get3A_32 = arith.constant 0 : index
    %get3A_33 = arith.constant 0 : index
    %get3A_34 = vector.load %arg1[%get3A_31, %get3A_32, %get3A_33] : memref<2x1000x128xf32, #tpu.memory_space<vmem>>, vector<1x1000x128xf32>
    %get3A_35 = vector.shape_cast %get3A_34 : vector<1x1000x128xf32> to vector<1000x128xf32>
    %add3A_36 = arith.addf %get3A_30, %get3A_35 : vector<1000x128xf32>
    %max3A = arith.constant 1.000000e-30 : f32
    %max3A_37 = vector.broadcast %max3A : f32 to vector<1000x128xf32>
    %max3A_38 = arith.maximumf %dot_general3A_12, %max3A_37 : vector<1000x128xf32>
    %div3A = arith.divf %add3A_36, %max3A_38 : vector<1000x128xf32>
    %get3A_39 = arith.constant 0 : index
    %get3A_40 = arith.constant 0 : index
    %get3A_41 = arith.constant 0 : index
    %get3A_42 = vector.load %arg2[%get3A_39, %get3A_40, %get3A_41] : memref<2x1000x128xf32, #tpu.memory_space<vmem>>, vector<1x1000x128xf32>
    %get3A_43 = vector.shape_cast %get3A_42 : vector<1x1000x128xf32> to vector<1000x128xf32>
    %get3A_44 = arith.constant 1 : index
    %get3A_45 = arith.constant 0 : index
    %get3A_46 = arith.constant 0 : index
    %get3A_47 = vector.load %arg2[%get3A_44, %get3A_45, %get3A_46] : memref<2x1000x128xf32, #tpu.memory_space<vmem>>, vector<1x1000x128xf32>
    %get3A_48 = vector.shape_cast %get3A_47 : vector<1x1000x128xf32> to vector<1000x128xf32>
    %add3A_49 = arith.addf %get3A_43, %get3A_48 : vector<1000x128xf32>
    %max3A_50 = arith.constant 1.000000e-30 : f32
    %max3A_51 = vector.broadcast %max3A_50 : f32 to vector<1000x128xf32>
    %max3A_52 = arith.maximumf %dot_general3A_25, %max3A_51 : vector<1000x128xf32>
    %div3A_53 = arith.divf %add3A_49, %max3A_52 : vector<1000x128xf32>
    %add3A_54 = arith.addf %div3A, %div3A_53 : vector<1000x128xf32>
    %mul3A = arith.constant 5.000000e-01 : f32
    %mul3A_55 = vector.broadcast %mul3A : f32 to vector<1000x128xf32>
    %mul3A_56 = arith.mulf %mul3A_55, %add3A_54 : vector<1000x128xf32>
    %get3A_57 = arith.constant 0 : index
    %get3A_58 = arith.constant 0 : index
    %get3A_59 = vector.load %arg6[%get3A_57, %get3A_58] : memref<128x128xf32, #tpu.memory_space<vmem>>, vector<128x128xf32>
    %dot_general3A_60 = arith.constant dense<0.000000e+00> : vector<1000x128xf32>
    %dot_general3A_61 = tpu.matmul %mul3A_56, %get3A_59, %dot_general3A_60 {dimension_numbers = #tpu.dot_dimension_numbers<[1], [0], [0], [1], [0, 0, 1, 1], [], []>, transpose_lhs_hint = false} : vector<1000x128xf32>, vector<128x128xf32>, vector<1000x128xf32> -> vector<1000x128xf32>
    %get3A_62 = arith.constant 0 : index
    %get3A_63 = arith.constant 0 : index
    %get3A_64 = vector.load %arg7[%get3A_62, %get3A_63] : memref<1x128xf32, #tpu.memory_space<vmem>>, vector<1x128xf32>
    %add3A_65 = vector.broadcast %get3A_64 : vector<1x128xf32> to vector<1000x128xf32>
    %add3A_66 = arith.addf %dot_general3A_61, %add3A_65 : vector<1000x128xf32>
    %swap3A = arith.constant 0 : index
    %swap3A_67 = arith.constant 0 : index
    %swap3A_68 = vector.load %arg8[%swap3A, %swap3A_67] : memref<1000x128xf32, #tpu.memory_space<vmem>>, vector<1000x128xf32>
    tpu.vector_store %arg8[%swap3A, %swap3A_67], %add3A_66 {strides = array<i32>} : memref<1000x128xf32, #tpu.memory_space<vmem>>, vector<1000x128xf32>,
    return
  }
  func.func @transform_0(%arg0: i32) -> (i32, i32, i32) {
    %c0_i32 = arith.constant 0 : i32
    %c0_i32_0 = arith.constant 0 : i32
    %c0_i32_1 = arith.constant 0 : i32
    return %c0_i32, %arg0, %c0_i32_0 : i32, i32, i32
  }
  func.func @transform_1(%arg0: i32) -> (i32, i32, i32) {
    %c0_i32 = arith.constant 0 : i32
    %c0_i32_0 = arith.constant 0 : i32
    %c0_i32_1 = arith.constant 0 : i32
    return %c0_i32, %arg0, %c0_i32_0 : i32, i32, i32
  }
  func.func @transform_2(%arg0: i32) -> (i32, i32, i32) {
    %c0_i32 = arith.constant 0 : i32
    %c0_i32_0 = arith.constant 0 : i32
    %c0_i32_1 = arith.constant 0 : i32
    return %c0_i32, %arg0, %c0_i32_0 : i32, i32, i32
  }
  func.func @transform_3(%arg0: i32) -> (i32, i32, i32) {
    %c0_i32 = arith.constant 0 : i32
    %c0_i32_0 = arith.constant 0 : i32
    %c0_i32_1 = arith.constant 0 : i32
    return %c0_i32, %arg0, %c0_i32_0 : i32, i32, i32
  }
  func.func @transform_4(%arg0: i32) -> (i32, i32) {
    %c0_i32 = arith.constant 0 : i32
    %c0_i32_0 = arith.constant 0 : i32
    %c0_i32_1 = arith.constant 0 : i32
    return %c0_i32, %c0_i32_0 : i32, i32
  }
  func.func @transform_5(%arg0: i32) -> (i32, i32) {
    %c0_i32 = arith.constant 0 : i32
    %c0_i32_0 = arith.constant 0 : i32
    %c0_i32_1 = arith.constant 0 : i32
    return %c0_i32, %c0_i32_0 : i32, i32
  }
  func.func @transform_6(%arg0: i32) -> (i32, i32) {
    %c0_i32 = arith.constant 0 : i32
    %c0_i32_0 = arith.constant 0 : i32
    %c0_i32_1 = arith.constant 0 : i32
    return %c0_i32, %c0_i32_0 : i32, i32
  }
  func.func @transform_7(%arg0: i32) -> (i32, i32) {
    %c0_i32 = arith.constant 0 : i32
    %c0_i32_0 = arith.constant 0 : i32
    return %arg0, %c0_i32 : i32, i32
  }
}

</mosaic_0001>

<sc_bundles>
// kernel: kernel.19.cloned.1.call-start
scs
__scs_entry_jumppad:
0x0: {  	(pc) =	sbr.rel $0x88, $3  }
0x1: {  	(tag) =	ssettag $0x0;
	lr =	simm.s32 $0x1  }
0x2: {  	[smem:$0x3F96] =	sst lr;
	_ =	strace $0xD0000000  }
0x3: {  	_ = 	snop  }
0x4: {  	_ = 	snop  }
0x5: {  	_ = 	snop  }
0x6: {  	_ = 	snop  }
0x7: {  	_ = 	snop  }
__scs_overlays_trampoline_lowered:
0x8: {  	[smem:$0x3FA5] =	sst s0  }
0x9: {  	[smem:$0x3FA6] =	sst s1  }
0xa: {  	[smem:$0x3FA7] =	sst s2  }
0xb: {  	[smem:$0x3FA8] =	sst s3  }
0xc: {  	[smem:$0x3FA9] =	sst s4  }
0xd: {  	[smem:$0x3FAA] =	sst s5  }
0xe: {  	[smem:$0x3FAB] =	sst s6  }
0xf: {  	[smem:$0x3FAC] =	sst s7  }
0x10: {  	[smem:$0x3FAD] =	sst s8  }
0x11: {  	[smem:$0x3FAE] =	sst s9;
	s0 =	simm.s32 @!p0 $0x0  }
0x12: {  	s1 =	sld [smem:$0x3F94];
	s0 =	simm.s32 @p0 $0x1  }
0x13: {  	[smem:$0x3FAF] =	sst s0;
	s0 =	simm.s32 @!p1 $0x0  }
0x14: {  	s2 =	sld [smem:$0x3F93];
	s0 =	simm.s32 @p1 $0x1  }
0x15: {  	[smem:$0x3FB0] =	sst s0;
	s0 =	simm.s32 @!p2 $0x0  }
0x16: {  	s3 =	sld [smem:$0x3FDB];
	s0 =	simm.s32 @p2 $0x1  }
0x17: {  	s4 =	simm.s32 $0x1BF5;
	[smem:$0x3FB2] =	sst s0  }
0x18: {  	s0 =	sld [smem:$0x3F95];
	_ =	swait.ge [sflag:s4], $0x0  }
0x19: {  	s7 =	sld [smem:$0x3F96]  }
0x1a: {  	s8 =	sadd.s32 $0xFFFFE003, lr  }
0x1b: {  	s9 =	sadd.s32 $0xFFFFFEF7, lr;
	s5 =	simm.s32 $0xFFFFFFFF;
	p2 =	slt.u32 s8, $0xFFFFF086  }
0x1c: {  	p1 =	slt.u32 s9, $0xF7A;
	s5 =	simm.s32 @!p2 $0x0  }
0x1d: {  	s5 =	simm.s32 @p1 $0x1;
	p0 =	seq.s32 s7, s2  }
0x1e: {  	s7 =	smul.u32 @!p0 $0xF7A, s2;
	p2 =	seq.s32 @!p0 s5, $0x0  }
0x1f: {  	s9 =	smul.u32 $0xF7A, s1;
	s8 =	simm.s32 @!p0 $0x1BF5;
	p2 =	por !p2, p0  }
0x20: {  	[sflag:s8] =	ssyncset.s32 @!p0 $0xFFFFF086;
	s6 =	sadd.s32 @!p0 s3, s7;
	s7 =	simm.s32 @!p0 $0x108  }
0x21: {  	s3 =	sadd.s32 s3, s9;
	s6 =	sadd.s32 @!p0 $0x88, s6;
	s7 =	simm.s32 @p2 $0x1082  }
0x22: {  	[simem:s7], [sflag:s8] =	dma.local @!p0 [hbm:s6], $0xF7A  }
0x23: {  	s9 =	sor.u32 $0xD0000000, s2;
	s6 =	simm.s32 $0x108;
	_ =	swait.ge @!p0 [sflag:s8], $0x0  }
0x24: {  	s3 =	sadd.s32 $0x88, s3;
	s6 =	simm.s32 @!p1 $0x1082;
	[sflag:s4] =	ssyncset.s32 $0xFFFFF086  }
0x25: {  	[simem:s6], [sflag:s4] =	dma.local [hbm:s3], $0xF7A  }
0x26: {  	[smem:$0x3F96] =	sst s1;
	(tag) =	ssettag s2;
	_ =	strace s9  }
0x27: {  	s1 =	sld [smem:$0x3FA6]  }
0x28: {  	s2 =	sld [smem:$0x3FA7]  }
0x29: {  	s4 =	sld [smem:$0x3FA9]  }
0x2a: {  	p0 =	seq.s32 s5, $0x0;
	s5 =	sld [smem:$0x3FAA]  }
0x2b: {  	s6 =	sld [smem:$0x3FAB]  }
0x2c: {  	s7 =	sld [smem:$0x3FAC]  }
0x2d: {  	s3 =	simm.s32 $0x108;
	s8 =	sld [smem:$0x3FAD]  }
0x2e: {  	s3 =	simm.s32 @!p0 $0x1082;
	s9 =	sld [smem:$0x3FAE]  }
0x2f: {  	lr =	sadd.s32 s0, s3;
	s0 =	sld [smem:$0x3FA5]  }
0x30: {  	s3 =	sld [smem:$0x3FA8]  }
0x31: {  	[smem:$0x3FB1] =	sst s10  }
0x32: {  	s10 =	sld [smem:$0x3FAF];
	_ =	sdelay $0x3  }
0x33: {  	p0 =	seq.s32 s10, $0x1;
	s10 =	sld [smem:$0x3FB1];
	_ =	sdelay $0x3  }
0x34: {  	[smem:$0x3FB1] =	sst s10  }
0x35: {  	s10 =	sld [smem:$0x3FB0];
	_ =	sdelay $0x3  }
0x36: {  	p1 =	seq.s32 s10, $0x1;
	s10 =	sld [smem:$0x3FB1];
	_ =	sdelay $0x3  }
0x37: {  	[smem:$0x3FB1] =	sst s10  }
0x38: {  	s10 =	sld [smem:$0x3FB2]  }
0x39: {  	_ = 	snop;
	(pc) =	sbr.ind lr, $3  }
0x3a: {  	_ = 	snop  }
0x3b: {  	_ = 	snop  }
0x3c: {  	p2 =	seq.s32 s10, $0x1;
	s10 =	sld [smem:$0x3FB1]  }
0x3d: {  	_ =	shalt  }
0x3e: {  	_ =	shalt  }
0x3f: {  	_ =	shalt  }
0x40: {  	_ =	shalt  }
0x41: {  	_ =	shalt  }
0x42: {  	_ =	shalt  }
0x43: {  	_ =	shalt  }
0x44: {  	_ =	shalt  }
0x45: {  	_ =	shalt  }
0x46: {  	_ =	shalt  }
0x47: {  	_ =	shalt  }
0x48: {  	_ =	shalt  }
0x49: {  	_ =	shalt  }
0x4a: {  	_ =	shalt  }
0x4b: {  	_ =	shalt  }
0x4c: {  	_ =	shalt  }
0x4d: {  	_ =	shalt  }
0x4e: {  	_ =	shalt  }
0x4f: {  	_ =	shalt  }
0x50: {  	_ =	shalt  }
0x51: {  	_ =	shalt  }
0x52: {  	_ =	shalt  }
0x53: {  	_ =	shalt  }
0x54: {  	_ =	shalt  }
0x55: {  	_ =	shalt  }
0x56: {  	_ =	shalt  }
0x57: {  	_ =	shalt  }
0x58: {  	_ =	shalt  }
0x59: {  	_ =	shalt  }
0x5a: {  	_ =	shalt  }
0x5b: {  	_ =	shalt  }
0x5c: {  	_ =	shalt  }
0x5d: {  	_ =	shalt  }
0x5e: {  	_ =	shalt  }
0x5f: {  	_ =	shalt  }
0x60: {  	_ =	shalt  }
0x61: {  	_ =	shalt  }
0x62: {  	_ =	shalt  }
0x63: {  	_ =	shalt  }
0x64: {  	_ =	shalt  }
0x65: {  	_ =	shalt  }
0x66: {  	_ =	shalt  }
0x67: {  	_ =	shalt  }
0x68: {  	_ =	shalt  }
0x69: {  	_ =	shalt  }
0x6a: {  	_ =	shalt  }
0x6b: {  	_ =	shalt  }
0x6c: {  	_ =	shalt  }
0x6d: {  	_ =	shalt  }
0x6e: {  	_ =	shalt  }
0x6f: {  	_ =	shalt  }
0x70: {  	_ =	shalt  }
0x71: {  	_ =	shalt  }
0x72: {  	_ =	shalt  }
0x73: {  	_ =	shalt  }
0x74: {  	_ =	shalt  }
0x75: {  	_ =	shalt  }
0x76: {  	_ =	shalt  }
0x77: {  	_ =	shalt  }
0x78: {  	_ =	shalt  }
0x79: {  	_ =	shalt  }
0x7a: {  	_ =	shalt  }
0x7b: {  	_ =	shalt  }
0x7c: {  	_ =	shalt  }
0x7d: {  	_ =	shalt  }
0x7e: {  	_ =	shalt  }
0x7f: {  	_ =	shalt  }
0x80: {  	_ =	shalt  }
0x81: {  	_ =	shalt  }
0x82: {  	_ =	shalt  }
0x83: {  	_ =	shalt  }
0x84: {  	_ =	shalt  }
0x85: {  	_ =	shalt  }
0x86: {  	_ =	shalt  }
0x87: {  	_ =	shalt  }
.Lfunc_end0:
.L_simem_size_0:
called_computation_lowered:
.L_overlay_start_0:
0x88: {  	s2 =	sld [smem:$0x3FD9]  }
0x89: {  	s3 =	sld [smem:$0x3FFE];
	_ =	sdelay $0x1  }
0x8a: {  	s1 =	srdreg.scid  }
0x8b: {  	s0 =	sand.u32 $0x1, s1  }
0x8c: {  	s16 =	sshll.u32 s0, $0xA;
	s2 =	sadd.s32 s3, s2  }
0x8d: {  	s2 =	sadd.s32 s2, s16  }
0x8e: {  	[smem:$0x3FBD] =	sst s2  }
0x8f: {  	_ = 	snop  }
0x90: {  	(tm) =	ssettm $0x1  }
0x91: {  	s17 =	sld [smem:$0x3FFB];
	_ =	sdelay $0x3  }
0x92: {  	_ =	strace s17  }
0x93: {  	s2 =	sld [smem:$0x3FFC];
	_ =	sdelay $0x3  }
0x94: {  	_ =	strace s2  }
0x95: {  	s2 =	sld [smem:$0x3FFD];
	_ =	sdelay $0x3  }
0x96: {  	_ =	strace s2  }
0x97: {  	_ =	strace $0x8FFFFFFF  }
0x98: {  	s18 =	sld [smem:$0x3FDB];
	_ =	sdelay $0x1  }
0x99: {  	s19 =	simm.s32 $_scs_section_size  }
0x9a: {  	s4 =	simm.s32 $_size__tile_overlayer_lowered;
	s5 =	simm.s32 $_tile_overlayer_lowered  }
0x9b: {  	s22 =	simm.s32 $0x1BFF;
	s21 =	sshll.u32 s5, $0x1;
	s2 =	sadd.s32 s19, s18  }
0x9c: {  	s6 =	simm.s32 $0x0;
	s20 =	sshll.u32 s4, $0x1;
	s4 =	sadd.s32 s21, s2  }
0x9d: {  	[timem:s6], [sflag:s22] =	dma.local [hbm:s4], s20  }
0x9e: {  	_ =	swait.ge [sflag:s22], s20  }
0x9f: {  	s3 =	ssub.s32 $0x0, s20;
	[sflag:s22] =	ssyncset.done $0x0  }
0xa0: {  	[sflag:s22] =	ssyncadd.s32 s3;
	_ =	sdelay $0x1  }
0xa1: {  	s23 =	simm.s32 $0x1B8B  }
0xa2: {  	_ =	swait.ge [sflag:s23], $0x1  }
0xa3: {  	[sflag:s23] =	ssyncset.done $0x0  }
0xa4: {  	s25 =	simm.s32 $0x1B8E;
	s24 =	sld [smem:$0x3FFE];
	[sflag:s23] =	ssyncadd.s32 $0xFFFFFFFF  }
0xa5: {  	s26 =	simm.s32 $execute0_lowered;
	[smem:$0x3FD2] =	sst s25  }
0xa6: {  	s4 =	sshll.u32 s26, $0x1;
	_ =	strace $0x80000046;
	[dreg:$0x1] =	wrdreg $0xFFFFFFFF  }
0xa7: {  	s28 =	simm.s32 $_size_execute0_lowered;
	s2 =	sadd.s32 s2, s4;
	[dreg:$0x0] =	wrdreg $0x0  }
0xa8: {  	s4 =	sshll.u32 s28, $0x1;
	[dreg:$0x2] =	wrdreg s2  }
0xa9: {  	[dreg:$0x3] =	wrdreg s4  }
0xaa: {  	[dreg:$0x4] =	wrdreg $0xC0  }
0xab: {  	_ =	task [dreg:s6], $0x5FFFF  }
0xac: {  	[dreg:$0x1] =	wrdreg $0xFFFFFFFF  }
0xad: {  	[dreg:$0x0] =	wrdreg $0x60  }
0xae: {  	[dreg:$0x2] =	wrdreg s24  }
0xaf: {  	[dreg:$0x3] =	wrdreg $0x0  }
0xb0: {  	[dreg:$0x4] =	wrdreg $0x28000  }
0xb1: {  	[dreg:$0x5] =	wrdreg $0x9  }
0xb2: {  	_ =	task.clear_ibuf [dreg:s6], $0x6FFFF;
	_ =	strace $0x90000046  }
0xb3: {  	s29 =	simm.s32 $0x9;
	_ =	strace $0x80000048  }
0xb4: {  	_ =	swait.ge [sflag:s29], $0x1  }
0xb5: {  	[sflag:s29] =	ssyncadd.s32 $0xFFFFFFFF  }
0xb6: {  	_ =	strace $0x90000048  }
0xb7: {  	_ =	sfence  }
0xb8: {  	s30 =	sld [smem:$0x0];
	_ =	sdelay $0x2  }
0xb9: {  	s31 =	sshll.u32 s1, $0xD;
	s1 =	sshrl.u32 s1, $0x2  }
0xba: {  	s3 =	sand.u32 $0x4000, s31;
	s1 =	sadd.s32 s1, s30  }
0xbb: {  	s0 =	sor.u32 s3, s0;
	s1 =	sshll.u32 s1, $0x11  }
0xbc: {  	s0 =	sor.u32 s1, s0  }
0xbd: {  	s0 =	sadd.s32 $0x8F2B, s0  }
0xbe: {  	[sflag:s0] =	ssyncadd.remote.s32 $0x1  }
0xbf: {  	_ =	sfence.sel $0xFFFF  }
0xc0: {  	[dreg:$0x0] =	wrdreg $0xFFFFFFFF;
	(pc) =	sbr.abs _section_cstart, $3  }
0xc1: {  	[dreg:$0x1] =	wrdreg $0xFFFFFFFF  }
0xc2: {  	_ =	task.clear_ibuf [dreg:s6], $0x2FFFF;
	_ =	strace $0x9FFFFFFF  }
0xc3: {  	(tm) =	ssettm $0x7FFFFFFF  }
tec
execute0_lowered:
.L_overlay_start_1:
0x0: {  	(tag) =	ssettag $0x1  }
0x1: {  	s7 =	rddreg [dreg:$0x0]  }
0x2: {  	s2 =	rddreg [dreg:$0x1]  }
0x3: {  	s3 =	rddreg [dreg:$0x2]  }
0x4: {  	s0 =	srdreg.scid;
	s1 =	rddreg [dreg:$0x3]  }
0x5: {  	s4 =	simm.s32 $0x0;
	s14 =	simm.s32 $0x1;
	s6 =	sand.u32 $0x1, s0  }
0x6: {  	s16 =	simm.s32 $0x5050;
	s0 =	stileid.u32;
	s5 =	smul.u32 $0x27100, s6  }
0x7: {  	s17 =	simm.s32 $0x5000;
	s18 =	simm.s32 $0x50;
	s8 =	smul.u32 $0x2710, s0  }
0x8: {  	s19 =	simm.s32 $0x0;
	[smem:$0x7FF] =	sst s4;
	s30 =	smul.u32 $0x2800, s0  }
0x9: {  	s9 =	smul.u32 $0x28000, s6;
	_ =	strace $0x80000047;
	s10 =	ssub.s32 $0x2, s6  }
0xa: {  	s6 =	sadd.s32 $0x2FA00, s7;
	s31 =	sshll.u32 s0, $0x6;
	s11 =	sshrl.u32 s10, $0x1  }
0xb: {  	s5 =	sadd.s32 s8, s5;
	s9 =	sadd.s32 s30, s9;
	s10 =	ssub.s32 s10, s11  }
0xc: {  	s13 =	sadd.s32 s30, s2;
	s15 =	sadd.s32 s30, s3;
	s5 =	sshrl.u32 s5, $0x3  }
0xd: {  	s9 =	sshrl.u32 s9, $0x3;
	s10 =	smax.u32 s10, $0x1;
	s13 =	sshrl.u32 s13, $0x3  }
0xe: {  	s15 =	sshrl.u32 s15, $0x3;
	s12 =	sadd.s32 s5, s7;
	s9 =	sadd.s32 s9, s7  }
0xf: {  	s5 =	sadd.s32 $0x2F400, s7;
	s7 =	sor.u32 $0x1C01, s31;
	s8 =	sadd.s32 $0x2FC00, s9  }
0x10: {  	s9 =	sadd.s32 $0x39C00, s9;
	s11 =	sadd.s32 $0x7C00, s12;
	s12 =	sadd.s32 $0x1B800, s12  }
.LBB2_1:
0x11: {  	[spmem:s13], [sflag:s7] =	dma.local [hbm:s5], $0x500  }
0x12: {  	_ =	swait.ge [sflag:s14], $0x500  }
0x13: {  	[sflag:s14] =	ssyncset.done $0x0  }
0x14: {  	[sflag:s14] =	ssyncadd.s32 $0xFFFFFB00  }
0x15: {  	[spmem:s15], [sflag:s7] =	dma.local [hbm:s5], $0x500  }
0x16: {  	_ =	swait.ge [sflag:s14], $0x500  }
0x17: {  	[sflag:s14] =	ssyncset.done $0x0  }
0x18: {  	[sflag:s14] =	ssyncadd.s32 $0xFFFFFB00  }
0x19: {  	[tilespmem:s16], [sflag:$0x1] =	stream.linear.gather [hbm4b:s6+s4], $0x500, $0x38;
	[tilespmem:$0x5550] =	vst v63  }
0x1a: {  	_ =	swait.ge [sflag:s14], $0x500  }
0x1b: {  	[sflag:s14] =	ssyncset.done $0x0  }
0x1c: {  	[sflag:s14] =	ssyncadd.s32 $0xFFFFFB00  }
0x1d: {  	s20 =	sadd.s32 $0x0, s12;
	[bflag:$0x0] =	sbarrier.arrive $0xFFFF  }
0x1e: {  	[tilespmem:s17], [sflag:$0x1] =	stream.linear.gather [hbm4b:s20+s4], $0x50, $0x38;
	[tilespmem:$0x5550] =	vst v63  }
0x1f: {  	_ =	swait.ge [sflag:s14], $0x50  }
0x20: {  	[sflag:s14] =	ssyncset.done $0x0  }
0x21: {  	[sflag:s14] =	ssyncadd.s32 $0xFFFFFFB0  }
0x22: {  	[spmem:s2] =	stream.indirect.scatter.add.f32 [tilespmem:s16], [sflag:$0x1], $0x10, s17, s18, $0xb8;
	[tilespmem:$0x5550] =	vst v63  }
0x23: {  	_ =	swait.ge [sflag:s14], $0x500  }
0x24: {  	[sflag:s14] =	ssyncset.done $0x0  }
0x25: {  	s31 =	sadd.s32 $0x0, s11;
	[sflag:s14] =	ssyncadd.s32 $0xFFFFFB00  }
0x26: {  	[tilespmem:s17], [sflag:$0x1] =	stream.linear.gather [hbm4b:s31+s4], $0x50, $0x38;
	[tilespmem:$0x5550] =	vst v63  }
0x27: {  	_ =	swait.ge [sflag:s14], $0x50  }
0x28: {  	[sflag:s14] =	ssyncset.done $0x0  }
0x29: {  	[sflag:s14] =	ssyncadd.s32 $0xFFFFFFB0  }
0x2a: {  	[spmem:s3] =	stream.indirect.scatter.add.f32 [tilespmem:s16], [sflag:$0x1], $0x10, s17, s18, $0xb8;
	[tilespmem:$0x5550] =	vst v63  }
0x2b: {  	_ =	swait.ge [sflag:s14], $0x500  }
0x2c: {  	s21 =	simm.s32 $0x14;
	s20 =	simm.s32 $0xA;
	[sflag:s14] =	ssyncset.done $0x0  }
.LBB2_2:
0x2d: {  	s22 =	sadd.s32 s20, s12  }
0x2e: {  	[sflag:s14] =	ssyncadd.s32 $0xFFFFFB00;
	s23 =	smov.u32 s21;
	s24 =	sadd.s32 $0xA, s21  }
0x2f: {  	[tilespmem:s17], [sflag:$0x1] =	stream.linear.gather [hbm4b:s22+s4], $0x50, $0x38;
	[tilespmem:$0x5550] =	vst v63  }
0x30: {  	p0 =	sne.s32 s21, $0x4D8;
	_ =	swait.ge [sflag:s14], $0x50  }
0x31: {  	[sflag:s14] =	ssyncset.done $0x0  }
0x32: {  	[sflag:s14] =	ssyncadd.s32 $0xFFFFFFB0  }
0x33: {  	[spmem:s2] =	stream.indirect.scatter.add.f32 [tilespmem:s16], [sflag:$0x1], $0x10, s17, s18, $0xb8;
	[tilespmem:$0x5550] =	vst v63  }
0x34: {  	_ =	swait.ge [sflag:s14], $0x500  }
0x35: {  	[sflag:s14] =	ssyncset.done $0x0  }
0x36: {  	s21 =	sadd.s32 s20, s11;
	s20 =	smov.u32 s23;
	[sflag:s14] =	ssyncadd.s32 $0xFFFFFB00  }
0x37: {  	[tilespmem:s17], [sflag:$0x1] =	stream.linear.gather [hbm4b:s21+s4], $0x50, $0x38;
	[tilespmem:$0x5550] =	vst v63  }
0x38: {  	_ =	swait.ge [sflag:s14], $0x50  }
.Ltmp0:
0x39: {  	[sflag:s14] =	ssyncset.done $0x0;
	(pc) =	sbr.rel @p0 .LBB2_2-.Ltmp0, $4  }
0x3a: {  	[sflag:s14] =	ssyncadd.s32 $0xFFFFFFB0  }
0x3b: {  	[spmem:s3] =	stream.indirect.scatter.add.f32 [tilespmem:s16], [sflag:$0x1], $0x10, s17, s18, $0xb8;
	[tilespmem:$0x5550] =	vst v63  }
0x3c: {  	_ =	swait.ge [sflag:s14], $0x500  }
0x3d: {  	s21 =	smov.u32 s24;
	[sflag:s14] =	ssyncset.done $0x0  }
0x3e: {  	s21 =	sadd.s32 s20, s12;
	[sflag:s14] =	ssyncadd.s32 $0xFFFFFB00  }
0x3f: {  	[tilespmem:s17], [sflag:$0x1] =	stream.linear.gather [hbm4b:s21+s4], $0x50, $0x38;
	[tilespmem:$0x5550] =	vst v63  }
0x40: {  	_ =	swait.ge [sflag:s14], $0x50  }
0x41: {  	[sflag:s14] =	ssyncset.done $0x0  }
0x42: {  	[sflag:s14] =	ssyncadd.s32 $0xFFFFFFB0  }
0x43: {  	[spmem:s2] =	stream.indirect.scatter.add.f32 [tilespmem:s16], [sflag:$0x1], $0x10, s17, s18, $0xb8;
	[tilespmem:$0x5550] =	vst v63  }
0x44: {  	_ =	swait.ge [sflag:s14], $0x500  }
0x45: {  	[sflag:s14] =	ssyncset.done $0x0  }
0x46: {  	s31 =	sadd.s32 s20, s11;
	[sflag:s14] =	ssyncadd.s32 $0xFFFFFB00  }
0x47: {  	[tilespmem:s17], [sflag:$0x1] =	stream.linear.gather [hbm4b:s31+s4], $0x50, $0x38;
	[tilespmem:$0x5550] =	vst v63  }
0x48: {  	_ =	swait.ge [sflag:s14], $0x50  }
0x49: {  	[sflag:s14] =	ssyncset.done $0x0  }
0x4a: {  	[sflag:s14] =	ssyncadd.s32 $0xFFFFFFB0  }
0x4b: {  	[spmem:s3] =	stream.indirect.scatter.add.f32 [tilespmem:s16], [sflag:$0x1], $0x10, s17, s18, $0xb8;
	[tilespmem:$0x5550] =	vst v63  }
0x4c: {  	_ =	swait.ge [sflag:s14], $0x500  }
0x4d: {  	[sflag:s14] =	ssyncset.done $0x0  }
0x4e: {  	[sflag:s14] =	ssyncadd.s32 $0xFFFFFB00  }
0x4f: {  	[bflag:$0x0] =	sbarrier.arrive $0xFFFF  }
0x50: {  	[hbm:s8], [sflag:s7] =	dma.local [spmem:s13], $0x500  }
0x51: {  	s19 =	sadd.s32 $0x1, s19;
	_ =	swait.ge [sflag:s14], $0x500  }
0x52: {  	p0 =	sne.s32 s19, s10;
	[sflag:s14] =	ssyncset.done $0x0  }
.Ltmp1:
0x53: {  	[sflag:s14] =	ssyncadd.s32 $0xFFFFFB00;
	(pc) =	sbr.rel @p0 .LBB2_1-.Ltmp1, $4  }
0x54: {  	[hbm:s9], [sflag:s7] =	dma.local [spmem:s15], $0x500  }
0x55: {  	_ =	swait.ge [sflag:s14], $0x500  }
0x56: {  	[sflag:s14] =	ssyncset.done $0x0  }
0x57: {  	[sflag:s14] =	ssyncadd.s32 $0xFFFFFB00  }
0x58: {  	_ =	sfence.sel $0x180000  }
0x59: {  	[bflag:$0x0] =	sbarrier.arrive $0xFFFF  }
0x5a: {  	p0 =	sne.s32 s0, $0x0;
	_ =	strace $0x90000047  }
0x5b: {  	s0 =	sadd.s32 @!p0 $0x100000, s1;
	[bflag:$0x2] =	sbarrier.arrive $0xFFFF  }
0x5c: {  	[sflag:s0] =	ssyncadd.tile.s32 @!p0 $0x1;
	_ =	shalt  }
.Lfunc_end2:
_tile_overlayer_lowered:
.L_overlay_start_2:
0x5d: {  	(tag) =	ssettag $0x2  }
0x5e: {  	s0 =	rddreg [dreg:$0x0];
	s2 =	stileid.u32  }
0x5f: {  	s1 =	rddreg [dreg:$0x1];
	p0 =	sne.s32 s2, $0x0  }
0x60: {  	s3 =	rddreg [dreg:$0x2];
	[bflag:$0x3] =	sbarrier.arrive $0xFFFF;
	s2 =	simm.s32 @!p0 $0x1C01  }
0x61: {  	[timem:s3], [sflag:s2] =	dma.local @!p0 [hbm:s0], s1  }
0x62: {  	s0 =	simm.s32 @!p0 $0x1  }
0x63: {  	_ =	swait.ge @!p0 [sflag:s0], s1  }
0x64: {  	s1 =	ssub.s32 @!p0 $0x0, s1;
	[sflag:s0] =	ssyncset.done @!p0 $0x0  }
0x65: {  	[sflag:s0] =	ssyncadd.s32 @!p0 s1  }
0x66: {  	[bflag:$0x3] =	sbarrier.arrive $0xFFFF  }
0x67: {  	_ =	shalt  }

// kernel: kernel.22.cloned.1.call-start
scs
__scs_entry_jumppad:
0x0: {  	(pc) =	sbr.rel $0x88, $3  }
0x1: {  	(tag) =	ssettag $0x0;
	lr =	simm.s32 $0x1  }
0x2: {  	[smem:$0x3F96] =	sst lr;
	_ =	strace $0xD0000000  }
0x3: {  	_ = 	snop  }
0x4: {  	_ = 	snop  }
0x5: {  	_ = 	snop  }
0x6: {  	_ = 	snop  }
0x7: {  	_ = 	snop  }
__scs_overlays_trampoline_lowered:
0x8: {  	[smem:$0x3FA5] =	sst s0  }
0x9: {  	[smem:$0x3FA6] =	sst s1  }
0xa: {  	[smem:$0x3FA7] =	sst s2  }
0xb: {  	[smem:$0x3FA8] =	sst s3  }
0xc: {  	[smem:$0x3FA9] =	sst s4  }
0xd: {  	[smem:$0x3FAA] =	sst s5  }
0xe: {  	[smem:$0x3FAB] =	sst s6  }
0xf: {  	[smem:$0x3FAC] =	sst s7  }
0x10: {  	[smem:$0x3FAD] =	sst s8  }
0x11: {  	[smem:$0x3FAE] =	sst s9;
	s0 =	simm.s32 @!p0 $0x0  }
0x12: {  	s1 =	sld [smem:$0x3F94];
	s0 =	simm.s32 @p0 $0x1  }
0x13: {  	[smem:$0x3FAF] =	sst s0;
	s0 =	simm.s32 @!p1 $0x0  }
0x14: {  	s2 =	sld [smem:$0x3F93];
	s0 =	simm.s32 @p1 $0x1  }
0x15: {  	[smem:$0x3FB0] =	sst s0;
	s0 =	simm.s32 @!p2 $0x0  }
0x16: {  	s3 =	sld [smem:$0x3FDB];
	s0 =	simm.s32 @p2 $0x1  }
0x17: {  	s4 =	simm.s32 $0x1BF5;
	[smem:$0x3FB2] =	sst s0  }
0x18: {  	s0 =	sld [smem:$0x3F95];
	_ =	swait.ge [sflag:s4], $0x0  }
0x19: {  	s7 =	sld [smem:$0x3F96]  }
0x1a: {  	s8 =	sadd.s32 $0xFFFFE003, lr  }
0x1b: {  	s9 =	sadd.s32 $0xFFFFFEF7, lr;
	s5 =	simm.s32 $0xFFFFFFFF;
	p2 =	slt.u32 s8, $0xFFFFF086  }
0x1c: {  	p1 =	slt.u32 s9, $0xF7A;
	s5 =	simm.s32 @!p2 $0x0  }
0x1d: {  	s5 =	simm.s32 @p1 $0x1;
	p0 =	seq.s32 s7, s2  }
0x1e: {  	s7 =	smul.u32 @!p0 $0xF7A, s2;
	p2 =	seq.s32 @!p0 s5, $0x0  }
0x1f: {  	s9 =	smul.u32 $0xF7A, s1;
	s8 =	simm.s32 @!p0 $0x1BF5;
	p2 =	por !p2, p0  }
0x20: {  	[sflag:s8] =	ssyncset.s32 @!p0 $0xFFFFF086;
	s6 =	sadd.s32 @!p0 s3, s7;
	s7 =	simm.s32 @!p0 $0x108  }
0x21: {  	s3 =	sadd.s32 s3, s9;
	s6 =	sadd.s32 @!p0 $0x88, s6;
	s7 =	simm.s32 @p2 $0x1082  }
0x22: {  	[simem:s7], [sflag:s8] =	dma.local @!p0 [hbm:s6], $0xF7A  }
0x23: {  	s9 =	sor.u32 $0xD0000000, s2;
	s6 =	simm.s32 $0x108;
	_ =	swait.ge @!p0 [sflag:s8], $0x0  }
0x24: {  	s3 =	sadd.s32 $0x88, s3;
	s6 =	simm.s32 @!p1 $0x1082;
	[sflag:s4] =	ssyncset.s32 $0xFFFFF086  }
0x25: {  	[simem:s6], [sflag:s4] =	dma.local [hbm:s3], $0xF7A  }
0x26: {  	[smem:$0x3F96] =	sst s1;
	(tag) =	ssettag s2;
	_ =	strace s9  }
0x27: {  	s1 =	sld [smem:$0x3FA6]  }
0x28: {  	s2 =	sld [smem:$0x3FA7]  }
0x29: {  	s4 =	sld [smem:$0x3FA9]  }
0x2a: {  	p0 =	seq.s32 s5, $0x0;
	s5 =	sld [smem:$0x3FAA]  }
0x2b: {  	s6 =	sld [smem:$0x3FAB]  }
0x2c: {  	s7 =	sld [smem:$0x3FAC]  }
0x2d: {  	s3 =	simm.s32 $0x108;
	s8 =	sld [smem:$0x3FAD]  }
0x2e: {  	s3 =	simm.s32 @!p0 $0x1082;
	s9 =	sld [smem:$0x3FAE]  }
0x2f: {  	lr =	sadd.s32 s0, s3;
	s0 =	sld [smem:$0x3FA5]  }
0x30: {  	s3 =	sld [smem:$0x3FA8]  }
0x31: {  	[smem:$0x3FB1] =	sst s10  }
0x32: {  	s10 =	sld [smem:$0x3FAF];
	_ =	sdelay $0x3  }
0x33: {  	p0 =	seq.s32 s10, $0x1;
	s10 =	sld [smem:$0x3FB1];
	_ =	sdelay $0x3  }
0x34: {  	[smem:$0x3FB1] =	sst s10  }
0x35: {  	s10 =	sld [smem:$0x3FB0];
	_ =	sdelay $0x3  }
0x36: {  	p1 =	seq.s32 s10, $0x1;
	s10 =	sld [smem:$0x3FB1];
	_ =	sdelay $0x3  }
0x37: {  	[smem:$0x3FB1] =	sst s10  }
0x38: {  	s10 =	sld [smem:$0x3FB2]  }
0x39: {  	_ = 	snop;
	(pc) =	sbr.ind lr, $3  }
0x3a: {  	_ = 	snop  }
0x3b: {  	_ = 	snop  }
0x3c: {  	p2 =	seq.s32 s10, $0x1;
	s10 =	sld [smem:$0x3FB1]  }
0x3d: {  	_ =	shalt  }
0x3e: {  	_ =	shalt  }
0x3f: {  	_ =	shalt  }
0x40: {  	_ =	shalt  }
0x41: {  	_ =	shalt  }
0x42: {  	_ =	shalt  }
0x43: {  	_ =	shalt  }
0x44: {  	_ =	shalt  }
0x45: {  	_ =	shalt  }
0x46: {  	_ =	shalt  }
0x47: {  	_ =	shalt  }
0x48: {  	_ =	shalt  }
0x49: {  	_ =	shalt  }
0x4a: {  	_ =	shalt  }
0x4b: {  	_ =	shalt  }
0x4c: {  	_ =	shalt  }
0x4d: {  	_ =	shalt  }
0x4e: {  	_ =	shalt  }
0x4f: {  	_ =	shalt  }
0x50: {  	_ =	shalt  }
0x51: {  	_ =	shalt  }
0x52: {  	_ =	shalt  }
0x53: {  	_ =	shalt  }
0x54: {  	_ =	shalt  }
0x55: {  	_ =	shalt  }
0x56: {  	_ =	shalt  }
0x57: {  	_ =	shalt  }
0x58: {  	_ =	shalt  }
0x59: {  	_ =	shalt  }
0x5a: {  	_ =	shalt  }
0x5b: {  	_ =	shalt  }
0x5c: {  	_ =	shalt  }
0x5d: {  	_ =	shalt  }
0x5e: {  	_ =	shalt  }
0x5f: {  	_ =	shalt  }
0x60: {  	_ =	shalt  }
0x61: {  	_ =	shalt  }
0x62: {  	_ =	shalt  }
0x63: {  	_ =	shalt  }
0x64: {  	_ =	shalt  }
0x65: {  	_ =	shalt  }
0x66: {  	_ =	shalt  }
0x67: {  	_ =	shalt  }
0x68: {  	_ =	shalt  }
0x69: {  	_ =	shalt  }
0x6a: {  	_ =	shalt  }
0x6b: {  	_ =	shalt  }
0x6c: {  	_ =	shalt  }
0x6d: {  	_ =	shalt  }
0x6e: {  	_ =	shalt  }
0x6f: {  	_ =	shalt  }
0x70: {  	_ =	shalt  }
0x71: {  	_ =	shalt  }
0x72: {  	_ =	shalt  }
0x73: {  	_ =	shalt  }
0x74: {  	_ =	shalt  }
0x75: {  	_ =	shalt  }
0x76: {  	_ =	shalt  }
0x77: {  	_ =	shalt  }
0x78: {  	_ =	shalt  }
0x79: {  	_ =	shalt  }
0x7a: {  	_ =	shalt  }
0x7b: {  	_ =	shalt  }
0x7c: {  	_ =	shalt  }
0x7d: {  	_ =	shalt  }
0x7e: {  	_ =	shalt  }
0x7f: {  	_ =	shalt  }
0x80: {  	_ =	shalt  }
0x81: {  	_ =	shalt  }
0x82: {  	_ =	shalt  }
0x83: {  	_ =	shalt  }
0x84: {  	_ =	shalt  }
0x85: {  	_ =	shalt  }
0x86: {  	_ =	shalt  }
0x87: {  	_ =	shalt  }
.Lfunc_end0:
.L_simem_size_0:
called_computation.1_lowered:
.L_overlay_start_0:
0x88: {  	s2 =	sld [smem:$0x3FD9]  }
0x89: {  	s3 =	sld [smem:$0x3FFE];
	_ =	sdelay $0x1  }
0x8a: {  	s1 =	srdreg.scid  }
0x8b: {  	s0 =	sand.u32 $0x1, s1  }
0x8c: {  	s17 =	sshll.u32 s0, $0xA;
	s2 =	sadd.s32 s3, s2  }
0x8d: {  	s2 =	sadd.s32 s2, s17  }
0x8e: {  	[smem:$0x3FBD] =	sst s2  }
0x8f: {  	_ = 	snop  }
0x90: {  	s18 =	sld [smem:$0x3FD0];
	(tm) =	ssettm $0x1  }
0x91: {  	s19 =	sld [smem:$0x3FFB];
	_ =	sdelay $0x3  }
0x92: {  	_ =	strace s19  }
0x93: {  	s2 =	sld [smem:$0x3FFC];
	_ =	sdelay $0x3  }
0x94: {  	_ =	strace s2  }
0x95: {  	s2 =	sld [smem:$0x3FFD];
	_ =	sdelay $0x3  }
0x96: {  	_ =	strace s2  }
0x97: {  	_ =	strace $0x8FFFFFFF  }
0x98: {  	s20 =	sld [smem:$0x3FDB];
	_ =	sdelay $0x1  }
0x99: {  	s4 =	simm.s32 $_scs_section_size  }
0x9a: {  	s5 =	simm.s32 $_size__tile_overlayer_lowered;
	s6 =	simm.s32 $_tile_overlayer_lowered  }
0x9b: {  	s7 =	simm.s32 $0x1BFF;
	s21 =	sshll.u32 s6, $0x1;
	s4 =	sadd.s32 s4, s20  }
0x9c: {  	s22 =	simm.s32 $0x0;
	s5 =	sshll.u32 s5, $0x1;
	s6 =	sadd.s32 s21, s4  }
0x9d: {  	[timem:s22], [sflag:s7] =	dma.local [hbm:s6], s5  }
0x9e: {  	_ =	swait.ge [sflag:s7], s5  }
0x9f: {  	s5 =	ssub.s32 $0x0, s5;
	[sflag:s7] =	ssyncset.done $0x0  }
0xa0: {  	[sflag:s7] =	ssyncadd.s32 s5;
	_ =	sdelay $0x1  }
0xa1: {  	s23 =	simm.s32 $0x1B8B  }
0xa2: {  	_ =	swait.ge [sflag:s23], $0x1  }
0xa3: {  	[sflag:s23] =	ssyncset.done $0x0  }
0xa4: {  	[sflag:s23] =	ssyncadd.s32 $0xFFFFFFFF  }
0xa5: {  	s5 =	sld [smem:$0x0]  }
0xa6: {  	s6 =	sand.u32 $0xFFFFFFFE, s1  }
0xa7: {  	p0 =	sne.s32 s1, s6  }
0xa8: {  	s6 =	sshll.u32 @p0 s6, $0xE  }
0xa9: {  	s6 =	sadd.s32 @p0 $0x11B8D, s6;
	s7 =	sshll.u32 @p0 s5, $0x11  }
0xaa: {  	s6 =	sor.u32 @p0 s7, s6  }
0xab: {  	[sflag:s6] =	ssyncadd.remote.s32 @p0 $0x1;
	_ =	sdelay $0x1  }
0xac: {  	s6 =	simm.s32 @p0 $0x1B8D  }
0xad: {  	_ =	swait.eq @p0 [sflag:s6], $0x1  }
0xae: {  	[sflag:s6] =	ssyncadd.s32 @p0 $0xFFFFFFFF  }
0xaf: {  	s7 =	sshll.u32 @!p0 s1, $0xE  }
0xb0: {  	s7 =	sor.u32 @!p0 $0x4000, s7;
	s6 =	simm.s32 @!p0 $0x1B8D  }
0xb1: {  	s5 =	sshll.u32 @!p0 s5, $0x11;
	s7 =	sadd.s32 @!p0 $0x11B8D, s7;
	_ =	swait.eq @!p0 [sflag:s6], $0x1  }
0xb2: {  	s5 =	sor.u32 @!p0 s5, s7;
	[sflag:s6] =	ssyncadd.s32 @!p0 $0xFFFFFFFF  }
0xb3: {  	s25 =	simm.s32 $0x1B8E;
	s24 =	sld [smem:$0x3FFE];
	[sflag:s5] =	ssyncadd.remote.s32 @!p0 $0x1  }
0xb4: {  	s26 =	simm.s32 $execute0_lowered;
	[smem:$0x3FD2] =	sst s25  }
0xb5: {  	s6 =	sshll.u32 s26, $0x1;
	_ =	strace $0x8000004C;
	[dreg:$0x1] =	wrdreg $0xFFFFFFFF  }
0xb6: {  	s28 =	simm.s32 $_size_execute0_lowered;
	s4 =	sadd.s32 s4, s6;
	[dreg:$0x0] =	wrdreg $0x0  }
0xb7: {  	s6 =	sshll.u32 s28, $0x1;
	[dreg:$0x2] =	wrdreg s4  }
0xb8: {  	[dreg:$0x3] =	wrdreg s6  }
0xb9: {  	[dreg:$0x4] =	wrdreg $0xC0  }
0xba: {  	_ =	task [dreg:s22], $0x5FFFF  }
0xbb: {  	[dreg:$0x1] =	wrdreg $0xFFFFFFFF  }
0xbc: {  	[dreg:$0x0] =	wrdreg $0x60  }
0xbd: {  	[dreg:$0x2] =	wrdreg s18  }
0xbe: {  	[dreg:$0x3] =	wrdreg s24  }
0xbf: {  	[dreg:$0x4] =	wrdreg $0x0  }
0xc0: {  	[dreg:$0x5] =	wrdreg $0xA  }
0xc1: {  	_ =	task.clear_ibuf [dreg:s22], $0x6FFFF;
	_ =	strace $0x9000004C  }
0xc2: {  	s29 =	simm.s32 $0xA;
	_ =	strace $0x8000004E  }
0xc3: {  	_ =	swait.ge [sflag:s29], $0x1  }
0xc4: {  	[sflag:s29] =	ssyncadd.s32 $0xFFFFFFFF  }
0xc5: {  	_ =	strace $0x9000004E  }
0xc6: {  	_ =	sfence  }
0xc7: {  	s30 =	sld [smem:$0x0];
	_ =	sdelay $0x2  }
0xc8: {  	s31 =	sshll.u32 s1, $0xD;
	s1 =	sshrl.u32 s1, $0x2  }
0xc9: {  	s4 =	sand.u32 $0x4000, s31;
	s1 =	sadd.s32 s1, s30  }
0xca: {  	s0 =	sor.u32 s4, s0;
	s1 =	sshll.u32 s1, $0x11  }
0xcb: {  	s0 =	sor.u32 s1, s0  }
0xcc: {  	s0 =	sadd.s32 $0x8F2B, s0  }
0xcd: {  	[sflag:s0] =	ssyncadd.remote.s32 $0x1  }
0xce: {  	_ =	sfence.sel $0xFFFF  }
0xcf: {  	[dreg:$0x0] =	wrdreg $0xFFFFFFFF;
	(pc) =	sbr.abs _section_cstart, $3  }
0xd0: {  	[dreg:$0x1] =	wrdreg $0xFFFFFFFF  }
0xd1: {  	_ =	task.clear_ibuf [dreg:s22], $0x2FFFF;
	_ =	strace $0x9FFFFFFF  }
0xd2: {  	(tm) =	ssettm $0x7FFFFFFF  }
0xd3: {  	_ =	shalt  }
tec
execute0_lowered:
.L_overlay_start_1:
0x0: {  	(tag) =	ssettag $0x1  }
0x1: {  	s2 =	rddreg [dreg:$0x0]  }
0x2: {  	s0 =	srdreg.scid;
	s7 =	rddreg [dreg:$0x1]  }
0x3: {  	s3 =	rddreg [dreg:$0x2];
	s5 =	sand.u32 $0x1, s0  }
0x4: {  	s0 =	stileid.u32;
	s8 =	smul.u32 $0x27100, s5  }
0x5: {  	s4 =	simm.s32 $0x0;
	s15 =	simm.s32 $0x16760;
	s9 =	smul.u32 $0x2710, s0  }
0x6: {  	s16 =	simm.s32 $0x1;
	s17 =	simm.s32 $0x0;
	s10 =	smul.u32 $0x14000, s0  }
0x7: {  	[smem:$0x7FF] =	sst s4;
	s1 =	sshll.u32 s5, $0x4;
	s11 =	smul.u32 $0x140000, s5  }
0x8: {  	s29 =	ssub.s32 $0x2, s5;
	s5 =	sadd.s32 $0x6AE00, s7;
	s1 =	sor.u32 s0, s1  }
0x9: {  	s31 =	sshll.u32 s0, $0x6;
	s30 =	sshrl.u32 s29, $0x1;
	s6 =	smul.u32 $0x2710, s1  }
0xa: {  	s1 =	rddreg [dreg:$0x3];
	_ =	strace $0x8000004D;
	s8 =	sadd.s32 s9, s8  }
0xb: {  	s25 =	sadd.s32 s10, s11;
	s13 =	ssub.s32 s29, s30;
	s14 =	sadd.s32 s10, s3  }
0xc: {  	s24 =	sshrl.u32 s8, $0x3;
	s28 =	sshrl.u32 s25, $0x3;
	s9 =	smax.u32 s13, $0x1  }
0xd: {  	s11 =	sshrl.u32 s14, $0x3;
	s13 =	simm.s32 $0x16710;
	s14 =	simm.s32 $0x50  }
0xe: {  	s6 =	sshrl.u32 s6, $0x3;
	s26 =	sadd.s32 s24, s7;
	s12 =	sadd.s32 s28, s7  }
0xf: {  	s23 =	sadd.s32 s6, s7;
	s6 =	sor.u32 $0x1C02, s31;
	s8 =	sadd.s32 $0xBD600, s12  }
0x10: {  	s10 =	sadd.s32 $0x1B800, s26;
	s12 =	simm.s32 $0x2;
	s7 =	sadd.s32 $0x25600, s23  }
.LBB2_1:
0x11: {  	[spmem:s11], [sflag:s6] =	dma.local [hbm:s5], $0x2800  }
0x12: {  	_ =	swait.ge [sflag:s12], $0x2800  }
0x13: {  	[sflag:s12] =	ssyncset.done $0x0  }
0x14: {  	s18 =	simm.s32 $0x14000;
	[sflag:s12] =	ssyncadd.s32 $0xFFFFD800  }
0x15: {  	[tilespmem:s18], [sflag:$0x2] =	stream.linear.gather [hbm4b:s7+s4], $0x2710, $0x38;
	[tilespmem:$0x18F60] =	vst v63  }
0x16: {  	_ =	swait.ge [sflag:s12], $0x2710  }
0x17: {  	[sflag:s12] =	ssyncset.done $0x0  }
0x18: {  	[sflag:s12] =	ssyncadd.s32 $0xFFFFD8F0  }
0x19: {  	s19 =	sadd.s32 $0x0, s10;
	[bflag:$0x0] =	sbarrier.arrive $0xFFFF  }
0x1a: {  	[tilespmem:s13], [sflag:$0x2] =	stream.linear.gather [hbm4b:s19+s4], $0x50, $0x38;
	[tilespmem:$0x18F60] =	vst v63  }
0x1b: {  	_ =	swait.ge [sflag:s12], $0x50  }
0x1c: {  	[sflag:s12] =	ssyncset.done $0x0  }
0x1d: {  	[sflag:s12] =	ssyncadd.s32 $0xFFFFFFB0  }
0x1e: {  	[tilespmem:s15], [sflag:$0x1] =	stream.indirect.gather [hbm4b:s2+s14], $0x80, s18, s14, $0xb8;
	[tilespmem:$0x18F60] =	vst v63  }
0x1f: {  	_ =	swait.ge [sflag:s16], $0x2800  }
0x20: {  	[sflag:s16] =	ssyncset.done $0x0  }
0x21: {  	[sflag:s16] =	ssyncadd.s32 $0xFFFFD800  }
0x22: {  	[spmem:s3] =	stream.indirect.scatter.add.f32 [tilespmem:s15], [sflag:$0x2], $0x80, s13, s14, $0xb8;
	[tilespmem:$0x18F60] =	vst v63  }
0x23: {  	s20 =	simm.s32 $0x14;
	_ =	swait.ge [sflag:s12], $0x2800  }
0x24: {  	s19 =	simm.s32 $0xA;
	s18 =	simm.s32 $0x14050;
	[sflag:s12] =	ssyncset.done $0x0  }
.LBB2_2:
0x25: {  	s21 =	sadd.s32 s19, s10  }
0x26: {  	[sflag:s12] =	ssyncadd.s32 $0xFFFFD800;
	s19 =	smov.u32 s20;
	s22 =	sadd.s32 $0xA, s20  }
0x27: {  	[tilespmem:s13], [sflag:$0x2] =	stream.linear.gather [hbm4b:s21+s4], $0x50, $0x38;
	[tilespmem:$0x18F60] =	vst v63  }
0x28: {  	p0 =	sne.s32 s20, $0x4D8;
	_ =	swait.ge [sflag:s12], $0x50  }
0x29: {  	[sflag:s12] =	ssyncset.done $0x0  }
0x2a: {  	[sflag:s12] =	ssyncadd.s32 $0xFFFFFFB0  }
0x2b: {  	[tilespmem:s15], [sflag:$0x1] =	stream.indirect.gather [hbm4b:s2+s14], $0x80, s18, s14, $0xb8;
	[tilespmem:$0x18F60] =	vst v63  }
0x2c: {  	_ =	swait.ge [sflag:s16], $0x2800  }
.Ltmp0:
0x2d: {  	[sflag:s16] =	ssyncset.done $0x0;
	(pc) =	sbr.rel @p0 .LBB2_2-.Ltmp0, $4  }
0x2e: {  	[sflag:s16] =	ssyncadd.s32 $0xFFFFD800  }
0x2f: {  	[spmem:s3] =	stream.indirect.scatter.add.f32 [tilespmem:s15], [sflag:$0x2], $0x80, s13, s14, $0xb8;
	[tilespmem:$0x18F60] =	vst v63  }
0x30: {  	_ =	swait.ge [sflag:s12], $0x2800  }
0x31: {  	s20 =	smov.u32 s22;
	s18 =	sadd.s32 $0x50, s18;
	[sflag:s12] =	ssyncset.done $0x0  }
0x32: {  	s19 =	sadd.s32 s19, s10;
	[sflag:s12] =	ssyncadd.s32 $0xFFFFD800  }
0x33: {  	[tilespmem:s13], [sflag:$0x2] =	stream.linear.gather [hbm4b:s19+s4], $0x50, $0x38;
	[tilespmem:$0x18F60] =	vst v63  }
0x34: {  	_ =	swait.ge [sflag:s12], $0x50  }
0x35: {  	[sflag:s12] =	ssyncset.done $0x0  }
0x36: {  	[sflag:s12] =	ssyncadd.s32 $0xFFFFFFB0  }
0x37: {  	[tilespmem:s15], [sflag:$0x1] =	stream.indirect.gather [hbm4b:s2+s14], $0x80, s18, s14, $0xb8;
	[tilespmem:$0x18F60] =	vst v63  }
0x38: {  	_ =	swait.ge [sflag:s16], $0x2800  }
0x39: {  	[sflag:s16] =	ssyncset.done $0x0  }
0x3a: {  	[sflag:s16] =	ssyncadd.s32 $0xFFFFD800  }
0x3b: {  	[spmem:s3] =	stream.indirect.scatter.add.f32 [tilespmem:s15], [sflag:$0x2], $0x80, s13, s14, $0xb8;
	[tilespmem:$0x18F60] =	vst v63  }
0x3c: {  	_ =	swait.ge [sflag:s12], $0x2800  }
0x3d: {  	s17 =	sadd.s32 $0x1, s17;
	[sflag:s12] =	ssyncset.done $0x0  }
0x3e: {  	p0 =	sne.s32 s17, s9;
	[sflag:s12] =	ssyncadd.s32 $0xFFFFD800  }
.Ltmp1:
0x3f: {  	[bflag:$0x0] =	sbarrier.arrive $0xFFFF;
	(pc) =	sbr.rel @p0 .LBB2_1-.Ltmp1, $4  }
0x40: {  	[hbm:s8], [sflag:s6] =	dma.local [spmem:s11], $0x2800  }
0x41: {  	_ =	swait.ge [sflag:s12], $0x2800  }
0x42: {  	[sflag:s12] =	ssyncset.done $0x0  }
0x43: {  	[sflag:s12] =	ssyncadd.s32 $0xFFFFD800  }
0x44: {  	_ =	sfence.sel $0x180000  }
0x45: {  	[bflag:$0x0] =	sbarrier.arrive $0xFFFF  }
0x46: {  	p0 =	sne.s32 s0, $0x0;
	_ =	strace $0x9000004D  }
0x47: {  	s0 =	sadd.s32 @!p0 $0x100000, s1;
	[bflag:$0x2] =	sbarrier.arrive $0xFFFF  }
0x48: {  	[sflag:s0] =	ssyncadd.tile.s32 @!p0 $0x1;
	_ =	shalt  }
.Lfunc_end2:
_tile_overlayer_lowered:
.L_overlay_start_2:
0x49: {  	(tag) =	ssettag $0x2  }
0x4a: {  	s0 =	rddreg [dreg:$0x0];
	s2 =	stileid.u32  }
0x4b: {  	s1 =	rddreg [dreg:$0x1];
	p0 =	sne.s32 s2, $0x0  }
0x4c: {  	s3 =	rddreg [dreg:$0x2];
	[bflag:$0x3] =	sbarrier.arrive $0xFFFF;
	s2 =	simm.s32 @!p0 $0x1C02  }
0x4d: {  	[timem:s3], [sflag:s2] =	dma.local @!p0 [hbm:s0], s1  }
0x4e: {  	s0 =	simm.s32 @!p0 $0x2  }
0x4f: {  	_ =	swait.ge @!p0 [sflag:s0], s1  }
0x50: {  	s1 =	ssub.s32 @!p0 $0x0, s1;
	[sflag:s0] =	ssyncset.done @!p0 $0x0  }
0x51: {  	[sflag:s0] =	ssyncadd.s32 @!p0 s1  }
0x52: {  	[bflag:$0x3] =	sbarrier.arrive $0xFFFF  }
0x53: {  	_ =	shalt  }

// kernel: kernel.25.cloned.1.call-start
scs
__scs_entry_jumppad:
0x0: {  	(pc) =	sbr.rel $0x88, $3  }
0x1: {  	(tag) =	ssettag $0x0;
	lr =	simm.s32 $0x1  }
0x2: {  	[smem:$0x3F96] =	sst lr;
	_ =	strace $0xD0000000  }
0x3: {  	_ = 	snop  }
0x4: {  	_ = 	snop  }
0x5: {  	_ = 	snop  }
0x6: {  	_ = 	snop  }
0x7: {  	_ = 	snop  }
__scs_overlays_trampoline_lowered:
0x8: {  	[smem:$0x3FA5] =	sst s0  }
0x9: {  	[smem:$0x3FA6] =	sst s1  }
0xa: {  	[smem:$0x3FA7] =	sst s2  }
0xb: {  	[smem:$0x3FA8] =	sst s3  }
0xc: {  	[smem:$0x3FA9] =	sst s4  }
0xd: {  	[smem:$0x3FAA] =	sst s5  }
0xe: {  	[smem:$0x3FAB] =	sst s6  }
0xf: {  	[smem:$0x3FAC] =	sst s7  }
0x10: {  	[smem:$0x3FAD] =	sst s8  }
0x11: {  	[smem:$0x3FAE] =	sst s9;
	s0 =	simm.s32 @!p0 $0x0  }
0x12: {  	s1 =	sld [smem:$0x3F94];
	s0 =	simm.s32 @p0 $0x1  }
0x13: {  	[smem:$0x3FAF] =	sst s0;
	s0 =	simm.s32 @!p1 $0x0  }
0x14: {  	s2 =	sld [smem:$0x3F93];
	s0 =	simm.s32 @p1 $0x1  }
0x15: {  	[smem:$0x3FB0] =	sst s0;
	s0 =	simm.s32 @!p2 $0x0  }
0x16: {  	s3 =	sld [smem:$0x3FDB];
	s0 =	simm.s32 @p2 $0x1  }
0x17: {  	s4 =	simm.s32 $0x1BF5;
	[smem:$0x3FB2] =	sst s0  }
0x18: {  	s0 =	sld [smem:$0x3F95];
	_ =	swait.ge [sflag:s4], $0x0  }
0x19: {  	s7 =	sld [smem:$0x3F96]  }
0x1a: {  	s8 =	sadd.s32 $0xFFFFE003, lr  }
0x1b: {  	s9 =	sadd.s32 $0xFFFFFEF7, lr;
	s5 =	simm.s32 $0xFFFFFFFF;
	p2 =	slt.u32 s8, $0xFFFFF086  }
0x1c: {  	p1 =	slt.u32 s9, $0xF7A;
	s5 =	simm.s32 @!p2 $0x0  }
0x1d: {  	s5 =	simm.s32 @p1 $0x1;
	p0 =	seq.s32 s7, s2  }
0x1e: {  	s7 =	smul.u32 @!p0 $0xF7A, s2;
	p2 =	seq.s32 @!p0 s5, $0x0  }
0x1f: {  	s9 =	smul.u32 $0xF7A, s1;
	s8 =	simm.s32 @!p0 $0x1BF5;
	p2 =	por !p2, p0  }
0x20: {  	[sflag:s8] =	ssyncset.s32 @!p0 $0xFFFFF086;
	s6 =	sadd.s32 @!p0 s3, s7;
	s7 =	simm.s32 @!p0 $0x108  }
0x21: {  	s3 =	sadd.s32 s3, s9;
	s6 =	sadd.s32 @!p0 $0x88, s6;
	s7 =	simm.s32 @p2 $0x1082  }
0x22: {  	[simem:s7], [sflag:s8] =	dma.local @!p0 [hbm:s6], $0xF7A  }
0x23: {  	s9 =	sor.u32 $0xD0000000, s2;
	s6 =	simm.s32 $0x108;
	_ =	swait.ge @!p0 [sflag:s8], $0x0  }
0x24: {  	s3 =	sadd.s32 $0x88, s3;
	s6 =	simm.s32 @!p1 $0x1082;
	[sflag:s4] =	ssyncset.s32 $0xFFFFF086  }
0x25: {  	[simem:s6], [sflag:s4] =	dma.local [hbm:s3], $0xF7A  }
0x26: {  	[smem:$0x3F96] =	sst s1;
	(tag) =	ssettag s2;
	_ =	strace s9  }
0x27: {  	s1 =	sld [smem:$0x3FA6]  }
0x28: {  	s2 =	sld [smem:$0x3FA7]  }
0x29: {  	s4 =	sld [smem:$0x3FA9]  }
0x2a: {  	p0 =	seq.s32 s5, $0x0;
	s5 =	sld [smem:$0x3FAA]  }
0x2b: {  	s6 =	sld [smem:$0x3FAB]  }
0x2c: {  	s7 =	sld [smem:$0x3FAC]  }
0x2d: {  	s3 =	simm.s32 $0x108;
	s8 =	sld [smem:$0x3FAD]  }
0x2e: {  	s3 =	simm.s32 @!p0 $0x1082;
	s9 =	sld [smem:$0x3FAE]  }
0x2f: {  	lr =	sadd.s32 s0, s3;
	s0 =	sld [smem:$0x3FA5]  }
0x30: {  	s3 =	sld [smem:$0x3FA8]  }
0x31: {  	[smem:$0x3FB1] =	sst s10  }
0x32: {  	s10 =	sld [smem:$0x3FAF];
	_ =	sdelay $0x3  }
0x33: {  	p0 =	seq.s32 s10, $0x1;
	s10 =	sld [smem:$0x3FB1];
	_ =	sdelay $0x3  }
0x34: {  	[smem:$0x3FB1] =	sst s10  }
0x35: {  	s10 =	sld [smem:$0x3FB0];
	_ =	sdelay $0x3  }
0x36: {  	p1 =	seq.s32 s10, $0x1;
	s10 =	sld [smem:$0x3FB1];
	_ =	sdelay $0x3  }
0x37: {  	[smem:$0x3FB1] =	sst s10  }
0x38: {  	s10 =	sld [smem:$0x3FB2]  }
0x39: {  	_ = 	snop;
	(pc) =	sbr.ind lr, $3  }
0x3a: {  	_ = 	snop  }
0x3b: {  	_ = 	snop  }
0x3c: {  	p2 =	seq.s32 s10, $0x1;
	s10 =	sld [smem:$0x3FB1]  }
0x3d: {  	_ =	shalt  }
0x3e: {  	_ =	shalt  }
0x3f: {  	_ =	shalt  }
0x40: {  	_ =	shalt  }
0x41: {  	_ =	shalt  }
0x42: {  	_ =	shalt  }
0x43: {  	_ =	shalt  }
0x44: {  	_ =	shalt  }
0x45: {  	_ =	shalt  }
0x46: {  	_ =	shalt  }
0x47: {  	_ =	shalt  }
0x48: {  	_ =	shalt  }
0x49: {  	_ =	shalt  }
0x4a: {  	_ =	shalt  }
0x4b: {  	_ =	shalt  }
0x4c: {  	_ =	shalt  }
0x4d: {  	_ =	shalt  }
0x4e: {  	_ =	shalt  }
0x4f: {  	_ =	shalt  }
0x50: {  	_ =	shalt  }
0x51: {  	_ =	shalt  }
0x52: {  	_ =	shalt  }
0x53: {  	_ =	shalt  }
0x54: {  	_ =	shalt  }
0x55: {  	_ =	shalt  }
0x56: {  	_ =	shalt  }
0x57: {  	_ =	shalt  }
0x58: {  	_ =	shalt  }
0x59: {  	_ =	shalt  }
0x5a: {  	_ =	shalt  }
0x5b: {  	_ =	shalt  }
0x5c: {  	_ =	shalt  }
0x5d: {  	_ =	shalt  }
0x5e: {  	_ =	shalt  }
0x5f: {  	_ =	shalt  }
0x60: {  	_ =	shalt  }
0x61: {  	_ =	shalt  }
0x62: {  	_ =	shalt  }
0x63: {  	_ =	shalt  }
0x64: {  	_ =	shalt  }
0x65: {  	_ =	shalt  }
0x66: {  	_ =	shalt  }
0x67: {  	_ =	shalt  }
0x68: {  	_ =	shalt  }
0x69: {  	_ =	shalt  }
0x6a: {  	_ =	shalt  }
0x6b: {  	_ =	shalt  }
0x6c: {  	_ =	shalt  }
0x6d: {  	_ =	shalt  }
0x6e: {  	_ =	shalt  }
0x6f: {  	_ =	shalt  }
0x70: {  	_ =	shalt  }
0x71: {  	_ =	shalt  }
0x72: {  	_ =	shalt  }
0x73: {  	_ =	shalt  }
0x74: {  	_ =	shalt  }
0x75: {  	_ =	shalt  }
0x76: {  	_ =	shalt  }
0x77: {  	_ =	shalt  }
0x78: {  	_ =	shalt  }
0x79: {  	_ =	shalt  }
0x7a: {  	_ =	shalt  }
0x7b: {  	_ =	shalt  }
0x7c: {  	_ =	shalt  }
0x7d: {  	_ =	shalt  }
0x7e: {  	_ =	shalt  }
0x7f: {  	_ =	shalt  }
0x80: {  	_ =	shalt  }
0x81: {  	_ =	shalt  }
0x82: {  	_ =	shalt  }
0x83: {  	_ =	shalt  }
0x84: {  	_ =	shalt  }
0x85: {  	_ =	shalt  }
0x86: {  	_ =	shalt  }
0x87: {  	_ =	shalt  }
.Lfunc_end0:
.L_simem_size_0:
called_computation.2_lowered:
.L_overlay_start_0:
0x88: {  	s2 =	sld [smem:$0x3FD9]  }
0x89: {  	s3 =	sld [smem:$0x3FFE];
	_ =	sdelay $0x1  }
0x8a: {  	s1 =	srdreg.scid  }
0x8b: {  	s0 =	sand.u32 $0x1, s1  }
0x8c: {  	s17 =	sshll.u32 s0, $0xA;
	s2 =	sadd.s32 s3, s2  }
0x8d: {  	s2 =	sadd.s32 s2, s17  }
0x8e: {  	[smem:$0x3FBD] =	sst s2  }
0x8f: {  	_ = 	snop  }
0x90: {  	(tm) =	ssettm $0x1  }
0x91: {  	s18 =	sld [smem:$0x3FFB];
	_ =	sdelay $0x3  }
0x92: {  	_ =	strace s18  }
0x93: {  	s2 =	sld [smem:$0x3FFC];
	_ =	sdelay $0x3  }
0x94: {  	_ =	strace s2  }
0x95: {  	s2 =	sld [smem:$0x3FFD];
	_ =	sdelay $0x3  }
0x96: {  	_ =	strace s2  }
0x97: {  	_ =	strace $0x8FFFFFFF  }
0x98: {  	s19 =	sld [smem:$0x3FDB];
	_ =	sdelay $0x1  }
0x99: {  	s20 =	simm.s32 $_scs_section_size  }
0x9a: {  	s4 =	simm.s32 $_size__tile_overlayer_lowered;
	s5 =	simm.s32 $_tile_overlayer_lowered  }
0x9b: {  	s6 =	simm.s32 $0x1BFF;
	s21 =	sshll.u32 s5, $0x1;
	s3 =	sadd.s32 s20, s19  }
0x9c: {  	s22 =	simm.s32 $0x0;
	s4 =	sshll.u32 s4, $0x1;
	s5 =	sadd.s32 s21, s3  }
0x9d: {  	[timem:s22], [sflag:s6] =	dma.local [hbm:s5], s4  }
0x9e: {  	_ =	swait.ge [sflag:s6], s4  }
0x9f: {  	s4 =	ssub.s32 $0x0, s4;
	[sflag:s6] =	ssyncset.done $0x0  }
0xa0: {  	[sflag:s6] =	ssyncadd.s32 s4;
	_ =	sdelay $0x1  }
0xa1: {  	s23 =	simm.s32 $0x1B8B  }
0xa2: {  	_ =	swait.ge [sflag:s23], $0x1  }
0xa3: {  	[sflag:s23] =	ssyncset.done $0x0  }
0xa4: {  	[sflag:s23] =	ssyncadd.s32 $0xFFFFFFFF  }
0xa5: {  	s4 =	sld [smem:$0x0]  }
0xa6: {  	s5 =	sand.u32 $0xFFFFFFFE, s1  }
0xa7: {  	p0 =	sne.s32 s1, s5  }
0xa8: {  	s5 =	sshll.u32 @p0 s5, $0xE  }
0xa9: {  	s5 =	sadd.s32 @p0 $0x11B8D, s5;
	s6 =	sshll.u32 @p0 s4, $0x11  }
0xaa: {  	s5 =	sor.u32 @p0 s6, s5  }
0xab: {  	[sflag:s5] =	ssyncadd.remote.s32 @p0 $0x1;
	_ =	sdelay $0x1  }
0xac: {  	s5 =	simm.s32 @p0 $0x1B8D  }
0xad: {  	_ =	swait.eq @p0 [sflag:s5], $0x1  }
0xae: {  	[sflag:s5] =	ssyncadd.s32 @p0 $0xFFFFFFFF  }
0xaf: {  	s6 =	sshll.u32 @!p0 s1, $0xE  }
0xb0: {  	s6 =	sor.u32 @!p0 $0x4000, s6;
	s5 =	simm.s32 @!p0 $0x1B8D  }
0xb1: {  	s4 =	sshll.u32 @!p0 s4, $0x11;
	s6 =	sadd.s32 @!p0 $0x11B8D, s6;
	_ =	swait.eq @!p0 [sflag:s5], $0x1  }
0xb2: {  	s4 =	sor.u32 @!p0 s4, s6;
	[sflag:s5] =	ssyncadd.s32 @!p0 $0xFFFFFFFF  }
0xb3: {  	s25 =	simm.s32 $0x1B8E;
	s24 =	sld [smem:$0x3FFE];
	[sflag:s4] =	ssyncadd.remote.s32 @!p0 $0x1  }
0xb4: {  	s26 =	simm.s32 $execute0_lowered;
	[smem:$0x3FD2] =	sst s25  }
0xb5: {  	s5 =	sshll.u32 s26, $0x1;
	_ =	strace $0x80000049;
	[dreg:$0x1] =	wrdreg $0xFFFFFFFF  }
0xb6: {  	s28 =	simm.s32 $_size_execute0_lowered;
	s3 =	sadd.s32 s3, s5;
	[dreg:$0x0] =	wrdreg $0x0  }
0xb7: {  	s5 =	sshll.u32 s28, $0x1;
	[dreg:$0x2] =	wrdreg s3  }
0xb8: {  	[dreg:$0x3] =	wrdreg s5  }
0xb9: {  	[dreg:$0x4] =	wrdreg $0xC0  }
0xba: {  	_ =	task [dreg:s22], $0x5FFFF  }
0xbb: {  	[dreg:$0x1] =	wrdreg $0xFFFFFFFF  }
0xbc: {  	[dreg:$0x0] =	wrdreg $0x60  }
0xbd: {  	[dreg:$0x2] =	wrdreg s24  }
0xbe: {  	[dreg:$0x3] =	wrdreg $0x0  }
0xbf: {  	[dreg:$0x4] =	wrdreg $0xB  }
0xc0: {  	_ =	task.clear_ibuf [dreg:s22], $0x5FFFF;
	_ =	strace $0x90000049  }
0xc1: {  	s29 =	simm.s32 $0xB;
	_ =	strace $0x8000004B  }
0xc2: {  	_ =	swait.ge [sflag:s29], $0x1  }
0xc3: {  	[sflag:s29] =	ssyncadd.s32 $0xFFFFFFFF  }
0xc4: {  	_ =	strace $0x9000004B  }
0xc5: {  	_ =	sfence  }
0xc6: {  	s30 =	sld [smem:$0x0];
	_ =	sdelay $0x2  }
0xc7: {  	s31 =	sshll.u32 s1, $0xD;
	s1 =	sshrl.u32 s1, $0x2  }
0xc8: {  	s4 =	sand.u32 $0x4000, s31;
	s1 =	sadd.s32 s1, s30  }
0xc9: {  	s0 =	sor.u32 s4, s0;
	s1 =	sshll.u32 s1, $0x11  }
0xca: {  	s0 =	sor.u32 s1, s0  }
0xcb: {  	s0 =	sadd.s32 $0x8F2B, s0  }
0xcc: {  	[sflag:s0] =	ssyncadd.remote.s32 $0x1  }
0xcd: {  	_ =	sfence.sel $0xFFFF  }
0xce: {  	[dreg:$0x0] =	wrdreg $0xFFFFFFFF;
	(pc) =	sbr.abs _section_cstart, $3  }
0xcf: {  	[dreg:$0x1] =	wrdreg $0xFFFFFFFF  }
0xd0: {  	_ =	task.clear_ibuf [dreg:s22], $0x2FFFF;
	_ =	strace $0x9FFFFFFF  }
0xd1: {  	(tm) =	ssettm $0x7FFFFFFF  }
tec
execute0_lowered:
.L_overlay_start_1:
0x0: {  	(tag) =	ssettag $0x1  }
0x1: {  	s6 =	rddreg [dreg:$0x0]  }
0x2: {  	s0 =	srdreg.scid;
	s2 =	rddreg [dreg:$0x1];
	s3 =	simm.s32 $0x0  }
0x3: {  	s13 =	simm.s32 $0x16710;
	s14 =	simm.s32 $0x50;
	s5 =	sand.u32 $0x1, s0  }
0x4: {  	s15 =	simm.s32 $0x16760;
	s0 =	stileid.u32;
	s8 =	smul.u32 $0x27100, s5  }
0x5: {  	s16 =	simm.s32 $0x1;
	s17 =	simm.s32 $0x0;
	s9 =	smul.u32 $0x2710, s0  }
0x6: {  	[smem:$0x7FF] =	sst s3;
	s4 =	sadd.s32 $0x43C00, s6;
	s10 =	smul.u32 $0x14000, s0  }
0x7: {  	s1 =	sshll.u32 s5, $0x4;
	s11 =	smul.u32 $0x140000, s5;
	s29 =	ssub.s32 $0x2, s5  }
0x8: {  	s5 =	sadd.s32 $0x6AE00, s6;
	s31 =	sshll.u32 s0, $0x6;
	s1 =	sor.u32 s0, s1  }
0x9: {  	s30 =	sshrl.u32 s29, $0x1;
	s7 =	smul.u32 $0x2710, s1;
	s1 =	rddreg [dreg:$0x2]  }
0xa: {  	_ =	strace $0x8000004A;
	s8 =	sadd.s32 s9, s8;
	s25 =	sadd.s32 s10, s11  }
0xb: {  	s9 =	ssub.s32 s29, s30;
	s12 =	sadd.s32 s10, s2;
	s8 =	sshrl.u32 s8, $0x3  }
0xc: {  	s28 =	sshrl.u32 s25, $0x3;
	s9 =	smax.u32 s9, $0x1;
	s11 =	sshrl.u32 s12, $0x3  }
0xd: {  	s12 =	simm.s32 $0x2;
	s7 =	sshrl.u32 s7, $0x3;
	s26 =	sadd.s32 s8, s6  }
0xe: {  	s8 =	sadd.s32 s28, s6;
	s7 =	sadd.s32 s7, s6;
	s6 =	sor.u32 $0x1C02, s31  }
0xf: {  	s8 =	sadd.s32 $0x6D600, s8;
	s10 =	sadd.s32 $0x7C00, s26;
	s7 =	sadd.s32 $0x11A00, s7  }
.LBB2_1:
0x10: {  	[spmem:s11], [sflag:s6] =	dma.local [hbm:s5], $0x2800  }
0x11: {  	_ =	swait.ge [sflag:s12], $0x2800  }
0x12: {  	[sflag:s12] =	ssyncset.done $0x0  }
0x13: {  	s18 =	simm.s32 $0x14000;
	[sflag:s12] =	ssyncadd.s32 $0xFFFFD800  }
0x14: {  	[tilespmem:s18], [sflag:$0x2] =	stream.linear.gather [hbm4b:s7+s3], $0x2710, $0x38;
	[tilespmem:$0x18F60] =	vst v63  }
0x15: {  	_ =	swait.ge [sflag:s12], $0x2710  }
0x16: {  	[sflag:s12] =	ssyncset.done $0x0  }
0x17: {  	[sflag:s12] =	ssyncadd.s32 $0xFFFFD8F0  }
0x18: {  	s19 =	sadd.s32 $0x0, s10;
	[bflag:$0x0] =	sbarrier.arrive $0xFFFF  }
0x19: {  	[tilespmem:s13], [sflag:$0x2] =	stream.linear.gather [hbm4b:s19+s3], $0x50, $0x38;
	[tilespmem:$0x18F60] =	vst v63  }
0x1a: {  	_ =	swait.ge [sflag:s12], $0x50  }
0x1b: {  	[sflag:s12] =	ssyncset.done $0x0  }
0x1c: {  	[sflag:s12] =	ssyncadd.s32 $0xFFFFFFB0  }
0x1d: {  	[tilespmem:s15], [sflag:$0x1] =	stream.indirect.gather [hbm4b:s4+s14], $0x80, s18, s14, $0xb8;
	[tilespmem:$0x18F60] =	vst v63  }
0x1e: {  	_ =	swait.ge [sflag:s16], $0x2800  }
0x1f: {  	[sflag:s16] =	ssyncset.done $0x0  }
0x20: {  	[sflag:s16] =	ssyncadd.s32 $0xFFFFD800  }
0x21: {  	[spmem:s2] =	stream.indirect.scatter.add.f32 [tilespmem:s15], [sflag:$0x2], $0x80, s13, s14, $0xb8;
	[tilespmem:$0x18F60] =	vst v63  }
0x22: {  	s20 =	simm.s32 $0x14;
	_ =	swait.ge [sflag:s12], $0x2800  }
0x23: {  	s19 =	simm.s32 $0xA;
	s18 =	simm.s32 $0x14050;
	[sflag:s12] =	ssyncset.done $0x0  }
.LBB2_2:
0x24: {  	s21 =	sadd.s32 s19, s10  }
0x25: {  	[sflag:s12] =	ssyncadd.s32 $0xFFFFD800;
	s19 =	smov.u32 s20;
	s22 =	sadd.s32 $0xA, s20  }
0x26: {  	[tilespmem:s13], [sflag:$0x2] =	stream.linear.gather [hbm4b:s21+s3], $0x50, $0x38;
	[tilespmem:$0x18F60] =	vst v63  }
0x27: {  	p0 =	sne.s32 s20, $0x4D8;
	_ =	swait.ge [sflag:s12], $0x50  }
0x28: {  	[sflag:s12] =	ssyncset.done $0x0  }
0x29: {  	[sflag:s12] =	ssyncadd.s32 $0xFFFFFFB0  }
0x2a: {  	[tilespmem:s15], [sflag:$0x1] =	stream.indirect.gather [hbm4b:s4+s14], $0x80, s18, s14, $0xb8;
	[tilespmem:$0x18F60] =	vst v63  }
0x2b: {  	_ =	swait.ge [sflag:s16], $0x2800  }
.Ltmp0:
0x2c: {  	[sflag:s16] =	ssyncset.done $0x0;
	(pc) =	sbr.rel @p0 .LBB2_2-.Ltmp0, $4  }
0x2d: {  	[sflag:s16] =	ssyncadd.s32 $0xFFFFD800  }
0x2e: {  	[spmem:s2] =	stream.indirect.scatter.add.f32 [tilespmem:s15], [sflag:$0x2], $0x80, s13, s14, $0xb8;
	[tilespmem:$0x18F60] =	vst v63  }
0x2f: {  	_ =	swait.ge [sflag:s12], $0x2800  }
0x30: {  	s20 =	smov.u32 s22;
	s18 =	sadd.s32 $0x50, s18;
	[sflag:s12] =	ssyncset.done $0x0  }
0x31: {  	s19 =	sadd.s32 s19, s10;
	[sflag:s12] =	ssyncadd.s32 $0xFFFFD800  }
0x32: {  	[tilespmem:s13], [sflag:$0x2] =	stream.linear.gather [hbm4b:s19+s3], $0x50, $0x38;
	[tilespmem:$0x18F60] =	vst v63  }
0x33: {  	_ =	swait.ge [sflag:s12], $0x50  }
0x34: {  	[sflag:s12] =	ssyncset.done $0x0  }
0x35: {  	[sflag:s12] =	ssyncadd.s32 $0xFFFFFFB0  }
0x36: {  	[tilespmem:s15], [sflag:$0x1] =	stream.indirect.gather [hbm4b:s4+s14], $0x80, s18, s14, $0xb8;
	[tilespmem:$0x18F60] =	vst v63  }
0x37: {  	_ =	swait.ge [sflag:s16], $0x2800  }
0x38: {  	[sflag:s16] =	ssyncset.done $0x0  }
0x39: {  	[sflag:s16] =	ssyncadd.s32 $0xFFFFD800  }
0x3a: {  	[spmem:s2] =	stream.indirect.scatter.add.f32 [tilespmem:s15], [sflag:$0x2], $0x80, s13, s14, $0xb8;
	[tilespmem:$0x18F60] =	vst v63  }
0x3b: {  	_ =	swait.ge [sflag:s12], $0x2800  }
0x3c: {  	s17 =	sadd.s32 $0x1, s17;
	[sflag:s12] =	ssyncset.done $0x0  }
0x3d: {  	p0 =	sne.s32 s17, s9;
	[sflag:s12] =	ssyncadd.s32 $0xFFFFD800  }
.Ltmp1:
0x3e: {  	[bflag:$0x0] =	sbarrier.arrive $0xFFFF;
	(pc) =	sbr.rel @p0 .LBB2_1-.Ltmp1, $4  }
0x3f: {  	[hbm:s8], [sflag:s6] =	dma.local [spmem:s11], $0x2800  }
0x40: {  	_ =	swait.ge [sflag:s12], $0x2800  }
0x41: {  	[sflag:s12] =	ssyncset.done $0x0  }
0x42: {  	[sflag:s12] =	ssyncadd.s32 $0xFFFFD800  }
0x43: {  	_ =	sfence.sel $0x180000  }
0x44: {  	[bflag:$0x0] =	sbarrier.arrive $0xFFFF  }
0x45: {  	p0 =	sne.s32 s0, $0x0;
	_ =	strace $0x9000004A  }
0x46: {  	s0 =	sadd.s32 @!p0 $0x100000, s1;
	[bflag:$0x2] =	sbarrier.arrive $0xFFFF  }
0x47: {  	[sflag:s0] =	ssyncadd.tile.s32 @!p0 $0x1;
	_ =	shalt  }
.Lfunc_end2:
_tile_overlayer_lowered:
.L_overlay_start_2:
0x48: {  	(tag) =	ssettag $0x2  }
0x49: {  	s0 =	rddreg [dreg:$0x0];
	s2 =	stileid.u32  }
0x4a: {  	s1 =	rddreg [dreg:$0x1];
	p0 =	sne.s32 s2, $0x0  }
0x4b: {  	s3 =	rddreg [dreg:$0x2];
	[bflag:$0x3] =	sbarrier.arrive $0xFFFF;
	s2 =	simm.s32 @!p0 $0x1C02  }
0x4c: {  	[timem:s3], [sflag:s2] =	dma.local @!p0 [hbm:s0], s1  }
0x4d: {  	s0 =	simm.s32 @!p0 $0x2  }
0x4e: {  	_ =	swait.ge @!p0 [sflag:s0], s1  }
0x4f: {  	s1 =	ssub.s32 @!p0 $0x0, s1;
	[sflag:s0] =	ssyncset.done @!p0 $0x0  }
0x50: {  	[sflag:s0] =	ssyncadd.s32 @!p0 s1  }
0x51: {  	[bflag:$0x3] =	sbarrier.arrive $0xFFFF  }
0x52: {  	_ =	shalt  }

// kernel: kernel.28.cloned.1.call-start
scs
__scs_entry_jumppad:
0x0: {  	(pc) =	sbr.rel $0x88, $3  }
0x1: {  	(tag) =	ssettag $0x0;
	lr =	simm.s32 $0x1  }
0x2: {  	[smem:$0x3F96] =	sst lr;
	_ =	strace $0xD0000000  }
0x3: {  	_ = 	snop  }
0x4: {  	_ = 	snop  }
0x5: {  	_ = 	snop  }
0x6: {  	_ = 	snop  }
0x7: {  	_ = 	snop  }
__scs_overlays_trampoline_lowered:
0x8: {  	[smem:$0x3FA5] =	sst s0  }
0x9: {  	[smem:$0x3FA6] =	sst s1  }
0xa: {  	[smem:$0x3FA7] =	sst s2  }
0xb: {  	[smem:$0x3FA8] =	sst s3  }
0xc: {  	[smem:$0x3FA9] =	sst s4  }
0xd: {  	[smem:$0x3FAA] =	sst s5  }
0xe: {  	[smem:$0x3FAB] =	sst s6  }
0xf: {  	[smem:$0x3FAC] =	sst s7  }
0x10: {  	[smem:$0x3FAD] =	sst s8  }
0x11: {  	[smem:$0x3FAE] =	sst s9;
	s0 =	simm.s32 @!p0 $0x0  }
0x12: {  	s1 =	sld [smem:$0x3F94];
	s0 =	simm.s32 @p0 $0x1  }
0x13: {  	[smem:$0x3FAF] =	sst s0;
	s0 =	simm.s32 @!p1 $0x0  }
0x14: {  	s2 =	sld [smem:$0x3F93];
	s0 =	simm.s32 @p1 $0x1  }
0x15: {  	[smem:$0x3FB0] =	sst s0;
	s0 =	simm.s32 @!p2 $0x0  }
0x16: {  	s3 =	sld [smem:$0x3FDB];
	s0 =	simm.s32 @p2 $0x1  }
0x17: {  	s4 =	simm.s32 $0x1BF5;
	[smem:$0x3FB2] =	sst s0  }
0x18: {  	s0 =	sld [smem:$0x3F95];
	_ =	swait.ge [sflag:s4], $0x0  }
0x19: {  	s7 =	sld [smem:$0x3F96]  }
0x1a: {  	s8 =	sadd.s32 $0xFFFFE003, lr  }
0x1b: {  	s9 =	sadd.s32 $0xFFFFFEF7, lr;
	s5 =	simm.s32 $0xFFFFFFFF;
	p2 =	slt.u32 s8, $0xFFFFF086  }
0x1c: {  	p1 =	slt.u32 s9, $0xF7A;
	s5 =	simm.s32 @!p2 $0x0  }
0x1d: {  	s5 =	simm.s32 @p1 $0x1;
	p0 =	seq.s32 s7, s2  }
0x1e: {  	s7 =	smul.u32 @!p0 $0xF7A, s2;
	p2 =	seq.s32 @!p0 s5, $0x0  }
0x1f: {  	s9 =	smul.u32 $0xF7A, s1;
	s8 =	simm.s32 @!p0 $0x1BF5;
	p2 =	por !p2, p0  }
0x20: {  	[sflag:s8] =	ssyncset.s32 @!p0 $0xFFFFF086;
	s6 =	sadd.s32 @!p0 s3, s7;
	s7 =	simm.s32 @!p0 $0x108  }
0x21: {  	s3 =	sadd.s32 s3, s9;
	s6 =	sadd.s32 @!p0 $0x88, s6;
	s7 =	simm.s32 @p2 $0x1082  }
0x22: {  	[simem:s7], [sflag:s8] =	dma.local @!p0 [hbm:s6], $0xF7A  }
0x23: {  	s9 =	sor.u32 $0xD0000000, s2;
	s6 =	simm.s32 $0x108;
	_ =	swait.ge @!p0 [sflag:s8], $0x0  }
0x24: {  	s3 =	sadd.s32 $0x88, s3;
	s6 =	simm.s32 @!p1 $0x1082;
	[sflag:s4] =	ssyncset.s32 $0xFFFFF086  }
0x25: {  	[simem:s6], [sflag:s4] =	dma.local [hbm:s3], $0xF7A  }
0x26: {  	[smem:$0x3F96] =	sst s1;
	(tag) =	ssettag s2;
	_ =	strace s9  }
0x27: {  	s1 =	sld [smem:$0x3FA6]  }
0x28: {  	s2 =	sld [smem:$0x3FA7]  }
0x29: {  	s4 =	sld [smem:$0x3FA9]  }
0x2a: {  	p0 =	seq.s32 s5, $0x0;
	s5 =	sld [smem:$0x3FAA]  }
0x2b: {  	s6 =	sld [smem:$0x3FAB]  }
0x2c: {  	s7 =	sld [smem:$0x3FAC]  }
0x2d: {  	s3 =	simm.s32 $0x108;
	s8 =	sld [smem:$0x3FAD]  }
0x2e: {  	s3 =	simm.s32 @!p0 $0x1082;
	s9 =	sld [smem:$0x3FAE]  }
0x2f: {  	lr =	sadd.s32 s0, s3;
	s0 =	sld [smem:$0x3FA5]  }
0x30: {  	s3 =	sld [smem:$0x3FA8]  }
0x31: {  	[smem:$0x3FB1] =	sst s10  }
0x32: {  	s10 =	sld [smem:$0x3FAF];
	_ =	sdelay $0x3  }
0x33: {  	p0 =	seq.s32 s10, $0x1;
	s10 =	sld [smem:$0x3FB1];
	_ =	sdelay $0x3  }
0x34: {  	[smem:$0x3FB1] =	sst s10  }
0x35: {  	s10 =	sld [smem:$0x3FB0];
	_ =	sdelay $0x3  }
0x36: {  	p1 =	seq.s32 s10, $0x1;
	s10 =	sld [smem:$0x3FB1];
	_ =	sdelay $0x3  }
0x37: {  	[smem:$0x3FB1] =	sst s10  }
0x38: {  	s10 =	sld [smem:$0x3FB2]  }
0x39: {  	_ = 	snop;
	(pc) =	sbr.ind lr, $3  }
0x3a: {  	_ = 	snop  }
0x3b: {  	_ = 	snop  }
0x3c: {  	p2 =	seq.s32 s10, $0x1;
	s10 =	sld [smem:$0x3FB1]  }
0x3d: {  	_ =	shalt  }
0x3e: {  	_ =	shalt  }
0x3f: {  	_ =	shalt  }
0x40: {  	_ =	shalt  }
0x41: {  	_ =	shalt  }
0x42: {  	_ =	shalt  }
0x43: {  	_ =	shalt  }
0x44: {  	_ =	shalt  }
0x45: {  	_ =	shalt  }
0x46: {  	_ =	shalt  }
0x47: {  	_ =	shalt  }
0x48: {  	_ =	shalt  }
0x49: {  	_ =	shalt  }
0x4a: {  	_ =	shalt  }
0x4b: {  	_ =	shalt  }
0x4c: {  	_ =	shalt  }
0x4d: {  	_ =	shalt  }
0x4e: {  	_ =	shalt  }
0x4f: {  	_ =	shalt  }
0x50: {  	_ =	shalt  }
0x51: {  	_ =	shalt  }
0x52: {  	_ =	shalt  }
0x53: {  	_ =	shalt  }
0x54: {  	_ =	shalt  }
0x55: {  	_ =	shalt  }
0x56: {  	_ =	shalt  }
0x57: {  	_ =	shalt  }
0x58: {  	_ =	shalt  }
0x59: {  	_ =	shalt  }
0x5a: {  	_ =	shalt  }
0x5b: {  	_ =	shalt  }
0x5c: {  	_ =	shalt  }
0x5d: {  	_ =	shalt  }
0x5e: {  	_ =	shalt  }
0x5f: {  	_ =	shalt  }
0x60: {  	_ =	shalt  }
0x61: {  	_ =	shalt  }
0x62: {  	_ =	shalt  }
0x63: {  	_ =	shalt  }
0x64: {  	_ =	shalt  }
0x65: {  	_ =	shalt  }
0x66: {  	_ =	shalt  }
0x67: {  	_ =	shalt  }
0x68: {  	_ =	shalt  }
0x69: {  	_ =	shalt  }
0x6a: {  	_ =	shalt  }
0x6b: {  	_ =	shalt  }
0x6c: {  	_ =	shalt  }
0x6d: {  	_ =	shalt  }
0x6e: {  	_ =	shalt  }
0x6f: {  	_ =	shalt  }
0x70: {  	_ =	shalt  }
0x71: {  	_ =	shalt  }
0x72: {  	_ =	shalt  }
0x73: {  	_ =	shalt  }
0x74: {  	_ =	shalt  }
0x75: {  	_ =	shalt  }
0x76: {  	_ =	shalt  }
0x77: {  	_ =	shalt  }
0x78: {  	_ =	shalt  }
0x79: {  	_ =	shalt  }
0x7a: {  	_ =	shalt  }
0x7b: {  	_ =	shalt  }
0x7c: {  	_ =	shalt  }
0x7d: {  	_ =	shalt  }
0x7e: {  	_ =	shalt  }
0x7f: {  	_ =	shalt  }
0x80: {  	_ =	shalt  }
0x81: {  	_ =	shalt  }
0x82: {  	_ =	shalt  }
0x83: {  	_ =	shalt  }
0x84: {  	_ =	shalt  }
0x85: {  	_ =	shalt  }
0x86: {  	_ =	shalt  }
0x87: {  	_ =	shalt  }
.Lfunc_end0:
.L_simem_size_0:
called_computation.3_lowered:
.L_overlay_start_0:
0x88: {  	s2 =	sld [smem:$0x3FD9]  }
0x89: {  	s3 =	sld [smem:$0x3FFE];
	_ =	sdelay $0x1  }
0x8a: {  	s1 =	srdreg.scid  }
0x8b: {  	s0 =	sand.u32 $0x1, s1  }
0x8c: {  	s17 =	sshll.u32 s0, $0xA;
	s2 =	sadd.s32 s3, s2  }
0x8d: {  	s2 =	sadd.s32 s2, s17  }
0x8e: {  	[smem:$0x3FBD] =	sst s2  }
0x8f: {  	_ = 	snop  }
0x90: {  	s18 =	sld [smem:$0x3FD0];
	(tm) =	ssettm $0x1  }
0x91: {  	s19 =	sld [smem:$0x3FFB];
	_ =	sdelay $0x3  }
0x92: {  	_ =	strace s19  }
0x93: {  	s2 =	sld [smem:$0x3FFC];
	_ =	sdelay $0x3  }
0x94: {  	_ =	strace s2  }
0x95: {  	s2 =	sld [smem:$0x3FFD];
	_ =	sdelay $0x3  }
0x96: {  	_ =	strace s2  }
0x97: {  	_ =	strace $0x8FFFFFFF  }
0x98: {  	s20 =	sld [smem:$0x3FDB];
	_ =	sdelay $0x1  }
0x99: {  	s4 =	simm.s32 $_scs_section_size  }
0x9a: {  	s5 =	simm.s32 $_size__tile_overlayer_lowered;
	s6 =	simm.s32 $_tile_overlayer_lowered  }
0x9b: {  	s7 =	simm.s32 $0x1BFF;
	s21 =	sshll.u32 s6, $0x1;
	s4 =	sadd.s32 s4, s20  }
0x9c: {  	s22 =	simm.s32 $0x0;
	s5 =	sshll.u32 s5, $0x1;
	s6 =	sadd.s32 s21, s4  }
0x9d: {  	[timem:s22], [sflag:s7] =	dma.local [hbm:s6], s5  }
0x9e: {  	_ =	swait.ge [sflag:s7], s5  }
0x9f: {  	s5 =	ssub.s32 $0x0, s5;
	[sflag:s7] =	ssyncset.done $0x0  }
0xa0: {  	[sflag:s7] =	ssyncadd.s32 s5;
	_ =	sdelay $0x1  }
0xa1: {  	s23 =	simm.s32 $0x1B8B  }
0xa2: {  	_ =	swait.ge [sflag:s23], $0x1  }
0xa3: {  	[sflag:s23] =	ssyncset.done $0x0  }
0xa4: {  	[sflag:s23] =	ssyncadd.s32 $0xFFFFFFFF  }
0xa5: {  	s5 =	sld [smem:$0x0]  }
0xa6: {  	s6 =	sand.u32 $0xFFFFFFFE, s1  }
0xa7: {  	p0 =	sne.s32 s1, s6  }
0xa8: {  	s6 =	sshll.u32 @p0 s6, $0xE  }
0xa9: {  	s6 =	sadd.s32 @p0 $0x11B8D, s6;
	s7 =	sshll.u32 @p0 s5, $0x11  }
0xaa: {  	s6 =	sor.u32 @p0 s7, s6  }
0xab: {  	[sflag:s6] =	ssyncadd.remote.s32 @p0 $0x1;
	_ =	sdelay $0x1  }
0xac: {  	s6 =	simm.s32 @p0 $0x1B8D  }
0xad: {  	_ =	swait.eq @p0 [sflag:s6], $0x1  }
0xae: {  	[sflag:s6] =	ssyncadd.s32 @p0 $0xFFFFFFFF  }
0xaf: {  	s7 =	sshll.u32 @!p0 s1, $0xE  }
0xb0: {  	s7 =	sor.u32 @!p0 $0x4000, s7;
	s6 =	simm.s32 @!p0 $0x1B8D  }
0xb1: {  	s5 =	sshll.u32 @!p0 s5, $0x11;
	s7 =	sadd.s32 @!p0 $0x11B8D, s7;
	_ =	swait.eq @!p0 [sflag:s6], $0x1  }
0xb2: {  	s5 =	sor.u32 @!p0 s5, s7;
	[sflag:s6] =	ssyncadd.s32 @!p0 $0xFFFFFFFF  }
0xb3: {  	s25 =	simm.s32 $0x1B8E;
	s24 =	sld [smem:$0x3FFE];
	[sflag:s5] =	ssyncadd.remote.s32 @!p0 $0x1  }
0xb4: {  	s26 =	simm.s32 $execute0_lowered;
	[smem:$0x3FD2] =	sst s25  }
0xb5: {  	s6 =	sshll.u32 s26, $0x1;
	_ =	strace $0x80000052;
	[dreg:$0x1] =	wrdreg $0xFFFFFFFF  }
0xb6: {  	s28 =	simm.s32 $_size_execute0_lowered;
	s4 =	sadd.s32 s4, s6;
	[dreg:$0x0] =	wrdreg $0x0  }
0xb7: {  	s6 =	sshll.u32 s28, $0x1;
	[dreg:$0x2] =	wrdreg s4  }
0xb8: {  	[dreg:$0x3] =	wrdreg s6  }
0xb9: {  	[dreg:$0x4] =	wrdreg $0xC0  }
0xba: {  	_ =	task [dreg:s22], $0x5FFFF  }
0xbb: {  	[dreg:$0x1] =	wrdreg $0xFFFFFFFF  }
0xbc: {  	[dreg:$0x0] =	wrdreg $0x60  }
0xbd: {  	[dreg:$0x2] =	wrdreg s18  }
0xbe: {  	[dreg:$0x3] =	wrdreg s24  }
0xbf: {  	[dreg:$0x4] =	wrdreg $0x0  }
0xc0: {  	[dreg:$0x5] =	wrdreg $0x9  }
0xc1: {  	_ =	task.clear_ibuf [dreg:s22], $0x6FFFF;
	_ =	strace $0x90000052  }
0xc2: {  	s29 =	simm.s32 $0x9;
	_ =	strace $0x80000054  }
0xc3: {  	_ =	swait.ge [sflag:s29], $0x1  }
0xc4: {  	[sflag:s29] =	ssyncadd.s32 $0xFFFFFFFF  }
0xc5: {  	_ =	strace $0x90000054  }
0xc6: {  	_ =	sfence  }
0xc7: {  	s30 =	sld [smem:$0x0];
	_ =	sdelay $0x2  }
0xc8: {  	s31 =	sshll.u32 s1, $0xD;
	s1 =	sshrl.u32 s1, $0x2  }
0xc9: {  	s4 =	sand.u32 $0x4000, s31;
	s1 =	sadd.s32 s1, s30  }
0xca: {  	s0 =	sor.u32 s4, s0;
	s1 =	sshll.u32 s1, $0x11  }
0xcb: {  	s0 =	sor.u32 s1, s0  }
0xcc: {  	s0 =	sadd.s32 $0x8F2B, s0  }
0xcd: {  	[sflag:s0] =	ssyncadd.remote.s32 $0x1  }
0xce: {  	_ =	sfence.sel $0xFFFF  }
0xcf: {  	[dreg:$0x0] =	wrdreg $0xFFFFFFFF;
	(pc) =	sbr.abs _section_cstart, $3  }
0xd0: {  	[dreg:$0x1] =	wrdreg $0xFFFFFFFF  }
0xd1: {  	_ =	task.clear_ibuf [dreg:s22], $0x2FFFF;
	_ =	strace $0x9FFFFFFF  }
0xd2: {  	(tm) =	ssettm $0x7FFFFFFF  }
0xd3: {  	_ =	shalt  }
tec
execute0_lowered:
.L_overlay_start_1:
0x0: {  	(tag) =	ssettag $0x1  }
0x1: {  	s2 =	rddreg [dreg:$0x0]  }
0x2: {  	s0 =	srdreg.scid;
	s7 =	rddreg [dreg:$0x1]  }
0x3: {  	s3 =	rddreg [dreg:$0x2];
	s5 =	sand.u32 $0x1, s0  }
0x4: {  	s0 =	stileid.u32;
	s8 =	smul.u32 $0x27100, s5  }
0x5: {  	s4 =	simm.s32 $0x0;
	s15 =	simm.s32 $0x16760;
	s9 =	smul.u32 $0x2710, s0  }
0x6: {  	s16 =	simm.s32 $0x1;
	s17 =	simm.s32 $0x0;
	s10 =	smul.u32 $0x14000, s0  }
0x7: {  	[smem:$0x7FF] =	sst s4;
	s1 =	sshll.u32 s5, $0x4;
	s11 =	smul.u32 $0x140000, s5  }
0x8: {  	s29 =	ssub.s32 $0x2, s5;
	s5 =	sadd.s32 $0x6AE00, s7;
	s1 =	sor.u32 s0, s1  }
0x9: {  	s31 =	sshll.u32 s0, $0x6;
	s30 =	sshrl.u32 s29, $0x1;
	s6 =	smul.u32 $0x2710, s1  }
0xa: {  	s1 =	rddreg [dreg:$0x3];
	_ =	strace $0x80000053;
	s8 =	sadd.s32 s9, s8  }
0xb: {  	s25 =	sadd.s32 s10, s11;
	s13 =	ssub.s32 s29, s30;
	s14 =	sadd.s32 s10, s3  }
0xc: {  	s24 =	sshrl.u32 s8, $0x3;
	s28 =	sshrl.u32 s25, $0x3;
	s9 =	smax.u32 s13, $0x1  }
0xd: {  	s11 =	sshrl.u32 s14, $0x3;
	s13 =	simm.s32 $0x16710;
	s14 =	simm.s32 $0x50  }
0xe: {  	s6 =	sshrl.u32 s6, $0x3;
	s26 =	sadd.s32 s24, s7;
	s12 =	sadd.s32 s28, s7  }
0xf: {  	s23 =	sadd.s32 s6, s7;
	s6 =	sor.u32 $0x1C02, s31;
	s8 =	sadd.s32 $0xBD600, s12  }
0x10: {  	s10 =	sadd.s32 $0x1B800, s26;
	s12 =	simm.s32 $0x2;
	s7 =	sadd.s32 $0x25600, s23  }
.LBB2_1:
0x11: {  	[spmem:s11], [sflag:s6] =	dma.local [hbm:s5], $0x2800  }
0x12: {  	_ =	swait.ge [sflag:s12], $0x2800  }
0x13: {  	[sflag:s12] =	ssyncset.done $0x0  }
0x14: {  	s18 =	simm.s32 $0x14000;
	[sflag:s12] =	ssyncadd.s32 $0xFFFFD800  }
0x15: {  	[tilespmem:s18], [sflag:$0x2] =	stream.linear.gather [hbm4b:s7+s4], $0x2710, $0x38;
	[tilespmem:$0x18F60] =	vst v63  }
0x16: {  	_ =	swait.ge [sflag:s12], $0x2710  }
0x17: {  	[sflag:s12] =	ssyncset.done $0x0  }
0x18: {  	[sflag:s12] =	ssyncadd.s32 $0xFFFFD8F0  }
0x19: {  	s19 =	sadd.s32 $0x0, s10;
	[bflag:$0x0] =	sbarrier.arrive $0xFFFF  }
0x1a: {  	[tilespmem:s13], [sflag:$0x2] =	stream.linear.gather [hbm4b:s19+s4], $0x50, $0x38;
	[tilespmem:$0x18F60] =	vst v63  }
0x1b: {  	_ =	swait.ge [sflag:s12], $0x50  }
0x1c: {  	[sflag:s12] =	ssyncset.done $0x0  }
0x1d: {  	[sflag:s12] =	ssyncadd.s32 $0xFFFFFFB0  }
0x1e: {  	[tilespmem:s15], [sflag:$0x1] =	stream.indirect.gather [hbm4b:s2+s14], $0x80, s18, s14, $0xb8;
	[tilespmem:$0x18F60] =	vst v63  }
0x1f: {  	_ =	swait.ge [sflag:s16], $0x2800  }
0x20: {  	[sflag:s16] =	ssyncset.done $0x0  }
0x21: {  	[sflag:s16] =	ssyncadd.s32 $0xFFFFD800  }
0x22: {  	[spmem:s3] =	stream.indirect.scatter.add.f32 [tilespmem:s15], [sflag:$0x2], $0x80, s13, s14, $0xb8;
	[tilespmem:$0x18F60] =	vst v63  }
0x23: {  	s20 =	simm.s32 $0x14;
	_ =	swait.ge [sflag:s12], $0x2800  }
0x24: {  	s19 =	simm.s32 $0xA;
	s18 =	simm.s32 $0x14050;
	[sflag:s12] =	ssyncset.done $0x0  }
.LBB2_2:
0x25: {  	s21 =	sadd.s32 s19, s10  }
0x26: {  	[sflag:s12] =	ssyncadd.s32 $0xFFFFD800;
	s19 =	smov.u32 s20;
	s22 =	sadd.s32 $0xA, s20  }
0x27: {  	[tilespmem:s13], [sflag:$0x2] =	stream.linear.gather [hbm4b:s21+s4], $0x50, $0x38;
	[tilespmem:$0x18F60] =	vst v63  }
0x28: {  	p0 =	sne.s32 s20, $0x4D8;
	_ =	swait.ge [sflag:s12], $0x50  }
0x29: {  	[sflag:s12] =	ssyncset.done $0x0  }
0x2a: {  	[sflag:s12] =	ssyncadd.s32 $0xFFFFFFB0  }
0x2b: {  	[tilespmem:s15], [sflag:$0x1] =	stream.indirect.gather [hbm4b:s2+s14], $0x80, s18, s14, $0xb8;
	[tilespmem:$0x18F60] =	vst v63  }
0x2c: {  	_ =	swait.ge [sflag:s16], $0x2800  }
.Ltmp0:
0x2d: {  	[sflag:s16] =	ssyncset.done $0x0;
	(pc) =	sbr.rel @p0 .LBB2_2-.Ltmp0, $4  }
0x2e: {  	[sflag:s16] =	ssyncadd.s32 $0xFFFFD800  }
0x2f: {  	[spmem:s3] =	stream.indirect.scatter.add.f32 [tilespmem:s15], [sflag:$0x2], $0x80, s13, s14, $0xb8;
	[tilespmem:$0x18F60] =	vst v63  }
0x30: {  	_ =	swait.ge [sflag:s12], $0x2800  }
0x31: {  	s20 =	smov.u32 s22;
	s18 =	sadd.s32 $0x50, s18;
	[sflag:s12] =	ssyncset.done $0x0  }
0x32: {  	s19 =	sadd.s32 s19, s10;
	[sflag:s12] =	ssyncadd.s32 $0xFFFFD800  }
0x33: {  	[tilespmem:s13], [sflag:$0x2] =	stream.linear.gather [hbm4b:s19+s4], $0x50, $0x38;
	[tilespmem:$0x18F60] =	vst v63  }
0x34: {  	_ =	swait.ge [sflag:s12], $0x50  }
0x35: {  	[sflag:s12] =	ssyncset.done $0x0  }
0x36: {  	[sflag:s12] =	ssyncadd.s32 $0xFFFFFFB0  }
0x37: {  	[tilespmem:s15], [sflag:$0x1] =	stream.indirect.gather [hbm4b:s2+s14], $0x80, s18, s14, $0xb8;
	[tilespmem:$0x18F60] =	vst v63  }
0x38: {  	_ =	swait.ge [sflag:s16], $0x2800  }
0x39: {  	[sflag:s16] =	ssyncset.done $0x0  }
0x3a: {  	[sflag:s16] =	ssyncadd.s32 $0xFFFFD800  }
0x3b: {  	[spmem:s3] =	stream.indirect.scatter.add.f32 [tilespmem:s15], [sflag:$0x2], $0x80, s13, s14, $0xb8;
	[tilespmem:$0x18F60] =	vst v63  }
0x3c: {  	_ =	swait.ge [sflag:s12], $0x2800  }
0x3d: {  	s17 =	sadd.s32 $0x1, s17;
	[sflag:s12] =	ssyncset.done $0x0  }
0x3e: {  	p0 =	sne.s32 s17, s9;
	[sflag:s12] =	ssyncadd.s32 $0xFFFFD800  }
.Ltmp1:
0x3f: {  	[bflag:$0x0] =	sbarrier.arrive $0xFFFF;
	(pc) =	sbr.rel @p0 .LBB2_1-.Ltmp1, $4  }
0x40: {  	[hbm:s8], [sflag:s6] =	dma.local [spmem:s11], $0x2800  }
0x41: {  	_ =	swait.ge [sflag:s12], $0x2800  }
0x42: {  	[sflag:s12] =	ssyncset.done $0x0  }
0x43: {  	[sflag:s12] =	ssyncadd.s32 $0xFFFFD800  }
0x44: {  	_ =	sfence.sel $0x180000  }
0x45: {  	[bflag:$0x0] =	sbarrier.arrive $0xFFFF  }
0x46: {  	p0 =	sne.s32 s0, $0x0;
	_ =	strace $0x90000053  }
0x47: {  	s0 =	sadd.s32 @!p0 $0x100000, s1;
	[bflag:$0x2] =	sbarrier.arrive $0xFFFF  }
0x48: {  	[sflag:s0] =	ssyncadd.tile.s32 @!p0 $0x1;
	_ =	shalt  }
.Lfunc_end2:
_tile_overlayer_lowered:
.L_overlay_start_2:
0x49: {  	(tag) =	ssettag $0x2  }
0x4a: {  	s0 =	rddreg [dreg:$0x0];
	s2 =	stileid.u32  }
0x4b: {  	s1 =	rddreg [dreg:$0x1];
	p0 =	sne.s32 s2, $0x0  }
0x4c: {  	s3 =	rddreg [dreg:$0x2];
	[bflag:$0x3] =	sbarrier.arrive $0xFFFF;
	s2 =	simm.s32 @!p0 $0x1C02  }
0x4d: {  	[timem:s3], [sflag:s2] =	dma.local @!p0 [hbm:s0], s1  }
0x4e: {  	s0 =	simm.s32 @!p0 $0x2  }
0x4f: {  	_ =	swait.ge @!p0 [sflag:s0], s1  }
0x50: {  	s1 =	ssub.s32 @!p0 $0x0, s1;
	[sflag:s0] =	ssyncset.done @!p0 $0x0  }
0x51: {  	[sflag:s0] =	ssyncadd.s32 @!p0 s1  }
0x52: {  	[bflag:$0x3] =	sbarrier.arrive $0xFFFF  }
0x53: {  	_ =	shalt  }

// kernel: kernel.31.cloned.1.call-start
scs
__scs_entry_jumppad:
0x0: {  	(pc) =	sbr.rel $0x88, $3  }
0x1: {  	(tag) =	ssettag $0x0;
	lr =	simm.s32 $0x1  }
0x2: {  	[smem:$0x3F96] =	sst lr;
	_ =	strace $0xD0000000  }
0x3: {  	_ = 	snop  }
0x4: {  	_ = 	snop  }
0x5: {  	_ = 	snop  }
0x6: {  	_ = 	snop  }
0x7: {  	_ = 	snop  }
__scs_overlays_trampoline_lowered:
0x8: {  	[smem:$0x3FA5] =	sst s0  }
0x9: {  	[smem:$0x3FA6] =	sst s1  }
0xa: {  	[smem:$0x3FA7] =	sst s2  }
0xb: {  	[smem:$0x3FA8] =	sst s3  }
0xc: {  	[smem:$0x3FA9] =	sst s4  }
0xd: {  	[smem:$0x3FAA] =	sst s5  }
0xe: {  	[smem:$0x3FAB] =	sst s6  }
0xf: {  	[smem:$0x3FAC] =	sst s7  }
0x10: {  	[smem:$0x3FAD] =	sst s8  }
0x11: {  	[smem:$0x3FAE] =	sst s9;
	s0 =	simm.s32 @!p0 $0x0  }
0x12: {  	s1 =	sld [smem:$0x3F94];
	s0 =	simm.s32 @p0 $0x1  }
0x13: {  	[smem:$0x3FAF] =	sst s0;
	s0 =	simm.s32 @!p1 $0x0  }
0x14: {  	s2 =	sld [smem:$0x3F93];
	s0 =	simm.s32 @p1 $0x1  }
0x15: {  	[smem:$0x3FB0] =	sst s0;
	s0 =	simm.s32 @!p2 $0x0  }
0x16: {  	s3 =	sld [smem:$0x3FDB];
	s0 =	simm.s32 @p2 $0x1  }
0x17: {  	s4 =	simm.s32 $0x1BF5;
	[smem:$0x3FB2] =	sst s0  }
0x18: {  	s0 =	sld [smem:$0x3F95];
	_ =	swait.ge [sflag:s4], $0x0  }
0x19: {  	s7 =	sld [smem:$0x3F96]  }
0x1a: {  	s8 =	sadd.s32 $0xFFFFE003, lr  }
0x1b: {  	s9 =	sadd.s32 $0xFFFFFEF7, lr;
	s5 =	simm.s32 $0xFFFFFFFF;
	p2 =	slt.u32 s8, $0xFFFFF086  }
0x1c: {  	p1 =	slt.u32 s9, $0xF7A;
	s5 =	simm.s32 @!p2 $0x0  }
0x1d: {  	s5 =	simm.s32 @p1 $0x1;
	p0 =	seq.s32 s7, s2  }
0x1e: {  	s7 =	smul.u32 @!p0 $0xF7A, s2;
	p2 =	seq.s32 @!p0 s5, $0x0  }
0x1f: {  	s9 =	smul.u32 $0xF7A, s1;
	s8 =	simm.s32 @!p0 $0x1BF5;
	p2 =	por !p2, p0  }
0x20: {  	[sflag:s8] =	ssyncset.s32 @!p0 $0xFFFFF086;
	s6 =	sadd.s32 @!p0 s3, s7;
	s7 =	simm.s32 @!p0 $0x108  }
0x21: {  	s3 =	sadd.s32 s3, s9;
	s6 =	sadd.s32 @!p0 $0x88, s6;
	s7 =	simm.s32 @p2 $0x1082  }
0x22: {  	[simem:s7], [sflag:s8] =	dma.local @!p0 [hbm:s6], $0xF7A  }
0x23: {  	s9 =	sor.u32 $0xD0000000, s2;
	s6 =	simm.s32 $0x108;
	_ =	swait.ge @!p0 [sflag:s8], $0x0  }
0x24: {  	s3 =	sadd.s32 $0x88, s3;
	s6 =	simm.s32 @!p1 $0x1082;
	[sflag:s4] =	ssyncset.s32 $0xFFFFF086  }
0x25: {  	[simem:s6], [sflag:s4] =	dma.local [hbm:s3], $0xF7A  }
0x26: {  	[smem:$0x3F96] =	sst s1;
	(tag) =	ssettag s2;
	_ =	strace s9  }
0x27: {  	s1 =	sld [smem:$0x3FA6]  }
0x28: {  	s2 =	sld [smem:$0x3FA7]  }
0x29: {  	s4 =	sld [smem:$0x3FA9]  }
0x2a: {  	p0 =	seq.s32 s5, $0x0;
	s5 =	sld [smem:$0x3FAA]  }
0x2b: {  	s6 =	sld [smem:$0x3FAB]  }
0x2c: {  	s7 =	sld [smem:$0x3FAC]  }
0x2d: {  	s3 =	simm.s32 $0x108;
	s8 =	sld [smem:$0x3FAD]  }
0x2e: {  	s3 =	simm.s32 @!p0 $0x1082;
	s9 =	sld [smem:$0x3FAE]  }
0x2f: {  	lr =	sadd.s32 s0, s3;
	s0 =	sld [smem:$0x3FA5]  }
0x30: {  	s3 =	sld [smem:$0x3FA8]  }
0x31: {  	[smem:$0x3FB1] =	sst s10  }
0x32: {  	s10 =	sld [smem:$0x3FAF];
	_ =	sdelay $0x3  }
0x33: {  	p0 =	seq.s32 s10, $0x1;
	s10 =	sld [smem:$0x3FB1];
	_ =	sdelay $0x3  }
0x34: {  	[smem:$0x3FB1] =	sst s10  }
0x35: {  	s10 =	sld [smem:$0x3FB0];
	_ =	sdelay $0x3  }
0x36: {  	p1 =	seq.s32 s10, $0x1;
	s10 =	sld [smem:$0x3FB1];
	_ =	sdelay $0x3  }
0x37: {  	[smem:$0x3FB1] =	sst s10  }
0x38: {  	s10 =	sld [smem:$0x3FB2]  }
0x39: {  	_ = 	snop;
	(pc) =	sbr.ind lr, $3  }
0x3a: {  	_ = 	snop  }
0x3b: {  	_ = 	snop  }
0x3c: {  	p2 =	seq.s32 s10, $0x1;
	s10 =	sld [smem:$0x3FB1]  }
0x3d: {  	_ =	shalt  }
0x3e: {  	_ =	shalt  }
0x3f: {  	_ =	shalt  }
0x40: {  	_ =	shalt  }
0x41: {  	_ =	shalt  }
0x42: {  	_ =	shalt  }
0x43: {  	_ =	shalt  }
0x44: {  	_ =	shalt  }
0x45: {  	_ =	shalt  }
0x46: {  	_ =	shalt  }
0x47: {  	_ =	shalt  }
0x48: {  	_ =	shalt  }
0x49: {  	_ =	shalt  }
0x4a: {  	_ =	shalt  }
0x4b: {  	_ =	shalt  }
0x4c: {  	_ =	shalt  }
0x4d: {  	_ =	shalt  }
0x4e: {  	_ =	shalt  }
0x4f: {  	_ =	shalt  }
0x50: {  	_ =	shalt  }
0x51: {  	_ =	shalt  }
0x52: {  	_ =	shalt  }
0x53: {  	_ =	shalt  }
0x54: {  	_ =	shalt  }
0x55: {  	_ =	shalt  }
0x56: {  	_ =	shalt  }
0x57: {  	_ =	shalt  }
0x58: {  	_ =	shalt  }
0x59: {  	_ =	shalt  }
0x5a: {  	_ =	shalt  }
0x5b: {  	_ =	shalt  }
0x5c: {  	_ =	shalt  }
0x5d: {  	_ =	shalt  }
0x5e: {  	_ =	shalt  }
0x5f: {  	_ =	shalt  }
0x60: {  	_ =	shalt  }
0x61: {  	_ =	shalt  }
0x62: {  	_ =	shalt  }
0x63: {  	_ =	shalt  }
0x64: {  	_ =	shalt  }
0x65: {  	_ =	shalt  }
0x66: {  	_ =	shalt  }
0x67: {  	_ =	shalt  }
0x68: {  	_ =	shalt  }
0x69: {  	_ =	shalt  }
0x6a: {  	_ =	shalt  }
0x6b: {  	_ =	shalt  }
0x6c: {  	_ =	shalt  }
0x6d: {  	_ =	shalt  }
0x6e: {  	_ =	shalt  }
0x6f: {  	_ =	shalt  }
0x70: {  	_ =	shalt  }
0x71: {  	_ =	shalt  }
0x72: {  	_ =	shalt  }
0x73: {  	_ =	shalt  }
0x74: {  	_ =	shalt  }
0x75: {  	_ =	shalt  }
0x76: {  	_ =	shalt  }
0x77: {  	_ =	shalt  }
0x78: {  	_ =	shalt  }
0x79: {  	_ =	shalt  }
0x7a: {  	_ =	shalt  }
0x7b: {  	_ =	shalt  }
0x7c: {  	_ =	shalt  }
0x7d: {  	_ =	shalt  }
0x7e: {  	_ =	shalt  }
0x7f: {  	_ =	shalt  }
0x80: {  	_ =	shalt  }
0x81: {  	_ =	shalt  }
0x82: {  	_ =	shalt  }
0x83: {  	_ =	shalt  }
0x84: {  	_ =	shalt  }
0x85: {  	_ =	shalt  }
0x86: {  	_ =	shalt  }
0x87: {  	_ =	shalt  }
.Lfunc_end0:
.L_simem_size_0:
called_computation.4_lowered:
.L_overlay_start_0:
0x88: {  	s2 =	sld [smem:$0x3FD9]  }
0x89: {  	s3 =	sld [smem:$0x3FFE];
	_ =	sdelay $0x1  }
0x8a: {  	s1 =	srdreg.scid  }
0x8b: {  	s0 =	sand.u32 $0x1, s1  }
0x8c: {  	s16 =	sshll.u32 s0, $0xA;
	s2 =	sadd.s32 s3, s2  }
0x8d: {  	s2 =	sadd.s32 s2, s16  }
0x8e: {  	[smem:$0x3FBD] =	sst s2  }
0x8f: {  	_ = 	snop  }
0x90: {  	(tm) =	ssettm $0x1  }
0x91: {  	s17 =	sld [smem:$0x3FFB];
	_ =	sdelay $0x3  }
0x92: {  	_ =	strace s17  }
0x93: {  	s2 =	sld [smem:$0x3FFC];
	_ =	sdelay $0x3  }
0x94: {  	_ =	strace s2  }
0x95: {  	s2 =	sld [smem:$0x3FFD];
	_ =	sdelay $0x3  }
0x96: {  	_ =	strace s2  }
0x97: {  	_ =	strace $0x8FFFFFFF  }
0x98: {  	s18 =	sld [smem:$0x3FDB];
	_ =	sdelay $0x1  }
0x99: {  	s19 =	simm.s32 $_scs_section_size  }
0x9a: {  	s4 =	simm.s32 $_size__tile_overlayer_lowered;
	s5 =	simm.s32 $_tile_overlayer_lowered  }
0x9b: {  	s22 =	simm.s32 $0x1BFF;
	s21 =	sshll.u32 s5, $0x1;
	s2 =	sadd.s32 s19, s18  }
0x9c: {  	s6 =	simm.s32 $0x0;
	s20 =	sshll.u32 s4, $0x1;
	s4 =	sadd.s32 s21, s2  }
0x9d: {  	[timem:s6], [sflag:s22] =	dma.local [hbm:s4], s20  }
0x9e: {  	_ =	swait.ge [sflag:s22], s20  }
0x9f: {  	s3 =	ssub.s32 $0x0, s20;
	[sflag:s22] =	ssyncset.done $0x0  }
0xa0: {  	[sflag:s22] =	ssyncadd.s32 s3;
	_ =	sdelay $0x1  }
0xa1: {  	s23 =	simm.s32 $0x1B8B  }
0xa2: {  	_ =	swait.ge [sflag:s23], $0x1  }
0xa3: {  	[sflag:s23] =	ssyncset.done $0x0  }
0xa4: {  	s25 =	simm.s32 $0x1B8E;
	s24 =	sld [smem:$0x3FFE];
	[sflag:s23] =	ssyncadd.s32 $0xFFFFFFFF  }
0xa5: {  	s26 =	simm.s32 $execute0_lowered;
	[smem:$0x3FD2] =	sst s25  }
0xa6: {  	s4 =	sshll.u32 s26, $0x1;
	_ =	strace $0x8000004F;
	[dreg:$0x1] =	wrdreg $0xFFFFFFFF  }
0xa7: {  	s28 =	simm.s32 $_size_execute0_lowered;
	s2 =	sadd.s32 s2, s4;
	[dreg:$0x0] =	wrdreg $0x0  }
0xa8: {  	s4 =	sshll.u32 s28, $0x1;
	[dreg:$0x2] =	wrdreg s2  }
0xa9: {  	[dreg:$0x3] =	wrdreg s4  }
0xaa: {  	[dreg:$0x4] =	wrdreg $0xC0  }
0xab: {  	_ =	task [dreg:s6], $0x5FFFF  }
0xac: {  	[dreg:$0x1] =	wrdreg $0xFFFFFFFF  }
0xad: {  	[dreg:$0x0] =	wrdreg $0x60  }
0xae: {  	[dreg:$0x2] =	wrdreg s24  }
0xaf: {  	[dreg:$0x3] =	wrdreg $0x0  }
0xb0: {  	[dreg:$0x4] =	wrdreg $0xA  }
0xb1: {  	_ =	task.clear_ibuf [dreg:s6], $0x5FFFF;
	_ =	strace $0x9000004F  }
0xb2: {  	s29 =	simm.s32 $0xA;
	_ =	strace $0x80000051  }
0xb3: {  	_ =	swait.ge [sflag:s29], $0x1  }
0xb4: {  	[sflag:s29] =	ssyncadd.s32 $0xFFFFFFFF  }
0xb5: {  	_ =	strace $0x90000051  }
0xb6: {  	_ =	sfence  }
0xb7: {  	s30 =	sld [smem:$0x0];
	_ =	sdelay $0x2  }
0xb8: {  	s31 =	sshll.u32 s1, $0xD;
	s1 =	sshrl.u32 s1, $0x2  }
0xb9: {  	s3 =	sand.u32 $0x4000, s31;
	s1 =	sadd.s32 s1, s30  }
0xba: {  	s0 =	sor.u32 s3, s0;
	s1 =	sshll.u32 s1, $0x11  }
0xbb: {  	s0 =	sor.u32 s1, s0  }
0xbc: {  	s0 =	sadd.s32 $0x8F2B, s0  }
0xbd: {  	[sflag:s0] =	ssyncadd.remote.s32 $0x1  }
0xbe: {  	_ =	sfence.sel $0xFFFF  }
0xbf: {  	[dreg:$0x0] =	wrdreg $0xFFFFFFFF;
	(pc) =	sbr.abs _section_cstart, $3  }
0xc0: {  	[dreg:$0x1] =	wrdreg $0xFFFFFFFF  }
0xc1: {  	_ =	task.clear_ibuf [dreg:s6], $0x2FFFF;
	_ =	strace $0x9FFFFFFF  }
0xc2: {  	(tm) =	ssettm $0x7FFFFFFF  }
0xc3: {  	_ =	shalt  }
tec
execute0_lowered:
.L_overlay_start_1:
0x0: {  	(tag) =	ssettag $0x1  }
0x1: {  	s6 =	rddreg [dreg:$0x0]  }
0x2: {  	s0 =	srdreg.scid;
	s2 =	rddreg [dreg:$0x1];
	s3 =	simm.s32 $0x0  }
0x3: {  	s13 =	simm.s32 $0x16710;
	s14 =	simm.s32 $0x50;
	s5 =	sand.u32 $0x1, s0  }
0x4: {  	s15 =	simm.s32 $0x16760;
	s0 =	stileid.u32;
	s8 =	smul.u32 $0x27100, s5  }
0x5: {  	s16 =	simm.s32 $0x1;
	s17 =	simm.s32 $0x0;
	s9 =	smul.u32 $0x2710, s0  }
0x6: {  	[smem:$0x7FF] =	sst s3;
	s4 =	sadd.s32 $0x2FA00, s6;
	s10 =	smul.u32 $0x14000, s0  }
0x7: {  	s1 =	sshll.u32 s5, $0x4;
	s11 =	smul.u32 $0x140000, s5;
	s29 =	ssub.s32 $0x2, s5  }
0x8: {  	s5 =	sadd.s32 $0x6AE00, s6;
	s31 =	sshll.u32 s0, $0x6;
	s1 =	sor.u32 s0, s1  }
0x9: {  	s30 =	sshrl.u32 s29, $0x1;
	s7 =	smul.u32 $0x2710, s1;
	s1 =	rddreg [dreg:$0x2]  }
0xa: {  	_ =	strace $0x80000050;
	s8 =	sadd.s32 s9, s8;
	s25 =	sadd.s32 s10, s11  }
0xb: {  	s9 =	ssub.s32 s29, s30;
	s12 =	sadd.s32 s10, s2;
	s8 =	sshrl.u32 s8, $0x3  }
0xc: {  	s28 =	sshrl.u32 s25, $0x3;
	s9 =	smax.u32 s9, $0x1;
	s11 =	sshrl.u32 s12, $0x3  }
0xd: {  	s12 =	simm.s32 $0x2;
	s7 =	sshrl.u32 s7, $0x3;
	s26 =	sadd.s32 s8, s6  }
0xe: {  	s8 =	sadd.s32 s28, s6;
	s7 =	sadd.s32 s7, s6;
	s6 =	sor.u32 $0x1C02, s31  }
0xf: {  	s8 =	sadd.s32 $0x6D600, s8;
	s10 =	sadd.s32 $0x7C00, s26;
	s7 =	sadd.s32 $0x11A00, s7  }
.LBB2_1:
0x10: {  	[spmem:s11], [sflag:s6] =	dma.local [hbm:s5], $0x2800  }
0x11: {  	_ =	swait.ge [sflag:s12], $0x2800  }
0x12: {  	[sflag:s12] =	ssyncset.done $0x0  }
0x13: {  	s18 =	simm.s32 $0x14000;
	[sflag:s12] =	ssyncadd.s32 $0xFFFFD800  }
0x14: {  	[tilespmem:s18], [sflag:$0x2] =	stream.linear.gather [hbm4b:s7+s3], $0x2710, $0x38;
	[tilespmem:$0x18F60] =	vst v63  }
0x15: {  	_ =	swait.ge [sflag:s12], $0x2710  }
0x16: {  	[sflag:s12] =	ssyncset.done $0x0  }
0x17: {  	[sflag:s12] =	ssyncadd.s32 $0xFFFFD8F0  }
0x18: {  	s19 =	sadd.s32 $0x0, s10;
	[bflag:$0x0] =	sbarrier.arrive $0xFFFF  }
0x19: {  	[tilespmem:s13], [sflag:$0x2] =	stream.linear.gather [hbm4b:s19+s3], $0x50, $0x38;
	[tilespmem:$0x18F60] =	vst v63  }
0x1a: {  	_ =	swait.ge [sflag:s12], $0x50  }
0x1b: {  	[sflag:s12] =	ssyncset.done $0x0  }
0x1c: {  	[sflag:s12] =	ssyncadd.s32 $0xFFFFFFB0  }
0x1d: {  	[tilespmem:s15], [sflag:$0x1] =	stream.indirect.gather [hbm4b:s4+s14], $0x80, s18, s14, $0xb8;
	[tilespmem:$0x18F60] =	vst v63  }
0x1e: {  	_ =	swait.ge [sflag:s16], $0x2800  }
0x1f: {  	[sflag:s16] =	ssyncset.done $0x0  }
0x20: {  	[sflag:s16] =	ssyncadd.s32 $0xFFFFD800  }
0x21: {  	[spmem:s2] =	stream.indirect.scatter.add.f32 [tilespmem:s15], [sflag:$0x2], $0x80, s13, s14, $0xb8;
	[tilespmem:$0x18F60] =	vst v63  }
0x22: {  	s20 =	simm.s32 $0x14;
	_ =	swait.ge [sflag:s12], $0x2800  }
0x23: {  	s19 =	simm.s32 $0xA;
	s18 =	simm.s32 $0x14050;
	[sflag:s12] =	ssyncset.done $0x0  }
.LBB2_2:
0x24: {  	s21 =	sadd.s32 s19, s10  }
0x25: {  	[sflag:s12] =	ssyncadd.s32 $0xFFFFD800;
	s19 =	smov.u32 s20;
	s22 =	sadd.s32 $0xA, s20  }
0x26: {  	[tilespmem:s13], [sflag:$0x2] =	stream.linear.gather [hbm4b:s21+s3], $0x50, $0x38;
	[tilespmem:$0x18F60] =	vst v63  }
0x27: {  	p0 =	sne.s32 s20, $0x4D8;
	_ =	swait.ge [sflag:s12], $0x50  }
0x28: {  	[sflag:s12] =	ssyncset.done $0x0  }
0x29: {  	[sflag:s12] =	ssyncadd.s32 $0xFFFFFFB0  }
0x2a: {  	[tilespmem:s15], [sflag:$0x1] =	stream.indirect.gather [hbm4b:s4+s14], $0x80, s18, s14, $0xb8;
	[tilespmem:$0x18F60] =	vst v63  }
0x2b: {  	_ =	swait.ge [sflag:s16], $0x2800  }
.Ltmp0:
0x2c: {  	[sflag:s16] =	ssyncset.done $0x0;
	(pc) =	sbr.rel @p0 .LBB2_2-.Ltmp0, $4  }
0x2d: {  	[sflag:s16] =	ssyncadd.s32 $0xFFFFD800  }
0x2e: {  	[spmem:s2] =	stream.indirect.scatter.add.f32 [tilespmem:s15], [sflag:$0x2], $0x80, s13, s14, $0xb8;
	[tilespmem:$0x18F60] =	vst v63  }
0x2f: {  	_ =	swait.ge [sflag:s12], $0x2800  }
0x30: {  	s20 =	smov.u32 s22;
	s18 =	sadd.s32 $0x50, s18;
	[sflag:s12] =	ssyncset.done $0x0  }
0x31: {  	s19 =	sadd.s32 s19, s10;
	[sflag:s12] =	ssyncadd.s32 $0xFFFFD800  }
0x32: {  	[tilespmem:s13], [sflag:$0x2] =	stream.linear.gather [hbm4b:s19+s3], $0x50, $0x38;
	[tilespmem:$0x18F60] =	vst v63  }
0x33: {  	_ =	swait.ge [sflag:s12], $0x50  }
0x34: {  	[sflag:s12] =	ssyncset.done $0x0  }
0x35: {  	[sflag:s12] =	ssyncadd.s32 $0xFFFFFFB0  }
0x36: {  	[tilespmem:s15], [sflag:$0x1] =	stream.indirect.gather [hbm4b:s4+s14], $0x80, s18, s14, $0xb8;
	[tilespmem:$0x18F60] =	vst v63  }
0x37: {  	_ =	swait.ge [sflag:s16], $0x2800  }
0x38: {  	[sflag:s16] =	ssyncset.done $0x0  }
0x39: {  	[sflag:s16] =	ssyncadd.s32 $0xFFFFD800  }
0x3a: {  	[spmem:s2] =	stream.indirect.scatter.add.f32 [tilespmem:s15], [sflag:$0x2], $0x80, s13, s14, $0xb8;
	[tilespmem:$0x18F60] =	vst v63  }
0x3b: {  	_ =	swait.ge [sflag:s12], $0x2800  }
0x3c: {  	s17 =	sadd.s32 $0x1, s17;
	[sflag:s12] =	ssyncset.done $0x0  }
0x3d: {  	p0 =	sne.s32 s17, s9;
	[sflag:s12] =	ssyncadd.s32 $0xFFFFD800  }
.Ltmp1:
0x3e: {  	[bflag:$0x0] =	sbarrier.arrive $0xFFFF;
	(pc) =	sbr.rel @p0 .LBB2_1-.Ltmp1, $4  }
0x3f: {  	[hbm:s8], [sflag:s6] =	dma.local [spmem:s11], $0x2800  }
0x40: {  	_ =	swait.ge [sflag:s12], $0x2800  }
0x41: {  	[sflag:s12] =	ssyncset.done $0x0  }
0x42: {  	[sflag:s12] =	ssyncadd.s32 $0xFFFFD800  }
0x43: {  	_ =	sfence.sel $0x180000  }
0x44: {  	[bflag:$0x0] =	sbarrier.arrive $0xFFFF  }
0x45: {  	p0 =	sne.s32 s0, $0x0;
	_ =	strace $0x90000050  }
0x46: {  	s0 =	sadd.s32 @!p0 $0x100000, s1;
	[bflag:$0x2] =	sbarrier.arrive $0xFFFF  }
0x47: {  	[sflag:s0] =	ssyncadd.tile.s32 @!p0 $0x1;
	_ =	shalt  }
.Lfunc_end2:
_tile_overlayer_lowered:
.L_overlay_start_2:
0x48: {  	(tag) =	ssettag $0x2  }
0x49: {  	s0 =	rddreg [dreg:$0x0];
	s2 =	stileid.u32  }
0x4a: {  	s1 =	rddreg [dreg:$0x1];
	p0 =	sne.s32 s2, $0x0  }
0x4b: {  	s3 =	rddreg [dreg:$0x2];
	[bflag:$0x3] =	sbarrier.arrive $0xFFFF;
	s2 =	simm.s32 @!p0 $0x1C02  }
0x4c: {  	[timem:s3], [sflag:s2] =	dma.local @!p0 [hbm:s0], s1  }
0x4d: {  	s0 =	simm.s32 @!p0 $0x2  }
0x4e: {  	_ =	swait.ge @!p0 [sflag:s0], s1  }
0x4f: {  	s1 =	ssub.s32 @!p0 $0x0, s1;
	[sflag:s0] =	ssyncset.done @!p0 $0x0  }
0x50: {  	[sflag:s0] =	ssyncadd.s32 @!p0 s1  }
0x51: {  	[bflag:$0x3] =	sbarrier.arrive $0xFFFF  }
0x52: {  	_ =	shalt  }

// kernel: kernel.34.cloned.1.call-start
scs
__scs_entry_jumppad:
0x0: {  	(pc) =	sbr.rel $0x88, $3  }
0x1: {  	(tag) =	ssettag $0x0;
	lr =	simm.s32 $0x1  }
0x2: {  	[smem:$0x3F96] =	sst lr;
	_ =	strace $0xD0000000  }
0x3: {  	_ = 	snop  }
0x4: {  	_ = 	snop  }
0x5: {  	_ = 	snop  }
0x6: {  	_ = 	snop  }
0x7: {  	_ = 	snop  }
__scs_overlays_trampoline_lowered:
0x8: {  	[smem:$0x3FA5] =	sst s0  }
0x9: {  	[smem:$0x3FA6] =	sst s1  }
0xa: {  	[smem:$0x3FA7] =	sst s2  }
0xb: {  	[smem:$0x3FA8] =	sst s3  }
0xc: {  	[smem:$0x3FA9] =	sst s4  }
0xd: {  	[smem:$0x3FAA] =	sst s5  }
0xe: {  	[smem:$0x3FAB] =	sst s6  }
0xf: {  	[smem:$0x3FAC] =	sst s7  }
0x10: {  	[smem:$0x3FAD] =	sst s8  }
0x11: {  	[smem:$0x3FAE] =	sst s9;
	s0 =	simm.s32 @!p0 $0x0  }
0x12: {  	s1 =	sld [smem:$0x3F94];
	s0 =	simm.s32 @p0 $0x1  }
0x13: {  	[smem:$0x3FAF] =	sst s0;
	s0 =	simm.s32 @!p1 $0x0  }
0x14: {  	s2 =	sld [smem:$0x3F93];
	s0 =	simm.s32 @p1 $0x1  }
0x15: {  	[smem:$0x3FB0] =	sst s0;
	s0 =	simm.s32 @!p2 $0x0  }
0x16: {  	s3 =	sld [smem:$0x3FDB];
	s0 =	simm.s32 @p2 $0x1  }
0x17: {  	s4 =	simm.s32 $0x1BF5;
	[smem:$0x3FB2] =	sst s0  }
0x18: {  	s0 =	sld [smem:$0x3F95];
	_ =	swait.ge [sflag:s4], $0x0  }
0x19: {  	s7 =	sld [smem:$0x3F96]  }
0x1a: {  	s8 =	sadd.s32 $0xFFFFE003, lr  }
0x1b: {  	s9 =	sadd.s32 $0xFFFFFEF7, lr;
	s5 =	simm.s32 $0xFFFFFFFF;
	p2 =	slt.u32 s8, $0xFFFFF086  }
0x1c: {  	p1 =	slt.u32 s9, $0xF7A;
	s5 =	simm.s32 @!p2 $0x0  }
0x1d: {  	s5 =	simm.s32 @p1 $0x1;
	p0 =	seq.s32 s7, s2  }
0x1e: {  	s7 =	smul.u32 @!p0 $0xF7A, s2;
	p2 =	seq.s32 @!p0 s5, $0x0  }
0x1f: {  	s9 =	smul.u32 $0xF7A, s1;
	s8 =	simm.s32 @!p0 $0x1BF5;
	p2 =	por !p2, p0  }
0x20: {  	[sflag:s8] =	ssyncset.s32 @!p0 $0xFFFFF086;
	s6 =	sadd.s32 @!p0 s3, s7;
	s7 =	simm.s32 @!p0 $0x108  }
0x21: {  	s3 =	sadd.s32 s3, s9;
	s6 =	sadd.s32 @!p0 $0x88, s6;
	s7 =	simm.s32 @p2 $0x1082  }
0x22: {  	[simem:s7], [sflag:s8] =	dma.local @!p0 [hbm:s6], $0xF7A  }
0x23: {  	s9 =	sor.u32 $0xD0000000, s2;
	s6 =	simm.s32 $0x108;
	_ =	swait.ge @!p0 [sflag:s8], $0x0  }
0x24: {  	s3 =	sadd.s32 $0x88, s3;
	s6 =	simm.s32 @!p1 $0x1082;
	[sflag:s4] =	ssyncset.s32 $0xFFFFF086  }
0x25: {  	[simem:s6], [sflag:s4] =	dma.local [hbm:s3], $0xF7A  }
0x26: {  	[smem:$0x3F96] =	sst s1;
	(tag) =	ssettag s2;
	_ =	strace s9  }
0x27: {  	s1 =	sld [smem:$0x3FA6]  }
0x28: {  	s2 =	sld [smem:$0x3FA7]  }
0x29: {  	s4 =	sld [smem:$0x3FA9]  }
0x2a: {  	p0 =	seq.s32 s5, $0x0;
	s5 =	sld [smem:$0x3FAA]  }
0x2b: {  	s6 =	sld [smem:$0x3FAB]  }
0x2c: {  	s7 =	sld [smem:$0x3FAC]  }
0x2d: {  	s3 =	simm.s32 $0x108;
	s8 =	sld [smem:$0x3FAD]  }
0x2e: {  	s3 =	simm.s32 @!p0 $0x1082;
	s9 =	sld [smem:$0x3FAE]  }
0x2f: {  	lr =	sadd.s32 s0, s3;
	s0 =	sld [smem:$0x3FA5]  }
0x30: {  	s3 =	sld [smem:$0x3FA8]  }
0x31: {  	[smem:$0x3FB1] =	sst s10  }
0x32: {  	s10 =	sld [smem:$0x3FAF];
	_ =	sdelay $0x3  }
0x33: {  	p0 =	seq.s32 s10, $0x1;
	s10 =	sld [smem:$0x3FB1];
	_ =	sdelay $0x3  }
0x34: {  	[smem:$0x3FB1] =	sst s10  }
0x35: {  	s10 =	sld [smem:$0x3FB0];
	_ =	sdelay $0x3  }
0x36: {  	p1 =	seq.s32 s10, $0x1;
	s10 =	sld [smem:$0x3FB1];
	_ =	sdelay $0x3  }
0x37: {  	[smem:$0x3FB1] =	sst s10  }
0x38: {  	s10 =	sld [smem:$0x3FB2]  }
0x39: {  	_ = 	snop;
	(pc) =	sbr.ind lr, $3  }
0x3a: {  	_ = 	snop  }
0x3b: {  	_ = 	snop  }
0x3c: {  	p2 =	seq.s32 s10, $0x1;
	s10 =	sld [smem:$0x3FB1]  }
0x3d: {  	_ =	shalt  }
0x3e: {  	_ =	shalt  }
0x3f: {  	_ =	shalt  }
0x40: {  	_ =	shalt  }
0x41: {  	_ =	shalt  }
0x42: {  	_ =	shalt  }
0x43: {  	_ =	shalt  }
0x44: {  	_ =	shalt  }
0x45: {  	_ =	shalt  }
0x46: {  	_ =	shalt  }
0x47: {  	_ =	shalt  }
0x48: {  	_ =	shalt  }
0x49: {  	_ =	shalt  }
0x4a: {  	_ =	shalt  }
0x4b: {  	_ =	shalt  }
0x4c: {  	_ =	shalt  }
0x4d: {  	_ =	shalt  }
0x4e: {  	_ =	shalt  }
0x4f: {  	_ =	shalt  }
0x50: {  	_ =	shalt  }
0x51: {  	_ =	shalt  }
0x52: {  	_ =	shalt  }
0x53: {  	_ =	shalt  }
0x54: {  	_ =	shalt  }
0x55: {  	_ =	shalt  }
0x56: {  	_ =	shalt  }
0x57: {  	_ =	shalt  }
0x58: {  	_ =	shalt  }
0x59: {  	_ =	shalt  }
0x5a: {  	_ =	shalt  }
0x5b: {  	_ =	shalt  }
0x5c: {  	_ =	shalt  }
0x5d: {  	_ =	shalt  }
0x5e: {  	_ =	shalt  }
0x5f: {  	_ =	shalt  }
0x60: {  	_ =	shalt  }
0x61: {  	_ =	shalt  }
0x62: {  	_ =	shalt  }
0x63: {  	_ =	shalt  }
0x64: {  	_ =	shalt  }
0x65: {  	_ =	shalt  }
0x66: {  	_ =	shalt  }
0x67: {  	_ =	shalt  }
0x68: {  	_ =	shalt  }
0x69: {  	_ =	shalt  }
0x6a: {  	_ =	shalt  }
0x6b: {  	_ =	shalt  }
0x6c: {  	_ =	shalt  }
0x6d: {  	_ =	shalt  }
0x6e: {  	_ =	shalt  }
0x6f: {  	_ =	shalt  }
0x70: {  	_ =	shalt  }
0x71: {  	_ =	shalt  }
0x72: {  	_ =	shalt  }
0x73: {  	_ =	shalt  }
0x74: {  	_ =	shalt  }
0x75: {  	_ =	shalt  }
0x76: {  	_ =	shalt  }
0x77: {  	_ =	shalt  }
0x78: {  	_ =	shalt  }
0x79: {  	_ =	shalt  }
0x7a: {  	_ =	shalt  }
0x7b: {  	_ =	shalt  }
0x7c: {  	_ =	shalt  }
0x7d: {  	_ =	shalt  }
0x7e: {  	_ =	shalt  }
0x7f: {  	_ =	shalt  }
0x80: {  	_ =	shalt  }
0x81: {  	_ =	shalt  }
0x82: {  	_ =	shalt  }
0x83: {  	_ =	shalt  }
0x84: {  	_ =	shalt  }
0x85: {  	_ =	shalt  }
0x86: {  	_ =	shalt  }
0x87: {  	_ =	shalt  }
.Lfunc_end0:
.L_simem_size_0:
called_computation.5_lowered:
.L_overlay_start_0:
0x88: {  	s2 =	sld [smem:$0x3FD9]  }
0x89: {  	s3 =	sld [smem:$0x3FFE];
	_ =	sdelay $0x1  }
0x8a: {  	s1 =	srdreg.scid  }
0x8b: {  	s0 =	sand.u32 $0x1, s1  }
0x8c: {  	s17 =	sshll.u32 s0, $0xA;
	s2 =	sadd.s32 s3, s2  }
0x8d: {  	s2 =	sadd.s32 s2, s17  }
0x8e: {  	[smem:$0x3FBD] =	sst s2  }
0x8f: {  	_ = 	snop  }
0x90: {  	s18 =	sld [smem:$0x3FD0];
	(tm) =	ssettm $0x1  }
0x91: {  	s19 =	sld [smem:$0x3FFB];
	_ =	sdelay $0x3  }
0x92: {  	_ =	strace s19  }
0x93: {  	s2 =	sld [smem:$0x3FFC];
	_ =	sdelay $0x3  }
0x94: {  	_ =	strace s2  }
0x95: {  	s2 =	sld [smem:$0x3FFD];
	_ =	sdelay $0x3  }
0x96: {  	_ =	strace s2  }
0x97: {  	_ =	strace $0x8FFFFFFF  }
0x98: {  	s20 =	sld [smem:$0x3FDB];
	_ =	sdelay $0x1  }
0x99: {  	s4 =	simm.s32 $_scs_section_size  }
0x9a: {  	s5 =	simm.s32 $_size__tile_overlayer_lowered;
	s6 =	simm.s32 $_tile_overlayer_lowered  }
0x9b: {  	s7 =	simm.s32 $0x1BFF;
	s21 =	sshll.u32 s6, $0x1;
	s4 =	sadd.s32 s4, s20  }
0x9c: {  	s22 =	simm.s32 $0x0;
	s5 =	sshll.u32 s5, $0x1;
	s6 =	sadd.s32 s21, s4  }
0x9d: {  	[timem:s22], [sflag:s7] =	dma.local [hbm:s6], s5  }
0x9e: {  	_ =	swait.ge [sflag:s7], s5  }
0x9f: {  	s5 =	ssub.s32 $0x0, s5;
	[sflag:s7] =	ssyncset.done $0x0  }
0xa0: {  	[sflag:s7] =	ssyncadd.s32 s5;
	_ =	sdelay $0x1  }
0xa1: {  	s23 =	simm.s32 $0x1B8B  }
0xa2: {  	_ =	swait.ge [sflag:s23], $0x1  }
0xa3: {  	[sflag:s23] =	ssyncset.done $0x0  }
0xa4: {  	[sflag:s23] =	ssyncadd.s32 $0xFFFFFFFF  }
0xa5: {  	s5 =	sld [smem:$0x0]  }
0xa6: {  	s6 =	sand.u32 $0xFFFFFFFE, s1  }
0xa7: {  	p0 =	sne.s32 s1, s6  }
0xa8: {  	s6 =	sshll.u32 @p0 s6, $0xE  }
0xa9: {  	s6 =	sadd.s32 @p0 $0x11B8D, s6;
	s7 =	sshll.u32 @p0 s5, $0x11  }
0xaa: {  	s6 =	sor.u32 @p0 s7, s6  }
0xab: {  	[sflag:s6] =	ssyncadd.remote.s32 @p0 $0x1;
	_ =	sdelay $0x1  }
0xac: {  	s6 =	simm.s32 @p0 $0x1B8D  }
0xad: {  	_ =	swait.eq @p0 [sflag:s6], $0x1  }
0xae: {  	[sflag:s6] =	ssyncadd.s32 @p0 $0xFFFFFFFF  }
0xaf: {  	s7 =	sshll.u32 @!p0 s1, $0xE  }
0xb0: {  	s7 =	sor.u32 @!p0 $0x4000, s7;
	s6 =	simm.s32 @!p0 $0x1B8D  }
0xb1: {  	s5 =	sshll.u32 @!p0 s5, $0x11;
	s7 =	sadd.s32 @!p0 $0x11B8D, s7;
	_ =	swait.eq @!p0 [sflag:s6], $0x1  }
0xb2: {  	s5 =	sor.u32 @!p0 s5, s7;
	[sflag:s6] =	ssyncadd.s32 @!p0 $0xFFFFFFFF  }
0xb3: {  	s25 =	simm.s32 $0x1B8E;
	s24 =	sld [smem:$0x3FFE];
	[sflag:s5] =	ssyncadd.remote.s32 @!p0 $0x1  }
0xb4: {  	s26 =	simm.s32 $execute0_lowered;
	[smem:$0x3FD2] =	sst s25  }
0xb5: {  	s6 =	sshll.u32 s26, $0x1;
	_ =	strace $0x80000058;
	[dreg:$0x1] =	wrdreg $0xFFFFFFFF  }
0xb6: {  	s28 =	simm.s32 $_size_execute0_lowered;
	s4 =	sadd.s32 s4, s6;
	[dreg:$0x0] =	wrdreg $0x0  }
0xb7: {  	s6 =	sshll.u32 s28, $0x1;
	[dreg:$0x2] =	wrdreg s4  }
0xb8: {  	[dreg:$0x3] =	wrdreg s6  }
0xb9: {  	[dreg:$0x4] =	wrdreg $0xC0  }
0xba: {  	_ =	task [dreg:s22], $0x5FFFF  }
0xbb: {  	[dreg:$0x1] =	wrdreg $0xFFFFFFFF  }
0xbc: {  	[dreg:$0x0] =	wrdreg $0x60  }
0xbd: {  	[dreg:$0x2] =	wrdreg s18  }
0xbe: {  	[dreg:$0x3] =	wrdreg s24  }
0xbf: {  	[dreg:$0x4] =	wrdreg $0x0  }
0xc0: {  	[dreg:$0x5] =	wrdreg $0x9  }
0xc1: {  	_ =	task.clear_ibuf [dreg:s22], $0x6FFFF;
	_ =	strace $0x90000058  }
0xc2: {  	s29 =	simm.s32 $0x9;
	_ =	strace $0x8000005A  }
0xc3: {  	_ =	swait.ge [sflag:s29], $0x1  }
0xc4: {  	[sflag:s29] =	ssyncadd.s32 $0xFFFFFFFF  }
0xc5: {  	_ =	strace $0x9000005A  }
0xc6: {  	_ =	sfence  }
0xc7: {  	s30 =	sld [smem:$0x0];
	_ =	sdelay $0x2  }
0xc8: {  	s31 =	sshll.u32 s1, $0xD;
	s1 =	sshrl.u32 s1, $0x2  }
0xc9: {  	s4 =	sand.u32 $0x4000, s31;
	s1 =	sadd.s32 s1, s30  }
0xca: {  	s0 =	sor.u32 s4, s0;
	s1 =	sshll.u32 s1, $0x11  }
0xcb: {  	s0 =	sor.u32 s1, s0  }
0xcc: {  	s0 =	sadd.s32 $0x8F2B, s0  }
0xcd: {  	[sflag:s0] =	ssyncadd.remote.s32 $0x1  }
0xce: {  	_ =	sfence.sel $0xFFFF  }
0xcf: {  	[dreg:$0x0] =	wrdreg $0xFFFFFFFF;
	(pc) =	sbr.abs _section_cstart, $3  }
0xd0: {  	[dreg:$0x1] =	wrdreg $0xFFFFFFFF  }
0xd1: {  	_ =	task.clear_ibuf [dreg:s22], $0x2FFFF;
	_ =	strace $0x9FFFFFFF  }
0xd2: {  	(tm) =	ssettm $0x7FFFFFFF  }
0xd3: {  	_ =	shalt  }
tec
execute0_lowered:
.L_overlay_start_1:
0x0: {  	(tag) =	ssettag $0x1  }
0x1: {  	s2 =	rddreg [dreg:$0x0]  }
0x2: {  	s0 =	srdreg.scid;
	s7 =	rddreg [dreg:$0x1]  }
0x3: {  	s3 =	rddreg [dreg:$0x2];
	s5 =	sand.u32 $0x1, s0  }
0x4: {  	s0 =	stileid.u32;
	s8 =	smul.u32 $0x27100, s5  }
0x5: {  	s4 =	simm.s32 $0x0;
	s15 =	simm.s32 $0x16760;
	s9 =	smul.u32 $0x2710, s0  }
0x6: {  	s16 =	simm.s32 $0x1;
	s17 =	simm.s32 $0x0;
	s10 =	smul.u32 $0x14000, s0  }
0x7: {  	[smem:$0x7FF] =	sst s4;
	s1 =	sshll.u32 s5, $0x4;
	s11 =	smul.u32 $0x140000, s5  }
0x8: {  	s29 =	ssub.s32 $0x2, s5;
	s5 =	sadd.s32 $0x6AE00, s7;
	s1 =	sor.u32 s0, s1  }
0x9: {  	s31 =	sshll.u32 s0, $0x6;
	s30 =	sshrl.u32 s29, $0x1;
	s6 =	smul.u32 $0x2710, s1  }
0xa: {  	s1 =	rddreg [dreg:$0x3];
	_ =	strace $0x80000059;
	s8 =	sadd.s32 s9, s8  }
0xb: {  	s25 =	sadd.s32 s10, s11;
	s13 =	ssub.s32 s29, s30;
	s14 =	sadd.s32 s10, s3  }
0xc: {  	s24 =	sshrl.u32 s8, $0x3;
	s28 =	sshrl.u32 s25, $0x3;
	s9 =	smax.u32 s13, $0x1  }
0xd: {  	s11 =	sshrl.u32 s14, $0x3;
	s13 =	simm.s32 $0x16710;
	s14 =	simm.s32 $0x50  }
0xe: {  	s6 =	sshrl.u32 s6, $0x3;
	s26 =	sadd.s32 s24, s7;
	s12 =	sadd.s32 s28, s7  }
0xf: {  	s23 =	sadd.s32 s6, s7;
	s6 =	sor.u32 $0x1C02, s31;
	s8 =	sadd.s32 $0xBD600, s12  }
0x10: {  	s10 =	sadd.s32 $0x1B800, s26;
	s12 =	simm.s32 $0x2;
	s7 =	sadd.s32 $0x25600, s23  }
.LBB2_1:
0x11: {  	[spmem:s11], [sflag:s6] =	dma.local [hbm:s5], $0x2800  }
0x12: {  	_ =	swait.ge [sflag:s12], $0x2800  }
0x13: {  	[sflag:s12] =	ssyncset.done $0x0  }
0x14: {  	s18 =	simm.s32 $0x14000;
	[sflag:s12] =	ssyncadd.s32 $0xFFFFD800  }
0x15: {  	[tilespmem:s18], [sflag:$0x2] =	stream.linear.gather [hbm4b:s7+s4], $0x2710, $0x38;
	[tilespmem:$0x18F60] =	vst v63  }
0x16: {  	_ =	swait.ge [sflag:s12], $0x2710  }
0x17: {  	[sflag:s12] =	ssyncset.done $0x0  }
0x18: {  	[sflag:s12] =	ssyncadd.s32 $0xFFFFD8F0  }
0x19: {  	s19 =	sadd.s32 $0x0, s10;
	[bflag:$0x0] =	sbarrier.arrive $0xFFFF  }
0x1a: {  	[tilespmem:s13], [sflag:$0x2] =	stream.linear.gather [hbm4b:s19+s4], $0x50, $0x38;
	[tilespmem:$0x18F60] =	vst v63  }
0x1b: {  	_ =	swait.ge [sflag:s12], $0x50  }
0x1c: {  	[sflag:s12] =	ssyncset.done $0x0  }
0x1d: {  	[sflag:s12] =	ssyncadd.s32 $0xFFFFFFB0  }
0x1e: {  	[tilespmem:s15], [sflag:$0x1] =	stream.indirect.gather [hbm4b:s2+s14], $0x80, s18, s14, $0xb8;
	[tilespmem:$0x18F60] =	vst v63  }
0x1f: {  	_ =	swait.ge [sflag:s16], $0x2800  }
0x20: {  	[sflag:s16] =	ssyncset.done $0x0  }
0x21: {  	[sflag:s16] =	ssyncadd.s32 $0xFFFFD800  }
0x22: {  	[spmem:s3] =	stream.indirect.scatter.add.f32 [tilespmem:s15], [sflag:$0x2], $0x80, s13, s14, $0xb8;
	[tilespmem:$0x18F60] =	vst v63  }
0x23: {  	s20 =	simm.s32 $0x14;
	_ =	swait.ge [sflag:s12], $0x2800  }
0x24: {  	s19 =	simm.s32 $0xA;
	s18 =	simm.s32 $0x14050;
	[sflag:s12] =	ssyncset.done $0x0  }
.LBB2_2:
0x25: {  	s21 =	sadd.s32 s19, s10  }
0x26: {  	[sflag:s12] =	ssyncadd.s32 $0xFFFFD800;
	s19 =	smov.u32 s20;
	s22 =	sadd.s32 $0xA, s20  }
0x27: {  	[tilespmem:s13], [sflag:$0x2] =	stream.linear.gather [hbm4b:s21+s4], $0x50, $0x38;
	[tilespmem:$0x18F60] =	vst v63  }
0x28: {  	p0 =	sne.s32 s20, $0x4D8;
	_ =	swait.ge [sflag:s12], $0x50  }
0x29: {  	[sflag:s12] =	ssyncset.done $0x0  }
0x2a: {  	[sflag:s12] =	ssyncadd.s32 $0xFFFFFFB0  }
0x2b: {  	[tilespmem:s15], [sflag:$0x1] =	stream.indirect.gather [hbm4b:s2+s14], $0x80, s18, s14, $0xb8;
	[tilespmem:$0x18F60] =	vst v63  }
0x2c: {  	_ =	swait.ge [sflag:s16], $0x2800  }
.Ltmp0:
0x2d: {  	[sflag:s16] =	ssyncset.done $0x0;
	(pc) =	sbr.rel @p0 .LBB2_2-.Ltmp0, $4  }
0x2e: {  	[sflag:s16] =	ssyncadd.s32 $0xFFFFD800  }
0x2f: {  	[spmem:s3] =	stream.indirect.scatter.add.f32 [tilespmem:s15], [sflag:$0x2], $0x80, s13, s14, $0xb8;
	[tilespmem:$0x18F60] =	vst v63  }
0x30: {  	_ =	swait.ge [sflag:s12], $0x2800  }
0x31: {  	s20 =	smov.u32 s22;
	s18 =	sadd.s32 $0x50, s18;
	[sflag:s12] =	ssyncset.done $0x0  }
0x32: {  	s19 =	sadd.s32 s19, s10;
	[sflag:s12] =	ssyncadd.s32 $0xFFFFD800  }
0x33: {  	[tilespmem:s13], [sflag:$0x2] =	stream.linear.gather [hbm4b:s19+s4], $0x50, $0x38;
	[tilespmem:$0x18F60] =	vst v63  }
0x34: {  	_ =	swait.ge [sflag:s12], $0x50  }
0x35: {  	[sflag:s12] =	ssyncset.done $0x0  }
0x36: {  	[sflag:s12] =	ssyncadd.s32 $0xFFFFFFB0  }
0x37: {  	[tilespmem:s15], [sflag:$0x1] =	stream.indirect.gather [hbm4b:s2+s14], $0x80, s18, s14, $0xb8;
	[tilespmem:$0x18F60] =	vst v63  }
0x38: {  	_ =	swait.ge [sflag:s16], $0x2800  }
0x39: {  	[sflag:s16] =	ssyncset.done $0x0  }
0x3a: {  	[sflag:s16] =	ssyncadd.s32 $0xFFFFD800  }
0x3b: {  	[spmem:s3] =	stream.indirect.scatter.add.f32 [tilespmem:s15], [sflag:$0x2], $0x80, s13, s14, $0xb8;
	[tilespmem:$0x18F60] =	vst v63  }
0x3c: {  	_ =	swait.ge [sflag:s12], $0x2800  }
0x3d: {  	s17 =	sadd.s32 $0x1, s17;
	[sflag:s12] =	ssyncset.done $0x0  }
0x3e: {  	p0 =	sne.s32 s17, s9;
	[sflag:s12] =	ssyncadd.s32 $0xFFFFD800  }
.Ltmp1:
0x3f: {  	[bflag:$0x0] =	sbarrier.arrive $0xFFFF;
	(pc) =	sbr.rel @p0 .LBB2_1-.Ltmp1, $4  }
0x40: {  	[hbm:s8], [sflag:s6] =	dma.local [spmem:s11], $0x2800  }
0x41: {  	_ =	swait.ge [sflag:s12], $0x2800  }
0x42: {  	[sflag:s12] =	ssyncset.done $0x0  }
0x43: {  	[sflag:s12] =	ssyncadd.s32 $0xFFFFD800  }
0x44: {  	_ =	sfence.sel $0x180000  }
0x45: {  	[bflag:$0x0] =	sbarrier.arrive $0xFFFF  }
0x46: {  	p0 =	sne.s32 s0, $0x0;
	_ =	strace $0x90000059  }
0x47: {  	s0 =	sadd.s32 @!p0 $0x100000, s1;
	[bflag:$0x2] =	sbarrier.arrive $0xFFFF  }
0x48: {  	[sflag:s0] =	ssyncadd.tile.s32 @!p0 $0x1;
	_ =	shalt  }
.Lfunc_end2:
_tile_overlayer_lowered:
.L_overlay_start_2:
0x49: {  	(tag) =	ssettag $0x2  }
0x4a: {  	s0 =	rddreg [dreg:$0x0];
	s2 =	stileid.u32  }
0x4b: {  	s1 =	rddreg [dreg:$0x1];
	p0 =	sne.s32 s2, $0x0  }
0x4c: {  	s3 =	rddreg [dreg:$0x2];
	[bflag:$0x3] =	sbarrier.arrive $0xFFFF;
	s2 =	simm.s32 @!p0 $0x1C02  }
0x4d: {  	[timem:s3], [sflag:s2] =	dma.local @!p0 [hbm:s0], s1  }
0x4e: {  	s0 =	simm.s32 @!p0 $0x2  }
0x4f: {  	_ =	swait.ge @!p0 [sflag:s0], s1  }
0x50: {  	s1 =	ssub.s32 @!p0 $0x0, s1;
	[sflag:s0] =	ssyncset.done @!p0 $0x0  }
0x51: {  	[sflag:s0] =	ssyncadd.s32 @!p0 s1  }
0x52: {  	[bflag:$0x3] =	sbarrier.arrive $0xFFFF  }
0x53: {  	_ =	shalt  }

// kernel: kernel.37.cloned.1.call-start
scs
__scs_entry_jumppad:
0x0: {  	(pc) =	sbr.rel $0x88, $3  }
0x1: {  	(tag) =	ssettag $0x0;
	lr =	simm.s32 $0x1  }
0x2: {  	[smem:$0x3F96] =	sst lr;
	_ =	strace $0xD0000000  }
0x3: {  	_ = 	snop  }
0x4: {  	_ = 	snop  }
0x5: {  	_ = 	snop  }
0x6: {  	_ = 	snop  }
0x7: {  	_ = 	snop  }
__scs_overlays_trampoline_lowered:
0x8: {  	[smem:$0x3FA5] =	sst s0  }
0x9: {  	[smem:$0x3FA6] =	sst s1  }
0xa: {  	[smem:$0x3FA7] =	sst s2  }
0xb: {  	[smem:$0x3FA8] =	sst s3  }
0xc: {  	[smem:$0x3FA9] =	sst s4  }
0xd: {  	[smem:$0x3FAA] =	sst s5  }
0xe: {  	[smem:$0x3FAB] =	sst s6  }
0xf: {  	[smem:$0x3FAC] =	sst s7  }
0x10: {  	[smem:$0x3FAD] =	sst s8  }
0x11: {  	[smem:$0x3FAE] =	sst s9;
	s0 =	simm.s32 @!p0 $0x0  }
0x12: {  	s1 =	sld [smem:$0x3F94];
	s0 =	simm.s32 @p0 $0x1  }
0x13: {  	[smem:$0x3FAF] =	sst s0;
	s0 =	simm.s32 @!p1 $0x0  }
0x14: {  	s2 =	sld [smem:$0x3F93];
	s0 =	simm.s32 @p1 $0x1  }
0x15: {  	[smem:$0x3FB0] =	sst s0;
	s0 =	simm.s32 @!p2 $0x0  }
0x16: {  	s3 =	sld [smem:$0x3FDB];
	s0 =	simm.s32 @p2 $0x1  }
0x17: {  	s4 =	simm.s32 $0x1BF5;
	[smem:$0x3FB2] =	sst s0  }
0x18: {  	s0 =	sld [smem:$0x3F95];
	_ =	swait.ge [sflag:s4], $0x0  }
0x19: {  	s7 =	sld [smem:$0x3F96]  }
0x1a: {  	s8 =	sadd.s32 $0xFFFFE003, lr  }
0x1b: {  	s9 =	sadd.s32 $0xFFFFFEF7, lr;
	s5 =	simm.s32 $0xFFFFFFFF;
	p2 =	slt.u32 s8, $0xFFFFF086  }
0x1c: {  	p1 =	slt.u32 s9, $0xF7A;
	s5 =	simm.s32 @!p2 $0x0  }
0x1d: {  	s5 =	simm.s32 @p1 $0x1;
	p0 =	seq.s32 s7, s2  }
0x1e: {  	s7 =	smul.u32 @!p0 $0xF7A, s2;
	p2 =	seq.s32 @!p0 s5, $0x0  }
0x1f: {  	s9 =	smul.u32 $0xF7A, s1;
	s8 =	simm.s32 @!p0 $0x1BF5;
	p2 =	por !p2, p0  }
0x20: {  	[sflag:s8] =	ssyncset.s32 @!p0 $0xFFFFF086;
	s6 =	sadd.s32 @!p0 s3, s7;
	s7 =	simm.s32 @!p0 $0x108  }
0x21: {  	s3 =	sadd.s32 s3, s9;
	s6 =	sadd.s32 @!p0 $0x88, s6;
	s7 =	simm.s32 @p2 $0x1082  }
0x22: {  	[simem:s7], [sflag:s8] =	dma.local @!p0 [hbm:s6], $0xF7A  }
0x23: {  	s9 =	sor.u32 $0xD0000000, s2;
	s6 =	simm.s32 $0x108;
	_ =	swait.ge @!p0 [sflag:s8], $0x0  }
0x24: {  	s3 =	sadd.s32 $0x88, s3;
	s6 =	simm.s32 @!p1 $0x1082;
	[sflag:s4] =	ssyncset.s32 $0xFFFFF086  }
0x25: {  	[simem:s6], [sflag:s4] =	dma.local [hbm:s3], $0xF7A  }
0x26: {  	[smem:$0x3F96] =	sst s1;
	(tag) =	ssettag s2;
	_ =	strace s9  }
0x27: {  	s1 =	sld [smem:$0x3FA6]  }
0x28: {  	s2 =	sld [smem:$0x3FA7]  }
0x29: {  	s4 =	sld [smem:$0x3FA9]  }
0x2a: {  	p0 =	seq.s32 s5, $0x0;
	s5 =	sld [smem:$0x3FAA]  }
0x2b: {  	s6 =	sld [smem:$0x3FAB]  }
0x2c: {  	s7 =	sld [smem:$0x3FAC]  }
0x2d: {  	s3 =	simm.s32 $0x108;
	s8 =	sld [smem:$0x3FAD]  }
0x2e: {  	s3 =	simm.s32 @!p0 $0x1082;
	s9 =	sld [smem:$0x3FAE]  }
0x2f: {  	lr =	sadd.s32 s0, s3;
	s0 =	sld [smem:$0x3FA5]  }
0x30: {  	s3 =	sld [smem:$0x3FA8]  }
0x31: {  	[smem:$0x3FB1] =	sst s10  }
0x32: {  	s10 =	sld [smem:$0x3FAF];
	_ =	sdelay $0x3  }
0x33: {  	p0 =	seq.s32 s10, $0x1;
	s10 =	sld [smem:$0x3FB1];
	_ =	sdelay $0x3  }
0x34: {  	[smem:$0x3FB1] =	sst s10  }
0x35: {  	s10 =	sld [smem:$0x3FB0];
	_ =	sdelay $0x3  }
0x36: {  	p1 =	seq.s32 s10, $0x1;
	s10 =	sld [smem:$0x3FB1];
	_ =	sdelay $0x3  }
0x37: {  	[smem:$0x3FB1] =	sst s10  }
0x38: {  	s10 =	sld [smem:$0x3FB2]  }
0x39: {  	_ = 	snop;
	(pc) =	sbr.ind lr, $3  }
0x3a: {  	_ = 	snop  }
0x3b: {  	_ = 	snop  }
0x3c: {  	p2 =	seq.s32 s10, $0x1;
	s10 =	sld [smem:$0x3FB1]  }
0x3d: {  	_ =	shalt  }
0x3e: {  	_ =	shalt  }
0x3f: {  	_ =	shalt  }
0x40: {  	_ =	shalt  }
0x41: {  	_ =	shalt  }
0x42: {  	_ =	shalt  }
0x43: {  	_ =	shalt  }
0x44: {  	_ =	shalt  }
0x45: {  	_ =	shalt  }
0x46: {  	_ =	shalt  }
0x47: {  	_ =	shalt  }
0x48: {  	_ =	shalt  }
0x49: {  	_ =	shalt  }
0x4a: {  	_ =	shalt  }
0x4b: {  	_ =	shalt  }
0x4c: {  	_ =	shalt  }
0x4d: {  	_ =	shalt  }
0x4e: {  	_ =	shalt  }
0x4f: {  	_ =	shalt  }
0x50: {  	_ =	shalt  }
0x51: {  	_ =	shalt  }
0x52: {  	_ =	shalt  }
0x53: {  	_ =	shalt  }
0x54: {  	_ =	shalt  }
0x55: {  	_ =	shalt  }
0x56: {  	_ =	shalt  }
0x57: {  	_ =	shalt  }
0x58: {  	_ =	shalt  }
0x59: {  	_ =	shalt  }
0x5a: {  	_ =	shalt  }
0x5b: {  	_ =	shalt  }
0x5c: {  	_ =	shalt  }
0x5d: {  	_ =	shalt  }
0x5e: {  	_ =	shalt  }
0x5f: {  	_ =	shalt  }
0x60: {  	_ =	shalt  }
0x61: {  	_ =	shalt  }
0x62: {  	_ =	shalt  }
0x63: {  	_ =	shalt  }
0x64: {  	_ =	shalt  }
0x65: {  	_ =	shalt  }
0x66: {  	_ =	shalt  }
0x67: {  	_ =	shalt  }
0x68: {  	_ =	shalt  }
0x69: {  	_ =	shalt  }
0x6a: {  	_ =	shalt  }
0x6b: {  	_ =	shalt  }
0x6c: {  	_ =	shalt  }
0x6d: {  	_ =	shalt  }
0x6e: {  	_ =	shalt  }
0x6f: {  	_ =	shalt  }
0x70: {  	_ =	shalt  }
0x71: {  	_ =	shalt  }
0x72: {  	_ =	shalt  }
0x73: {  	_ =	shalt  }
0x74: {  	_ =	shalt  }
0x75: {  	_ =	shalt  }
0x76: {  	_ =	shalt  }
0x77: {  	_ =	shalt  }
0x78: {  	_ =	shalt  }
0x79: {  	_ =	shalt  }
0x7a: {  	_ =	shalt  }
0x7b: {  	_ =	shalt  }
0x7c: {  	_ =	shalt  }
0x7d: {  	_ =	shalt  }
0x7e: {  	_ =	shalt  }
0x7f: {  	_ =	shalt  }
0x80: {  	_ =	shalt  }
0x81: {  	_ =	shalt  }
0x82: {  	_ =	shalt  }
0x83: {  	_ =	shalt  }
0x84: {  	_ =	shalt  }
0x85: {  	_ =	shalt  }
0x86: {  	_ =	shalt  }
0x87: {  	_ =	shalt  }
.Lfunc_end0:
.L_simem_size_0:
called_computation.6_lowered:
.L_overlay_start_0:
0x88: {  	s2 =	sld [smem:$0x3FD9]  }
0x89: {  	s3 =	sld [smem:$0x3FFE];
	_ =	sdelay $0x1  }
0x8a: {  	s1 =	srdreg.scid  }
0x8b: {  	s0 =	sand.u32 $0x1, s1  }
0x8c: {  	s16 =	sshll.u32 s0, $0xA;
	s2 =	sadd.s32 s3, s2  }
0x8d: {  	s2 =	sadd.s32 s2, s16  }
0x8e: {  	[smem:$0x3FBD] =	sst s2  }
0x8f: {  	_ = 	snop  }
0x90: {  	(tm) =	ssettm $0x1  }
0x91: {  	s17 =	sld [smem:$0x3FFB];
	_ =	sdelay $0x3  }
0x92: {  	_ =	strace s17  }
0x93: {  	s2 =	sld [smem:$0x3FFC];
	_ =	sdelay $0x3  }
0x94: {  	_ =	strace s2  }
0x95: {  	s2 =	sld [smem:$0x3FFD];
	_ =	sdelay $0x3  }
0x96: {  	_ =	strace s2  }
0x97: {  	_ =	strace $0x8FFFFFFF  }
0x98: {  	s18 =	sld [smem:$0x3FDB];
	_ =	sdelay $0x1  }
0x99: {  	s19 =	simm.s32 $_scs_section_size  }
0x9a: {  	s4 =	simm.s32 $_size__tile_overlayer_lowered;
	s5 =	simm.s32 $_tile_overlayer_lowered  }
0x9b: {  	s22 =	simm.s32 $0x1BFF;
	s21 =	sshll.u32 s5, $0x1;
	s2 =	sadd.s32 s19, s18  }
0x9c: {  	s6 =	simm.s32 $0x0;
	s20 =	sshll.u32 s4, $0x1;
	s4 =	sadd.s32 s21, s2  }
0x9d: {  	[timem:s6], [sflag:s22] =	dma.local [hbm:s4], s20  }
0x9e: {  	_ =	swait.ge [sflag:s22], s20  }
0x9f: {  	s3 =	ssub.s32 $0x0, s20;
	[sflag:s22] =	ssyncset.done $0x0  }
0xa0: {  	[sflag:s22] =	ssyncadd.s32 s3;
	_ =	sdelay $0x1  }
0xa1: {  	s23 =	simm.s32 $0x1B8B  }
0xa2: {  	_ =	swait.ge [sflag:s23], $0x1  }
0xa3: {  	[sflag:s23] =	ssyncset.done $0x0  }
0xa4: {  	s25 =	simm.s32 $0x1B8E;
	s24 =	sld [smem:$0x3FFE];
	[sflag:s23] =	ssyncadd.s32 $0xFFFFFFFF  }
0xa5: {  	s26 =	simm.s32 $execute0_lowered;
	[smem:$0x3FD2] =	sst s25  }
0xa6: {  	s4 =	sshll.u32 s26, $0x1;
	_ =	strace $0x80000055;
	[dreg:$0x1] =	wrdreg $0xFFFFFFFF  }
0xa7: {  	s28 =	simm.s32 $_size_execute0_lowered;
	s2 =	sadd.s32 s2, s4;
	[dreg:$0x0] =	wrdreg $0x0  }
0xa8: {  	s4 =	sshll.u32 s28, $0x1;
	[dreg:$0x2] =	wrdreg s2  }
0xa9: {  	[dreg:$0x3] =	wrdreg s4  }
0xaa: {  	[dreg:$0x4] =	wrdreg $0xC0  }
0xab: {  	_ =	task [dreg:s6], $0x5FFFF  }
0xac: {  	[dreg:$0x1] =	wrdreg $0xFFFFFFFF  }
0xad: {  	[dreg:$0x0] =	wrdreg $0x60  }
0xae: {  	[dreg:$0x2] =	wrdreg s24  }
0xaf: {  	[dreg:$0x3] =	wrdreg $0x0  }
0xb0: {  	[dreg:$0x4] =	wrdreg $0xA  }
0xb1: {  	_ =	task.clear_ibuf [dreg:s6], $0x5FFFF;
	_ =	strace $0x90000055  }
0xb2: {  	s29 =	simm.s32 $0xA;
	_ =	strace $0x80000057  }
0xb3: {  	_ =	swait.ge [sflag:s29], $0x1  }
0xb4: {  	[sflag:s29] =	ssyncadd.s32 $0xFFFFFFFF  }
0xb5: {  	_ =	strace $0x90000057  }
0xb6: {  	_ =	sfence  }
0xb7: {  	s30 =	sld [smem:$0x0];
	_ =	sdelay $0x2  }
0xb8: {  	s31 =	sshll.u32 s1, $0xD;
	s1 =	sshrl.u32 s1, $0x2  }
0xb9: {  	s3 =	sand.u32 $0x4000, s31;
	s1 =	sadd.s32 s1, s30  }
0xba: {  	s0 =	sor.u32 s3, s0;
	s1 =	sshll.u32 s1, $0x11  }
0xbb: {  	s0 =	sor.u32 s1, s0  }
0xbc: {  	s0 =	sadd.s32 $0x8F2B, s0  }
0xbd: {  	[sflag:s0] =	ssyncadd.remote.s32 $0x1  }
0xbe: {  	_ =	sfence.sel $0xFFFF  }
0xbf: {  	[dreg:$0x0] =	wrdreg $0xFFFFFFFF;
	(pc) =	sbr.abs _section_cstart, $3  }
0xc0: {  	[dreg:$0x1] =	wrdreg $0xFFFFFFFF  }
0xc1: {  	_ =	task.clear_ibuf [dreg:s6], $0x2FFFF;
	_ =	strace $0x9FFFFFFF  }
0xc2: {  	(tm) =	ssettm $0x7FFFFFFF  }
0xc3: {  	_ =	shalt  }
tec
execute0_lowered:
.L_overlay_start_1:
0x0: {  	(tag) =	ssettag $0x1  }
0x1: {  	s6 =	rddreg [dreg:$0x0]  }
0x2: {  	s0 =	srdreg.scid;
	s2 =	rddreg [dreg:$0x1];
	s3 =	simm.s32 $0x0  }
0x3: {  	s13 =	simm.s32 $0x16710;
	s14 =	simm.s32 $0x50;
	s5 =	sand.u32 $0x1, s0  }
0x4: {  	s15 =	simm.s32 $0x16760;
	s0 =	stileid.u32;
	s8 =	smul.u32 $0x27100, s5  }
0x5: {  	s16 =	simm.s32 $0x1;
	s17 =	simm.s32 $0x0;
	s9 =	smul.u32 $0x2710, s0  }
0x6: {  	[smem:$0x7FF] =	sst s3;
	s4 =	sadd.s32 $0x2FA00, s6;
	s10 =	smul.u32 $0x14000, s0  }
0x7: {  	s1 =	sshll.u32 s5, $0x4;
	s11 =	smul.u32 $0x140000, s5;
	s29 =	ssub.s32 $0x2, s5  }
0x8: {  	s5 =	sadd.s32 $0x6AE00, s6;
	s31 =	sshll.u32 s0, $0x6;
	s1 =	sor.u32 s0, s1  }
0x9: {  	s30 =	sshrl.u32 s29, $0x1;
	s7 =	smul.u32 $0x2710, s1;
	s1 =	rddreg [dreg:$0x2]  }
0xa: {  	_ =	strace $0x80000056;
	s8 =	sadd.s32 s9, s8;
	s25 =	sadd.s32 s10, s11  }
0xb: {  	s9 =	ssub.s32 s29, s30;
	s12 =	sadd.s32 s10, s2;
	s8 =	sshrl.u32 s8, $0x3  }
0xc: {  	s28 =	sshrl.u32 s25, $0x3;
	s9 =	smax.u32 s9, $0x1;
	s11 =	sshrl.u32 s12, $0x3  }
0xd: {  	s12 =	simm.s32 $0x2;
	s7 =	sshrl.u32 s7, $0x3;
	s26 =	sadd.s32 s8, s6  }
0xe: {  	s8 =	sadd.s32 s28, s6;
	s7 =	sadd.s32 s7, s6;
	s6 =	sor.u32 $0x1C02, s31  }
0xf: {  	s8 =	sadd.s32 $0x6D600, s8;
	s10 =	sadd.s32 $0x7C00, s26;
	s7 =	sadd.s32 $0x11A00, s7  }
.LBB2_1:
0x10: {  	[spmem:s11], [sflag:s6] =	dma.local [hbm:s5], $0x2800  }
0x11: {  	_ =	swait.ge [sflag:s12], $0x2800  }
0x12: {  	[sflag:s12] =	ssyncset.done $0x0  }
0x13: {  	s18 =	simm.s32 $0x14000;
	[sflag:s12] =	ssyncadd.s32 $0xFFFFD800  }
0x14: {  	[tilespmem:s18], [sflag:$0x2] =	stream.linear.gather [hbm4b:s7+s3], $0x2710, $0x38;
	[tilespmem:$0x18F60] =	vst v63  }
0x15: {  	_ =	swait.ge [sflag:s12], $0x2710  }
0x16: {  	[sflag:s12] =	ssyncset.done $0x0  }
0x17: {  	[sflag:s12] =	ssyncadd.s32 $0xFFFFD8F0  }
0x18: {  	s19 =	sadd.s32 $0x0, s10;
	[bflag:$0x0] =	sbarrier.arrive $0xFFFF  }
0x19: {  	[tilespmem:s13], [sflag:$0x2] =	stream.linear.gather [hbm4b:s19+s3], $0x50, $0x38;
	[tilespmem:$0x18F60] =	vst v63  }
0x1a: {  	_ =	swait.ge [sflag:s12], $0x50  }
0x1b: {  	[sflag:s12] =	ssyncset.done $0x0  }
0x1c: {  	[sflag:s12] =	ssyncadd.s32 $0xFFFFFFB0  }
0x1d: {  	[tilespmem:s15], [sflag:$0x1] =	stream.indirect.gather [hbm4b:s4+s14], $0x80, s18, s14, $0xb8;
	[tilespmem:$0x18F60] =	vst v63  }
0x1e: {  	_ =	swait.ge [sflag:s16], $0x2800  }
0x1f: {  	[sflag:s16] =	ssyncset.done $0x0  }
0x20: {  	[sflag:s16] =	ssyncadd.s32 $0xFFFFD800  }
0x21: {  	[spmem:s2] =	stream.indirect.scatter.add.f32 [tilespmem:s15], [sflag:$0x2], $0x80, s13, s14, $0xb8;
	[tilespmem:$0x18F60] =	vst v63  }
0x22: {  	s20 =	simm.s32 $0x14;
	_ =	swait.ge [sflag:s12], $0x2800  }
0x23: {  	s19 =	simm.s32 $0xA;
	s18 =	simm.s32 $0x14050;
	[sflag:s12] =	ssyncset.done $0x0  }
.LBB2_2:
0x24: {  	s21 =	sadd.s32 s19, s10  }
0x25: {  	[sflag:s12] =	ssyncadd.s32 $0xFFFFD800;
	s19 =	smov.u32 s20;
	s22 =	sadd.s32 $0xA, s20  }
0x26: {  	[tilespmem:s13], [sflag:$0x2] =	stream.linear.gather [hbm4b:s21+s3], $0x50, $0x38;
	[tilespmem:$0x18F60] =	vst v63  }
0x27: {  	p0 =	sne.s32 s20, $0x4D8;
	_ =	swait.ge [sflag:s12], $0x50  }
0x28: {  	[sflag:s12] =	ssyncset.done $0x0  }
0x29: {  	[sflag:s12] =	ssyncadd.s32 $0xFFFFFFB0  }
0x2a: {  	[tilespmem:s15], [sflag:$0x1] =	stream.indirect.gather [hbm4b:s4+s14], $0x80, s18, s14, $0xb8;
	[tilespmem:$0x18F60] =	vst v63  }
0x2b: {  	_ =	swait.ge [sflag:s16], $0x2800  }
.Ltmp0:
0x2c: {  	[sflag:s16] =	ssyncset.done $0x0;
	(pc) =	sbr.rel @p0 .LBB2_2-.Ltmp0, $4  }
0x2d: {  	[sflag:s16] =	ssyncadd.s32 $0xFFFFD800  }
0x2e: {  	[spmem:s2] =	stream.indirect.scatter.add.f32 [tilespmem:s15], [sflag:$0x2], $0x80, s13, s14, $0xb8;
	[tilespmem:$0x18F60] =	vst v63  }
0x2f: {  	_ =	swait.ge [sflag:s12], $0x2800  }
0x30: {  	s20 =	smov.u32 s22;
	s18 =	sadd.s32 $0x50, s18;
	[sflag:s12] =	ssyncset.done $0x0  }
0x31: {  	s19 =	sadd.s32 s19, s10;
	[sflag:s12] =	ssyncadd.s32 $0xFFFFD800  }
0x32: {  	[tilespmem:s13], [sflag:$0x2] =	stream.linear.gather [hbm4b:s19+s3], $0x50, $0x38;
	[tilespmem:$0x18F60] =	vst v63  }
0x33: {  	_ =	swait.ge [sflag:s12], $0x50  }
0x34: {  	[sflag:s12] =	ssyncset.done $0x0  }
0x35: {  	[sflag:s12] =	ssyncadd.s32 $0xFFFFFFB0  }
0x36: {  	[tilespmem:s15], [sflag:$0x1] =	stream.indirect.gather [hbm4b:s4+s14], $0x80, s18, s14, $0xb8;
	[tilespmem:$0x18F60] =	vst v63  }
0x37: {  	_ =	swait.ge [sflag:s16], $0x2800  }
0x38: {  	[sflag:s16] =	ssyncset.done $0x0  }
0x39: {  	[sflag:s16] =	ssyncadd.s32 $0xFFFFD800  }
0x3a: {  	[spmem:s2] =	stream.indirect.scatter.add.f32 [tilespmem:s15], [sflag:$0x2], $0x80, s13, s14, $0xb8;
	[tilespmem:$0x18F60] =	vst v63  }
0x3b: {  	_ =	swait.ge [sflag:s12], $0x2800  }
0x3c: {  	s17 =	sadd.s32 $0x1, s17;
	[sflag:s12] =	ssyncset.done $0x0  }
0x3d: {  	p0 =	sne.s32 s17, s9;
	[sflag:s12] =	ssyncadd.s32 $0xFFFFD800  }
.Ltmp1:
0x3e: {  	[bflag:$0x0] =	sbarrier.arrive $0xFFFF;
	(pc) =	sbr.rel @p0 .LBB2_1-.Ltmp1, $4  }
0x3f: {  	[hbm:s8], [sflag:s6] =	dma.local [spmem:s11], $0x2800  }
0x40: {  	_ =	swait.ge [sflag:s12], $0x2800  }
0x41: {  	[sflag:s12] =	ssyncset.done $0x0  }
0x42: {  	[sflag:s12] =	ssyncadd.s32 $0xFFFFD800  }
0x43: {  	_ =	sfence.sel $0x180000  }
0x44: {  	[bflag:$0x0] =	sbarrier.arrive $0xFFFF  }
0x45: {  	p0 =	sne.s32 s0, $0x0;
	_ =	strace $0x90000056  }
0x46: {  	s0 =	sadd.s32 @!p0 $0x100000, s1;
	[bflag:$0x2] =	sbarrier.arrive $0xFFFF  }
0x47: {  	[sflag:s0] =	ssyncadd.tile.s32 @!p0 $0x1;
	_ =	shalt  }
.Lfunc_end2:
_tile_overlayer_lowered:
.L_overlay_start_2:
0x48: {  	(tag) =	ssettag $0x2  }
0x49: {  	s0 =	rddreg [dreg:$0x0];
	s2 =	stileid.u32  }
0x4a: {  	s1 =	rddreg [dreg:$0x1];
	p0 =	sne.s32 s2, $0x0  }
0x4b: {  	s3 =	rddreg [dreg:$0x2];
	[bflag:$0x3] =	sbarrier.arrive $0xFFFF;
	s2 =	simm.s32 @!p0 $0x1C02  }
0x4c: {  	[timem:s3], [sflag:s2] =	dma.local @!p0 [hbm:s0], s1  }
0x4d: {  	s0 =	simm.s32 @!p0 $0x2  }
0x4e: {  	_ =	swait.ge @!p0 [sflag:s0], s1  }
0x4f: {  	s1 =	ssub.s32 @!p0 $0x0, s1;
	[sflag:s0] =	ssyncset.done @!p0 $0x0  }
0x50: {  	[sflag:s0] =	ssyncadd.s32 @!p0 s1  }
0x51: {  	[bflag:$0x3] =	sbarrier.arrive $0xFFFF  }
0x52: {  	_ =	shalt  }

// kernel: kernel.40.cloned.1.call-start
scs
__scs_entry_jumppad:
0x0: {  	(pc) =	sbr.rel $0x88, $3  }
0x1: {  	(tag) =	ssettag $0x0;
	lr =	simm.s32 $0x1  }
0x2: {  	[smem:$0x3F96] =	sst lr;
	_ =	strace $0xD0000000  }
0x3: {  	_ = 	snop  }
0x4: {  	_ = 	snop  }
0x5: {  	_ = 	snop  }
0x6: {  	_ = 	snop  }
0x7: {  	_ = 	snop  }
__scs_overlays_trampoline_lowered:
0x8: {  	[smem:$0x3FA5] =	sst s0  }
0x9: {  	[smem:$0x3FA6] =	sst s1  }
0xa: {  	[smem:$0x3FA7] =	sst s2  }
0xb: {  	[smem:$0x3FA8] =	sst s3  }
0xc: {  	[smem:$0x3FA9] =	sst s4  }
0xd: {  	[smem:$0x3FAA] =	sst s5  }
0xe: {  	[smem:$0x3FAB] =	sst s6  }
0xf: {  	[smem:$0x3FAC] =	sst s7  }
0x10: {  	[smem:$0x3FAD] =	sst s8  }
0x11: {  	[smem:$0x3FAE] =	sst s9;
	s0 =	simm.s32 @!p0 $0x0  }
0x12: {  	s1 =	sld [smem:$0x3F94];
	s0 =	simm.s32 @p0 $0x1  }
0x13: {  	[smem:$0x3FAF] =	sst s0;
	s0 =	simm.s32 @!p1 $0x0  }
0x14: {  	s2 =	sld [smem:$0x3F93];
	s0 =	simm.s32 @p1 $0x1  }
0x15: {  	[smem:$0x3FB0] =	sst s0;
	s0 =	simm.s32 @!p2 $0x0  }
0x16: {  	s3 =	sld [smem:$0x3FDB];
	s0 =	simm.s32 @p2 $0x1  }
0x17: {  	s4 =	simm.s32 $0x1BF5;
	[smem:$0x3FB2] =	sst s0  }
0x18: {  	s0 =	sld [smem:$0x3F95];
	_ =	swait.ge [sflag:s4], $0x0  }
0x19: {  	s7 =	sld [smem:$0x3F96]  }
0x1a: {  	s8 =	sadd.s32 $0xFFFFE003, lr  }
0x1b: {  	s9 =	sadd.s32 $0xFFFFFEF7, lr;
	s5 =	simm.s32 $0xFFFFFFFF;
	p2 =	slt.u32 s8, $0xFFFFF086  }
0x1c: {  	p1 =	slt.u32 s9, $0xF7A;
	s5 =	simm.s32 @!p2 $0x0  }
0x1d: {  	s5 =	simm.s32 @p1 $0x1;
	p0 =	seq.s32 s7, s2  }
0x1e: {  	s7 =	smul.u32 @!p0 $0xF7A, s2;
	p2 =	seq.s32 @!p0 s5, $0x0  }
0x1f: {  	s9 =	smul.u32 $0xF7A, s1;
	s8 =	simm.s32 @!p0 $0x1BF5;
	p2 =	por !p2, p0  }
0x20: {  	[sflag:s8] =	ssyncset.s32 @!p0 $0xFFFFF086;
	s6 =	sadd.s32 @!p0 s3, s7;
	s7 =	simm.s32 @!p0 $0x108  }
0x21: {  	s3 =	sadd.s32 s3, s9;
	s6 =	sadd.s32 @!p0 $0x88, s6;
	s7 =	simm.s32 @p2 $0x1082  }
0x22: {  	[simem:s7], [sflag:s8] =	dma.local @!p0 [hbm:s6], $0xF7A  }
0x23: {  	s9 =	sor.u32 $0xD0000000, s2;
	s6 =	simm.s32 $0x108;
	_ =	swait.ge @!p0 [sflag:s8], $0x0  }
0x24: {  	s3 =	sadd.s32 $0x88, s3;
	s6 =	simm.s32 @!p1 $0x1082;
	[sflag:s4] =	ssyncset.s32 $0xFFFFF086  }
0x25: {  	[simem:s6], [sflag:s4] =	dma.local [hbm:s3], $0xF7A  }
0x26: {  	[smem:$0x3F96] =	sst s1;
	(tag) =	ssettag s2;
	_ =	strace s9  }
0x27: {  	s1 =	sld [smem:$0x3FA6]  }
0x28: {  	s2 =	sld [smem:$0x3FA7]  }
0x29: {  	s4 =	sld [smem:$0x3FA9]  }
0x2a: {  	p0 =	seq.s32 s5, $0x0;
	s5 =	sld [smem:$0x3FAA]  }
0x2b: {  	s6 =	sld [smem:$0x3FAB]  }
0x2c: {  	s7 =	sld [smem:$0x3FAC]  }
0x2d: {  	s3 =	simm.s32 $0x108;
	s8 =	sld [smem:$0x3FAD]  }
0x2e: {  	s3 =	simm.s32 @!p0 $0x1082;
	s9 =	sld [smem:$0x3FAE]  }
0x2f: {  	lr =	sadd.s32 s0, s3;
	s0 =	sld [smem:$0x3FA5]  }
0x30: {  	s3 =	sld [smem:$0x3FA8]  }
0x31: {  	[smem:$0x3FB1] =	sst s10  }
0x32: {  	s10 =	sld [smem:$0x3FAF];
	_ =	sdelay $0x3  }
0x33: {  	p0 =	seq.s32 s10, $0x1;
	s10 =	sld [smem:$0x3FB1];
	_ =	sdelay $0x3  }
0x34: {  	[smem:$0x3FB1] =	sst s10  }
0x35: {  	s10 =	sld [smem:$0x3FB0];
	_ =	sdelay $0x3  }
0x36: {  	p1 =	seq.s32 s10, $0x1;
	s10 =	sld [smem:$0x3FB1];
	_ =	sdelay $0x3  }
0x37: {  	[smem:$0x3FB1] =	sst s10  }
0x38: {  	s10 =	sld [smem:$0x3FB2]  }
0x39: {  	_ = 	snop;
	(pc) =	sbr.ind lr, $3  }
0x3a: {  	_ = 	snop  }
0x3b: {  	_ = 	snop  }
0x3c: {  	p2 =	seq.s32 s10, $0x1;
	s10 =	sld [smem:$0x3FB1]  }
0x3d: {  	_ =	shalt  }
0x3e: {  	_ =	shalt  }
0x3f: {  	_ =	shalt  }
0x40: {  	_ =	shalt  }
0x41: {  	_ =	shalt  }
0x42: {  	_ =	shalt  }
0x43: {  	_ =	shalt  }
0x44: {  	_ =	shalt  }
0x45: {  	_ =	shalt  }
0x46: {  	_ =	shalt  }
0x47: {  	_ =	shalt  }
0x48: {  	_ =	shalt  }
0x49: {  	_ =	shalt  }
0x4a: {  	_ =	shalt  }
0x4b: {  	_ =	shalt  }
0x4c: {  	_ =	shalt  }
0x4d: {  	_ =	shalt  }
0x4e: {  	_ =	shalt  }
0x4f: {  	_ =	shalt  }
0x50: {  	_ =	shalt  }
0x51: {  	_ =	shalt  }
0x52: {  	_ =	shalt  }
0x53: {  	_ =	shalt  }
0x54: {  	_ =	shalt  }
0x55: {  	_ =	shalt  }
0x56: {  	_ =	shalt  }
0x57: {  	_ =	shalt  }
0x58: {  	_ =	shalt  }
0x59: {  	_ =	shalt  }
0x5a: {  	_ =	shalt  }
0x5b: {  	_ =	shalt  }
0x5c: {  	_ =	shalt  }
0x5d: {  	_ =	shalt  }
0x5e: {  	_ =	shalt  }
0x5f: {  	_ =	shalt  }
0x60: {  	_ =	shalt  }
0x61: {  	_ =	shalt  }
0x62: {  	_ =	shalt  }
0x63: {  	_ =	shalt  }
0x64: {  	_ =	shalt  }
0x65: {  	_ =	shalt  }
0x66: {  	_ =	shalt  }
0x67: {  	_ =	shalt  }
0x68: {  	_ =	shalt  }
0x69: {  	_ =	shalt  }
0x6a: {  	_ =	shalt  }
0x6b: {  	_ =	shalt  }
0x6c: {  	_ =	shalt  }
0x6d: {  	_ =	shalt  }
0x6e: {  	_ =	shalt  }
0x6f: {  	_ =	shalt  }
0x70: {  	_ =	shalt  }
0x71: {  	_ =	shalt  }
0x72: {  	_ =	shalt  }
0x73: {  	_ =	shalt  }
0x74: {  	_ =	shalt  }
0x75: {  	_ =	shalt  }
0x76: {  	_ =	shalt  }
0x77: {  	_ =	shalt  }
0x78: {  	_ =	shalt  }
0x79: {  	_ =	shalt  }
0x7a: {  	_ =	shalt  }
0x7b: {  	_ =	shalt  }
0x7c: {  	_ =	shalt  }
0x7d: {  	_ =	shalt  }
0x7e: {  	_ =	shalt  }
0x7f: {  	_ =	shalt  }
0x80: {  	_ =	shalt  }
0x81: {  	_ =	shalt  }
0x82: {  	_ =	shalt  }
0x83: {  	_ =	shalt  }
0x84: {  	_ =	shalt  }
0x85: {  	_ =	shalt  }
0x86: {  	_ =	shalt  }
0x87: {  	_ =	shalt  }
.Lfunc_end0:
.L_simem_size_0:
called_computation.7_lowered:
.L_overlay_start_0:
0x88: {  	s2 =	sld [smem:$0x3FD9]  }
0x89: {  	s3 =	sld [smem:$0x3FFE];
	_ =	sdelay $0x1  }
0x8a: {  	s1 =	srdreg.scid  }
0x8b: {  	s0 =	sand.u32 $0x1, s1  }
0x8c: {  	s17 =	sshll.u32 s0, $0xA;
	s2 =	sadd.s32 s3, s2  }
0x8d: {  	s2 =	sadd.s32 s2, s17  }
0x8e: {  	[smem:$0x3FBD] =	sst s2  }
0x8f: {  	_ = 	snop  }
0x90: {  	(tm) =	ssettm $0x1  }
0x91: {  	s18 =	sld [smem:$0x3FFB];
	_ =	sdelay $0x3  }
0x92: {  	_ =	strace s18  }
0x93: {  	s2 =	sld [smem:$0x3FFC];
	_ =	sdelay $0x3  }
0x94: {  	_ =	strace s2  }
0x95: {  	s2 =	sld [smem:$0x3FFD];
	_ =	sdelay $0x3  }
0x96: {  	_ =	strace s2  }
0x97: {  	_ =	strace $0x8FFFFFFF  }
0x98: {  	s19 =	sld [smem:$0x3FDB];
	_ =	sdelay $0x1  }
0x99: {  	s20 =	simm.s32 $_scs_section_size  }
0x9a: {  	s4 =	simm.s32 $_size__tile_overlayer_lowered;
	s5 =	simm.s32 $_tile_overlayer_lowered  }
0x9b: {  	s6 =	simm.s32 $0x1BFF;
	s21 =	sshll.u32 s5, $0x1;
	s3 =	sadd.s32 s20, s19  }
0x9c: {  	s22 =	simm.s32 $0x0;
	s4 =	sshll.u32 s4, $0x1;
	s5 =	sadd.s32 s21, s3  }
0x9d: {  	[timem:s22], [sflag:s6] =	dma.local [hbm:s5], s4  }
0x9e: {  	_ =	swait.ge [sflag:s6], s4  }
0x9f: {  	s4 =	ssub.s32 $0x0, s4;
	[sflag:s6] =	ssyncset.done $0x0  }
0xa0: {  	[sflag:s6] =	ssyncadd.s32 s4;
	_ =	sdelay $0x1  }
0xa1: {  	s23 =	simm.s32 $0x1B8B  }
0xa2: {  	_ =	swait.ge [sflag:s23], $0x1  }
0xa3: {  	[sflag:s23] =	ssyncset.done $0x0  }
0xa4: {  	[sflag:s23] =	ssyncadd.s32 $0xFFFFFFFF  }
0xa5: {  	s4 =	sld [smem:$0x0]  }
0xa6: {  	s5 =	sand.u32 $0xFFFFFFFE, s1  }
0xa7: {  	p0 =	sne.s32 s1, s5  }
0xa8: {  	s5 =	sshll.u32 @p0 s5, $0xE  }
0xa9: {  	s5 =	sadd.s32 @p0 $0x11B8D, s5;
	s6 =	sshll.u32 @p0 s4, $0x11  }
0xaa: {  	s5 =	sor.u32 @p0 s6, s5  }
0xab: {  	[sflag:s5] =	ssyncadd.remote.s32 @p0 $0x1;
	_ =	sdelay $0x1  }
0xac: {  	s5 =	simm.s32 @p0 $0x1B8D  }
0xad: {  	_ =	swait.eq @p0 [sflag:s5], $0x1  }
0xae: {  	[sflag:s5] =	ssyncadd.s32 @p0 $0xFFFFFFFF  }
0xaf: {  	s6 =	sshll.u32 @!p0 s1, $0xE  }
0xb0: {  	s6 =	sor.u32 @!p0 $0x4000, s6;
	s5 =	simm.s32 @!p0 $0x1B8D  }
0xb1: {  	s4 =	sshll.u32 @!p0 s4, $0x11;
	s6 =	sadd.s32 @!p0 $0x11B8D, s6;
	_ =	swait.eq @!p0 [sflag:s5], $0x1  }
0xb2: {  	s4 =	sor.u32 @!p0 s4, s6;
	[sflag:s5] =	ssyncadd.s32 @!p0 $0xFFFFFFFF  }
0xb3: {  	s25 =	simm.s32 $0x1B8E;
	s24 =	sld [smem:$0x3FFE];
	[sflag:s4] =	ssyncadd.remote.s32 @!p0 $0x1  }
0xb4: {  	s26 =	simm.s32 $execute0_lowered;
	[smem:$0x3FD2] =	sst s25  }
0xb5: {  	s5 =	sshll.u32 s26, $0x1;
	_ =	strace $0x8000005E;
	[dreg:$0x1] =	wrdreg $0xFFFFFFFF  }
0xb6: {  	s28 =	simm.s32 $_size_execute0_lowered;
	s3 =	sadd.s32 s3, s5;
	[dreg:$0x0] =	wrdreg $0x0  }
0xb7: {  	s5 =	sshll.u32 s28, $0x1;
	[dreg:$0x2] =	wrdreg s3  }
0xb8: {  	[dreg:$0x3] =	wrdreg s5  }
0xb9: {  	[dreg:$0x4] =	wrdreg $0xC0  }
0xba: {  	_ =	task [dreg:s22], $0x5FFFF  }
0xbb: {  	[dreg:$0x1] =	wrdreg $0xFFFFFFFF  }
0xbc: {  	[dreg:$0x0] =	wrdreg $0x60  }
0xbd: {  	[dreg:$0x2] =	wrdreg s24  }
0xbe: {  	[dreg:$0x3] =	wrdreg $0x0  }
0xbf: {  	[dreg:$0x4] =	wrdreg $0x9  }
0xc0: {  	_ =	task.clear_ibuf [dreg:s22], $0x5FFFF;
	_ =	strace $0x9000005E  }
0xc1: {  	s29 =	simm.s32 $0x9;
	_ =	strace $0x80000060  }
0xc2: {  	_ =	swait.ge [sflag:s29], $0x1  }
0xc3: {  	[sflag:s29] =	ssyncadd.s32 $0xFFFFFFFF  }
0xc4: {  	_ =	strace $0x90000060  }
0xc5: {  	_ =	sfence  }
0xc6: {  	s30 =	sld [smem:$0x0];
	_ =	sdelay $0x2  }
0xc7: {  	s31 =	sshll.u32 s1, $0xD;
	s1 =	sshrl.u32 s1, $0x2  }
0xc8: {  	s4 =	sand.u32 $0x4000, s31;
	s1 =	sadd.s32 s1, s30  }
0xc9: {  	s0 =	sor.u32 s4, s0;
	s1 =	sshll.u32 s1, $0x11  }
0xca: {  	s0 =	sor.u32 s1, s0  }
0xcb: {  	s0 =	sadd.s32 $0x8F2B, s0  }
0xcc: {  	[sflag:s0] =	ssyncadd.remote.s32 $0x1  }
0xcd: {  	_ =	sfence.sel $0xFFFF  }
0xce: {  	[dreg:$0x0] =	wrdreg $0xFFFFFFFF;
	(pc) =	sbr.abs _section_cstart, $3  }
0xcf: {  	[dreg:$0x1] =	wrdreg $0xFFFFFFFF  }
0xd0: {  	_ =	task.clear_ibuf [dreg:s22], $0x2FFFF;
	_ =	strace $0x9FFFFFFF  }
0xd1: {  	(tm) =	ssettm $0x7FFFFFFF  }
tec
execute0_lowered:
.L_overlay_start_1:
0x0: {  	(tag) =	ssettag $0x1  }
0x1: {  	s6 =	rddreg [dreg:$0x0]  }
0x2: {  	s0 =	srdreg.scid;
	s2 =	rddreg [dreg:$0x1];
	s3 =	simm.s32 $0x0  }
0x3: {  	s13 =	simm.s32 $0x16710;
	s14 =	simm.s32 $0x50;
	s5 =	sand.u32 $0x1, s0  }
0x4: {  	s15 =	simm.s32 $0x16760;
	s0 =	stileid.u32;
	s8 =	smul.u32 $0x27100, s5  }
0x5: {  	s16 =	simm.s32 $0x1;
	s17 =	simm.s32 $0x0;
	s9 =	smul.u32 $0x2710, s0  }
0x6: {  	[smem:$0x7FF] =	sst s3;
	s4 =	sadd.s32 $0x6D600, s6;
	s10 =	smul.u32 $0x14000, s0  }
0x7: {  	s1 =	sshll.u32 s5, $0x4;
	s11 =	smul.u32 $0x140000, s5;
	s29 =	ssub.s32 $0x2, s5  }
0x8: {  	s5 =	sadd.s32 $0x6AE00, s6;
	s31 =	sshll.u32 s0, $0x6;
	s1 =	sor.u32 s0, s1  }
0x9: {  	s30 =	sshrl.u32 s29, $0x1;
	s7 =	smul.u32 $0x2710, s1;
	s1 =	rddreg [dreg:$0x2]  }
0xa: {  	_ =	strace $0x8000005F;
	s8 =	sadd.s32 s9, s8;
	s25 =	sadd.s32 s10, s11  }
0xb: {  	s9 =	ssub.s32 s29, s30;
	s12 =	sadd.s32 s10, s2;
	s8 =	sshrl.u32 s8, $0x3  }
0xc: {  	s28 =	sshrl.u32 s25, $0x3;
	s9 =	smax.u32 s9, $0x1;
	s11 =	sshrl.u32 s12, $0x3  }
0xd: {  	s12 =	simm.s32 $0x2;
	s7 =	sshrl.u32 s7, $0x3;
	s26 =	sadd.s32 s8, s6  }
0xe: {  	s8 =	sadd.s32 s28, s6;
	s7 =	sadd.s32 s7, s6;
	s6 =	sor.u32 $0x1C02, s31  }
0xf: {  	s8 =	sadd.s32 $0x1AD800, s8;
	s10 =	sadd.s32 $0x1B800, s26;
	s7 =	sadd.s32 $0x25600, s7  }
.LBB2_1:
0x10: {  	[spmem:s11], [sflag:s6] =	dma.local [hbm:s5], $0x2800  }
0x11: {  	_ =	swait.ge [sflag:s12], $0x2800  }
0x12: {  	[sflag:s12] =	ssyncset.done $0x0  }
0x13: {  	s18 =	simm.s32 $0x14000;
	[sflag:s12] =	ssyncadd.s32 $0xFFFFD800  }
0x14: {  	[tilespmem:s18], [sflag:$0x2] =	stream.linear.gather [hbm4b:s7+s3], $0x2710, $0x38;
	[tilespmem:$0x18F60] =	vst v63  }
0x15: {  	_ =	swait.ge [sflag:s12], $0x2710  }
0x16: {  	[sflag:s12] =	ssyncset.done $0x0  }
0x17: {  	[sflag:s12] =	ssyncadd.s32 $0xFFFFD8F0  }
0x18: {  	s19 =	sadd.s32 $0x0, s10;
	[bflag:$0x0] =	sbarrier.arrive $0xFFFF  }
0x19: {  	[tilespmem:s13], [sflag:$0x2] =	stream.linear.gather [hbm4b:s19+s3], $0x50, $0x38;
	[tilespmem:$0x18F60] =	vst v63  }
0x1a: {  	_ =	swait.ge [sflag:s12], $0x50  }
0x1b: {  	[sflag:s12] =	ssyncset.done $0x0  }
0x1c: {  	[sflag:s12] =	ssyncadd.s32 $0xFFFFFFB0  }
0x1d: {  	[tilespmem:s15], [sflag:$0x1] =	stream.indirect.gather [hbm4b:s4+s14], $0x80, s18, s14, $0xb8;
	[tilespmem:$0x18F60] =	vst v63  }
0x1e: {  	_ =	swait.ge [sflag:s16], $0x2800  }
0x1f: {  	[sflag:s16] =	ssyncset.done $0x0  }
0x20: {  	[sflag:s16] =	ssyncadd.s32 $0xFFFFD800  }
0x21: {  	[spmem:s2] =	stream.indirect.scatter.add.f32 [tilespmem:s15], [sflag:$0x2], $0x80, s13, s14, $0xb8;
	[tilespmem:$0x18F60] =	vst v63  }
0x22: {  	s20 =	simm.s32 $0x14;
	_ =	swait.ge [sflag:s12], $0x2800  }
0x23: {  	s19 =	simm.s32 $0xA;
	s18 =	simm.s32 $0x14050;
	[sflag:s12] =	ssyncset.done $0x0  }
.LBB2_2:
0x24: {  	s21 =	sadd.s32 s19, s10  }
0x25: {  	[sflag:s12] =	ssyncadd.s32 $0xFFFFD800;
	s19 =	smov.u32 s20;
	s22 =	sadd.s32 $0xA, s20  }
0x26: {  	[tilespmem:s13], [sflag:$0x2] =	stream.linear.gather [hbm4b:s21+s3], $0x50, $0x38;
	[tilespmem:$0x18F60] =	vst v63  }
0x27: {  	p0 =	sne.s32 s20, $0x4D8;
	_ =	swait.ge [sflag:s12], $0x50  }
0x28: {  	[sflag:s12] =	ssyncset.done $0x0  }
0x29: {  	[sflag:s12] =	ssyncadd.s32 $0xFFFFFFB0  }
0x2a: {  	[tilespmem:s15], [sflag:$0x1] =	stream.indirect.gather [hbm4b:s4+s14], $0x80, s18, s14, $0xb8;
	[tilespmem:$0x18F60] =	vst v63  }
0x2b: {  	_ =	swait.ge [sflag:s16], $0x2800  }
.Ltmp0:
0x2c: {  	[sflag:s16] =	ssyncset.done $0x0;
	(pc) =	sbr.rel @p0 .LBB2_2-.Ltmp0, $4  }
0x2d: {  	[sflag:s16] =	ssyncadd.s32 $0xFFFFD800  }
0x2e: {  	[spmem:s2] =	stream.indirect.scatter.add.f32 [tilespmem:s15], [sflag:$0x2], $0x80, s13, s14, $0xb8;
	[tilespmem:$0x18F60] =	vst v63  }
0x2f: {  	_ =	swait.ge [sflag:s12], $0x2800  }
0x30: {  	s20 =	smov.u32 s22;
	s18 =	sadd.s32 $0x50, s18;
	[sflag:s12] =	ssyncset.done $0x0  }
0x31: {  	s19 =	sadd.s32 s19, s10;
	[sflag:s12] =	ssyncadd.s32 $0xFFFFD800  }
0x32: {  	[tilespmem:s13], [sflag:$0x2] =	stream.linear.gather [hbm4b:s19+s3], $0x50, $0x38;
	[tilespmem:$0x18F60] =	vst v63  }
0x33: {  	_ =	swait.ge [sflag:s12], $0x50  }
0x34: {  	[sflag:s12] =	ssyncset.done $0x0  }
0x35: {  	[sflag:s12] =	ssyncadd.s32 $0xFFFFFFB0  }
0x36: {  	[tilespmem:s15], [sflag:$0x1] =	stream.indirect.gather [hbm4b:s4+s14], $0x80, s18, s14, $0xb8;
	[tilespmem:$0x18F60] =	vst v63  }
0x37: {  	_ =	swait.ge [sflag:s16], $0x2800  }
0x38: {  	[sflag:s16] =	ssyncset.done $0x0  }
0x39: {  	[sflag:s16] =	ssyncadd.s32 $0xFFFFD800  }
0x3a: {  	[spmem:s2] =	stream.indirect.scatter.add.f32 [tilespmem:s15], [sflag:$0x2], $0x80, s13, s14, $0xb8;
	[tilespmem:$0x18F60] =	vst v63  }
0x3b: {  	_ =	swait.ge [sflag:s12], $0x2800  }
0x3c: {  	s17 =	sadd.s32 $0x1, s17;
	[sflag:s12] =	ssyncset.done $0x0  }
0x3d: {  	p0 =	sne.s32 s17, s9;
	[sflag:s12] =	ssyncadd.s32 $0xFFFFD800  }
.Ltmp1:
0x3e: {  	[bflag:$0x0] =	sbarrier.arrive $0xFFFF;
	(pc) =	sbr.rel @p0 .LBB2_1-.Ltmp1, $4  }
0x3f: {  	[hbm:s8], [sflag:s6] =	dma.local [spmem:s11], $0x2800  }
0x40: {  	_ =	swait.ge [sflag:s12], $0x2800  }
0x41: {  	[sflag:s12] =	ssyncset.done $0x0  }
0x42: {  	[sflag:s12] =	ssyncadd.s32 $0xFFFFD800  }
0x43: {  	_ =	sfence.sel $0x180000  }
0x44: {  	[bflag:$0x0] =	sbarrier.arrive $0xFFFF  }
0x45: {  	p0 =	sne.s32 s0, $0x0;
	_ =	strace $0x9000005F  }
0x46: {  	s0 =	sadd.s32 @!p0 $0x100000, s1;
	[bflag:$0x2] =	sbarrier.arrive $0xFFFF  }
0x47: {  	[sflag:s0] =	ssyncadd.tile.s32 @!p0 $0x1;
	_ =	shalt  }
.Lfunc_end2:
_tile_overlayer_lowered:
.L_overlay_start_2:
0x48: {  	(tag) =	ssettag $0x2  }
0x49: {  	s0 =	rddreg [dreg:$0x0];
	s2 =	stileid.u32  }
0x4a: {  	s1 =	rddreg [dreg:$0x1];
	p0 =	sne.s32 s2, $0x0  }
0x4b: {  	s3 =	rddreg [dreg:$0x2];
	[bflag:$0x3] =	sbarrier.arrive $0xFFFF;
	s2 =	simm.s32 @!p0 $0x1C02  }
0x4c: {  	[timem:s3], [sflag:s2] =	dma.local @!p0 [hbm:s0], s1  }
0x4d: {  	s0 =	simm.s32 @!p0 $0x2  }
0x4e: {  	_ =	swait.ge @!p0 [sflag:s0], s1  }
0x4f: {  	s1 =	ssub.s32 @!p0 $0x0, s1;
	[sflag:s0] =	ssyncset.done @!p0 $0x0  }
0x50: {  	[sflag:s0] =	ssyncadd.s32 @!p0 s1  }
0x51: {  	[bflag:$0x3] =	sbarrier.arrive $0xFFFF  }
0x52: {  	_ =	shalt  }

// kernel: kernel.43.cloned.1.call-start
scs
__scs_entry_jumppad:
0x0: {  	(pc) =	sbr.rel $0x88, $3  }
0x1: {  	(tag) =	ssettag $0x0;
	lr =	simm.s32 $0x1  }
0x2: {  	[smem:$0x3F96] =	sst lr;
	_ =	strace $0xD0000000  }
0x3: {  	_ = 	snop  }
0x4: {  	_ = 	snop  }
0x5: {  	_ = 	snop  }
0x6: {  	_ = 	snop  }
0x7: {  	_ = 	snop  }
__scs_overlays_trampoline_lowered:
0x8: {  	[smem:$0x3FA5] =	sst s0  }
0x9: {  	[smem:$0x3FA6] =	sst s1  }
0xa: {  	[smem:$0x3FA7] =	sst s2  }
0xb: {  	[smem:$0x3FA8] =	sst s3  }
0xc: {  	[smem:$0x3FA9] =	sst s4  }
0xd: {  	[smem:$0x3FAA] =	sst s5  }
0xe: {  	[smem:$0x3FAB] =	sst s6  }
0xf: {  	[smem:$0x3FAC] =	sst s7  }
0x10: {  	[smem:$0x3FAD] =	sst s8  }
0x11: {  	[smem:$0x3FAE] =	sst s9;
	s0 =	simm.s32 @!p0 $0x0  }
0x12: {  	s1 =	sld [smem:$0x3F94];
	s0 =	simm.s32 @p0 $0x1  }
0x13: {  	[smem:$0x3FAF] =	sst s0;
	s0 =	simm.s32 @!p1 $0x0  }
0x14: {  	s2 =	sld [smem:$0x3F93];
	s0 =	simm.s32 @p1 $0x1  }
0x15: {  	[smem:$0x3FB0] =	sst s0;
	s0 =	simm.s32 @!p2 $0x0  }
0x16: {  	s3 =	sld [smem:$0x3FDB];
	s0 =	simm.s32 @p2 $0x1  }
0x17: {  	s4 =	simm.s32 $0x1BF5;
	[smem:$0x3FB2] =	sst s0  }
0x18: {  	s0 =	sld [smem:$0x3F95];
	_ =	swait.ge [sflag:s4], $0x0  }
0x19: {  	s7 =	sld [smem:$0x3F96]  }
0x1a: {  	s8 =	sadd.s32 $0xFFFFE003, lr  }
0x1b: {  	s9 =	sadd.s32 $0xFFFFFEF7, lr;
	s5 =	simm.s32 $0xFFFFFFFF;
	p2 =	slt.u32 s8, $0xFFFFF086  }
0x1c: {  	p1 =	slt.u32 s9, $0xF7A;
	s5 =	simm.s32 @!p2 $0x0  }
0x1d: {  	s5 =	simm.s32 @p1 $0x1;
	p0 =	seq.s32 s7, s2  }
0x1e: {  	s7 =	smul.u32 @!p0 $0xF7A, s2;
	p2 =	seq.s32 @!p0 s5, $0x0  }
0x1f: {  	s9 =	smul.u32 $0xF7A, s1;
	s8 =	simm.s32 @!p0 $0x1BF5;
	p2 =	por !p2, p0  }
0x20: {  	[sflag:s8] =	ssyncset.s32 @!p0 $0xFFFFF086;
	s6 =	sadd.s32 @!p0 s3, s7;
	s7 =	simm.s32 @!p0 $0x108  }
0x21: {  	s3 =	sadd.s32 s3, s9;
	s6 =	sadd.s32 @!p0 $0x88, s6;
	s7 =	simm.s32 @p2 $0x1082  }
0x22: {  	[simem:s7], [sflag:s8] =	dma.local @!p0 [hbm:s6], $0xF7A  }
0x23: {  	s9 =	sor.u32 $0xD0000000, s2;
	s6 =	simm.s32 $0x108;
	_ =	swait.ge @!p0 [sflag:s8], $0x0  }
0x24: {  	s3 =	sadd.s32 $0x88, s3;
	s6 =	simm.s32 @!p1 $0x1082;
	[sflag:s4] =	ssyncset.s32 $0xFFFFF086  }
0x25: {  	[simem:s6], [sflag:s4] =	dma.local [hbm:s3], $0xF7A  }
0x26: {  	[smem:$0x3F96] =	sst s1;
	(tag) =	ssettag s2;
	_ =	strace s9  }
0x27: {  	s1 =	sld [smem:$0x3FA6]  }
0x28: {  	s2 =	sld [smem:$0x3FA7]  }
0x29: {  	s4 =	sld [smem:$0x3FA9]  }
0x2a: {  	p0 =	seq.s32 s5, $0x0;
	s5 =	sld [smem:$0x3FAA]  }
0x2b: {  	s6 =	sld [smem:$0x3FAB]  }
0x2c: {  	s7 =	sld [smem:$0x3FAC]  }
0x2d: {  	s3 =	simm.s32 $0x108;
	s8 =	sld [smem:$0x3FAD]  }
0x2e: {  	s3 =	simm.s32 @!p0 $0x1082;
	s9 =	sld [smem:$0x3FAE]  }
0x2f: {  	lr =	sadd.s32 s0, s3;
	s0 =	sld [smem:$0x3FA5]  }
0x30: {  	s3 =	sld [smem:$0x3FA8]  }
0x31: {  	[smem:$0x3FB1] =	sst s10  }
0x32: {  	s10 =	sld [smem:$0x3FAF];
	_ =	sdelay $0x3  }
0x33: {  	p0 =	seq.s32 s10, $0x1;
	s10 =	sld [smem:$0x3FB1];
	_ =	sdelay $0x3  }
0x34: {  	[smem:$0x3FB1] =	sst s10  }
0x35: {  	s10 =	sld [smem:$0x3FB0];
	_ =	sdelay $0x3  }
0x36: {  	p1 =	seq.s32 s10, $0x1;
	s10 =	sld [smem:$0x3FB1];
	_ =	sdelay $0x3  }
0x37: {  	[smem:$0x3FB1] =	sst s10  }
0x38: {  	s10 =	sld [smem:$0x3FB2]  }
0x39: {  	_ = 	snop;
	(pc) =	sbr.ind lr, $3  }
0x3a: {  	_ = 	snop  }
0x3b: {  	_ = 	snop  }
0x3c: {  	p2 =	seq.s32 s10, $0x1;
	s10 =	sld [smem:$0x3FB1]  }
0x3d: {  	_ =	shalt  }
0x3e: {  	_ =	shalt  }
0x3f: {  	_ =	shalt  }
0x40: {  	_ =	shalt  }
0x41: {  	_ =	shalt  }
0x42: {  	_ =	shalt  }
0x43: {  	_ =	shalt  }
0x44: {  	_ =	shalt  }
0x45: {  	_ =	shalt  }
0x46: {  	_ =	shalt  }
0x47: {  	_ =	shalt  }
0x48: {  	_ =	shalt  }
0x49: {  	_ =	shalt  }
0x4a: {  	_ =	shalt  }
0x4b: {  	_ =	shalt  }
0x4c: {  	_ =	shalt  }
0x4d: {  	_ =	shalt  }
0x4e: {  	_ =	shalt  }
0x4f: {  	_ =	shalt  }
0x50: {  	_ =	shalt  }
0x51: {  	_ =	shalt  }
0x52: {  	_ =	shalt  }
0x53: {  	_ =	shalt  }
0x54: {  	_ =	shalt  }
0x55: {  	_ =	shalt  }
0x56: {  	_ =	shalt  }
0x57: {  	_ =	shalt  }
0x58: {  	_ =	shalt  }
0x59: {  	_ =	shalt  }
0x5a: {  	_ =	shalt  }
0x5b: {  	_ =	shalt  }
0x5c: {  	_ =	shalt  }
0x5d: {  	_ =	shalt  }
0x5e: {  	_ =	shalt  }
0x5f: {  	_ =	shalt  }
0x60: {  	_ =	shalt  }
0x61: {  	_ =	shalt  }
0x62: {  	_ =	shalt  }
0x63: {  	_ =	shalt  }
0x64: {  	_ =	shalt  }
0x65: {  	_ =	shalt  }
0x66: {  	_ =	shalt  }
0x67: {  	_ =	shalt  }
0x68: {  	_ =	shalt  }
0x69: {  	_ =	shalt  }
0x6a: {  	_ =	shalt  }
0x6b: {  	_ =	shalt  }
0x6c: {  	_ =	shalt  }
0x6d: {  	_ =	shalt  }
0x6e: {  	_ =	shalt  }
0x6f: {  	_ =	shalt  }
0x70: {  	_ =	shalt  }
0x71: {  	_ =	shalt  }
0x72: {  	_ =	shalt  }
0x73: {  	_ =	shalt  }
0x74: {  	_ =	shalt  }
0x75: {  	_ =	shalt  }
0x76: {  	_ =	shalt  }
0x77: {  	_ =	shalt  }
0x78: {  	_ =	shalt  }
0x79: {  	_ =	shalt  }
0x7a: {  	_ =	shalt  }
0x7b: {  	_ =	shalt  }
0x7c: {  	_ =	shalt  }
0x7d: {  	_ =	shalt  }
0x7e: {  	_ =	shalt  }
0x7f: {  	_ =	shalt  }
0x80: {  	_ =	shalt  }
0x81: {  	_ =	shalt  }
0x82: {  	_ =	shalt  }
0x83: {  	_ =	shalt  }
0x84: {  	_ =	shalt  }
0x85: {  	_ =	shalt  }
0x86: {  	_ =	shalt  }
0x87: {  	_ =	shalt  }
.Lfunc_end0:
.L_simem_size_0:
called_computation.8_lowered:
.L_overlay_start_0:
0x88: {  	s2 =	sld [smem:$0x3FD9]  }
0x89: {  	s3 =	sld [smem:$0x3FFE];
	_ =	sdelay $0x1  }
0x8a: {  	s1 =	srdreg.scid  }
0x8b: {  	s0 =	sand.u32 $0x1, s1  }
0x8c: {  	s16 =	sshll.u32 s0, $0xA;
	s2 =	sadd.s32 s3, s2  }
0x8d: {  	s2 =	sadd.s32 s2, s16  }
0x8e: {  	[smem:$0x3FBD] =	sst s2  }
0x8f: {  	_ = 	snop  }
0x90: {  	(tm) =	ssettm $0x1  }
0x91: {  	s17 =	sld [smem:$0x3FFB];
	_ =	sdelay $0x3  }
0x92: {  	_ =	strace s17  }
0x93: {  	s2 =	sld [smem:$0x3FFC];
	_ =	sdelay $0x3  }
0x94: {  	_ =	strace s2  }
0x95: {  	s2 =	sld [smem:$0x3FFD];
	_ =	sdelay $0x3  }
0x96: {  	_ =	strace s2  }
0x97: {  	_ =	strace $0x8FFFFFFF  }
0x98: {  	s18 =	sld [smem:$0x3FDB];
	_ =	sdelay $0x1  }
0x99: {  	s19 =	simm.s32 $_scs_section_size  }
0x9a: {  	s4 =	simm.s32 $_size__tile_overlayer_lowered;
	s5 =	simm.s32 $_tile_overlayer_lowered  }
0x9b: {  	s22 =	simm.s32 $0x1BFF;
	s21 =	sshll.u32 s5, $0x1;
	s2 =	sadd.s32 s19, s18  }
0x9c: {  	s6 =	simm.s32 $0x0;
	s20 =	sshll.u32 s4, $0x1;
	s4 =	sadd.s32 s21, s2  }
0x9d: {  	[timem:s6], [sflag:s22] =	dma.local [hbm:s4], s20  }
0x9e: {  	_ =	swait.ge [sflag:s22], s20  }
0x9f: {  	s3 =	ssub.s32 $0x0, s20;
	[sflag:s22] =	ssyncset.done $0x0  }
0xa0: {  	[sflag:s22] =	ssyncadd.s32 s3;
	_ =	sdelay $0x1  }
0xa1: {  	s23 =	simm.s32 $0x1B8B  }
0xa2: {  	_ =	swait.ge [sflag:s23], $0x1  }
0xa3: {  	[sflag:s23] =	ssyncset.done $0x0  }
0xa4: {  	s25 =	simm.s32 $0x1B8E;
	s24 =	sld [smem:$0x3FFE];
	[sflag:s23] =	ssyncadd.s32 $0xFFFFFFFF  }
0xa5: {  	s26 =	simm.s32 $execute0_lowered;
	[smem:$0x3FD2] =	sst s25  }
0xa6: {  	s4 =	sshll.u32 s26, $0x1;
	_ =	strace $0x8000005B;
	[dreg:$0x1] =	wrdreg $0xFFFFFFFF  }
0xa7: {  	s28 =	simm.s32 $_size_execute0_lowered;
	s2 =	sadd.s32 s2, s4;
	[dreg:$0x0] =	wrdreg $0x0  }
0xa8: {  	s4 =	sshll.u32 s28, $0x1;
	[dreg:$0x2] =	wrdreg s2  }
0xa9: {  	[dreg:$0x3] =	wrdreg s4  }
0xaa: {  	[dreg:$0x4] =	wrdreg $0xC0  }
0xab: {  	_ =	task [dreg:s6], $0x5FFFF  }
0xac: {  	[dreg:$0x1] =	wrdreg $0xFFFFFFFF  }
0xad: {  	[dreg:$0x0] =	wrdreg $0x60  }
0xae: {  	[dreg:$0x2] =	wrdreg s24  }
0xaf: {  	[dreg:$0x3] =	wrdreg $0x0  }
0xb0: {  	[dreg:$0x4] =	wrdreg $0xA  }
0xb1: {  	_ =	task.clear_ibuf [dreg:s6], $0x5FFFF;
	_ =	strace $0x9000005B  }
0xb2: {  	s29 =	simm.s32 $0xA;
	_ =	strace $0x8000005D  }
0xb3: {  	_ =	swait.ge [sflag:s29], $0x1  }
0xb4: {  	[sflag:s29] =	ssyncadd.s32 $0xFFFFFFFF  }
0xb5: {  	_ =	strace $0x9000005D  }
0xb6: {  	_ =	sfence  }
0xb7: {  	s30 =	sld [smem:$0x0];
	_ =	sdelay $0x2  }
0xb8: {  	s31 =	sshll.u32 s1, $0xD;
	s1 =	sshrl.u32 s1, $0x2  }
0xb9: {  	s3 =	sand.u32 $0x4000, s31;
	s1 =	sadd.s32 s1, s30  }
0xba: {  	s0 =	sor.u32 s3, s0;
	s1 =	sshll.u32 s1, $0x11  }
0xbb: {  	s0 =	sor.u32 s1, s0  }
0xbc: {  	s0 =	sadd.s32 $0x8F2B, s0  }
0xbd: {  	[sflag:s0] =	ssyncadd.remote.s32 $0x1  }
0xbe: {  	_ =	sfence.sel $0xFFFF  }
0xbf: {  	[dreg:$0x0] =	wrdreg $0xFFFFFFFF;
	(pc) =	sbr.abs _section_cstart, $3  }
0xc0: {  	[dreg:$0x1] =	wrdreg $0xFFFFFFFF  }
0xc1: {  	_ =	task.clear_ibuf [dreg:s6], $0x2FFFF;
	_ =	strace $0x9FFFFFFF  }
0xc2: {  	(tm) =	ssettm $0x7FFFFFFF  }
0xc3: {  	_ =	shalt  }
tec
execute0_lowered:
.L_overlay_start_1:
0x0: {  	(tag) =	ssettag $0x1  }
0x1: {  	s6 =	rddreg [dreg:$0x0]  }
0x2: {  	s0 =	srdreg.scid;
	s2 =	rddreg [dreg:$0x1];
	s3 =	simm.s32 $0x0  }
0x3: {  	s13 =	simm.s32 $0x16710;
	s14 =	simm.s32 $0x50;
	s5 =	sand.u32 $0x1, s0  }
0x4: {  	s15 =	simm.s32 $0x16760;
	s0 =	stileid.u32;
	s8 =	smul.u32 $0x27100, s5  }
0x5: {  	s16 =	simm.s32 $0x1;
	s17 =	simm.s32 $0x0;
	s9 =	smul.u32 $0x2710, s0  }
0x6: {  	[smem:$0x7FF] =	sst s3;
	s4 =	sadd.s32 $0x2FA00, s6;
	s10 =	smul.u32 $0x14000, s0  }
0x7: {  	s1 =	sshll.u32 s5, $0x4;
	s11 =	smul.u32 $0x140000, s5;
	s29 =	ssub.s32 $0x2, s5  }
0x8: {  	s5 =	sadd.s32 $0x6AE00, s6;
	s31 =	sshll.u32 s0, $0x6;
	s1 =	sor.u32 s0, s1  }
0x9: {  	s30 =	sshrl.u32 s29, $0x1;
	s7 =	smul.u32 $0x2710, s1;
	s1 =	rddreg [dreg:$0x2]  }
0xa: {  	_ =	strace $0x8000005C;
	s8 =	sadd.s32 s9, s8;
	s25 =	sadd.s32 s10, s11  }
0xb: {  	s9 =	ssub.s32 s29, s30;
	s12 =	sadd.s32 s10, s2;
	s8 =	sshrl.u32 s8, $0x3  }
0xc: {  	s28 =	sshrl.u32 s25, $0x3;
	s9 =	smax.u32 s9, $0x1;
	s11 =	sshrl.u32 s12, $0x3  }
0xd: {  	s12 =	simm.s32 $0x2;
	s7 =	sshrl.u32 s7, $0x3;
	s26 =	sadd.s32 s8, s6  }
0xe: {  	s8 =	sadd.s32 s28, s6;
	s7 =	sadd.s32 s7, s6;
	s6 =	sor.u32 $0x1C02, s31  }
0xf: {  	s8 =	sadd.s32 $0x94800, s8;
	s10 =	sadd.s32 $0x7C00, s26;
	s7 =	sadd.s32 $0x11A00, s7  }
.LBB2_1:
0x10: {  	[spmem:s11], [sflag:s6] =	dma.local [hbm:s5], $0x2800  }
0x11: {  	_ =	swait.ge [sflag:s12], $0x2800  }
0x12: {  	[sflag:s12] =	ssyncset.done $0x0  }
0x13: {  	s18 =	simm.s32 $0x14000;
	[sflag:s12] =	ssyncadd.s32 $0xFFFFD800  }
0x14: {  	[tilespmem:s18], [sflag:$0x2] =	stream.linear.gather [hbm4b:s7+s3], $0x2710, $0x38;
	[tilespmem:$0x18F60] =	vst v63  }
0x15: {  	_ =	swait.ge [sflag:s12], $0x2710  }
0x16: {  	[sflag:s12] =	ssyncset.done $0x0  }
0x17: {  	[sflag:s12] =	ssyncadd.s32 $0xFFFFD8F0  }
0x18: {  	s19 =	sadd.s32 $0x0, s10;
	[bflag:$0x0] =	sbarrier.arrive $0xFFFF  }
0x19: {  	[tilespmem:s13], [sflag:$0x2] =	stream.linear.gather [hbm4b:s19+s3], $0x50, $0x38;
	[tilespmem:$0x18F60] =	vst v63  }
0x1a: {  	_ =	swait.ge [sflag:s12], $0x50  }
0x1b: {  	[sflag:s12] =	ssyncset.done $0x0  }
0x1c: {  	[sflag:s12] =	ssyncadd.s32 $0xFFFFFFB0  }
0x1d: {  	[tilespmem:s15], [sflag:$0x1] =	stream.indirect.gather [hbm4b:s4+s14], $0x80, s18, s14, $0xb8;
	[tilespmem:$0x18F60] =	vst v63  }
0x1e: {  	_ =	swait.ge [sflag:s16], $0x2800  }
0x1f: {  	[sflag:s16] =	ssyncset.done $0x0  }
0x20: {  	[sflag:s16] =	ssyncadd.s32 $0xFFFFD800  }
0x21: {  	[spmem:s2] =	stream.indirect.scatter.add.f32 [tilespmem:s15], [sflag:$0x2], $0x80, s13, s14, $0xb8;
	[tilespmem:$0x18F60] =	vst v63  }
0x22: {  	s20 =	simm.s32 $0x14;
	_ =	swait.ge [sflag:s12], $0x2800  }
0x23: {  	s19 =	simm.s32 $0xA;
	s18 =	simm.s32 $0x14050;
	[sflag:s12] =	ssyncset.done $0x0  }
.LBB2_2:
0x24: {  	s21 =	sadd.s32 s19, s10  }
0x25: {  	[sflag:s12] =	ssyncadd.s32 $0xFFFFD800;
	s19 =	smov.u32 s20;
	s22 =	sadd.s32 $0xA, s20  }
0x26: {  	[tilespmem:s13], [sflag:$0x2] =	stream.linear.gather [hbm4b:s21+s3], $0x50, $0x38;
	[tilespmem:$0x18F60] =	vst v63  }
0x27: {  	p0 =	sne.s32 s20, $0x4D8;
	_ =	swait.ge [sflag:s12], $0x50  }
0x28: {  	[sflag:s12] =	ssyncset.done $0x0  }
0x29: {  	[sflag:s12] =	ssyncadd.s32 $0xFFFFFFB0  }
0x2a: {  	[tilespmem:s15], [sflag:$0x1] =	stream.indirect.gather [hbm4b:s4+s14], $0x80, s18, s14, $0xb8;
	[tilespmem:$0x18F60] =	vst v63  }
0x2b: {  	_ =	swait.ge [sflag:s16], $0x2800  }
.Ltmp0:
0x2c: {  	[sflag:s16] =	ssyncset.done $0x0;
	(pc) =	sbr.rel @p0 .LBB2_2-.Ltmp0, $4  }
0x2d: {  	[sflag:s16] =	ssyncadd.s32 $0xFFFFD800  }
0x2e: {  	[spmem:s2] =	stream.indirect.scatter.add.f32 [tilespmem:s15], [sflag:$0x2], $0x80, s13, s14, $0xb8;
	[tilespmem:$0x18F60] =	vst v63  }
0x2f: {  	_ =	swait.ge [sflag:s12], $0x2800  }
0x30: {  	s20 =	smov.u32 s22;
	s18 =	sadd.s32 $0x50, s18;
	[sflag:s12] =	ssyncset.done $0x0  }
0x31: {  	s19 =	sadd.s32 s19, s10;
	[sflag:s12] =	ssyncadd.s32 $0xFFFFD800  }
0x32: {  	[tilespmem:s13], [sflag:$0x2] =	stream.linear.gather [hbm4b:s19+s3], $0x50, $0x38;
	[tilespmem:$0x18F60] =	vst v63  }
0x33: {  	_ =	swait.ge [sflag:s12], $0x50  }
0x34: {  	[sflag:s12] =	ssyncset.done $0x0  }
0x35: {  	[sflag:s12] =	ssyncadd.s32 $0xFFFFFFB0  }
0x36: {  	[tilespmem:s15], [sflag:$0x1] =	stream.indirect.gather [hbm4b:s4+s14], $0x80, s18, s14, $0xb8;
	[tilespmem:$0x18F60] =	vst v63  }
0x37: {  	_ =	swait.ge [sflag:s16], $0x2800  }
0x38: {  	[sflag:s16] =	ssyncset.done $0x0  }
0x39: {  	[sflag:s16] =	ssyncadd.s32 $0xFFFFD800  }
0x3a: {  	[spmem:s2] =	stream.indirect.scatter.add.f32 [tilespmem:s15], [sflag:$0x2], $0x80, s13, s14, $0xb8;
	[tilespmem:$0x18F60] =	vst v63  }
0x3b: {  	_ =	swait.ge [sflag:s12], $0x2800  }
0x3c: {  	s17 =	sadd.s32 $0x1, s17;
	[sflag:s12] =	ssyncset.done $0x0  }
0x3d: {  	p0 =	sne.s32 s17, s9;
	[sflag:s12] =	ssyncadd.s32 $0xFFFFD800  }
.Ltmp1:
0x3e: {  	[bflag:$0x0] =	sbarrier.arrive $0xFFFF;
	(pc) =	sbr.rel @p0 .LBB2_1-.Ltmp1, $4  }
0x3f: {  	[hbm:s8], [sflag:s6] =	dma.local [spmem:s11], $0x2800  }
0x40: {  	_ =	swait.ge [sflag:s12], $0x2800  }
0x41: {  	[sflag:s12] =	ssyncset.done $0x0  }
0x42: {  	[sflag:s12] =	ssyncadd.s32 $0xFFFFD800  }
0x43: {  	_ =	sfence.sel $0x180000  }
0x44: {  	[bflag:$0x0] =	sbarrier.arrive $0xFFFF  }
0x45: {  	p0 =	sne.s32 s0, $0x0;
	_ =	strace $0x9000005C  }
0x46: {  	s0 =	sadd.s32 @!p0 $0x100000, s1;
	[bflag:$0x2] =	sbarrier.arrive $0xFFFF  }
0x47: {  	[sflag:s0] =	ssyncadd.tile.s32 @!p0 $0x1;
	_ =	shalt  }
.Lfunc_end2:
_tile_overlayer_lowered:
.L_overlay_start_2:
0x48: {  	(tag) =	ssettag $0x2  }
0x49: {  	s0 =	rddreg [dreg:$0x0];
	s2 =	stileid.u32  }
0x4a: {  	s1 =	rddreg [dreg:$0x1];
	p0 =	sne.s32 s2, $0x0  }
0x4b: {  	s3 =	rddreg [dreg:$0x2];
	[bflag:$0x3] =	sbarrier.arrive $0xFFFF;
	s2 =	simm.s32 @!p0 $0x1C02  }
0x4c: {  	[timem:s3], [sflag:s2] =	dma.local @!p0 [hbm:s0], s1  }
0x4d: {  	s0 =	simm.s32 @!p0 $0x2  }
0x4e: {  	_ =	swait.ge @!p0 [sflag:s0], s1  }
0x4f: {  	s1 =	ssub.s32 @!p0 $0x0, s1;
	[sflag:s0] =	ssyncset.done @!p0 $0x0  }
0x50: {  	[sflag:s0] =	ssyncadd.s32 @!p0 s1  }
0x51: {  	[bflag:$0x3] =	sbarrier.arrive $0xFFFF  }
0x52: {  	_ =	shalt  }

// kernel: kernel.46.cloned.1.call-start
scs
__scs_entry_jumppad:
0x0: {  	(pc) =	sbr.rel $0x88, $3  }
0x1: {  	(tag) =	ssettag $0x0;
	lr =	simm.s32 $0x1  }
0x2: {  	[smem:$0x3F96] =	sst lr;
	_ =	strace $0xD0000000  }
0x3: {  	_ = 	snop  }
0x4: {  	_ = 	snop  }
0x5: {  	_ = 	snop  }
0x6: {  	_ = 	snop  }
0x7: {  	_ = 	snop  }
__scs_overlays_trampoline_lowered:
0x8: {  	[smem:$0x3FA5] =	sst s0  }
0x9: {  	[smem:$0x3FA6] =	sst s1  }
0xa: {  	[smem:$0x3FA7] =	sst s2  }
0xb: {  	[smem:$0x3FA8] =	sst s3  }
0xc: {  	[smem:$0x3FA9] =	sst s4  }
0xd: {  	[smem:$0x3FAA] =	sst s5  }
0xe: {  	[smem:$0x3FAB] =	sst s6  }
0xf: {  	[smem:$0x3FAC] =	sst s7  }
0x10: {  	[smem:$0x3FAD] =	sst s8  }
0x11: {  	[smem:$0x3FAE] =	sst s9;
	s0 =	simm.s32 @!p0 $0x0  }
0x12: {  	s1 =	sld [smem:$0x3F94];
	s0 =	simm.s32 @p0 $0x1  }
0x13: {  	[smem:$0x3FAF] =	sst s0;
	s0 =	simm.s32 @!p1 $0x0  }
0x14: {  	s2 =	sld [smem:$0x3F93];
	s0 =	simm.s32 @p1 $0x1  }
0x15: {  	[smem:$0x3FB0] =	sst s0;
	s0 =	simm.s32 @!p2 $0x0  }
0x16: {  	s3 =	sld [smem:$0x3FDB];
	s0 =	simm.s32 @p2 $0x1  }
0x17: {  	s4 =	simm.s32 $0x1BF5;
	[smem:$0x3FB2] =	sst s0  }
0x18: {  	s0 =	sld [smem:$0x3F95];
	_ =	swait.ge [sflag:s4], $0x0  }
0x19: {  	s7 =	sld [smem:$0x3F96]  }
0x1a: {  	s8 =	sadd.s32 $0xFFFFE003, lr  }
0x1b: {  	s9 =	sadd.s32 $0xFFFFFEF7, lr;
	s5 =	simm.s32 $0xFFFFFFFF;
	p2 =	slt.u32 s8, $0xFFFFF086  }
0x1c: {  	p1 =	slt.u32 s9, $0xF7A;
	s5 =	simm.s32 @!p2 $0x0  }
0x1d: {  	s5 =	simm.s32 @p1 $0x1;
	p0 =	seq.s32 s7, s2  }
0x1e: {  	s7 =	smul.u32 @!p0 $0xF7A, s2;
	p2 =	seq.s32 @!p0 s5, $0x0  }
0x1f: {  	s9 =	smul.u32 $0xF7A, s1;
	s8 =	simm.s32 @!p0 $0x1BF5;
	p2 =	por !p2, p0  }
0x20: {  	[sflag:s8] =	ssyncset.s32 @!p0 $0xFFFFF086;
	s6 =	sadd.s32 @!p0 s3, s7;
	s7 =	simm.s32 @!p0 $0x108  }
0x21: {  	s3 =	sadd.s32 s3, s9;
	s6 =	sadd.s32 @!p0 $0x88, s6;
	s7 =	simm.s32 @p2 $0x1082  }
0x22: {  	[simem:s7], [sflag:s8] =	dma.local @!p0 [hbm:s6], $0xF7A  }
0x23: {  	s9 =	sor.u32 $0xD0000000, s2;
	s6 =	simm.s32 $0x108;
	_ =	swait.ge @!p0 [sflag:s8], $0x0  }
0x24: {  	s3 =	sadd.s32 $0x88, s3;
	s6 =	simm.s32 @!p1 $0x1082;
	[sflag:s4] =	ssyncset.s32 $0xFFFFF086  }
0x25: {  	[simem:s6], [sflag:s4] =	dma.local [hbm:s3], $0xF7A  }
0x26: {  	[smem:$0x3F96] =	sst s1;
	(tag) =	ssettag s2;
	_ =	strace s9  }
0x27: {  	s1 =	sld [smem:$0x3FA6]  }
0x28: {  	s2 =	sld [smem:$0x3FA7]  }
0x29: {  	s4 =	sld [smem:$0x3FA9]  }
0x2a: {  	p0 =	seq.s32 s5, $0x0;
	s5 =	sld [smem:$0x3FAA]  }
0x2b: {  	s6 =	sld [smem:$0x3FAB]  }
0x2c: {  	s7 =	sld [smem:$0x3FAC]  }
0x2d: {  	s3 =	simm.s32 $0x108;
	s8 =	sld [smem:$0x3FAD]  }
0x2e: {  	s3 =	simm.s32 @!p0 $0x1082;
	s9 =	sld [smem:$0x3FAE]  }
0x2f: {  	lr =	sadd.s32 s0, s3;
	s0 =	sld [smem:$0x3FA5]  }
0x30: {  	s3 =	sld [smem:$0x3FA8]  }
0x31: {  	[smem:$0x3FB1] =	sst s10  }
0x32: {  	s10 =	sld [smem:$0x3FAF];
	_ =	sdelay $0x3  }
0x33: {  	p0 =	seq.s32 s10, $0x1;
	s10 =	sld [smem:$0x3FB1];
	_ =	sdelay $0x3  }
0x34: {  	[smem:$0x3FB1] =	sst s10  }
0x35: {  	s10 =	sld [smem:$0x3FB0];
	_ =	sdelay $0x3  }
0x36: {  	p1 =	seq.s32 s10, $0x1;
	s10 =	sld [smem:$0x3FB1];
	_ =	sdelay $0x3  }
0x37: {  	[smem:$0x3FB1] =	sst s10  }
0x38: {  	s10 =	sld [smem:$0x3FB2]  }
0x39: {  	_ = 	snop;
	(pc) =	sbr.ind lr, $3  }
0x3a: {  	_ = 	snop  }
0x3b: {  	_ = 	snop  }
0x3c: {  	p2 =	seq.s32 s10, $0x1;
	s10 =	sld [smem:$0x3FB1]  }
0x3d: {  	_ =	shalt  }
0x3e: {  	_ =	shalt  }
0x3f: {  	_ =	shalt  }
0x40: {  	_ =	shalt  }
0x41: {  	_ =	shalt  }
0x42: {  	_ =	shalt  }
0x43: {  	_ =	shalt  }
0x44: {  	_ =	shalt  }
0x45: {  	_ =	shalt  }
0x46: {  	_ =	shalt  }
0x47: {  	_ =	shalt  }
0x48: {  	_ =	shalt  }
0x49: {  	_ =	shalt  }
0x4a: {  	_ =	shalt  }
0x4b: {  	_ =	shalt  }
0x4c: {  	_ =	shalt  }
0x4d: {  	_ =	shalt  }
0x4e: {  	_ =	shalt  }
0x4f: {  	_ =	shalt  }
0x50: {  	_ =	shalt  }
0x51: {  	_ =	shalt  }
0x52: {  	_ =	shalt  }
0x53: {  	_ =	shalt  }
0x54: {  	_ =	shalt  }
0x55: {  	_ =	shalt  }
0x56: {  	_ =	shalt  }
0x57: {  	_ =	shalt  }
0x58: {  	_ =	shalt  }
0x59: {  	_ =	shalt  }
0x5a: {  	_ =	shalt  }
0x5b: {  	_ =	shalt  }
0x5c: {  	_ =	shalt  }
0x5d: {  	_ =	shalt  }
0x5e: {  	_ =	shalt  }
0x5f: {  	_ =	shalt  }
0x60: {  	_ =	shalt  }
0x61: {  	_ =	shalt  }
0x62: {  	_ =	shalt  }
0x63: {  	_ =	shalt  }
0x64: {  	_ =	shalt  }
0x65: {  	_ =	shalt  }
0x66: {  	_ =	shalt  }
0x67: {  	_ =	shalt  }
0x68: {  	_ =	shalt  }
0x69: {  	_ =	shalt  }
0x6a: {  	_ =	shalt  }
0x6b: {  	_ =	shalt  }
0x6c: {  	_ =	shalt  }
0x6d: {  	_ =	shalt  }
0x6e: {  	_ =	shalt  }
0x6f: {  	_ =	shalt  }
0x70: {  	_ =	shalt  }
0x71: {  	_ =	shalt  }
0x72: {  	_ =	shalt  }
0x73: {  	_ =	shalt  }
0x74: {  	_ =	shalt  }
0x75: {  	_ =	shalt  }
0x76: {  	_ =	shalt  }
0x77: {  	_ =	shalt  }
0x78: {  	_ =	shalt  }
0x79: {  	_ =	shalt  }
0x7a: {  	_ =	shalt  }
0x7b: {  	_ =	shalt  }
0x7c: {  	_ =	shalt  }
0x7d: {  	_ =	shalt  }
0x7e: {  	_ =	shalt  }
0x7f: {  	_ =	shalt  }
0x80: {  	_ =	shalt  }
0x81: {  	_ =	shalt  }
0x82: {  	_ =	shalt  }
0x83: {  	_ =	shalt  }
0x84: {  	_ =	shalt  }
0x85: {  	_ =	shalt  }
0x86: {  	_ =	shalt  }
0x87: {  	_ =	shalt  }
.Lfunc_end0:
.L_simem_size_0:
called_computation.9_lowered:
.L_overlay_start_0:
0x88: {  	s2 =	sld [smem:$0x3FD9]  }
0x89: {  	s3 =	sld [smem:$0x3FFE];
	_ =	sdelay $0x1  }
0x8a: {  	s1 =	srdreg.scid  }
0x8b: {  	s0 =	sand.u32 $0x1, s1  }
0x8c: {  	s17 =	sshll.u32 s0, $0xA;
	s2 =	sadd.s32 s3, s2  }
0x8d: {  	s2 =	sadd.s32 s2, s17  }
0x8e: {  	[smem:$0x3FBD] =	sst s2  }
0x8f: {  	_ = 	snop  }
0x90: {  	s18 =	sld [smem:$0x3FD0];
	(tm) =	ssettm $0x1  }
0x91: {  	s19 =	sld [smem:$0x3FFB];
	_ =	sdelay $0x3  }
0x92: {  	_ =	strace s19  }
0x93: {  	s2 =	sld [smem:$0x3FFC];
	_ =	sdelay $0x3  }
0x94: {  	_ =	strace s2  }
0x95: {  	s2 =	sld [smem:$0x3FFD];
	_ =	sdelay $0x3  }
0x96: {  	_ =	strace s2  }
0x97: {  	_ =	strace $0x8FFFFFFF  }
0x98: {  	s20 =	sld [smem:$0x3FDB];
	_ =	sdelay $0x1  }
0x99: {  	s4 =	simm.s32 $_scs_section_size  }
0x9a: {  	s5 =	simm.s32 $_size__tile_overlayer_lowered;
	s6 =	simm.s32 $_tile_overlayer_lowered  }
0x9b: {  	s7 =	simm.s32 $0x1BFF;
	s21 =	sshll.u32 s6, $0x1;
	s4 =	sadd.s32 s4, s20  }
0x9c: {  	s22 =	simm.s32 $0x0;
	s5 =	sshll.u32 s5, $0x1;
	s6 =	sadd.s32 s21, s4  }
0x9d: {  	[timem:s22], [sflag:s7] =	dma.local [hbm:s6], s5  }
0x9e: {  	_ =	swait.ge [sflag:s7], s5  }
0x9f: {  	s5 =	ssub.s32 $0x0, s5;
	[sflag:s7] =	ssyncset.done $0x0  }
0xa0: {  	[sflag:s7] =	ssyncadd.s32 s5;
	_ =	sdelay $0x1  }
0xa1: {  	s23 =	simm.s32 $0x1B8B  }
0xa2: {  	_ =	swait.ge [sflag:s23], $0x1  }
0xa3: {  	[sflag:s23] =	ssyncset.done $0x0  }
0xa4: {  	[sflag:s23] =	ssyncadd.s32 $0xFFFFFFFF  }
0xa5: {  	s5 =	sld [smem:$0x0]  }
0xa6: {  	s6 =	sand.u32 $0xFFFFFFFE, s1  }
0xa7: {  	p0 =	sne.s32 s1, s6  }
0xa8: {  	s6 =	sshll.u32 @p0 s6, $0xE  }
0xa9: {  	s6 =	sadd.s32 @p0 $0x11B8D, s6;
	s7 =	sshll.u32 @p0 s5, $0x11  }
0xaa: {  	s6 =	sor.u32 @p0 s7, s6  }
0xab: {  	[sflag:s6] =	ssyncadd.remote.s32 @p0 $0x1;
	_ =	sdelay $0x1  }
0xac: {  	s6 =	simm.s32 @p0 $0x1B8D  }
0xad: {  	_ =	swait.eq @p0 [sflag:s6], $0x1  }
0xae: {  	[sflag:s6] =	ssyncadd.s32 @p0 $0xFFFFFFFF  }
0xaf: {  	s7 =	sshll.u32 @!p0 s1, $0xE  }
0xb0: {  	s7 =	sor.u32 @!p0 $0x4000, s7;
	s6 =	simm.s32 @!p0 $0x1B8D  }
0xb1: {  	s5 =	sshll.u32 @!p0 s5, $0x11;
	s7 =	sadd.s32 @!p0 $0x11B8D, s7;
	_ =	swait.eq @!p0 [sflag:s6], $0x1  }
0xb2: {  	s5 =	sor.u32 @!p0 s5, s7;
	[sflag:s6] =	ssyncadd.s32 @!p0 $0xFFFFFFFF  }
0xb3: {  	s25 =	simm.s32 $0x1B8E;
	s24 =	sld [smem:$0x3FFE];
	[sflag:s5] =	ssyncadd.remote.s32 @!p0 $0x1  }
0xb4: {  	s26 =	simm.s32 $execute0_lowered;
	[smem:$0x3FD2] =	sst s25  }
0xb5: {  	s6 =	sshll.u32 s26, $0x1;
	_ =	strace $0x80000064;
	[dreg:$0x1] =	wrdreg $0xFFFFFFFF  }
0xb6: {  	s28 =	simm.s32 $_size_execute0_lowered;
	s4 =	sadd.s32 s4, s6;
	[dreg:$0x0] =	wrdreg $0x0  }
0xb7: {  	s6 =	sshll.u32 s28, $0x1;
	[dreg:$0x2] =	wrdreg s4  }
0xb8: {  	[dreg:$0x3] =	wrdreg s6  }
0xb9: {  	[dreg:$0x4] =	wrdreg $0xC0  }
0xba: {  	_ =	task [dreg:s22], $0x5FFFF  }
0xbb: {  	[dreg:$0x1] =	wrdreg $0xFFFFFFFF  }
0xbc: {  	[dreg:$0x0] =	wrdreg $0x60  }
0xbd: {  	[dreg:$0x2] =	wrdreg s18  }
0xbe: {  	[dreg:$0x3] =	wrdreg s24  }
0xbf: {  	[dreg:$0x4] =	wrdreg $0x0  }
0xc0: {  	[dreg:$0x5] =	wrdreg $0x140000  }
0xc1: {  	[dreg:$0x6] =	wrdreg $0x9  }
0xc2: {  	_ =	task.clear_ibuf [dreg:s22], $0x7FFFF;
	_ =	strace $0x90000064  }
0xc3: {  	s29 =	simm.s32 $0x9;
	_ =	strace $0x80000066  }
0xc4: {  	_ =	swait.ge [sflag:s29], $0x1  }
0xc5: {  	[sflag:s29] =	ssyncadd.s32 $0xFFFFFFFF  }
0xc6: {  	_ =	strace $0x90000066  }
0xc7: {  	_ =	sfence  }
0xc8: {  	s30 =	sld [smem:$0x0];
	_ =	sdelay $0x2  }
0xc9: {  	s31 =	sshll.u32 s1, $0xD;
	s1 =	sshrl.u32 s1, $0x2  }
0xca: {  	s4 =	sand.u32 $0x4000, s31;
	s1 =	sadd.s32 s1, s30  }
0xcb: {  	s0 =	sor.u32 s4, s0;
	s1 =	sshll.u32 s1, $0x11  }
0xcc: {  	s0 =	sor.u32 s1, s0  }
0xcd: {  	s0 =	sadd.s32 $0x8F2B, s0  }
0xce: {  	[sflag:s0] =	ssyncadd.remote.s32 $0x1  }
0xcf: {  	_ =	sfence.sel $0xFFFF  }
0xd0: {  	[dreg:$0x0] =	wrdreg $0xFFFFFFFF;
	(pc) =	sbr.abs _section_cstart, $3  }
0xd1: {  	[dreg:$0x1] =	wrdreg $0xFFFFFFFF  }
0xd2: {  	_ =	task.clear_ibuf [dreg:s22], $0x2FFFF;
	_ =	strace $0x9FFFFFFF  }
0xd3: {  	(tm) =	ssettm $0x7FFFFFFF  }
tec
execute0_lowered:
.L_overlay_start_1:
0x0: {  	(tag) =	ssettag $0x1  }
0x1: {  	s1 =	rddreg [dreg:$0x0]  }
0x2: {  	s0 =	rddreg [dreg:$0x1]  }
0x3: {  	s2 =	rddreg [dreg:$0x2]  }
0x4: {  	s3 =	rddreg [dreg:$0x3];
	s4 =	simm.s32 $0x0  }
0x5: {  	s23 =	srdreg.scid;
	s8 =	stileid.u32;
	s20 =	simm.s32 $0x2  }
0x6: {  	s28 =	simm.s32 $0x1;
	s29 =	simm.s32 $0x195A0;
	s30 =	simm.s32 $0x168A0  }
0x7: {  	s31 =	simm.s32 $0x0;
	[smem:$0x7FF] =	sst s4;
	s4 =	sand.u32 $0x1, s23  }
0x8: {  	s5 =	smul.u32 $0x14000, s8;
	s6 =	sadd.s32 $0xC7600, s0;
	s7 =	sadd.s32 $0x61000, s0  }
0x9: {  	s9 =	sadd.s32 $0x66200, s0;
	s15 =	smul.u32 $0x2800, s8;
	s10 =	sadd.s32 $0x25600, s0  }
0xa: {  	s11 =	sadd.s32 $0x1B800, s0;
	s12 =	sadd.s32 $0x6AE00, s0;
	s13 =	sadd.s32 $0x2F400, s0  }
0xb: {  	s26 =	sshll.u32 s8, $0x6;
	s23 =	simm.s32 $0x190A0;
	_ =	strace $0x80000065  }
0xc: {  	s14 =	smul.u32 $0x140000, s4;
	[dreg:$0x5] =	wrdreg s9;
	s9 =	sadd.s32 $0x66000, s0  }
0xd: {  	s16 =	smul.u32 $0x28000, s4;
	s17 =	ssub.s32 $0x2, s4;
	s4 =	sshll.u32 s4, $0x4  }
0xe: {  	s25 =	sshrl.u32 s17, $0x1;
	s4 =	sor.u32 s8, s4;
	s21 =	sadd.s32 s15, s3  }
0xf: {  	s14 =	sadd.s32 s5, s14;
	s16 =	sadd.s32 s15, s16;
	s19 =	ssub.s32 s17, s25  }
0x10: {  	s5 =	sadd.s32 s5, s2;
	s15 =	smul.u32 $0x2710, s4;
	s21 =	sshrl.u32 s21, $0x3  }
0x11: {  	s25 =	simm.s32 $0x16850;
	s14 =	sshrl.u32 s14, $0x3;
	s24 =	sshrl.u32 s16, $0x3  }
0x12: {  	s18 =	sadd.s32 s14, s0;
	s0 =	sadd.s32 s24, s0;
	s14 =	sor.u32 $0x1C02, s26  }
0x13: {  	s24 =	simm.s32 $0x16800;
	s26 =	simm.s32 $0x50;
	s16 =	sadd.s32 $0xD6600, s18  }
0x14: {  	vm0 =	vmmov $0xf;
	s17 =	sadd.s32 $0xCC600, s0;
	s18 =	smax.u32 s19, $0x1;
	s19 =	sshrl.u32 s5, $0x3  }
.LBB2_1:
0x15: {  	[spmem:s19], [sflag:s14] =	dma.local [hbm:s12], $0x2800  }
0x16: {  	_ =	swait.ge [sflag:s20], $0x2800  }
0x17: {  	[sflag:s20] =	ssyncset.done $0x0  }
0x18: {  	[sflag:s20] =	ssyncadd.s32 $0xFFFFD800  }
0x19: {  	[spmem:s21], [sflag:s14] =	dma.local [hbm:s13], $0x500  }
0x1a: {  	_ =	swait.ge [sflag:s20], $0x500  }
0x1b: {  	s0 =	simm.s32 $0x0;
	[sflag:s20] =	ssyncset.done $0x0  }
0x1c: {  	s5 =	simm.s32 $0x19AA0;
	s4 =	rddreg [dreg:$0x5];
	[sflag:s20] =	ssyncadd.s32 $0xFFFFFB00  }
0x1d: {  	[tilespmem:s5], [sflag:$0x2] =	stream.linear.gather [hbm4b:s4+s0], $0x10, $0x38;
	[tilespmem:$0x19AB0] =	vst v63  }
0x1e: {  	_ =	swait.ge [sflag:s20], $0x10  }
0x1f: {  	[sflag:s20] =	ssyncset.done $0x0  }
0x20: {  	[sflag:s20] =	ssyncadd.s32 $0xFFFFFFF0  }
0x21: {  	[tilespmem:s23], [sflag:$0x2] =	stream.linear.gather [hbm4b:s9+s0], $0x10, $0x38;
	[tilespmem:$0x19AB0] =	vst v63  }
0x22: {  	_ =	swait.ge [sflag:s20], $0x10  }
0x23: {  	[sflag:s20] =	ssyncset.done $0x0  }
0x24: {  	[sflag:s20] =	ssyncadd.s32 $0xFFFFFFF0  }
0x25: {  	[bflag:$0x0] =	sbarrier.arrive $0xFFFF  }
0x26: {  	v0 =	vld [tilespmem:$0x19AA0]  }
0x27: {  	v1 =	vld [tilespmem:$0x190A0];
	_ =	sdelay $0x4  }
0x28: {  	v0 =	vadd.f32 v1, v0;
	_ =	sdelay $0x1  }
0x29: {  	s0 =	simm.s32 $0x0;
	[tilespmem:$0x19AA0] =	vst v0  }
.LBB2_2:
0x2a: {  	s4 =	smul.u32 $0x50, s0;
	_ =	sdelay $0x1  }
0x2b: {  	s4 =	sadd.s32 s15, s4  }
0x2c: {  	s4 =	sshrl.u32 s4, $0x3  }
0x2d: {  	s22 =	simm.s32 $0x0;
	s5 =	sadd.s32 s10, s4  }
0x2e: {  	[tilespmem:s24], [sflag:$0x2] =	stream.linear.gather [hbm4b:s5+s22], $0x50, $0x38;
	[tilespmem:$0x19AB0] =	vst v63  }
0x2f: {  	_ =	swait.ge [sflag:s20], $0x50  }
0x30: {  	[sflag:s20] =	ssyncset.done $0x0  }
0x31: {  	s4 =	sadd.s32 s11, s4;
	[sflag:s20] =	ssyncadd.s32 $0xFFFFFFB0  }
0x32: {  	[tilespmem:s25], [sflag:$0x2] =	stream.linear.gather [hbm4b:s4+s22], $0x50, $0x38;
	[tilespmem:$0x19AB0] =	vst v63  }
0x33: {  	_ =	swait.ge [sflag:s20], $0x50  }
0x34: {  	[sflag:s20] =	ssyncset.done $0x0  }
0x35: {  	[sflag:s20] =	ssyncadd.s32 $0xFFFFFFB0  }
0x36: {  	[tilespmem:s23], [sflag:$0x1] =	stream.indirect.gather [hbm4b:s6+s26], $0x10, s24, s26, $0xb8;
	[tilespmem:$0x19AB0] =	vst v63  }
0x37: {  	_ =	swait.ge [sflag:s28], $0x500  }
0x38: {  	[sflag:s28] =	ssyncset.done $0x0  }
0x39: {  	[sflag:s28] =	ssyncadd.s32 $0xFFFFFB00  }
0x3a: {  	[tilespmem:s29], [sflag:$0x1] =	stream.indirect.gather [hbm4b:s7+s26], $0x10, s25, s26, $0xb8;
	[tilespmem:$0x19AB0] =	vst v63  }
0x3b: {  	_ =	swait.ge [sflag:s28], $0x500  }
0x3c: {  	[sflag:s28] =	ssyncset.done $0x0  }
0x3d: {  	[sflag:s28] =	ssyncadd.s32 $0xFFFFFB00  }
0x3e: {  	[tilespmem:s30], [sflag:$0x1] =	stream.indirect.gather [hbm4b:s1+s26], $0x80, s24, s26, $0xb8;
	[tilespmem:$0x19AB0] =	vst v63  }
0x3f: {  	_ =	swait.ge [sflag:s28], $0x2800  }
0x40: {  	[sflag:s28] =	ssyncset.done $0x0  }
0x41: {  	s22 =	simm.s32 $0x0;
	[sflag:s28] =	ssyncadd.s32 $0xFFFFD800  }
0x42: {  	v1 =	vld [tilespmem:s22+$0x190A0]  }
0x43: {  	v2 =	vld [tilespmem:s22+$0x195A0];
	_ =	sdelay $0x4  }
0x44: {  	v0 =	vld [tilespmem:$0x19AA0];
	v1 =	vadd.f32 v2, v1;
	_ =	sdelay $0x1  }
0x45: {  	v2 =	vmul.f32 $2.000000030e-01, v1;
	_ =	sdelay $0x1  }
0x46: {  	v1 =	vmax.f32 v1, v2  }
0x47: {  	v1 =	vsub.f32 v1, v0;
	_ =	sdelay $0x1  }
0x48: {  	v1 =	vmul.f32 $1.442695020e+00, v1;
	_ =	sdelay $0x1  }
0x49: {  	(erf) = vpow2.f32 v1;
	_ =	sdelay $0x8  }
0x4a: {  	v1 =	vpop (erf)  }
0x4b: {  	v2 =	vnsel vm0, $0x0, v1  }
0x4c: {  	s4 =	simm.s32 $0x168E0;
	[tilespmem:s22+$0x190A0] =	vst v2  }
0x4d: {  	v10 =	vld [tilespmem:s4+$0x30]  }
0x4e: {  	v9 =	vld [tilespmem:s4+$0xFFFFFFE0]  }
0x4f: {  	v7 =	vld [tilespmem:s4+$0x10]  }
0x50: {  	v4 =	vbroadcast v1, $0x3;
	v3 =	vld [tilespmem:s4+$0x20]  }
0x51: {  	v8 =	vbroadcast v1, $0x2;
	v5 =	vld [tilespmem:s4+$0xFFFFFFD0]  }
0x52: {  	s5 =	simm.s32 $0x168E0;
	v2 =	vbroadcast v1, $0x1;
	s22 =	simm.s32 $0x40;
	v6 =	vld [tilespmem:s4+$0x0];
	v10 =	vmul.f32 v10, v4  }
.LBB2_3:
0x53: {  	p0 =	sne.s32 s22, $0x13C0  }
0x54: {  	v9 =	vmul.f32 v2, v9;
	v11 =	vld [tilespmem:s4+$0xFFFFFFF0];
	s5 =	sadd.s32 $0x80, s5;
	s8 =	smov.u32 s22;
	s22 =	sadd.s32 $0x40, s22  }
0x55: {  	v1 =	vbroadcast v1, $0x0;
	v12 =	vld [tilespmem:s4+$0xFFFFFFC0];
	v7 =	vmul.f32 v7, v8;
	[tilespmem:s4+$0x30] =	vst v10  }
0x56: {  	[tilespmem:s4+$0xFFFFFFE0] =	vst v9;
	v3 =	vmul.f32 v3, v4  }
0x57: {  	v4 =	vmul.f32 v1, v5;
	[tilespmem:s4+$0x10] =	vst v7  }
0x58: {  	v5 =	vmul.f32 v6, v8;
	[tilespmem:s4+$0x20] =	vst v3  }
0x59: {  	[tilespmem:s4+$0xFFFFFFD0] =	vst v4;
	v2 =	vmul.f32 v11, v2  }
0x5a: {  	v1 =	vmul.f32 v1, v12;
	[tilespmem:s4+$0x0] =	vst v5  }
0x5b: {  	[tilespmem:s4+$0xFFFFFFF0] =	vst v2  }
0x5c: {  	s8 =	sshra.s32 s8, $0x2;
	[tilespmem:s4+$0xFFFFFFC0] =	vst v1;
	s4 =	smov.u32 s5  }
0x5d: {  	v1 =	vld [tilespmem:s8+$0x190A0]  }
0x5e: {  	v2 =	vld [tilespmem:s8+$0x195A0];
	_ =	sdelay $0x4  }
0x5f: {  	v1 =	vadd.f32 v2, v1;
	_ =	sdelay $0x1  }
0x60: {  	v2 =	vmul.f32 $2.000000030e-01, v1;
	_ =	sdelay $0x1  }
0x61: {  	v1 =	vmax.f32 v1, v2  }
0x62: {  	v1 =	vsub.f32 v1, v0;
	_ =	sdelay $0x1  }
0x63: {  	v1 =	vmul.f32 $1.442695020e+00, v1;
	_ =	sdelay $0x1  }
0x64: {  	(erf) = vpow2.f32 v1;
	_ =	sdelay $0x8  }
0x65: {  	v1 =	vpop (erf)  }
0x66: {  	v2 =	vnsel vm0, $0x0, v1  }
0x67: {  	[tilespmem:s8+$0x190A0] =	vst v2  }
0x68: {  	v10 =	vld [tilespmem:s5+$0x30]  }
.Ltmp0:
0x69: {  	v9 =	vld [tilespmem:s5+$0xFFFFFFE0];
	(pc) =	sbr.rel @p0 .LBB2_3-.Ltmp0, $4  }
0x6a: {  	v7 =	vld [tilespmem:s5+$0x10]  }
0x6b: {  	v4 =	vbroadcast v1, $0x3;
	v3 =	vld [tilespmem:s5+$0x20]  }
0x6c: {  	v2 =	vbroadcast v1, $0x1;
	v5 =	vld [tilespmem:s5+$0xFFFFFFD0]  }
0x6d: {  	v8 =	vbroadcast v1, $0x2;
	v6 =	vld [tilespmem:s5+$0x0];
	v10 =	vmul.f32 v10, v4  }
0x6e: {  	v0 =	vmul.f32 v2, v9;
	v59 =	vld [tilespmem:s4+$0xFFFFFFF0]  }
0x6f: {  	v11 =	vld [tilespmem:s4+$0xFFFFFFC0];
	v1 =	vbroadcast v1, $0x0;
	v7 =	vmul.f32 v7, v8;
	[tilespmem:s4+$0x30] =	vst v10  }
0x70: {  	[tilespmem:s4+$0xFFFFFFE0] =	vst v0;
	v60 =	vmul.f32 v3, v4  }
0x71: {  	v61 =	vmul.f32 v1, v5;
	[tilespmem:s4+$0x10] =	vst v7  }
0x72: {  	v62 =	vmul.f32 v6, v8;
	[tilespmem:s4+$0x20] =	vst v60  }
0x73: {  	[tilespmem:s4+$0xFFFFFFD0] =	vst v61;
	v63 =	vmul.f32 v59, v2  }
0x74: {  	v1 =	vmul.f32 v1, v11;
	[tilespmem:s4+$0x0] =	vst v62  }
0x75: {  	[tilespmem:s4+$0xFFFFFFF0] =	vst v63  }
0x76: {  	[tilespmem:s4+$0xFFFFFFC0] =	vst v1  }
0x77: {  	[spmem:s2] =	stream.indirect.scatter.add.f32 [tilespmem:s30], [sflag:$0x2], $0x80, s25, s26, $0xb8;
	[tilespmem:$0x19AB0] =	vst v63  }
0x78: {  	s0 =	sadd.s32 $0x1, s0;
	_ =	swait.ge [sflag:s20], $0x2800  }
0x79: {  	p0 =	sne.s32 s0, $0x7D;
	[sflag:s20] =	ssyncset.done $0x0  }
.Ltmp1:
0x7a: {  	[sflag:s20] =	ssyncadd.s32 $0xFFFFD800;
	(pc) =	sbr.rel @p0 .LBB2_2-.Ltmp1, $4  }
0x7b: {  	[spmem:s3] =	stream.indirect.scatter.add.f32 [tilespmem:s23], [sflag:$0x2], $0x10, s25, s26, $0xb8;
	[tilespmem:$0x19AB0] =	vst v63  }
0x7c: {  	_ =	swait.ge [sflag:s20], $0x500  }
0x7d: {  	[sflag:s20] =	ssyncset.done $0x0  }
0x7e: {  	[sflag:s20] =	ssyncadd.s32 $0xFFFFFB00  }
0x7f: {  	[bflag:$0x0] =	sbarrier.arrive $0xFFFF  }
0x80: {  	[hbm:s16], [sflag:s14] =	dma.local [spmem:s19], $0x2800  }
0x81: {  	s31 =	sadd.s32 $0x1, s31;
	_ =	swait.ge [sflag:s20], $0x2800  }
0x82: {  	p0 =	sne.s32 s31, s18;
	[sflag:s20] =	ssyncset.done $0x0  }
.Ltmp2:
0x83: {  	[sflag:s20] =	ssyncadd.s32 $0xFFFFD800;
	(pc) =	sbr.rel @p0 .LBB2_1-.Ltmp2, $4  }
0x84: {  	[hbm:s17], [sflag:s14] =	dma.local [spmem:s21], $0x500  }
0x85: {  	_ =	swait.ge [sflag:s20], $0x500  }
0x86: {  	[sflag:s20] =	ssyncset.done $0x0  }
0x87: {  	[sflag:s20] =	ssyncadd.s32 $0xFFFFFB00  }
0x88: {  	_ =	sfence.sel $0x180000  }
0x89: {  	[bflag:$0x0] =	sbarrier.arrive $0xFFFF  }
0x8a: {  	_ =	strace $0x90000065  }
0x8b: {  	s0 =	stileid.u32;
	[bflag:$0x2] =	sbarrier.arrive $0xFFFF  }
0x8c: {  	p0 =	sne.s32 s0, $0x0;
	s0 =	rddreg [dreg:$0x4]  }
0x8d: {  	s0 =	sadd.s32 @!p0 $0x100000, s0  }
0x8e: {  	[sflag:s0] =	ssyncadd.tile.s32 @!p0 $0x1;
	_ =	shalt  }
.Lfunc_end2:
_tile_overlayer_lowered:
.L_overlay_start_2:
0x8f: {  	(tag) =	ssettag $0x2  }
0x90: {  	s0 =	rddreg [dreg:$0x0];
	s2 =	stileid.u32  }
0x91: {  	s1 =	rddreg [dreg:$0x1];
	p0 =	sne.s32 s2, $0x0  }
0x92: {  	s3 =	rddreg [dreg:$0x2];
	[bflag:$0x3] =	sbarrier.arrive $0xFFFF;
	s2 =	simm.s32 @!p0 $0x1C02  }
0x93: {  	[timem:s3], [sflag:s2] =	dma.local @!p0 [hbm:s0], s1  }
0x94: {  	s0 =	simm.s32 @!p0 $0x2  }
0x95: {  	_ =	swait.ge @!p0 [sflag:s0], s1  }
0x96: {  	s1 =	ssub.s32 @!p0 $0x0, s1;
	[sflag:s0] =	ssyncset.done @!p0 $0x0  }
0x97: {  	[sflag:s0] =	ssyncadd.s32 @!p0 s1  }
0x98: {  	[bflag:$0x3] =	sbarrier.arrive $0xFFFF  }
0x99: {  	_ =	shalt  }

// kernel: kernel.49.cloned.1.call-start
scs
__scs_entry_jumppad:
0x0: {  	(pc) =	sbr.rel $0x88, $3  }
0x1: {  	(tag) =	ssettag $0x0;
	lr =	simm.s32 $0x1  }
0x2: {  	[smem:$0x3F96] =	sst lr;
	_ =	strace $0xD0000000  }
0x3: {  	_ = 	snop  }
0x4: {  	_ = 	snop  }
0x5: {  	_ = 	snop  }
0x6: {  	_ = 	snop  }
0x7: {  	_ = 	snop  }
__scs_overlays_trampoline_lowered:
0x8: {  	[smem:$0x3FA5] =	sst s0  }
0x9: {  	[smem:$0x3FA6] =	sst s1  }
0xa: {  	[smem:$0x3FA7] =	sst s2  }
0xb: {  	[smem:$0x3FA8] =	sst s3  }
0xc: {  	[smem:$0x3FA9] =	sst s4  }
0xd: {  	[smem:$0x3FAA] =	sst s5  }
0xe: {  	[smem:$0x3FAB] =	sst s6  }
0xf: {  	[smem:$0x3FAC] =	sst s7  }
0x10: {  	[smem:$0x3FAD] =	sst s8  }
0x11: {  	[smem:$0x3FAE] =	sst s9;
	s0 =	simm.s32 @!p0 $0x0  }
0x12: {  	s1 =	sld [smem:$0x3F94];
	s0 =	simm.s32 @p0 $0x1  }
0x13: {  	[smem:$0x3FAF] =	sst s0;
	s0 =	simm.s32 @!p1 $0x0  }
0x14: {  	s2 =	sld [smem:$0x3F93];
	s0 =	simm.s32 @p1 $0x1  }
0x15: {  	[smem:$0x3FB0] =	sst s0;
	s0 =	simm.s32 @!p2 $0x0  }
0x16: {  	s3 =	sld [smem:$0x3FDB];
	s0 =	simm.s32 @p2 $0x1  }
0x17: {  	s4 =	simm.s32 $0x1BF5;
	[smem:$0x3FB2] =	sst s0  }
0x18: {  	s0 =	sld [smem:$0x3F95];
	_ =	swait.ge [sflag:s4], $0x0  }
0x19: {  	s7 =	sld [smem:$0x3F96]  }
0x1a: {  	s8 =	sadd.s32 $0xFFFFE003, lr  }
0x1b: {  	s9 =	sadd.s32 $0xFFFFFEF7, lr;
	s5 =	simm.s32 $0xFFFFFFFF;
	p2 =	slt.u32 s8, $0xFFFFF086  }
0x1c: {  	p1 =	slt.u32 s9, $0xF7A;
	s5 =	simm.s32 @!p2 $0x0  }
0x1d: {  	s5 =	simm.s32 @p1 $0x1;
	p0 =	seq.s32 s7, s2  }
0x1e: {  	s7 =	smul.u32 @!p0 $0xF7A, s2;
	p2 =	seq.s32 @!p0 s5, $0x0  }
0x1f: {  	s9 =	smul.u32 $0xF7A, s1;
	s8 =	simm.s32 @!p0 $0x1BF5;
	p2 =	por !p2, p0  }
0x20: {  	[sflag:s8] =	ssyncset.s32 @!p0 $0xFFFFF086;
	s6 =	sadd.s32 @!p0 s3, s7;
	s7 =	simm.s32 @!p0 $0x108  }
0x21: {  	s3 =	sadd.s32 s3, s9;
	s6 =	sadd.s32 @!p0 $0x88, s6;
	s7 =	simm.s32 @p2 $0x1082  }
0x22: {  	[simem:s7], [sflag:s8] =	dma.local @!p0 [hbm:s6], $0xF7A  }
0x23: {  	s9 =	sor.u32 $0xD0000000, s2;
	s6 =	simm.s32 $0x108;
	_ =	swait.ge @!p0 [sflag:s8], $0x0  }
0x24: {  	s3 =	sadd.s32 $0x88, s3;
	s6 =	simm.s32 @!p1 $0x1082;
	[sflag:s4] =	ssyncset.s32 $0xFFFFF086  }
0x25: {  	[simem:s6], [sflag:s4] =	dma.local [hbm:s3], $0xF7A  }
0x26: {  	[smem:$0x3F96] =	sst s1;
	(tag) =	ssettag s2;
	_ =	strace s9  }
0x27: {  	s1 =	sld [smem:$0x3FA6]  }
0x28: {  	s2 =	sld [smem:$0x3FA7]  }
0x29: {  	s4 =	sld [smem:$0x3FA9]  }
0x2a: {  	p0 =	seq.s32 s5, $0x0;
	s5 =	sld [smem:$0x3FAA]  }
0x2b: {  	s6 =	sld [smem:$0x3FAB]  }
0x2c: {  	s7 =	sld [smem:$0x3FAC]  }
0x2d: {  	s3 =	simm.s32 $0x108;
	s8 =	sld [smem:$0x3FAD]  }
0x2e: {  	s3 =	simm.s32 @!p0 $0x1082;
	s9 =	sld [smem:$0x3FAE]  }
0x2f: {  	lr =	sadd.s32 s0, s3;
	s0 =	sld [smem:$0x3FA5]  }
0x30: {  	s3 =	sld [smem:$0x3FA8]  }
0x31: {  	[smem:$0x3FB1] =	sst s10  }
0x32: {  	s10 =	sld [smem:$0x3FAF];
	_ =	sdelay $0x3  }
0x33: {  	p0 =	seq.s32 s10, $0x1;
	s10 =	sld [smem:$0x3FB1];
	_ =	sdelay $0x3  }
0x34: {  	[smem:$0x3FB1] =	sst s10  }
0x35: {  	s10 =	sld [smem:$0x3FB0];
	_ =	sdelay $0x3  }
0x36: {  	p1 =	seq.s32 s10, $0x1;
	s10 =	sld [smem:$0x3FB1];
	_ =	sdelay $0x3  }
0x37: {  	[smem:$0x3FB1] =	sst s10  }
0x38: {  	s10 =	sld [smem:$0x3FB2]  }
0x39: {  	_ = 	snop;
	(pc) =	sbr.ind lr, $3  }
0x3a: {  	_ = 	snop  }
0x3b: {  	_ = 	snop  }
0x3c: {  	p2 =	seq.s32 s10, $0x1;
	s10 =	sld [smem:$0x3FB1]  }
0x3d: {  	_ =	shalt  }
0x3e: {  	_ =	shalt  }
0x3f: {  	_ =	shalt  }
0x40: {  	_ =	shalt  }
0x41: {  	_ =	shalt  }
0x42: {  	_ =	shalt  }
0x43: {  	_ =	shalt  }
0x44: {  	_ =	shalt  }
0x45: {  	_ =	shalt  }
0x46: {  	_ =	shalt  }
0x47: {  	_ =	shalt  }
0x48: {  	_ =	shalt  }
0x49: {  	_ =	shalt  }
0x4a: {  	_ =	shalt  }
0x4b: {  	_ =	shalt  }
0x4c: {  	_ =	shalt  }
0x4d: {  	_ =	shalt  }
0x4e: {  	_ =	shalt  }
0x4f: {  	_ =	shalt  }
0x50: {  	_ =	shalt  }
0x51: {  	_ =	shalt  }
0x52: {  	_ =	shalt  }
0x53: {  	_ =	shalt  }
0x54: {  	_ =	shalt  }
0x55: {  	_ =	shalt  }
0x56: {  	_ =	shalt  }
0x57: {  	_ =	shalt  }
0x58: {  	_ =	shalt  }
0x59: {  	_ =	shalt  }
0x5a: {  	_ =	shalt  }
0x5b: {  	_ =	shalt  }
0x5c: {  	_ =	shalt  }
0x5d: {  	_ =	shalt  }
0x5e: {  	_ =	shalt  }
0x5f: {  	_ =	shalt  }
0x60: {  	_ =	shalt  }
0x61: {  	_ =	shalt  }
0x62: {  	_ =	shalt  }
0x63: {  	_ =	shalt  }
0x64: {  	_ =	shalt  }
0x65: {  	_ =	shalt  }
0x66: {  	_ =	shalt  }
0x67: {  	_ =	shalt  }
0x68: {  	_ =	shalt  }
0x69: {  	_ =	shalt  }
0x6a: {  	_ =	shalt  }
0x6b: {  	_ =	shalt  }
0x6c: {  	_ =	shalt  }
0x6d: {  	_ =	shalt  }
0x6e: {  	_ =	shalt  }
0x6f: {  	_ =	shalt  }
0x70: {  	_ =	shalt  }
0x71: {  	_ =	shalt  }
0x72: {  	_ =	shalt  }
0x73: {  	_ =	shalt  }
0x74: {  	_ =	shalt  }
0x75: {  	_ =	shalt  }
0x76: {  	_ =	shalt  }
0x77: {  	_ =	shalt  }
0x78: {  	_ =	shalt  }
0x79: {  	_ =	shalt  }
0x7a: {  	_ =	shalt  }
0x7b: {  	_ =	shalt  }
0x7c: {  	_ =	shalt  }
0x7d: {  	_ =	shalt  }
0x7e: {  	_ =	shalt  }
0x7f: {  	_ =	shalt  }
0x80: {  	_ =	shalt  }
0x81: {  	_ =	shalt  }
0x82: {  	_ =	shalt  }
0x83: {  	_ =	shalt  }
0x84: {  	_ =	shalt  }
0x85: {  	_ =	shalt  }
0x86: {  	_ =	shalt  }
0x87: {  	_ =	shalt  }
.Lfunc_end0:
.L_simem_size_0:
called_computation.10_lowered:
.L_overlay_start_0:
0x88: {  	s2 =	sld [smem:$0x3FD9]  }
0x89: {  	s3 =	sld [smem:$0x3FFE];
	_ =	sdelay $0x1  }
0x8a: {  	s1 =	srdreg.scid  }
0x8b: {  	s0 =	sand.u32 $0x1, s1  }
0x8c: {  	s16 =	sshll.u32 s0, $0xA;
	s2 =	sadd.s32 s3, s2  }
0x8d: {  	s2 =	sadd.s32 s2, s16  }
0x8e: {  	[smem:$0x3FBD] =	sst s2  }
0x8f: {  	_ = 	snop  }
0x90: {  	(tm) =	ssettm $0x1  }
0x91: {  	s17 =	sld [smem:$0x3FFB];
	_ =	sdelay $0x3  }
0x92: {  	_ =	strace s17  }
0x93: {  	s2 =	sld [smem:$0x3FFC];
	_ =	sdelay $0x3  }
0x94: {  	_ =	strace s2  }
0x95: {  	s2 =	sld [smem:$0x3FFD];
	_ =	sdelay $0x3  }
0x96: {  	_ =	strace s2  }
0x97: {  	_ =	strace $0x8FFFFFFF  }
0x98: {  	s18 =	sld [smem:$0x3FDB];
	_ =	sdelay $0x1  }
0x99: {  	s19 =	simm.s32 $_scs_section_size  }
0x9a: {  	s4 =	simm.s32 $_size__tile_overlayer_lowered;
	s5 =	simm.s32 $_tile_overlayer_lowered  }
0x9b: {  	s22 =	simm.s32 $0x1BFF;
	s21 =	sshll.u32 s5, $0x1;
	s2 =	sadd.s32 s19, s18  }
0x9c: {  	s6 =	simm.s32 $0x0;
	s20 =	sshll.u32 s4, $0x1;
	s4 =	sadd.s32 s21, s2  }
0x9d: {  	[timem:s6], [sflag:s22] =	dma.local [hbm:s4], s20  }
0x9e: {  	_ =	swait.ge [sflag:s22], s20  }
0x9f: {  	s3 =	ssub.s32 $0x0, s20;
	[sflag:s22] =	ssyncset.done $0x0  }
0xa0: {  	[sflag:s22] =	ssyncadd.s32 s3;
	_ =	sdelay $0x1  }
0xa1: {  	s23 =	simm.s32 $0x1B8B  }
0xa2: {  	_ =	swait.ge [sflag:s23], $0x1  }
0xa3: {  	[sflag:s23] =	ssyncset.done $0x0  }
0xa4: {  	s25 =	simm.s32 $0x1B8E;
	s24 =	sld [smem:$0x3FFE];
	[sflag:s23] =	ssyncadd.s32 $0xFFFFFFFF  }
0xa5: {  	s26 =	simm.s32 $execute0_lowered;
	[smem:$0x3FD2] =	sst s25  }
0xa6: {  	s4 =	sshll.u32 s26, $0x1;
	_ =	strace $0x80000061;
	[dreg:$0x1] =	wrdreg $0xFFFFFFFF  }
0xa7: {  	s28 =	simm.s32 $_size_execute0_lowered;
	s2 =	sadd.s32 s2, s4;
	[dreg:$0x0] =	wrdreg $0x0  }
0xa8: {  	s4 =	sshll.u32 s28, $0x1;
	[dreg:$0x2] =	wrdreg s2  }
0xa9: {  	[dreg:$0x3] =	wrdreg s4  }
0xaa: {  	[dreg:$0x4] =	wrdreg $0xC0  }
0xab: {  	_ =	task [dreg:s6], $0x5FFFF  }
0xac: {  	[dreg:$0x1] =	wrdreg $0xFFFFFFFF  }
0xad: {  	[dreg:$0x0] =	wrdreg $0x60  }
0xae: {  	[dreg:$0x2] =	wrdreg s24  }
0xaf: {  	[dreg:$0x3] =	wrdreg $0x0  }
0xb0: {  	[dreg:$0x4] =	wrdreg $0x140000  }
0xb1: {  	[dreg:$0x5] =	wrdreg $0xA  }
0xb2: {  	_ =	task.clear_ibuf [dreg:s6], $0x6FFFF;
	_ =	strace $0x90000061  }
0xb3: {  	s29 =	simm.s32 $0xA;
	_ =	strace $0x80000063  }
0xb4: {  	_ =	swait.ge [sflag:s29], $0x1  }
0xb5: {  	[sflag:s29] =	ssyncadd.s32 $0xFFFFFFFF  }
0xb6: {  	_ =	strace $0x90000063  }
0xb7: {  	_ =	sfence  }
0xb8: {  	s30 =	sld [smem:$0x0];
	_ =	sdelay $0x2  }
0xb9: {  	s31 =	sshll.u32 s1, $0xD;
	s1 =	sshrl.u32 s1, $0x2  }
0xba: {  	s3 =	sand.u32 $0x4000, s31;
	s1 =	sadd.s32 s1, s30  }
0xbb: {  	s0 =	sor.u32 s3, s0;
	s1 =	sshll.u32 s1, $0x11  }
0xbc: {  	s0 =	sor.u32 s1, s0  }
0xbd: {  	s0 =	sadd.s32 $0x8F2B, s0  }
0xbe: {  	[sflag:s0] =	ssyncadd.remote.s32 $0x1  }
0xbf: {  	_ =	sfence.sel $0xFFFF  }
0xc0: {  	[dreg:$0x0] =	wrdreg $0xFFFFFFFF;
	(pc) =	sbr.abs _section_cstart, $3  }
0xc1: {  	[dreg:$0x1] =	wrdreg $0xFFFFFFFF  }
0xc2: {  	_ =	task.clear_ibuf [dreg:s6], $0x2FFFF;
	_ =	strace $0x9FFFFFFF  }
0xc3: {  	(tm) =	ssettm $0x7FFFFFFF  }
tec
execute0_lowered:
.L_overlay_start_1:
0x0: {  	(tag) =	ssettag $0x1  }
0x1: {  	s0 =	rddreg [dreg:$0x0]  }
0x2: {  	s1 =	rddreg [dreg:$0x1]  }
0x3: {  	s2 =	rddreg [dreg:$0x2];
	s3 =	simm.s32 $0x0;
	s23 =	srdreg.scid  }
0x4: {  	s8 =	stileid.u32;
	s20 =	simm.s32 $0x2;
	s28 =	simm.s32 $0x1  }
0x5: {  	s29 =	simm.s32 $0x195A0;
	s30 =	simm.s32 $0x168A0;
	s31 =	simm.s32 $0x0  }
0x6: {  	[smem:$0x7FF] =	sst s3;
	s5 =	sadd.s32 $0x2FA00, s0;
	s3 =	sand.u32 $0x1, s23  }
0x7: {  	s4 =	smul.u32 $0x14000, s8;
	s6 =	sadd.s32 $0x56C00, s0;
	s7 =	sadd.s32 $0x5BC00, s0  }
0x8: {  	s9 =	sadd.s32 $0x60E00, s0;
	s15 =	smul.u32 $0x2800, s8;
	s10 =	sadd.s32 $0x11A00, s0  }
0x9: {  	s11 =	sadd.s32 $0x7C00, s0;
	s12 =	sadd.s32 $0x6AE00, s0;
	s13 =	sadd.s32 $0x2F400, s0  }
0xa: {  	s26 =	sshll.u32 s8, $0x6;
	s23 =	simm.s32 $0x190A0;
	_ =	strace $0x80000062  }
0xb: {  	s14 =	smul.u32 $0x140000, s3;
	[dreg:$0x4] =	wrdreg s9;
	s9 =	sadd.s32 $0x60C00, s0  }
0xc: {  	s16 =	smul.u32 $0x28000, s3;
	s17 =	ssub.s32 $0x2, s3;
	s3 =	sshll.u32 s3, $0x4  }
0xd: {  	s25 =	sshrl.u32 s17, $0x1;
	s3 =	sor.u32 s8, s3;
	s21 =	sadd.s32 s15, s2  }
0xe: {  	s14 =	sadd.s32 s4, s14;
	s16 =	sadd.s32 s15, s16;
	s19 =	ssub.s32 s17, s25  }
0xf: {  	s4 =	sadd.s32 s4, s1;
	s15 =	smul.u32 $0x2710, s3;
	s21 =	sshrl.u32 s21, $0x3  }
0x10: {  	s25 =	simm.s32 $0x16850;
	s14 =	sshrl.u32 s14, $0x3;
	s24 =	sshrl.u32 s16, $0x3  }
0x11: {  	s18 =	sadd.s32 s14, s0;
	s0 =	sadd.s32 s24, s0;
	s14 =	sor.u32 $0x1C02, s26  }
0x12: {  	s24 =	simm.s32 $0x16800;
	s26 =	simm.s32 $0x50;
	s16 =	sadd.s32 $0x77600, s18  }
0x13: {  	vm0 =	vmmov $0xf;
	s17 =	sadd.s32 $0x6D600, s0;
	s18 =	smax.u32 s19, $0x1;
	s19 =	sshrl.u32 s4, $0x3  }
.LBB2_1:
0x14: {  	[spmem:s19], [sflag:s14] =	dma.local [hbm:s12], $0x2800  }
0x15: {  	_ =	swait.ge [sflag:s20], $0x2800  }
0x16: {  	[sflag:s20] =	ssyncset.done $0x0  }
0x17: {  	[sflag:s20] =	ssyncadd.s32 $0xFFFFD800  }
0x18: {  	[spmem:s21], [sflag:s14] =	dma.local [hbm:s13], $0x500  }
0x19: {  	_ =	swait.ge [sflag:s20], $0x500  }
0x1a: {  	s0 =	simm.s32 $0x0;
	[sflag:s20] =	ssyncset.done $0x0  }
0x1b: {  	s4 =	simm.s32 $0x19AA0;
	s3 =	rddreg [dreg:$0x4];
	[sflag:s20] =	ssyncadd.s32 $0xFFFFFB00  }
0x1c: {  	[tilespmem:s4], [sflag:$0x2] =	stream.linear.gather [hbm4b:s3+s0], $0x10, $0x38;
	[tilespmem:$0x19AB0] =	vst v63  }
0x1d: {  	_ =	swait.ge [sflag:s20], $0x10  }
0x1e: {  	[sflag:s20] =	ssyncset.done $0x0  }
0x1f: {  	[sflag:s20] =	ssyncadd.s32 $0xFFFFFFF0  }
0x20: {  	[tilespmem:s23], [sflag:$0x2] =	stream.linear.gather [hbm4b:s9+s0], $0x10, $0x38;
	[tilespmem:$0x19AB0] =	vst v63  }
0x21: {  	_ =	swait.ge [sflag:s20], $0x10  }
0x22: {  	[sflag:s20] =	ssyncset.done $0x0  }
0x23: {  	[sflag:s20] =	ssyncadd.s32 $0xFFFFFFF0  }
0x24: {  	[bflag:$0x0] =	sbarrier.arrive $0xFFFF  }
0x25: {  	v0 =	vld [tilespmem:$0x19AA0]  }
0x26: {  	v1 =	vld [tilespmem:$0x190A0];
	_ =	sdelay $0x4  }
0x27: {  	v0 =	vadd.f32 v1, v0;
	_ =	sdelay $0x1  }
0x28: {  	s0 =	simm.s32 $0x0;
	[tilespmem:$0x19AA0] =	vst v0  }
.LBB2_2:
0x29: {  	s3 =	smul.u32 $0x50, s0;
	_ =	sdelay $0x1  }
0x2a: {  	s3 =	sadd.s32 s15, s3  }
0x2b: {  	s3 =	sshrl.u32 s3, $0x3  }
0x2c: {  	s22 =	simm.s32 $0x0;
	s4 =	sadd.s32 s10, s3  }
0x2d: {  	[tilespmem:s24], [sflag:$0x2] =	stream.linear.gather [hbm4b:s4+s22], $0x50, $0x38;
	[tilespmem:$0x19AB0] =	vst v63  }
0x2e: {  	_ =	swait.ge [sflag:s20], $0x50  }
0x2f: {  	[sflag:s20] =	ssyncset.done $0x0  }
0x30: {  	s3 =	sadd.s32 s11, s3;
	[sflag:s20] =	ssyncadd.s32 $0xFFFFFFB0  }
0x31: {  	[tilespmem:s25], [sflag:$0x2] =	stream.linear.gather [hbm4b:s3+s22], $0x50, $0x38;
	[tilespmem:$0x19AB0] =	vst v63  }
0x32: {  	_ =	swait.ge [sflag:s20], $0x50  }
0x33: {  	[sflag:s20] =	ssyncset.done $0x0  }
0x34: {  	[sflag:s20] =	ssyncadd.s32 $0xFFFFFFB0  }
0x35: {  	[tilespmem:s23], [sflag:$0x1] =	stream.indirect.gather [hbm4b:s6+s26], $0x10, s24, s26, $0xb8;
	[tilespmem:$0x19AB0] =	vst v63  }
0x36: {  	_ =	swait.ge [sflag:s28], $0x500  }
0x37: {  	[sflag:s28] =	ssyncset.done $0x0  }
0x38: {  	[sflag:s28] =	ssyncadd.s32 $0xFFFFFB00  }
0x39: {  	[tilespmem:s29], [sflag:$0x1] =	stream.indirect.gather [hbm4b:s7+s26], $0x10, s25, s26, $0xb8;
	[tilespmem:$0x19AB0] =	vst v63  }
0x3a: {  	_ =	swait.ge [sflag:s28], $0x500  }
0x3b: {  	[sflag:s28] =	ssyncset.done $0x0  }
0x3c: {  	[sflag:s28] =	ssyncadd.s32 $0xFFFFFB00  }
0x3d: {  	[tilespmem:s30], [sflag:$0x1] =	stream.indirect.gather [hbm4b:s5+s26], $0x80, s24, s26, $0xb8;
	[tilespmem:$0x19AB0] =	vst v63  }
0x3e: {  	_ =	swait.ge [sflag:s28], $0x2800  }
0x3f: {  	[sflag:s28] =	ssyncset.done $0x0  }
0x40: {  	s22 =	simm.s32 $0x0;
	[sflag:s28] =	ssyncadd.s32 $0xFFFFD800  }
0x41: {  	v1 =	vld [tilespmem:s22+$0x190A0]  }
0x42: {  	v2 =	vld [tilespmem:s22+$0x195A0];
	_ =	sdelay $0x4  }
0x43: {  	v0 =	vld [tilespmem:$0x19AA0];
	v1 =	vadd.f32 v2, v1;
	_ =	sdelay $0x1  }
0x44: {  	v2 =	vmul.f32 $2.000000030e-01, v1;
	_ =	sdelay $0x1  }
0x45: {  	v1 =	vmax.f32 v1, v2  }
0x46: {  	v1 =	vsub.f32 v1, v0;
	_ =	sdelay $0x1  }
0x47: {  	v1 =	vmul.f32 $1.442695020e+00, v1;
	_ =	sdelay $0x1  }
0x48: {  	(erf) = vpow2.f32 v1;
	_ =	sdelay $0x8  }
0x49: {  	v1 =	vpop (erf)  }
0x4a: {  	v2 =	vnsel vm0, $0x0, v1  }
0x4b: {  	s3 =	simm.s32 $0x168E0;
	[tilespmem:s22+$0x190A0] =	vst v2  }
0x4c: {  	v10 =	vld [tilespmem:s3+$0x30]  }
0x4d: {  	v9 =	vld [tilespmem:s3+$0xFFFFFFE0]  }
0x4e: {  	v7 =	vld [tilespmem:s3+$0x10]  }
0x4f: {  	v4 =	vbroadcast v1, $0x3;
	v3 =	vld [tilespmem:s3+$0x20]  }
0x50: {  	v8 =	vbroadcast v1, $0x2;
	v5 =	vld [tilespmem:s3+$0xFFFFFFD0]  }
0x51: {  	s4 =	simm.s32 $0x168E0;
	v2 =	vbroadcast v1, $0x1;
	s22 =	simm.s32 $0x40;
	v6 =	vld [tilespmem:s3+$0x0];
	v10 =	vmul.f32 v10, v4  }
.LBB2_3:
0x52: {  	p0 =	sne.s32 s22, $0x13C0  }
0x53: {  	v9 =	vmul.f32 v2, v9;
	v11 =	vld [tilespmem:s3+$0xFFFFFFF0];
	s4 =	sadd.s32 $0x80, s4;
	s8 =	smov.u32 s22;
	s22 =	sadd.s32 $0x40, s22  }
0x54: {  	v1 =	vbroadcast v1, $0x0;
	v12 =	vld [tilespmem:s3+$0xFFFFFFC0];
	v7 =	vmul.f32 v7, v8;
	[tilespmem:s3+$0x30] =	vst v10  }
0x55: {  	[tilespmem:s3+$0xFFFFFFE0] =	vst v9;
	v3 =	vmul.f32 v3, v4  }
0x56: {  	v4 =	vmul.f32 v1, v5;
	[tilespmem:s3+$0x10] =	vst v7  }
0x57: {  	v5 =	vmul.f32 v6, v8;
	[tilespmem:s3+$0x20] =	vst v3  }
0x58: {  	[tilespmem:s3+$0xFFFFFFD0] =	vst v4;
	v2 =	vmul.f32 v11, v2  }
0x59: {  	v1 =	vmul.f32 v1, v12;
	[tilespmem:s3+$0x0] =	vst v5  }
0x5a: {  	[tilespmem:s3+$0xFFFFFFF0] =	vst v2  }
0x5b: {  	s8 =	sshra.s32 s8, $0x2;
	[tilespmem:s3+$0xFFFFFFC0] =	vst v1;
	s3 =	smov.u32 s4  }
0x5c: {  	v1 =	vld [tilespmem:s8+$0x190A0]  }
0x5d: {  	v2 =	vld [tilespmem:s8+$0x195A0];
	_ =	sdelay $0x4  }
0x5e: {  	v1 =	vadd.f32 v2, v1;
	_ =	sdelay $0x1  }
0x5f: {  	v2 =	vmul.f32 $2.000000030e-01, v1;
	_ =	sdelay $0x1  }
0x60: {  	v1 =	vmax.f32 v1, v2  }
0x61: {  	v1 =	vsub.f32 v1, v0;
	_ =	sdelay $0x1  }
0x62: {  	v1 =	vmul.f32 $1.442695020e+00, v1;
	_ =	sdelay $0x1  }
0x63: {  	(erf) = vpow2.f32 v1;
	_ =	sdelay $0x8  }
0x64: {  	v1 =	vpop (erf)  }
0x65: {  	v2 =	vnsel vm0, $0x0, v1  }
0x66: {  	[tilespmem:s8+$0x190A0] =	vst v2  }
0x67: {  	v10 =	vld [tilespmem:s4+$0x30]  }
.Ltmp0:
0x68: {  	v9 =	vld [tilespmem:s4+$0xFFFFFFE0];
	(pc) =	sbr.rel @p0 .LBB2_3-.Ltmp0, $4  }
0x69: {  	v7 =	vld [tilespmem:s4+$0x10]  }
0x6a: {  	v4 =	vbroadcast v1, $0x3;
	v3 =	vld [tilespmem:s4+$0x20]  }
0x6b: {  	v2 =	vbroadcast v1, $0x1;
	v5 =	vld [tilespmem:s4+$0xFFFFFFD0]  }
0x6c: {  	v8 =	vbroadcast v1, $0x2;
	v6 =	vld [tilespmem:s4+$0x0];
	v10 =	vmul.f32 v10, v4  }
0x6d: {  	v0 =	vmul.f32 v2, v9;
	v59 =	vld [tilespmem:s3+$0xFFFFFFF0]  }
0x6e: {  	v11 =	vld [tilespmem:s3+$0xFFFFFFC0];
	v1 =	vbroadcast v1, $0x0;
	v7 =	vmul.f32 v7, v8;
	[tilespmem:s3+$0x30] =	vst v10  }
0x6f: {  	[tilespmem:s3+$0xFFFFFFE0] =	vst v0;
	v60 =	vmul.f32 v3, v4  }
0x70: {  	v61 =	vmul.f32 v1, v5;
	[tilespmem:s3+$0x10] =	vst v7  }
0x71: {  	v62 =	vmul.f32 v6, v8;
	[tilespmem:s3+$0x20] =	vst v60  }
0x72: {  	[tilespmem:s3+$0xFFFFFFD0] =	vst v61;
	v63 =	vmul.f32 v59, v2  }
0x73: {  	v1 =	vmul.f32 v1, v11;
	[tilespmem:s3+$0x0] =	vst v62  }
0x74: {  	[tilespmem:s3+$0xFFFFFFF0] =	vst v63  }
0x75: {  	[tilespmem:s3+$0xFFFFFFC0] =	vst v1  }
0x76: {  	[spmem:s1] =	stream.indirect.scatter.add.f32 [tilespmem:s30], [sflag:$0x2], $0x80, s25, s26, $0xb8;
	[tilespmem:$0x19AB0] =	vst v63  }
0x77: {  	s0 =	sadd.s32 $0x1, s0;
	_ =	swait.ge [sflag:s20], $0x2800  }
0x78: {  	p0 =	sne.s32 s0, $0x7D;
	[sflag:s20] =	ssyncset.done $0x0  }
.Ltmp1:
0x79: {  	[sflag:s20] =	ssyncadd.s32 $0xFFFFD800;
	(pc) =	sbr.rel @p0 .LBB2_2-.Ltmp1, $4  }
0x7a: {  	[spmem:s2] =	stream.indirect.scatter.add.f32 [tilespmem:s23], [sflag:$0x2], $0x10, s25, s26, $0xb8;
	[tilespmem:$0x19AB0] =	vst v63  }
0x7b: {  	_ =	swait.ge [sflag:s20], $0x500  }
0x7c: {  	[sflag:s20] =	ssyncset.done $0x0  }
0x7d: {  	[sflag:s20] =	ssyncadd.s32 $0xFFFFFB00  }
0x7e: {  	[bflag:$0x0] =	sbarrier.arrive $0xFFFF  }
0x7f: {  	[hbm:s16], [sflag:s14] =	dma.local [spmem:s19], $0x2800  }
0x80: {  	s31 =	sadd.s32 $0x1, s31;
	_ =	swait.ge [sflag:s20], $0x2800  }
0x81: {  	p0 =	sne.s32 s31, s18;
	[sflag:s20] =	ssyncset.done $0x0  }
.Ltmp2:
0x82: {  	[sflag:s20] =	ssyncadd.s32 $0xFFFFD800;
	(pc) =	sbr.rel @p0 .LBB2_1-.Ltmp2, $4  }
0x83: {  	[hbm:s17], [sflag:s14] =	dma.local [spmem:s21], $0x500  }
0x84: {  	_ =	swait.ge [sflag:s20], $0x500  }
0x85: {  	[sflag:s20] =	ssyncset.done $0x0  }
0x86: {  	[sflag:s20] =	ssyncadd.s32 $0xFFFFFB00  }
0x87: {  	_ =	sfence.sel $0x180000  }
0x88: {  	[bflag:$0x0] =	sbarrier.arrive $0xFFFF  }
0x89: {  	_ =	strace $0x90000062  }
0x8a: {  	s0 =	stileid.u32;
	[bflag:$0x2] =	sbarrier.arrive $0xFFFF  }
0x8b: {  	p0 =	sne.s32 s0, $0x0;
	s0 =	rddreg [dreg:$0x3]  }
0x8c: {  	s0 =	sadd.s32 @!p0 $0x100000, s0  }
0x8d: {  	[sflag:s0] =	ssyncadd.tile.s32 @!p0 $0x1;
	_ =	shalt  }
.Lfunc_end2:
_tile_overlayer_lowered:
.L_overlay_start_2:
0x8e: {  	(tag) =	ssettag $0x2  }
0x8f: {  	s0 =	rddreg [dreg:$0x0];
	s2 =	stileid.u32  }
0x90: {  	s1 =	rddreg [dreg:$0x1];
	p0 =	sne.s32 s2, $0x0  }
0x91: {  	s3 =	rddreg [dreg:$0x2];
	[bflag:$0x3] =	sbarrier.arrive $0xFFFF;
	s2 =	simm.s32 @!p0 $0x1C02  }
0x92: {  	[timem:s3], [sflag:s2] =	dma.local @!p0 [hbm:s0], s1  }
0x93: {  	s0 =	simm.s32 @!p0 $0x2  }
0x94: {  	_ =	swait.ge @!p0 [sflag:s0], s1  }
0x95: {  	s1 =	ssub.s32 @!p0 $0x0, s1;
	[sflag:s0] =	ssyncset.done @!p0 $0x0  }
0x96: {  	[sflag:s0] =	ssyncadd.s32 @!p0 s1  }
0x97: {  	[bflag:$0x3] =	sbarrier.arrive $0xFFFF  }
0x98: {  	_ =	shalt  }

</sc_bundles>
